<compile_context>
chip_gen: v7x
topology: tpu7x:2x2x1
jax: 0.10.2.dev20260603
libtpu: 0.0.44.dev20260713+nightly
codegen_flags: <defaults>
</compile_context>

<pallas_src>
import functools

import jax
import jax.numpy as jnp
from jax import lax
from jax.experimental import pallas as pl
from jax.experimental.pallas import tpu as pltpu
from jax.experimental.pallas import tpu_sc as plsc

EMBED_DIM = 64
NC = 2
NS = 16
NW = NC * NS
CHUNK = 128
NBUF = 7


@functools.lru_cache(maxsize=None)
def _build_gather(total_rows):
    rows_per_w = total_rows // NW
    n_chunks = rows_per_w // CHUNK
    mesh = plsc.VectorSubcoreMesh(core_axis_name="c", subcore_axis_name="s")

    idx_rows = (n_chunks + 14) // 8 * 8

    @functools.partial(
        pl.kernel,
        out_type=jax.ShapeDtypeStruct((total_rows, 2 * EMBED_DIM),
                                      jnp.float32),
        mesh=mesh,
        compiler_params=pltpu.CompilerParams(use_tc_tiling_on_sc=True),
        scratch_types=[
            pltpu.VMEM((idx_rows, CHUNK), jnp.int32),
        ] + [pltpu.VMEM((CHUNK, 2 * EMBED_DIM), jnp.float32)] * NBUF
          + [pltpu.SemaphoreType.DMA] * (2 * NBUF),
    )
    def gather_kernel(idx_hbm, table_hbm, out_hbm, idx_v, *rest):
        bufs = rest[:NBUF]
        gsems = rest[NBUF:2 * NBUF]
        ssems = rest[2 * NBUF:]
        wid = lax.axis_index("s") * NC + lax.axis_index("c")
        base = pl.multiple_of(wid * rows_per_w, CHUNK)
        start = wid * n_chunks
        start8 = pl.multiple_of((start // 8) * 8, 8)
        off = start - start8
        pltpu.sync_copy(idx_hbm.at[pl.ds(start8, idx_rows)], idx_v)

        gathers = [None] * NBUF
        scatters = [None] * NBUF
        for i in range(min(NBUF - 1, n_chunks)):
            gathers[i] = pltpu.async_copy(
                table_hbm.at[idx_v.at[off + i]], bufs[i], gsems[i])
        for i in range(n_chunks):
            b = i % NBUF
            j = i + NBUF - 1
            if j < n_chunks:
                jb = j % NBUF
                if scatters[jb] is not None:
                    scatters[jb].wait()
                    scatters[jb] = None
                gathers[jb] = pltpu.async_copy(
                    table_hbm.at[idx_v.at[off + j]], bufs[jb], gsems[jb])
            gathers[b].wait()
            scatters[b] = pltpu.async_copy(
                bufs[b], out_hbm.at[pl.ds(base + i * CHUNK, CHUNK)],
                ssems[b])
        for s in scatters:
            if s is not None:
                s.wait()

    return gather_kernel


def kernel(c, img, q, cap_len, table):
    batch, cap_len_dim = c.shape
    total_rows = batch * cap_len_dim
    idx = c.T.reshape(total_rows // CHUNK, CHUNK).astype(jnp.int32)
    table_pad = jnp.pad(table, ((0, 0), (0, EMBED_DIM)))
    flat = _build_gather(total_rows)(idx, table_pad)
    c_emb = (flat.reshape(cap_len_dim, batch, 2 * EMBED_DIM)[:, :, :EMBED_DIM]
             .transpose(1, 0, 2))
    return (img, c_emb, c, cap_len)

# --- scband reference (transcript-rebuilt; emitter-appended) ---
"""Pipeline reference for scband-caption-encoder-4380866642286 (READ-ONLY COPY).

The authoritative reference and input builder live on the scoring server;
editing this copy changes nothing except your own understanding.
"""

import jax, jax.numpy as jnp
import numpy as np

NTOKEN = 100000
EMBED_DIM = 64
BATCH = 4096
CAP_LEN = 50


def setup_inputs(seed: int = 0) -> dict:
    key = jax.random.key(seed)
    k_c, k_img, k_q, k_len, k_tab = jax.random.split(key, 5)
    c = jax.random.randint(k_c, (BATCH, CAP_LEN), 0, NTOKEN, dtype=jnp.int64) if jax.config.jax_enable_x64 else jax.random.randint(k_c, (BATCH, CAP_LEN), 0, NTOKEN, dtype=jnp.int32)
    img = jax.random.normal(k_img, (BATCH, 2048), dtype=jnp.float32)
    q = jax.random.randint(k_q, (BATCH, 20), 0, NTOKEN, dtype=jnp.int32)
    cap_len = jax.random.randint(k_len, (BATCH,), 0, CAP_LEN, dtype=jnp.int32)
    # Embedding table: ntoken + 1 rows, padding_idx = ntoken -> zero row (torch zero-inits padding row)
    table = jax.random.normal(k_tab, (NTOKEN + 1, EMBED_DIM), dtype=jnp.float32)
    table = table.at[NTOKEN].set(0.0)
    return {"c": c, "img": img, "q": q, "cap_len": cap_len, "table": table}


def reference(c, img, q, cap_len, table):
    # c_emb = self.embedding(c_target)
    c_emb = jnp.take(table, c, axis=0)
    # forward returns {'v': img, 'c': c_emb, 'c_target': c, 'cap_len': cap_len}
    return (img, c_emb, c, cap_len)

if __name__ == "__main__":
    import jax
    _d = setup_inputs()
    print(jax.jit(kernel)(*tuple(_d.values())))

</pallas_src>

<mosaic_0001>
#map = affine_map<(d0, d1) -> (0, 0)>
module attributes {stable_mosaic.version = 14 : i64} {
  func.func @gather_kernel(%arg0: i32, %arg1: i32, %arg2: memref<1600x128xi32, #tpu.memory_space<hbm>>, %arg3: memref<100001x128xf32, #tpu.memory_space<hbm>>, %arg4: memref<204800x128xf32, #tpu.memory_space<hbm>>, %arg5: memref<64x128xi32, #tpu.memory_space<vmem>>, %arg6: memref<128x128xf32, #tpu.memory_space<vmem>>, %arg7: memref<128x128xf32, #tpu.memory_space<vmem>>, %arg8: memref<128x128xf32, #tpu.memory_space<vmem>>, %arg9: memref<128x128xf32, #tpu.memory_space<vmem>>, %arg10: memref<128x128xf32, #tpu.memory_space<vmem>>, %arg11: memref<128x128xf32, #tpu.memory_space<vmem>>, %arg12: memref<128x128xf32, #tpu.memory_space<vmem>>, %arg13: memref<!tpu.dma_semaphore, #tpu.memory_space<semaphore_mem>>, %arg14: memref<!tpu.dma_semaphore, #tpu.memory_space<semaphore_mem>>, %arg15: memref<!tpu.dma_semaphore, #tpu.memory_space<semaphore_mem>>, %arg16: memref<!tpu.dma_semaphore, #tpu.memory_space<semaphore_mem>>, %arg17: memref<!tpu.dma_semaphore, #tpu.memory_space<semaphore_mem>>, %arg18: memref<!tpu.dma_semaphore, #tpu.memory_space<semaphore_mem>>, %arg19: memref<!tpu.dma_semaphore, #tpu.memory_space<semaphore_mem>>, %arg20: memref<!tpu.dma_semaphore, #tpu.memory_space<semaphore_mem>>, %arg21: memref<!tpu.dma_semaphore, #tpu.memory_space<semaphore_mem>>, %arg22: memref<!tpu.dma_semaphore, #tpu.memory_space<semaphore_mem>>, %arg23: memref<!tpu.dma_semaphore, #tpu.memory_space<semaphore_mem>>, %arg24: memref<!tpu.dma_semaphore, #tpu.memory_space<semaphore_mem>>, %arg25: memref<!tpu.dma_semaphore, #tpu.memory_space<semaphore_mem>>, %arg26: memref<!tpu.dma_semaphore, #tpu.memory_space<semaphore_mem>>) attributes {dimension_semantics = [#tpu.dimension_semantics<core_parallel>, #tpu.dimension_semantics<subcore_parallel>], iteration_bounds = array<i64: 2, 16>, scalar_prefetch = 0 : i64, scratch_operands = 22 : i64, tpu.core_type = #tpu.core_type<sc_vector_subcore>, window_params = [{transform_indices = #map}, {transform_indices = #map}, {transform_indices = #map}]} {
    %mul3A = arith.constant 2 : i32
    %mul3A_0 = arith.muli %arg1, %mul3A : i32
    %add3A = arith.addi %mul3A_0, %arg0 : i32
    %mul3A_1 = arith.constant 6400 : i32
    %mul3A_2 = arith.muli %add3A, %mul3A_1 : i32
    %multiple_of3A = tpu.assume_multiple %mul3A_2, 128 : i32
    %mul3A_3 = arith.constant 50 : i32
    %mul3A_4 = arith.muli %add3A, %mul3A_3 : i32
    %jit3A = arith.constant 8 : i32
    %div3A = arith.divsi %mul3A_4, %jit3A : i32
    %sign3A = arith.constant 0 : i32
    %sign3A_5 = arith.cmpi sgt, %mul3A_4, %sign3A : i32
    %sign3A_6 = arith.extui %sign3A_5 : i1 to i32
    %sign3A_7 = arith.constant 0 : i32
    %sign3A_8 = arith.cmpi slt, %mul3A_4, %sign3A_7 : i32
    %sign3A_9 = arith.extui %sign3A_8 : i1 to i32
    %sign3A_10 = arith.subi %sign3A_6, %sign3A_9 : i32
    %sign3A_11 = arith.constant 0 : i32
    %sign3A_12 = arith.cmpi sgt, %jit3A, %sign3A_11 : i32
    %sign3A_13 = arith.extui %sign3A_12 : i1 to i32
    %sign3A_14 = arith.constant 0 : i32
    %sign3A_15 = arith.cmpi slt, %jit3A, %sign3A_14 : i32
    %sign3A_16 = arith.extui %sign3A_15 : i1 to i32
    %sign3A_17 = arith.subi %sign3A_13, %sign3A_16 : i32
    %ne3A = arith.cmpi ne, %sign3A_10, %sign3A_17 : i32
    %rem3A = arith.remsi %mul3A_4, %jit3A : i32
    %ne3A_18 = arith.constant 0 : i32
    %ne3A_19 = arith.cmpi ne, %rem3A, %ne3A_18 : i32
    %and3A = arith.andi %ne3A, %ne3A_19 : i1
    %sub3A = arith.constant 1 : i32
    %sub3A_20 = arith.subi %div3A, %sub3A : i32
    %select_n3A = arith.select %and3A, %sub3A_20, %div3A : i32
    %mul3A_21 = arith.constant 8 : i32
    %mul3A_22 = arith.muli %select_n3A, %mul3A_21 : i32
    %multiple_of3A_23 = tpu.assume_multiple %mul3A_22, 8 : i32
    %sub3A_24 = arith.subi %mul3A_4, %multiple_of3A_23 : i32
    "tpu.region"() ({
      %run_scoped3A = tpu.sem_alloc : memref<!tpu.dma_semaphore, #tpu.memory_space<semaphore_mem>>
      %dma_start3A_1223 = arith.constant 0 : i32
      %dma_start3A_1224 = tpu.memref_slice %arg2[%multiple_of3A_23, %dma_start3A_1223] : memref<1600x128xi32, #tpu.memory_space<hbm>> -> memref<64x128xi32, #tpu.memory_space<hbm>>
      %dma_start3A_1225 = arith.constant 0 : i32
      %dma_start3A_1226 = tpu.memref_slice %arg2[%multiple_of3A_23, %dma_start3A_1225] : memref<1600x128xi32, #tpu.memory_space<hbm>> -> memref<64x128xi32, #tpu.memory_space<hbm>>
      tpu.enqueue_dma source(%dma_start3A_1226 : memref<64x128xi32, #tpu.memory_space<hbm>>) target(%arg5 : memref<64x128xi32, #tpu.memory_space<vmem>>) target_semaphore(%run_scoped3A : memref<!tpu.dma_semaphore, #tpu.memory_space<semaphore_mem>>)
      %dma_wait3A_1227 = arith.constant 0 : i32
      %dma_wait3A_1228 = tpu.memref_slice %arg2[%multiple_of3A_23, %dma_wait3A_1227] : memref<1600x128xi32, #tpu.memory_space<hbm>> -> memref<64x128xi32, #tpu.memory_space<hbm>>
      %dma_wait3A_1229 = arith.constant 0 : i32
      %dma_wait3A_1230 = tpu.memref_slice %arg2[%multiple_of3A_23, %dma_wait3A_1229] : memref<1600x128xi32, #tpu.memory_space<hbm>> -> memref<64x128xi32, #tpu.memory_space<hbm>>
      tpu.wait_dma2 semaphore(%run_scoped3A : memref<!tpu.dma_semaphore, #tpu.memory_space<semaphore_mem>>) src(%dma_wait3A_1230 : memref<64x128xi32, #tpu.memory_space<hbm>>) dst(%arg5 : memref<64x128xi32, #tpu.memory_space<vmem>>)
      tpu.yield
    }) : () -> ()
    %add3A_25 = arith.constant 0 : i32
    %add3A_26 = arith.addi %sub3A_24, %add3A_25 : i32
    %dma_start3A = arith.constant 0 : i32
    %dma_start3A_27 = tpu.memref_slice %arg5[%add3A_26, %dma_start3A] : memref<64x128xi32, #tpu.memory_space<vmem>> -> memref<1x128xi32, #tpu.memory_space<vmem>>
    %dma_start3A_28 = tpu.memref_squeeze %dma_start3A_27 : memref<1x128xi32, #tpu.memory_space<vmem>> -> memref<128xi32, #tpu.memory_space<vmem>>
    %dma_start3A_29 = arith.constant 0 : i32
    %dma_start3A_30 = arith.constant 0 : i32
    %dma_start3A_31 = tpu.memref_slice %arg3[%dma_start3A_29, %dma_start3A_30] : memref<100001x128xf32, #tpu.memory_space<hbm>> -> memref<100001x128xf32, #tpu.memory_space<hbm>>
    tpu.enqueue_indirect_dma source(%dma_start3A_31 : memref<100001x128xf32, #tpu.memory_space<hbm>>) target(%arg6 : memref<128x128xf32, #tpu.memory_space<vmem>>) offsets(%dma_start3A_28 : memref<128xi32, #tpu.memory_space<vmem>>) semaphore(%arg13 : memref<!tpu.dma_semaphore, #tpu.memory_space<semaphore_mem>>)
    %add3A_32 = arith.constant 1 : i32
    %add3A_33 = arith.addi %sub3A_24, %add3A_32 : i32
    %dma_start3A_34 = arith.constant 0 : i32
    %dma_start3A_35 = tpu.memref_slice %arg5[%add3A_33, %dma_start3A_34] : memref<64x128xi32, #tpu.memory_space<vmem>> -> memref<1x128xi32, #tpu.memory_space<vmem>>
    %dma_start3A_36 = tpu.memref_squeeze %dma_start3A_35 : memref<1x128xi32, #tpu.memory_space<vmem>> -> memref<128xi32, #tpu.memory_space<vmem>>
    %dma_start3A_37 = arith.constant 0 : i32
    %dma_start3A_38 = arith.constant 0 : i32
    %dma_start3A_39 = tpu.memref_slice %arg3[%dma_start3A_37, %dma_start3A_38] : memref<100001x128xf32, #tpu.memory_space<hbm>> -> memref<100001x128xf32, #tpu.memory_space<hbm>>
    tpu.enqueue_indirect_dma source(%dma_start3A_39 : memref<100001x128xf32, #tpu.memory_space<hbm>>) target(%arg7 : memref<128x128xf32, #tpu.memory_space<vmem>>) offsets(%dma_start3A_36 : memref<128xi32, #tpu.memory_space<vmem>>) semaphore(%arg14 : memref<!tpu.dma_semaphore, #tpu.memory_space<semaphore_mem>>)
    %add3A_40 = arith.constant 2 : i32
    %add3A_41 = arith.addi %sub3A_24, %add3A_40 : i32
    %dma_start3A_42 = arith.constant 0 : i32
    %dma_start3A_43 = tpu.memref_slice %arg5[%add3A_41, %dma_start3A_42] : memref<64x128xi32, #tpu.memory_space<vmem>> -> memref<1x128xi32, #tpu.memory_space<vmem>>
    %dma_start3A_44 = tpu.memref_squeeze %dma_start3A_43 : memref<1x128xi32, #tpu.memory_space<vmem>> -> memref<128xi32, #tpu.memory_space<vmem>>
    %dma_start3A_45 = arith.constant 0 : i32
    %dma_start3A_46 = arith.constant 0 : i32
    %dma_start3A_47 = tpu.memref_slice %arg3[%dma_start3A_45, %dma_start3A_46] : memref<100001x128xf32, #tpu.memory_space<hbm>> -> memref<100001x128xf32, #tpu.memory_space<hbm>>
    tpu.enqueue_indirect_dma source(%dma_start3A_47 : memref<100001x128xf32, #tpu.memory_space<hbm>>) target(%arg8 : memref<128x128xf32, #tpu.memory_space<vmem>>) offsets(%dma_start3A_44 : memref<128xi32, #tpu.memory_space<vmem>>) semaphore(%arg15 : memref<!tpu.dma_semaphore, #tpu.memory_space<semaphore_mem>>)
    %add3A_48 = arith.constant 3 : i32
    %add3A_49 = arith.addi %sub3A_24, %add3A_48 : i32
    %dma_start3A_50 = arith.constant 0 : i32
    %dma_start3A_51 = tpu.memref_slice %arg5[%add3A_49, %dma_start3A_50] : memref<64x128xi32, #tpu.memory_space<vmem>> -> memref<1x128xi32, #tpu.memory_space<vmem>>
    %dma_start3A_52 = tpu.memref_squeeze %dma_start3A_51 : memref<1x128xi32, #tpu.memory_space<vmem>> -> memref<128xi32, #tpu.memory_space<vmem>>
    %dma_start3A_53 = arith.constant 0 : i32
    %dma_start3A_54 = arith.constant 0 : i32
    %dma_start3A_55 = tpu.memref_slice %arg3[%dma_start3A_53, %dma_start3A_54] : memref<100001x128xf32, #tpu.memory_space<hbm>> -> memref<100001x128xf32, #tpu.memory_space<hbm>>
    tpu.enqueue_indirect_dma source(%dma_start3A_55 : memref<100001x128xf32, #tpu.memory_space<hbm>>) target(%arg9 : memref<128x128xf32, #tpu.memory_space<vmem>>) offsets(%dma_start3A_52 : memref<128xi32, #tpu.memory_space<vmem>>) semaphore(%arg16 : memref<!tpu.dma_semaphore, #tpu.memory_space<semaphore_mem>>)
    %add3A_56 = arith.constant 4 : i32
    %add3A_57 = arith.addi %sub3A_24, %add3A_56 : i32
    %dma_start3A_58 = arith.constant 0 : i32
    %dma_start3A_59 = tpu.memref_slice %arg5[%add3A_57, %dma_start3A_58] : memref<64x128xi32, #tpu.memory_space<vmem>> -> memref<1x128xi32, #tpu.memory_space<vmem>>
    %dma_start3A_60 = tpu.memref_squeeze %dma_start3A_59 : memref<1x128xi32, #tpu.memory_space<vmem>> -> memref<128xi32, #tpu.memory_space<vmem>>
    %dma_start3A_61 = arith.constant 0 : i32
    %dma_start3A_62 = arith.constant 0 : i32
    %dma_start3A_63 = tpu.memref_slice %arg3[%dma_start3A_61, %dma_start3A_62] : memref<100001x128xf32, #tpu.memory_space<hbm>> -> memref<100001x128xf32, #tpu.memory_space<hbm>>
    tpu.enqueue_indirect_dma source(%dma_start3A_63 : memref<100001x128xf32, #tpu.memory_space<hbm>>) target(%arg10 : memref<128x128xf32, #tpu.memory_space<vmem>>) offsets(%dma_start3A_60 : memref<128xi32, #tpu.memory_space<vmem>>) semaphore(%arg17 : memref<!tpu.dma_semaphore, #tpu.memory_space<semaphore_mem>>)
    %add3A_64 = arith.constant 5 : i32
    %add3A_65 = arith.addi %sub3A_24, %add3A_64 : i32
    %dma_start3A_66 = arith.constant 0 : i32
    %dma_start3A_67 = tpu.memref_slice %arg5[%add3A_65, %dma_start3A_66] : memref<64x128xi32, #tpu.memory_space<vmem>> -> memref<1x128xi32, #tpu.memory_space<vmem>>
    %dma_start3A_68 = tpu.memref_squeeze %dma_start3A_67 : memref<1x128xi32, #tpu.memory_space<vmem>> -> memref<128xi32, #tpu.memory_space<vmem>>
    %dma_start3A_69 = arith.constant 0 : i32
    %dma_start3A_70 = arith.constant 0 : i32
    %dma_start3A_71 = tpu.memref_slice %arg3[%dma_start3A_69, %dma_start3A_70] : memref<100001x128xf32, #tpu.memory_space<hbm>> -> memref<100001x128xf32, #tpu.memory_space<hbm>>
    tpu.enqueue_indirect_dma source(%dma_start3A_71 : memref<100001x128xf32, #tpu.memory_space<hbm>>) target(%arg11 : memref<128x128xf32, #tpu.memory_space<vmem>>) offsets(%dma_start3A_68 : memref<128xi32, #tpu.memory_space<vmem>>) semaphore(%arg18 : memref<!tpu.dma_semaphore, #tpu.memory_space<semaphore_mem>>)
    %add3A_72 = arith.constant 6 : i32
    %add3A_73 = arith.addi %sub3A_24, %add3A_72 : i32
    %dma_start3A_74 = arith.constant 0 : i32
    %dma_start3A_75 = tpu.memref_slice %arg5[%add3A_73, %dma_start3A_74] : memref<64x128xi32, #tpu.memory_space<vmem>> -> memref<1x128xi32, #tpu.memory_space<vmem>>
    %dma_start3A_76 = tpu.memref_squeeze %dma_start3A_75 : memref<1x128xi32, #tpu.memory_space<vmem>> -> memref<128xi32, #tpu.memory_space<vmem>>
    %dma_start3A_77 = arith.constant 0 : i32
    %dma_start3A_78 = arith.constant 0 : i32
    %dma_start3A_79 = tpu.memref_slice %arg3[%dma_start3A_77, %dma_start3A_78] : memref<100001x128xf32, #tpu.memory_space<hbm>> -> memref<100001x128xf32, #tpu.memory_space<hbm>>
    tpu.enqueue_indirect_dma source(%dma_start3A_79 : memref<100001x128xf32, #tpu.memory_space<hbm>>) target(%arg12 : memref<128x128xf32, #tpu.memory_space<vmem>>) offsets(%dma_start3A_76 : memref<128xi32, #tpu.memory_space<vmem>>) semaphore(%arg19 : memref<!tpu.dma_semaphore, #tpu.memory_space<semaphore_mem>>)
    %dma_wait3A = arith.constant 0 : i32
    %dma_wait3A_80 = tpu.memref_slice %arg5[%add3A_26, %dma_wait3A] : memref<64x128xi32, #tpu.memory_space<vmem>> -> memref<1x128xi32, #tpu.memory_space<vmem>>
    %dma_wait3A_81 = tpu.memref_squeeze %dma_wait3A_80 : memref<1x128xi32, #tpu.memory_space<vmem>> -> memref<128xi32, #tpu.memory_space<vmem>>
    %dma_wait3A_82 = arith.constant 0 : i32
    %dma_wait3A_83 = arith.constant 0 : i32
    %dma_wait3A_84 = tpu.memref_slice %arg3[%dma_wait3A_82, %dma_wait3A_83] : memref<100001x128xf32, #tpu.memory_space<hbm>> -> memref<100001x128xf32, #tpu.memory_space<hbm>>
    tpu.wait_indirect_dma semaphore(%arg13 : memref<!tpu.dma_semaphore, #tpu.memory_space<semaphore_mem>>) src(%dma_wait3A_84 : memref<100001x128xf32, #tpu.memory_space<hbm>>) dst(%arg6 : memref<128x128xf32, #tpu.memory_space<vmem>>)
    %add3A_85 = arith.constant 0 : i32
    %add3A_86 = arith.addi %multiple_of3A, %add3A_85 : i32
    %dma_start3A_87 = arith.constant 0 : i32
    %dma_start3A_88 = tpu.memref_slice %arg4[%add3A_86, %dma_start3A_87] : memref<204800x128xf32, #tpu.memory_space<hbm>> -> memref<128x128xf32, #tpu.memory_space<hbm>>
    %dma_start3A_89 = arith.constant 0 : i32
    %dma_start3A_90 = tpu.memref_slice %arg4[%add3A_86, %dma_start3A_89] : memref<204800x128xf32, #tpu.memory_space<hbm>> -> memref<128x128xf32, #tpu.memory_space<hbm>>
    tpu.enqueue_dma source(%arg6 : memref<128x128xf32, #tpu.memory_space<vmem>>) target(%dma_start3A_90 : memref<128x128xf32, #tpu.memory_space<hbm>>) target_semaphore(%arg20 : memref<!tpu.dma_semaphore, #tpu.memory_space<semaphore_mem>>)
    %dma_wait3A_91 = arith.constant 0 : i32
    %dma_wait3A_92 = tpu.memref_slice %arg4[%add3A_86, %dma_wait3A_91] : memref<204800x128xf32, #tpu.memory_space<hbm>> -> memref<128x128xf32, #tpu.memory_space<hbm>>
    %dma_wait3A_93 = arith.constant 0 : i32
    %dma_wait3A_94 = tpu.memref_slice %arg4[%add3A_86, %dma_wait3A_93] : memref<204800x128xf32, #tpu.memory_space<hbm>> -> memref<128x128xf32, #tpu.memory_space<hbm>>
    tpu.wait_dma2 semaphore(%arg20 : memref<!tpu.dma_semaphore, #tpu.memory_space<semaphore_mem>>) src(%arg6 : memref<128x128xf32, #tpu.memory_space<vmem>>) dst(%dma_wait3A_94 : memref<128x128xf32, #tpu.memory_space<hbm>>)
    %add3A_95 = arith.constant 7 : i32
    %add3A_96 = arith.addi %sub3A_24, %add3A_95 : i32
    %dma_start3A_97 = arith.constant 0 : i32
    %dma_start3A_98 = tpu.memref_slice %arg5[%add3A_96, %dma_start3A_97] : memref<64x128xi32, #tpu.memory_space<vmem>> -> memref<1x128xi32, #tpu.memory_space<vmem>>
    %dma_start3A_99 = tpu.memref_squeeze %dma_start3A_98 : memref<1x128xi32, #tpu.memory_space<vmem>> -> memref<128xi32, #tpu.memory_space<vmem>>
    %dma_start3A_100 = arith.constant 0 : i32
    %dma_start3A_101 = arith.constant 0 : i32
    %dma_start3A_102 = tpu.memref_slice %arg3[%dma_start3A_100, %dma_start3A_101] : memref<100001x128xf32, #tpu.memory_space<hbm>> -> memref<100001x128xf32, #tpu.memory_space<hbm>>
    tpu.enqueue_indirect_dma source(%dma_start3A_102 : memref<100001x128xf32, #tpu.memory_space<hbm>>) target(%arg6 : memref<128x128xf32, #tpu.memory_space<vmem>>) offsets(%dma_start3A_99 : memref<128xi32, #tpu.memory_space<vmem>>) semaphore(%arg13 : memref<!tpu.dma_semaphore, #tpu.memory_space<semaphore_mem>>)
    %dma_wait3A_103 = arith.constant 0 : i32
    %dma_wait3A_104 = tpu.memref_slice %arg5[%add3A_33, %dma_wait3A_103] : memref<64x128xi32, #tpu.memory_space<vmem>> -> memref<1x128xi32, #tpu.memory_space<vmem>>
    %dma_wait3A_105 = tpu.memref_squeeze %dma_wait3A_104 : memref<1x128xi32, #tpu.memory_space<vmem>> -> memref<128xi32, #tpu.memory_space<vmem>>
    %dma_wait3A_106 = arith.constant 0 : i32
    %dma_wait3A_107 = arith.constant 0 : i32
    %dma_wait3A_108 = tpu.memref_slice %arg3[%dma_wait3A_106, %dma_wait3A_107] : memref<100001x128xf32, #tpu.memory_space<hbm>> -> memref<100001x128xf32, #tpu.memory_space<hbm>>
    tpu.wait_indirect_dma semaphore(%arg14 : memref<!tpu.dma_semaphore, #tpu.memory_space<semaphore_mem>>) src(%dma_wait3A_108 : memref<100001x128xf32, #tpu.memory_space<hbm>>) dst(%arg7 : memref<128x128xf32, #tpu.memory_space<vmem>>)
    %add3A_109 = arith.constant 128 : i32
    %add3A_110 = arith.addi %multiple_of3A, %add3A_109 : i32
    %dma_start3A_111 = arith.constant 0 : i32
    %dma_start3A_112 = tpu.memref_slice %arg4[%add3A_110, %dma_start3A_111] : memref<204800x128xf32, #tpu.memory_space<hbm>> -> memref<128x128xf32, #tpu.memory_space<hbm>>
    %dma_start3A_113 = arith.constant 0 : i32
    %dma_start3A_114 = tpu.memref_slice %arg4[%add3A_110, %dma_start3A_113] : memref<204800x128xf32, #tpu.memory_space<hbm>> -> memref<128x128xf32, #tpu.memory_space<hbm>>
    tpu.enqueue_dma source(%arg7 : memref<128x128xf32, #tpu.memory_space<vmem>>) target(%dma_start3A_114 : memref<128x128xf32, #tpu.memory_space<hbm>>) target_semaphore(%arg21 : memref<!tpu.dma_semaphore, #tpu.memory_space<semaphore_mem>>)
    %dma_wait3A_115 = arith.constant 0 : i32
    %dma_wait3A_116 = tpu.memref_slice %arg4[%add3A_110, %dma_wait3A_115] : memref<204800x128xf32, #tpu.memory_space<hbm>> -> memref<128x128xf32, #tpu.memory_space<hbm>>
    %dma_wait3A_117 = arith.constant 0 : i32
    %dma_wait3A_118 = tpu.memref_slice %arg4[%add3A_110, %dma_wait3A_117] : memref<204800x128xf32, #tpu.memory_space<hbm>> -> memref<128x128xf32, #tpu.memory_space<hbm>>
    tpu.wait_dma2 semaphore(%arg21 : memref<!tpu.dma_semaphore, #tpu.memory_space<semaphore_mem>>) src(%arg7 : memref<128x128xf32, #tpu.memory_space<vmem>>) dst(%dma_wait3A_118 : memref<128x128xf32, #tpu.memory_space<hbm>>)
    %add3A_119 = arith.constant 8 : i32
    %add3A_120 = arith.addi %sub3A_24, %add3A_119 : i32
    %dma_start3A_121 = arith.constant 0 : i32
    %dma_start3A_122 = tpu.memref_slice %arg5[%add3A_120, %dma_start3A_121] : memref<64x128xi32, #tpu.memory_space<vmem>> -> memref<1x128xi32, #tpu.memory_space<vmem>>
    %dma_start3A_123 = tpu.memref_squeeze %dma_start3A_122 : memref<1x128xi32, #tpu.memory_space<vmem>> -> memref<128xi32, #tpu.memory_space<vmem>>
    %dma_start3A_124 = arith.constant 0 : i32
    %dma_start3A_125 = arith.constant 0 : i32
    %dma_start3A_126 = tpu.memref_slice %arg3[%dma_start3A_124, %dma_start3A_125] : memref<100001x128xf32, #tpu.memory_space<hbm>> -> memref<100001x128xf32, #tpu.memory_space<hbm>>
    tpu.enqueue_indirect_dma source(%dma_start3A_126 : memref<100001x128xf32, #tpu.memory_space<hbm>>) target(%arg7 : memref<128x128xf32, #tpu.memory_space<vmem>>) offsets(%dma_start3A_123 : memref<128xi32, #tpu.memory_space<vmem>>) semaphore(%arg14 : memref<!tpu.dma_semaphore, #tpu.memory_space<semaphore_mem>>)
    %dma_wait3A_127 = arith.constant 0 : i32
    %dma_wait3A_128 = tpu.memref_slice %arg5[%add3A_41, %dma_wait3A_127] : memref<64x128xi32, #tpu.memory_space<vmem>> -> memref<1x128xi32, #tpu.memory_space<vmem>>
    %dma_wait3A_129 = tpu.memref_squeeze %dma_wait3A_128 : memref<1x128xi32, #tpu.memory_space<vmem>> -> memref<128xi32, #tpu.memory_space<vmem>>
    %dma_wait3A_130 = arith.constant 0 : i32
    %dma_wait3A_131 = arith.constant 0 : i32
    %dma_wait3A_132 = tpu.memref_slice %arg3[%dma_wait3A_130, %dma_wait3A_131] : memref<100001x128xf32, #tpu.memory_space<hbm>> -> memref<100001x128xf32, #tpu.memory_space<hbm>>
    tpu.wait_indirect_dma semaphore(%arg15 : memref<!tpu.dma_semaphore, #tpu.memory_space<semaphore_mem>>) src(%dma_wait3A_132 : memref<100001x128xf32, #tpu.memory_space<hbm>>) dst(%arg8 : memref<128x128xf32, #tpu.memory_space<vmem>>)
    %add3A_133 = arith.constant 256 : i32
    %add3A_134 = arith.addi %multiple_of3A, %add3A_133 : i32
    %dma_start3A_135 = arith.constant 0 : i32
    %dma_start3A_136 = tpu.memref_slice %arg4[%add3A_134, %dma_start3A_135] : memref<204800x128xf32, #tpu.memory_space<hbm>> -> memref<128x128xf32, #tpu.memory_space<hbm>>
    %dma_start3A_137 = arith.constant 0 : i32
    %dma_start3A_138 = tpu.memref_slice %arg4[%add3A_134, %dma_start3A_137] : memref<204800x128xf32, #tpu.memory_space<hbm>> -> memref<128x128xf32, #tpu.memory_space<hbm>>
    tpu.enqueue_dma source(%arg8 : memref<128x128xf32, #tpu.memory_space<vmem>>) target(%dma_start3A_138 : memref<128x128xf32, #tpu.memory_space<hbm>>) target_semaphore(%arg22 : memref<!tpu.dma_semaphore, #tpu.memory_space<semaphore_mem>>)
    %dma_wait3A_139 = arith.constant 0 : i32
    %dma_wait3A_140 = tpu.memref_slice %arg4[%add3A_134, %dma_wait3A_139] : memref<204800x128xf32, #tpu.memory_space<hbm>> -> memref<128x128xf32, #tpu.memory_space<hbm>>
    %dma_wait3A_141 = arith.constant 0 : i32
    %dma_wait3A_142 = tpu.memref_slice %arg4[%add3A_134, %dma_wait3A_141] : memref<204800x128xf32, #tpu.memory_space<hbm>> -> memref<128x128xf32, #tpu.memory_space<hbm>>
    tpu.wait_dma2 semaphore(%arg22 : memref<!tpu.dma_semaphore, #tpu.memory_space<semaphore_mem>>) src(%arg8 : memref<128x128xf32, #tpu.memory_space<vmem>>) dst(%dma_wait3A_142 : memref<128x128xf32, #tpu.memory_space<hbm>>)
    %add3A_143 = arith.constant 9 : i32
    %add3A_144 = arith.addi %sub3A_24, %add3A_143 : i32
    %dma_start3A_145 = arith.constant 0 : i32
    %dma_start3A_146 = tpu.memref_slice %arg5[%add3A_144, %dma_start3A_145] : memref<64x128xi32, #tpu.memory_space<vmem>> -> memref<1x128xi32, #tpu.memory_space<vmem>>
    %dma_start3A_147 = tpu.memref_squeeze %dma_start3A_146 : memref<1x128xi32, #tpu.memory_space<vmem>> -> memref<128xi32, #tpu.memory_space<vmem>>
    %dma_start3A_148 = arith.constant 0 : i32
    %dma_start3A_149 = arith.constant 0 : i32
    %dma_start3A_150 = tpu.memref_slice %arg3[%dma_start3A_148, %dma_start3A_149] : memref<100001x128xf32, #tpu.memory_space<hbm>> -> memref<100001x128xf32, #tpu.memory_space<hbm>>
    tpu.enqueue_indirect_dma source(%dma_start3A_150 : memref<100001x128xf32, #tpu.memory_space<hbm>>) target(%arg8 : memref<128x128xf32, #tpu.memory_space<vmem>>) offsets(%dma_start3A_147 : memref<128xi32, #tpu.memory_space<vmem>>) semaphore(%arg15 : memref<!tpu.dma_semaphore, #tpu.memory_space<semaphore_mem>>)
    %dma_wait3A_151 = arith.constant 0 : i32
    %dma_wait3A_152 = tpu.memref_slice %arg5[%add3A_49, %dma_wait3A_151] : memref<64x128xi32, #tpu.memory_space<vmem>> -> memref<1x128xi32, #tpu.memory_space<vmem>>
    %dma_wait3A_153 = tpu.memref_squeeze %dma_wait3A_152 : memref<1x128xi32, #tpu.memory_space<vmem>> -> memref<128xi32, #tpu.memory_space<vmem>>
    %dma_wait3A_154 = arith.constant 0 : i32
    %dma_wait3A_155 = arith.constant 0 : i32
    %dma_wait3A_156 = tpu.memref_slice %arg3[%dma_wait3A_154, %dma_wait3A_155] : memref<100001x128xf32, #tpu.memory_space<hbm>> -> memref<100001x128xf32, #tpu.memory_space<hbm>>
    tpu.wait_indirect_dma semaphore(%arg16 : memref<!tpu.dma_semaphore, #tpu.memory_space<semaphore_mem>>) src(%dma_wait3A_156 : memref<100001x128xf32, #tpu.memory_space<hbm>>) dst(%arg9 : memref<128x128xf32, #tpu.memory_space<vmem>>)
    %add3A_157 = arith.constant 384 : i32
    %add3A_158 = arith.addi %multiple_of3A, %add3A_157 : i32
    %dma_start3A_159 = arith.constant 0 : i32
    %dma_start3A_160 = tpu.memref_slice %arg4[%add3A_158, %dma_start3A_159] : memref<204800x128xf32, #tpu.memory_space<hbm>> -> memref<128x128xf32, #tpu.memory_space<hbm>>
    %dma_start3A_161 = arith.constant 0 : i32
    %dma_start3A_162 = tpu.memref_slice %arg4[%add3A_158, %dma_start3A_161] : memref<204800x128xf32, #tpu.memory_space<hbm>> -> memref<128x128xf32, #tpu.memory_space<hbm>>
    tpu.enqueue_dma source(%arg9 : memref<128x128xf32, #tpu.memory_space<vmem>>) target(%dma_start3A_162 : memref<128x128xf32, #tpu.memory_space<hbm>>) target_semaphore(%arg23 : memref<!tpu.dma_semaphore, #tpu.memory_space<semaphore_mem>>)
    %dma_wait3A_163 = arith.constant 0 : i32
    %dma_wait3A_164 = tpu.memref_slice %arg4[%add3A_158, %dma_wait3A_163] : memref<204800x128xf32, #tpu.memory_space<hbm>> -> memref<128x128xf32, #tpu.memory_space<hbm>>
    %dma_wait3A_165 = arith.constant 0 : i32
    %dma_wait3A_166 = tpu.memref_slice %arg4[%add3A_158, %dma_wait3A_165] : memref<204800x128xf32, #tpu.memory_space<hbm>> -> memref<128x128xf32, #tpu.memory_space<hbm>>
    tpu.wait_dma2 semaphore(%arg23 : memref<!tpu.dma_semaphore, #tpu.memory_space<semaphore_mem>>) src(%arg9 : memref<128x128xf32, #tpu.memory_space<vmem>>) dst(%dma_wait3A_166 : memref<128x128xf32, #tpu.memory_space<hbm>>)
    %add3A_167 = arith.constant 10 : i32
    %add3A_168 = arith.addi %sub3A_24, %add3A_167 : i32
    %dma_start3A_169 = arith.constant 0 : i32
    %dma_start3A_170 = tpu.memref_slice %arg5[%add3A_168, %dma_start3A_169] : memref<64x128xi32, #tpu.memory_space<vmem>> -> memref<1x128xi32, #tpu.memory_space<vmem>>
    %dma_start3A_171 = tpu.memref_squeeze %dma_start3A_170 : memref<1x128xi32, #tpu.memory_space<vmem>> -> memref<128xi32, #tpu.memory_space<vmem>>
    %dma_start3A_172 = arith.constant 0 : i32
    %dma_start3A_173 = arith.constant 0 : i32
    %dma_start3A_174 = tpu.memref_slice %arg3[%dma_start3A_172, %dma_start3A_173] : memref<100001x128xf32, #tpu.memory_space<hbm>> -> memref<100001x128xf32, #tpu.memory_space<hbm>>
    tpu.enqueue_indirect_dma source(%dma_start3A_174 : memref<100001x128xf32, #tpu.memory_space<hbm>>) target(%arg9 : memref<128x128xf32, #tpu.memory_space<vmem>>) offsets(%dma_start3A_171 : memref<128xi32, #tpu.memory_space<vmem>>) semaphore(%arg16 : memref<!tpu.dma_semaphore, #tpu.memory_space<semaphore_mem>>)
    %dma_wait3A_175 = arith.constant 0 : i32
    %dma_wait3A_176 = tpu.memref_slice %arg5[%add3A_57, %dma_wait3A_175] : memref<64x128xi32, #tpu.memory_space<vmem>> -> memref<1x128xi32, #tpu.memory_space<vmem>>
    %dma_wait3A_177 = tpu.memref_squeeze %dma_wait3A_176 : memref<1x128xi32, #tpu.memory_space<vmem>> -> memref<128xi32, #tpu.memory_space<vmem>>
    %dma_wait3A_178 = arith.constant 0 : i32
    %dma_wait3A_179 = arith.constant 0 : i32
    %dma_wait3A_180 = tpu.memref_slice %arg3[%dma_wait3A_178, %dma_wait3A_179] : memref<100001x128xf32, #tpu.memory_space<hbm>> -> memref<100001x128xf32, #tpu.memory_space<hbm>>
    tpu.wait_indirect_dma semaphore(%arg17 : memref<!tpu.dma_semaphore, #tpu.memory_space<semaphore_mem>>) src(%dma_wait3A_180 : memref<100001x128xf32, #tpu.memory_space<hbm>>) dst(%arg10 : memref<128x128xf32, #tpu.memory_space<vmem>>)
    %add3A_181 = arith.constant 512 : i32
    %add3A_182 = arith.addi %multiple_of3A, %add3A_181 : i32
    %dma_start3A_183 = arith.constant 0 : i32
    %dma_start3A_184 = tpu.memref_slice %arg4[%add3A_182, %dma_start3A_183] : memref<204800x128xf32, #tpu.memory_space<hbm>> -> memref<128x128xf32, #tpu.memory_space<hbm>>
    %dma_start3A_185 = arith.constant 0 : i32
    %dma_start3A_186 = tpu.memref_slice %arg4[%add3A_182, %dma_start3A_185] : memref<204800x128xf32, #tpu.memory_space<hbm>> -> memref<128x128xf32, #tpu.memory_space<hbm>>
    tpu.enqueue_dma source(%arg10 : memref<128x128xf32, #tpu.memory_space<vmem>>) target(%dma_start3A_186 : memref<128x128xf32, #tpu.memory_space<hbm>>) target_semaphore(%arg24 : memref<!tpu.dma_semaphore, #tpu.memory_space<semaphore_mem>>)
    %dma_wait3A_187 = arith.constant 0 : i32
    %dma_wait3A_188 = tpu.memref_slice %arg4[%add3A_182, %dma_wait3A_187] : memref<204800x128xf32, #tpu.memory_space<hbm>> -> memref<128x128xf32, #tpu.memory_space<hbm>>
    %dma_wait3A_189 = arith.constant 0 : i32
    %dma_wait3A_190 = tpu.memref_slice %arg4[%add3A_182, %dma_wait3A_189] : memref<204800x128xf32, #tpu.memory_space<hbm>> -> memref<128x128xf32, #tpu.memory_space<hbm>>
    tpu.wait_dma2 semaphore(%arg24 : memref<!tpu.dma_semaphore, #tpu.memory_space<semaphore_mem>>) src(%arg10 : memref<128x128xf32, #tpu.memory_space<vmem>>) dst(%dma_wait3A_190 : memref<128x128xf32, #tpu.memory_space<hbm>>)
    %add3A_191 = arith.constant 11 : i32
    %add3A_192 = arith.addi %sub3A_24, %add3A_191 : i32
    %dma_start3A_193 = arith.constant 0 : i32
    %dma_start3A_194 = tpu.memref_slice %arg5[%add3A_192, %dma_start3A_193] : memref<64x128xi32, #tpu.memory_space<vmem>> -> memref<1x128xi32, #tpu.memory_space<vmem>>
    %dma_start3A_195 = tpu.memref_squeeze %dma_start3A_194 : memref<1x128xi32, #tpu.memory_space<vmem>> -> memref<128xi32, #tpu.memory_space<vmem>>
    %dma_start3A_196 = arith.constant 0 : i32
    %dma_start3A_197 = arith.constant 0 : i32
    %dma_start3A_198 = tpu.memref_slice %arg3[%dma_start3A_196, %dma_start3A_197] : memref<100001x128xf32, #tpu.memory_space<hbm>> -> memref<100001x128xf32, #tpu.memory_space<hbm>>
    tpu.enqueue_indirect_dma source(%dma_start3A_198 : memref<100001x128xf32, #tpu.memory_space<hbm>>) target(%arg10 : memref<128x128xf32, #tpu.memory_space<vmem>>) offsets(%dma_start3A_195 : memref<128xi32, #tpu.memory_space<vmem>>) semaphore(%arg17 : memref<!tpu.dma_semaphore, #tpu.memory_space<semaphore_mem>>)
    %dma_wait3A_199 = arith.constant 0 : i32
    %dma_wait3A_200 = tpu.memref_slice %arg5[%add3A_65, %dma_wait3A_199] : memref<64x128xi32, #tpu.memory_space<vmem>> -> memref<1x128xi32, #tpu.memory_space<vmem>>
    %dma_wait3A_201 = tpu.memref_squeeze %dma_wait3A_200 : memref<1x128xi32, #tpu.memory_space<vmem>> -> memref<128xi32, #tpu.memory_space<vmem>>
    %dma_wait3A_202 = arith.constant 0 : i32
    %dma_wait3A_203 = arith.constant 0 : i32
    %dma_wait3A_204 = tpu.memref_slice %arg3[%dma_wait3A_202, %dma_wait3A_203] : memref<100001x128xf32, #tpu.memory_space<hbm>> -> memref<100001x128xf32, #tpu.memory_space<hbm>>
    tpu.wait_indirect_dma semaphore(%arg18 : memref<!tpu.dma_semaphore, #tpu.memory_space<semaphore_mem>>) src(%dma_wait3A_204 : memref<100001x128xf32, #tpu.memory_space<hbm>>) dst(%arg11 : memref<128x128xf32, #tpu.memory_space<vmem>>)
    %add3A_205 = arith.constant 640 : i32
    %add3A_206 = arith.addi %multiple_of3A, %add3A_205 : i32
    %dma_start3A_207 = arith.constant 0 : i32
    %dma_start3A_208 = tpu.memref_slice %arg4[%add3A_206, %dma_start3A_207] : memref<204800x128xf32, #tpu.memory_space<hbm>> -> memref<128x128xf32, #tpu.memory_space<hbm>>
    %dma_start3A_209 = arith.constant 0 : i32
    %dma_start3A_210 = tpu.memref_slice %arg4[%add3A_206, %dma_start3A_209] : memref<204800x128xf32, #tpu.memory_space<hbm>> -> memref<128x128xf32, #tpu.memory_space<hbm>>
    tpu.enqueue_dma source(%arg11 : memref<128x128xf32, #tpu.memory_space<vmem>>) target(%dma_start3A_210 : memref<128x128xf32, #tpu.memory_space<hbm>>) target_semaphore(%arg25 : memref<!tpu.dma_semaphore, #tpu.memory_space<semaphore_mem>>)
    %dma_wait3A_211 = arith.constant 0 : i32
    %dma_wait3A_212 = tpu.memref_slice %arg4[%add3A_206, %dma_wait3A_211] : memref<204800x128xf32, #tpu.memory_space<hbm>> -> memref<128x128xf32, #tpu.memory_space<hbm>>
    %dma_wait3A_213 = arith.constant 0 : i32
    %dma_wait3A_214 = tpu.memref_slice %arg4[%add3A_206, %dma_wait3A_213] : memref<204800x128xf32, #tpu.memory_space<hbm>> -> memref<128x128xf32, #tpu.memory_space<hbm>>
    tpu.wait_dma2 semaphore(%arg25 : memref<!tpu.dma_semaphore, #tpu.memory_space<semaphore_mem>>) src(%arg11 : memref<128x128xf32, #tpu.memory_space<vmem>>) dst(%dma_wait3A_214 : memref<128x128xf32, #tpu.memory_space<hbm>>)
    %add3A_215 = arith.constant 12 : i32
    %add3A_216 = arith.addi %sub3A_24, %add3A_215 : i32
    %dma_start3A_217 = arith.constant 0 : i32
    %dma_start3A_218 = tpu.memref_slice %arg5[%add3A_216, %dma_start3A_217] : memref<64x128xi32, #tpu.memory_space<vmem>> -> memref<1x128xi32, #tpu.memory_space<vmem>>
    %dma_start3A_219 = tpu.memref_squeeze %dma_start3A_218 : memref<1x128xi32, #tpu.memory_space<vmem>> -> memref<128xi32, #tpu.memory_space<vmem>>
    %dma_start3A_220 = arith.constant 0 : i32
    %dma_start3A_221 = arith.constant 0 : i32
    %dma_start3A_222 = tpu.memref_slice %arg3[%dma_start3A_220, %dma_start3A_221] : memref<100001x128xf32, #tpu.memory_space<hbm>> -> memref<100001x128xf32, #tpu.memory_space<hbm>>
    tpu.enqueue_indirect_dma source(%dma_start3A_222 : memref<100001x128xf32, #tpu.memory_space<hbm>>) target(%arg11 : memref<128x128xf32, #tpu.memory_space<vmem>>) offsets(%dma_start3A_219 : memref<128xi32, #tpu.memory_space<vmem>>) semaphore(%arg18 : memref<!tpu.dma_semaphore, #tpu.memory_space<semaphore_mem>>)
    %dma_wait3A_223 = arith.constant 0 : i32
    %dma_wait3A_224 = tpu.memref_slice %arg5[%add3A_73, %dma_wait3A_223] : memref<64x128xi32, #tpu.memory_space<vmem>> -> memref<1x128xi32, #tpu.memory_space<vmem>>
    %dma_wait3A_225 = tpu.memref_squeeze %dma_wait3A_224 : memref<1x128xi32, #tpu.memory_space<vmem>> -> memref<128xi32, #tpu.memory_space<vmem>>
    %dma_wait3A_226 = arith.constant 0 : i32
    %dma_wait3A_227 = arith.constant 0 : i32
    %dma_wait3A_228 = tpu.memref_slice %arg3[%dma_wait3A_226, %dma_wait3A_227] : memref<100001x128xf32, #tpu.memory_space<hbm>> -> memref<100001x128xf32, #tpu.memory_space<hbm>>
    tpu.wait_indirect_dma semaphore(%arg19 : memref<!tpu.dma_semaphore, #tpu.memory_space<semaphore_mem>>) src(%dma_wait3A_228 : memref<100001x128xf32, #tpu.memory_space<hbm>>) dst(%arg12 : memref<128x128xf32, #tpu.memory_space<vmem>>)
    %add3A_229 = arith.constant 768 : i32
    %add3A_230 = arith.addi %multiple_of3A, %add3A_229 : i32
    %dma_start3A_231 = arith.constant 0 : i32
    %dma_start3A_232 = tpu.memref_slice %arg4[%add3A_230, %dma_start3A_231] : memref<204800x128xf32, #tpu.memory_space<hbm>> -> memref<128x128xf32, #tpu.memory_space<hbm>>
    %dma_start3A_233 = arith.constant 0 : i32
    %dma_start3A_234 = tpu.memref_slice %arg4[%add3A_230, %dma_start3A_233] : memref<204800x128xf32, #tpu.memory_space<hbm>> -> memref<128x128xf32, #tpu.memory_space<hbm>>
    tpu.enqueue_dma source(%arg12 : memref<128x128xf32, #tpu.memory_space<vmem>>) target(%dma_start3A_234 : memref<128x128xf32, #tpu.memory_space<hbm>>) target_semaphore(%arg26 : memref<!tpu.dma_semaphore, #tpu.memory_space<semaphore_mem>>)
    %dma_wait3A_235 = arith.constant 0 : i32
    %dma_wait3A_236 = tpu.memref_slice %arg4[%add3A_230, %dma_wait3A_235] : memref<204800x128xf32, #tpu.memory_space<hbm>> -> memref<128x128xf32, #tpu.memory_space<hbm>>
    %dma_wait3A_237 = arith.constant 0 : i32
    %dma_wait3A_238 = tpu.memref_slice %arg4[%add3A_230, %dma_wait3A_237] : memref<204800x128xf32, #tpu.memory_space<hbm>> -> memref<128x128xf32, #tpu.memory_space<hbm>>
    tpu.wait_dma2 semaphore(%arg26 : memref<!tpu.dma_semaphore, #tpu.memory_space<semaphore_mem>>) src(%arg12 : memref<128x128xf32, #tpu.memory_space<vmem>>) dst(%dma_wait3A_238 : memref<128x128xf32, #tpu.memory_space<hbm>>)
    %add3A_239 = arith.constant 13 : i32
    %add3A_240 = arith.addi %sub3A_24, %add3A_239 : i32
    %dma_start3A_241 = arith.constant 0 : i32
    %dma_start3A_242 = tpu.memref_slice %arg5[%add3A_240, %dma_start3A_241] : memref<64x128xi32, #tpu.memory_space<vmem>> -> memref<1x128xi32, #tpu.memory_space<vmem>>
    %dma_start3A_243 = tpu.memref_squeeze %dma_start3A_242 : memref<1x128xi32, #tpu.memory_space<vmem>> -> memref<128xi32, #tpu.memory_space<vmem>>
    %dma_start3A_244 = arith.constant 0 : i32
    %dma_start3A_245 = arith.constant 0 : i32
    %dma_start3A_246 = tpu.memref_slice %arg3[%dma_start3A_244, %dma_start3A_245] : memref<100001x128xf32, #tpu.memory_space<hbm>> -> memref<100001x128xf32, #tpu.memory_space<hbm>>
    tpu.enqueue_indirect_dma source(%dma_start3A_246 : memref<100001x128xf32, #tpu.memory_space<hbm>>) target(%arg12 : memref<128x128xf32, #tpu.memory_space<vmem>>) offsets(%dma_start3A_243 : memref<128xi32, #tpu.memory_space<vmem>>) semaphore(%arg19 : memref<!tpu.dma_semaphore, #tpu.memory_space<semaphore_mem>>)
    %dma_wait3A_247 = arith.constant 0 : i32
    %dma_wait3A_248 = tpu.memref_slice %arg5[%add3A_96, %dma_wait3A_247] : memref<64x128xi32, #tpu.memory_space<vmem>> -> memref<1x128xi32, #tpu.memory_space<vmem>>
    %dma_wait3A_249 = tpu.memref_squeeze %dma_wait3A_248 : memref<1x128xi32, #tpu.memory_space<vmem>> -> memref<128xi32, #tpu.memory_space<vmem>>
    %dma_wait3A_250 = arith.constant 0 : i32
    %dma_wait3A_251 = arith.constant 0 : i32
    %dma_wait3A_252 = tpu.memref_slice %arg3[%dma_wait3A_250, %dma_wait3A_251] : memref<100001x128xf32, #tpu.memory_space<hbm>> -> memref<100001x128xf32, #tpu.memory_space<hbm>>
    tpu.wait_indirect_dma semaphore(%arg13 : memref<!tpu.dma_semaphore, #tpu.memory_space<semaphore_mem>>) src(%dma_wait3A_252 : memref<100001x128xf32, #tpu.memory_space<hbm>>) dst(%arg6 : memref<128x128xf32, #tpu.memory_space<vmem>>)
    %add3A_253 = arith.constant 896 : i32
    %add3A_254 = arith.addi %multiple_of3A, %add3A_253 : i32
    %dma_start3A_255 = arith.constant 0 : i32
    %dma_start3A_256 = tpu.memref_slice %arg4[%add3A_254, %dma_start3A_255] : memref<204800x128xf32, #tpu.memory_space<hbm>> -> memref<128x128xf32, #tpu.memory_space<hbm>>
    %dma_start3A_257 = arith.constant 0 : i32
    %dma_start3A_258 = tpu.memref_slice %arg4[%add3A_254, %dma_start3A_257] : memref<204800x128xf32, #tpu.memory_space<hbm>> -> memref<128x128xf32, #tpu.memory_space<hbm>>
    tpu.enqueue_dma source(%arg6 : memref<128x128xf32, #tpu.memory_space<vmem>>) target(%dma_start3A_258 : memref<128x128xf32, #tpu.memory_space<hbm>>) target_semaphore(%arg20 : memref<!tpu.dma_semaphore, #tpu.memory_space<semaphore_mem>>)
    %dma_wait3A_259 = arith.constant 0 : i32
    %dma_wait3A_260 = tpu.memref_slice %arg4[%add3A_254, %dma_wait3A_259] : memref<204800x128xf32, #tpu.memory_space<hbm>> -> memref<128x128xf32, #tpu.memory_space<hbm>>
    %dma_wait3A_261 = arith.constant 0 : i32
    %dma_wait3A_262 = tpu.memref_slice %arg4[%add3A_254, %dma_wait3A_261] : memref<204800x128xf32, #tpu.memory_space<hbm>> -> memref<128x128xf32, #tpu.memory_space<hbm>>
    tpu.wait_dma2 semaphore(%arg20 : memref<!tpu.dma_semaphore, #tpu.memory_space<semaphore_mem>>) src(%arg6 : memref<128x128xf32, #tpu.memory_space<vmem>>) dst(%dma_wait3A_262 : memref<128x128xf32, #tpu.memory_space<hbm>>)
    %add3A_263 = arith.constant 14 : i32
    %add3A_264 = arith.addi %sub3A_24, %add3A_263 : i32
    %dma_start3A_265 = arith.constant 0 : i32
    %dma_start3A_266 = tpu.memref_slice %arg5[%add3A_264, %dma_start3A_265] : memref<64x128xi32, #tpu.memory_space<vmem>> -> memref<1x128xi32, #tpu.memory_space<vmem>>
    %dma_start3A_267 = tpu.memref_squeeze %dma_start3A_266 : memref<1x128xi32, #tpu.memory_space<vmem>> -> memref<128xi32, #tpu.memory_space<vmem>>
    %dma_start3A_268 = arith.constant 0 : i32
    %dma_start3A_269 = arith.constant 0 : i32
    %dma_start3A_270 = tpu.memref_slice %arg3[%dma_start3A_268, %dma_start3A_269] : memref<100001x128xf32, #tpu.memory_space<hbm>> -> memref<100001x128xf32, #tpu.memory_space<hbm>>
    tpu.enqueue_indirect_dma source(%dma_start3A_270 : memref<100001x128xf32, #tpu.memory_space<hbm>>) target(%arg6 : memref<128x128xf32, #tpu.memory_space<vmem>>) offsets(%dma_start3A_267 : memref<128xi32, #tpu.memory_space<vmem>>) semaphore(%arg13 : memref<!tpu.dma_semaphore, #tpu.memory_space<semaphore_mem>>)
    %dma_wait3A_271 = arith.constant 0 : i32
    %dma_wait3A_272 = tpu.memref_slice %arg5[%add3A_120, %dma_wait3A_271] : memref<64x128xi32, #tpu.memory_space<vmem>> -> memref<1x128xi32, #tpu.memory_space<vmem>>
    %dma_wait3A_273 = tpu.memref_squeeze %dma_wait3A_272 : memref<1x128xi32, #tpu.memory_space<vmem>> -> memref<128xi32, #tpu.memory_space<vmem>>
    %dma_wait3A_274 = arith.constant 0 : i32
    %dma_wait3A_275 = arith.constant 0 : i32
    %dma_wait3A_276 = tpu.memref_slice %arg3[%dma_wait3A_274, %dma_wait3A_275] : memref<100001x128xf32, #tpu.memory_space<hbm>> -> memref<100001x128xf32, #tpu.memory_space<hbm>>
    tpu.wait_indirect_dma semaphore(%arg14 : memref<!tpu.dma_semaphore, #tpu.memory_space<semaphore_mem>>) src(%dma_wait3A_276 : memref<100001x128xf32, #tpu.memory_space<hbm>>) dst(%arg7 : memref<128x128xf32, #tpu.memory_space<vmem>>)
    %add3A_277 = arith.constant 1024 : i32
    %add3A_278 = arith.addi %multiple_of3A, %add3A_277 : i32
    %dma_start3A_279 = arith.constant 0 : i32
    %dma_start3A_280 = tpu.memref_slice %arg4[%add3A_278, %dma_start3A_279] : memref<204800x128xf32, #tpu.memory_space<hbm>> -> memref<128x128xf32, #tpu.memory_space<hbm>>
    %dma_start3A_281 = arith.constant 0 : i32
    %dma_start3A_282 = tpu.memref_slice %arg4[%add3A_278, %dma_start3A_281] : memref<204800x128xf32, #tpu.memory_space<hbm>> -> memref<128x128xf32, #tpu.memory_space<hbm>>
    tpu.enqueue_dma source(%arg7 : memref<128x128xf32, #tpu.memory_space<vmem>>) target(%dma_start3A_282 : memref<128x128xf32, #tpu.memory_space<hbm>>) target_semaphore(%arg21 : memref<!tpu.dma_semaphore, #tpu.memory_space<semaphore_mem>>)
    %dma_wait3A_283 = arith.constant 0 : i32
    %dma_wait3A_284 = tpu.memref_slice %arg4[%add3A_278, %dma_wait3A_283] : memref<204800x128xf32, #tpu.memory_space<hbm>> -> memref<128x128xf32, #tpu.memory_space<hbm>>
    %dma_wait3A_285 = arith.constant 0 : i32
    %dma_wait3A_286 = tpu.memref_slice %arg4[%add3A_278, %dma_wait3A_285] : memref<204800x128xf32, #tpu.memory_space<hbm>> -> memref<128x128xf32, #tpu.memory_space<hbm>>
    tpu.wait_dma2 semaphore(%arg21 : memref<!tpu.dma_semaphore, #tpu.memory_space<semaphore_mem>>) src(%arg7 : memref<128x128xf32, #tpu.memory_space<vmem>>) dst(%dma_wait3A_286 : memref<128x128xf32, #tpu.memory_space<hbm>>)
    %add3A_287 = arith.constant 15 : i32
    %add3A_288 = arith.addi %sub3A_24, %add3A_287 : i32
    %dma_start3A_289 = arith.constant 0 : i32
    %dma_start3A_290 = tpu.memref_slice %arg5[%add3A_288, %dma_start3A_289] : memref<64x128xi32, #tpu.memory_space<vmem>> -> memref<1x128xi32, #tpu.memory_space<vmem>>
    %dma_start3A_291 = tpu.memref_squeeze %dma_start3A_290 : memref<1x128xi32, #tpu.memory_space<vmem>> -> memref<128xi32, #tpu.memory_space<vmem>>
    %dma_start3A_292 = arith.constant 0 : i32
    %dma_start3A_293 = arith.constant 0 : i32
    %dma_start3A_294 = tpu.memref_slice %arg3[%dma_start3A_292, %dma_start3A_293] : memref<100001x128xf32, #tpu.memory_space<hbm>> -> memref<100001x128xf32, #tpu.memory_space<hbm>>
    tpu.enqueue_indirect_dma source(%dma_start3A_294 : memref<100001x128xf32, #tpu.memory_space<hbm>>) target(%arg7 : memref<128x128xf32, #tpu.memory_space<vmem>>) offsets(%dma_start3A_291 : memref<128xi32, #tpu.memory_space<vmem>>) semaphore(%arg14 : memref<!tpu.dma_semaphore, #tpu.memory_space<semaphore_mem>>)
    %dma_wait3A_295 = arith.constant 0 : i32
    %dma_wait3A_296 = tpu.memref_slice %arg5[%add3A_144, %dma_wait3A_295] : memref<64x128xi32, #tpu.memory_space<vmem>> -> memref<1x128xi32, #tpu.memory_space<vmem>>
    %dma_wait3A_297 = tpu.memref_squeeze %dma_wait3A_296 : memref<1x128xi32, #tpu.memory_space<vmem>> -> memref<128xi32, #tpu.memory_space<vmem>>
    %dma_wait3A_298 = arith.constant 0 : i32
    %dma_wait3A_299 = arith.constant 0 : i32
    %dma_wait3A_300 = tpu.memref_slice %arg3[%dma_wait3A_298, %dma_wait3A_299] : memref<100001x128xf32, #tpu.memory_space<hbm>> -> memref<100001x128xf32, #tpu.memory_space<hbm>>
    tpu.wait_indirect_dma semaphore(%arg15 : memref<!tpu.dma_semaphore, #tpu.memory_space<semaphore_mem>>) src(%dma_wait3A_300 : memref<100001x128xf32, #tpu.memory_space<hbm>>) dst(%arg8 : memref<128x128xf32, #tpu.memory_space<vmem>>)
    %add3A_301 = arith.constant 1152 : i32
    %add3A_302 = arith.addi %multiple_of3A, %add3A_301 : i32
    %dma_start3A_303 = arith.constant 0 : i32
    %dma_start3A_304 = tpu.memref_slice %arg4[%add3A_302, %dma_start3A_303] : memref<204800x128xf32, #tpu.memory_space<hbm>> -> memref<128x128xf32, #tpu.memory_space<hbm>>
    %dma_start3A_305 = arith.constant 0 : i32
    %dma_start3A_306 = tpu.memref_slice %arg4[%add3A_302, %dma_start3A_305] : memref<204800x128xf32, #tpu.memory_space<hbm>> -> memref<128x128xf32, #tpu.memory_space<hbm>>
    tpu.enqueue_dma source(%arg8 : memref<128x128xf32, #tpu.memory_space<vmem>>) target(%dma_start3A_306 : memref<128x128xf32, #tpu.memory_space<hbm>>) target_semaphore(%arg22 : memref<!tpu.dma_semaphore, #tpu.memory_space<semaphore_mem>>)
    %dma_wait3A_307 = arith.constant 0 : i32
    %dma_wait3A_308 = tpu.memref_slice %arg4[%add3A_302, %dma_wait3A_307] : memref<204800x128xf32, #tpu.memory_space<hbm>> -> memref<128x128xf32, #tpu.memory_space<hbm>>
    %dma_wait3A_309 = arith.constant 0 : i32
    %dma_wait3A_310 = tpu.memref_slice %arg4[%add3A_302, %dma_wait3A_309] : memref<204800x128xf32, #tpu.memory_space<hbm>> -> memref<128x128xf32, #tpu.memory_space<hbm>>
    tpu.wait_dma2 semaphore(%arg22 : memref<!tpu.dma_semaphore, #tpu.memory_space<semaphore_mem>>) src(%arg8 : memref<128x128xf32, #tpu.memory_space<vmem>>) dst(%dma_wait3A_310 : memref<128x128xf32, #tpu.memory_space<hbm>>)
    %add3A_311 = arith.constant 16 : i32
    %add3A_312 = arith.addi %sub3A_24, %add3A_311 : i32
    %dma_start3A_313 = arith.constant 0 : i32
    %dma_start3A_314 = tpu.memref_slice %arg5[%add3A_312, %dma_start3A_313] : memref<64x128xi32, #tpu.memory_space<vmem>> -> memref<1x128xi32, #tpu.memory_space<vmem>>
    %dma_start3A_315 = tpu.memref_squeeze %dma_start3A_314 : memref<1x128xi32, #tpu.memory_space<vmem>> -> memref<128xi32, #tpu.memory_space<vmem>>
    %dma_start3A_316 = arith.constant 0 : i32
    %dma_start3A_317 = arith.constant 0 : i32
    %dma_start3A_318 = tpu.memref_slice %arg3[%dma_start3A_316, %dma_start3A_317] : memref<100001x128xf32, #tpu.memory_space<hbm>> -> memref<100001x128xf32, #tpu.memory_space<hbm>>
    tpu.enqueue_indirect_dma source(%dma_start3A_318 : memref<100001x128xf32, #tpu.memory_space<hbm>>) target(%arg8 : memref<128x128xf32, #tpu.memory_space<vmem>>) offsets(%dma_start3A_315 : memref<128xi32, #tpu.memory_space<vmem>>) semaphore(%arg15 : memref<!tpu.dma_semaphore, #tpu.memory_space<semaphore_mem>>)
    %dma_wait3A_319 = arith.constant 0 : i32
    %dma_wait3A_320 = tpu.memref_slice %arg5[%add3A_168, %dma_wait3A_319] : memref<64x128xi32, #tpu.memory_space<vmem>> -> memref<1x128xi32, #tpu.memory_space<vmem>>
    %dma_wait3A_321 = tpu.memref_squeeze %dma_wait3A_320 : memref<1x128xi32, #tpu.memory_space<vmem>> -> memref<128xi32, #tpu.memory_space<vmem>>
    %dma_wait3A_322 = arith.constant 0 : i32
    %dma_wait3A_323 = arith.constant 0 : i32
    %dma_wait3A_324 = tpu.memref_slice %arg3[%dma_wait3A_322, %dma_wait3A_323] : memref<100001x128xf32, #tpu.memory_space<hbm>> -> memref<100001x128xf32, #tpu.memory_space<hbm>>
    tpu.wait_indirect_dma semaphore(%arg16 : memref<!tpu.dma_semaphore, #tpu.memory_space<semaphore_mem>>) src(%dma_wait3A_324 : memref<100001x128xf32, #tpu.memory_space<hbm>>) dst(%arg9 : memref<128x128xf32, #tpu.memory_space<vmem>>)
    %add3A_325 = arith.constant 1280 : i32
    %add3A_326 = arith.addi %multiple_of3A, %add3A_325 : i32
    %dma_start3A_327 = arith.constant 0 : i32
    %dma_start3A_328 = tpu.memref_slice %arg4[%add3A_326, %dma_start3A_327] : memref<204800x128xf32, #tpu.memory_space<hbm>> -> memref<128x128xf32, #tpu.memory_space<hbm>>
    %dma_start3A_329 = arith.constant 0 : i32
    %dma_start3A_330 = tpu.memref_slice %arg4[%add3A_326, %dma_start3A_329] : memref<204800x128xf32, #tpu.memory_space<hbm>> -> memref<128x128xf32, #tpu.memory_space<hbm>>
    tpu.enqueue_dma source(%arg9 : memref<128x128xf32, #tpu.memory_space<vmem>>) target(%dma_start3A_330 : memref<128x128xf32, #tpu.memory_space<hbm>>) target_semaphore(%arg23 : memref<!tpu.dma_semaphore, #tpu.memory_space<semaphore_mem>>)
    %dma_wait3A_331 = arith.constant 0 : i32
    %dma_wait3A_332 = tpu.memref_slice %arg4[%add3A_326, %dma_wait3A_331] : memref<204800x128xf32, #tpu.memory_space<hbm>> -> memref<128x128xf32, #tpu.memory_space<hbm>>
    %dma_wait3A_333 = arith.constant 0 : i32
    %dma_wait3A_334 = tpu.memref_slice %arg4[%add3A_326, %dma_wait3A_333] : memref<204800x128xf32, #tpu.memory_space<hbm>> -> memref<128x128xf32, #tpu.memory_space<hbm>>
    tpu.wait_dma2 semaphore(%arg23 : memref<!tpu.dma_semaphore, #tpu.memory_space<semaphore_mem>>) src(%arg9 : memref<128x128xf32, #tpu.memory_space<vmem>>) dst(%dma_wait3A_334 : memref<128x128xf32, #tpu.memory_space<hbm>>)
    %add3A_335 = arith.constant 17 : i32
    %add3A_336 = arith.addi %sub3A_24, %add3A_335 : i32
    %dma_start3A_337 = arith.constant 0 : i32
    %dma_start3A_338 = tpu.memref_slice %arg5[%add3A_336, %dma_start3A_337] : memref<64x128xi32, #tpu.memory_space<vmem>> -> memref<1x128xi32, #tpu.memory_space<vmem>>
    %dma_start3A_339 = tpu.memref_squeeze %dma_start3A_338 : memref<1x128xi32, #tpu.memory_space<vmem>> -> memref<128xi32, #tpu.memory_space<vmem>>
    %dma_start3A_340 = arith.constant 0 : i32
    %dma_start3A_341 = arith.constant 0 : i32
    %dma_start3A_342 = tpu.memref_slice %arg3[%dma_start3A_340, %dma_start3A_341] : memref<100001x128xf32, #tpu.memory_space<hbm>> -> memref<100001x128xf32, #tpu.memory_space<hbm>>
    tpu.enqueue_indirect_dma source(%dma_start3A_342 : memref<100001x128xf32, #tpu.memory_space<hbm>>) target(%arg9 : memref<128x128xf32, #tpu.memory_space<vmem>>) offsets(%dma_start3A_339 : memref<128xi32, #tpu.memory_space<vmem>>) semaphore(%arg16 : memref<!tpu.dma_semaphore, #tpu.memory_space<semaphore_mem>>)
    %dma_wait3A_343 = arith.constant 0 : i32
    %dma_wait3A_344 = tpu.memref_slice %arg5[%add3A_192, %dma_wait3A_343] : memref<64x128xi32, #tpu.memory_space<vmem>> -> memref<1x128xi32, #tpu.memory_space<vmem>>
    %dma_wait3A_345 = tpu.memref_squeeze %dma_wait3A_344 : memref<1x128xi32, #tpu.memory_space<vmem>> -> memref<128xi32, #tpu.memory_space<vmem>>
    %dma_wait3A_346 = arith.constant 0 : i32
    %dma_wait3A_347 = arith.constant 0 : i32
    %dma_wait3A_348 = tpu.memref_slice %arg3[%dma_wait3A_346, %dma_wait3A_347] : memref<100001x128xf32, #tpu.memory_space<hbm>> -> memref<100001x128xf32, #tpu.memory_space<hbm>>
    tpu.wait_indirect_dma semaphore(%arg17 : memref<!tpu.dma_semaphore, #tpu.memory_space<semaphore_mem>>) src(%dma_wait3A_348 : memref<100001x128xf32, #tpu.memory_space<hbm>>) dst(%arg10 : memref<128x128xf32, #tpu.memory_space<vmem>>)
    %add3A_349 = arith.constant 1408 : i32
    %add3A_350 = arith.addi %multiple_of3A, %add3A_349 : i32
    %dma_start3A_351 = arith.constant 0 : i32
    %dma_start3A_352 = tpu.memref_slice %arg4[%add3A_350, %dma_start3A_351] : memref<204800x128xf32, #tpu.memory_space<hbm>> -> memref<128x128xf32, #tpu.memory_space<hbm>>
    %dma_start3A_353 = arith.constant 0 : i32
    %dma_start3A_354 = tpu.memref_slice %arg4[%add3A_350, %dma_start3A_353] : memref<204800x128xf32, #tpu.memory_space<hbm>> -> memref<128x128xf32, #tpu.memory_space<hbm>>
    tpu.enqueue_dma source(%arg10 : memref<128x128xf32, #tpu.memory_space<vmem>>) target(%dma_start3A_354 : memref<128x128xf32, #tpu.memory_space<hbm>>) target_semaphore(%arg24 : memref<!tpu.dma_semaphore, #tpu.memory_space<semaphore_mem>>)
    %dma_wait3A_355 = arith.constant 0 : i32
    %dma_wait3A_356 = tpu.memref_slice %arg4[%add3A_350, %dma_wait3A_355] : memref<204800x128xf32, #tpu.memory_space<hbm>> -> memref<128x128xf32, #tpu.memory_space<hbm>>
    %dma_wait3A_357 = arith.constant 0 : i32
    %dma_wait3A_358 = tpu.memref_slice %arg4[%add3A_350, %dma_wait3A_357] : memref<204800x128xf32, #tpu.memory_space<hbm>> -> memref<128x128xf32, #tpu.memory_space<hbm>>
    tpu.wait_dma2 semaphore(%arg24 : memref<!tpu.dma_semaphore, #tpu.memory_space<semaphore_mem>>) src(%arg10 : memref<128x128xf32, #tpu.memory_space<vmem>>) dst(%dma_wait3A_358 : memref<128x128xf32, #tpu.memory_space<hbm>>)
    %add3A_359 = arith.constant 18 : i32
    %add3A_360 = arith.addi %sub3A_24, %add3A_359 : i32
    %dma_start3A_361 = arith.constant 0 : i32
    %dma_start3A_362 = tpu.memref_slice %arg5[%add3A_360, %dma_start3A_361] : memref<64x128xi32, #tpu.memory_space<vmem>> -> memref<1x128xi32, #tpu.memory_space<vmem>>
    %dma_start3A_363 = tpu.memref_squeeze %dma_start3A_362 : memref<1x128xi32, #tpu.memory_space<vmem>> -> memref<128xi32, #tpu.memory_space<vmem>>
    %dma_start3A_364 = arith.constant 0 : i32
    %dma_start3A_365 = arith.constant 0 : i32
    %dma_start3A_366 = tpu.memref_slice %arg3[%dma_start3A_364, %dma_start3A_365] : memref<100001x128xf32, #tpu.memory_space<hbm>> -> memref<100001x128xf32, #tpu.memory_space<hbm>>
    tpu.enqueue_indirect_dma source(%dma_start3A_366 : memref<100001x128xf32, #tpu.memory_space<hbm>>) target(%arg10 : memref<128x128xf32, #tpu.memory_space<vmem>>) offsets(%dma_start3A_363 : memref<128xi32, #tpu.memory_space<vmem>>) semaphore(%arg17 : memref<!tpu.dma_semaphore, #tpu.memory_space<semaphore_mem>>)
    %dma_wait3A_367 = arith.constant 0 : i32
    %dma_wait3A_368 = tpu.memref_slice %arg5[%add3A_216, %dma_wait3A_367] : memref<64x128xi32, #tpu.memory_space<vmem>> -> memref<1x128xi32, #tpu.memory_space<vmem>>
    %dma_wait3A_369 = tpu.memref_squeeze %dma_wait3A_368 : memref<1x128xi32, #tpu.memory_space<vmem>> -> memref<128xi32, #tpu.memory_space<vmem>>
    %dma_wait3A_370 = arith.constant 0 : i32
    %dma_wait3A_371 = arith.constant 0 : i32
    %dma_wait3A_372 = tpu.memref_slice %arg3[%dma_wait3A_370, %dma_wait3A_371] : memref<100001x128xf32, #tpu.memory_space<hbm>> -> memref<100001x128xf32, #tpu.memory_space<hbm>>
    tpu.wait_indirect_dma semaphore(%arg18 : memref<!tpu.dma_semaphore, #tpu.memory_space<semaphore_mem>>) src(%dma_wait3A_372 : memref<100001x128xf32, #tpu.memory_space<hbm>>) dst(%arg11 : memref<128x128xf32, #tpu.memory_space<vmem>>)
    %add3A_373 = arith.constant 1536 : i32
    %add3A_374 = arith.addi %multiple_of3A, %add3A_373 : i32
    %dma_start3A_375 = arith.constant 0 : i32
    %dma_start3A_376 = tpu.memref_slice %arg4[%add3A_374, %dma_start3A_375] : memref<204800x128xf32, #tpu.memory_space<hbm>> -> memref<128x128xf32, #tpu.memory_space<hbm>>
    %dma_start3A_377 = arith.constant 0 : i32
    %dma_start3A_378 = tpu.memref_slice %arg4[%add3A_374, %dma_start3A_377] : memref<204800x128xf32, #tpu.memory_space<hbm>> -> memref<128x128xf32, #tpu.memory_space<hbm>>
    tpu.enqueue_dma source(%arg11 : memref<128x128xf32, #tpu.memory_space<vmem>>) target(%dma_start3A_378 : memref<128x128xf32, #tpu.memory_space<hbm>>) target_semaphore(%arg25 : memref<!tpu.dma_semaphore, #tpu.memory_space<semaphore_mem>>)
    %dma_wait3A_379 = arith.constant 0 : i32
    %dma_wait3A_380 = tpu.memref_slice %arg4[%add3A_374, %dma_wait3A_379] : memref<204800x128xf32, #tpu.memory_space<hbm>> -> memref<128x128xf32, #tpu.memory_space<hbm>>
    %dma_wait3A_381 = arith.constant 0 : i32
    %dma_wait3A_382 = tpu.memref_slice %arg4[%add3A_374, %dma_wait3A_381] : memref<204800x128xf32, #tpu.memory_space<hbm>> -> memref<128x128xf32, #tpu.memory_space<hbm>>
    tpu.wait_dma2 semaphore(%arg25 : memref<!tpu.dma_semaphore, #tpu.memory_space<semaphore_mem>>) src(%arg11 : memref<128x128xf32, #tpu.memory_space<vmem>>) dst(%dma_wait3A_382 : memref<128x128xf32, #tpu.memory_space<hbm>>)
    %add3A_383 = arith.constant 19 : i32
    %add3A_384 = arith.addi %sub3A_24, %add3A_383 : i32
    %dma_start3A_385 = arith.constant 0 : i32
    %dma_start3A_386 = tpu.memref_slice %arg5[%add3A_384, %dma_start3A_385] : memref<64x128xi32, #tpu.memory_space<vmem>> -> memref<1x128xi32, #tpu.memory_space<vmem>>
    %dma_start3A_387 = tpu.memref_squeeze %dma_start3A_386 : memref<1x128xi32, #tpu.memory_space<vmem>> -> memref<128xi32, #tpu.memory_space<vmem>>
    %dma_start3A_388 = arith.constant 0 : i32
    %dma_start3A_389 = arith.constant 0 : i32
    %dma_start3A_390 = tpu.memref_slice %arg3[%dma_start3A_388, %dma_start3A_389] : memref<100001x128xf32, #tpu.memory_space<hbm>> -> memref<100001x128xf32, #tpu.memory_space<hbm>>
    tpu.enqueue_indirect_dma source(%dma_start3A_390 : memref<100001x128xf32, #tpu.memory_space<hbm>>) target(%arg11 : memref<128x128xf32, #tpu.memory_space<vmem>>) offsets(%dma_start3A_387 : memref<128xi32, #tpu.memory_space<vmem>>) semaphore(%arg18 : memref<!tpu.dma_semaphore, #tpu.memory_space<semaphore_mem>>)
    %dma_wait3A_391 = arith.constant 0 : i32
    %dma_wait3A_392 = tpu.memref_slice %arg5[%add3A_240, %dma_wait3A_391] : memref<64x128xi32, #tpu.memory_space<vmem>> -> memref<1x128xi32, #tpu.memory_space<vmem>>
    %dma_wait3A_393 = tpu.memref_squeeze %dma_wait3A_392 : memref<1x128xi32, #tpu.memory_space<vmem>> -> memref<128xi32, #tpu.memory_space<vmem>>
    %dma_wait3A_394 = arith.constant 0 : i32
    %dma_wait3A_395 = arith.constant 0 : i32
    %dma_wait3A_396 = tpu.memref_slice %arg3[%dma_wait3A_394, %dma_wait3A_395] : memref<100001x128xf32, #tpu.memory_space<hbm>> -> memref<100001x128xf32, #tpu.memory_space<hbm>>
    tpu.wait_indirect_dma semaphore(%arg19 : memref<!tpu.dma_semaphore, #tpu.memory_space<semaphore_mem>>) src(%dma_wait3A_396 : memref<100001x128xf32, #tpu.memory_space<hbm>>) dst(%arg12 : memref<128x128xf32, #tpu.memory_space<vmem>>)
    %add3A_397 = arith.constant 1664 : i32
    %add3A_398 = arith.addi %multiple_of3A, %add3A_397 : i32
    %dma_start3A_399 = arith.constant 0 : i32
    %dma_start3A_400 = tpu.memref_slice %arg4[%add3A_398, %dma_start3A_399] : memref<204800x128xf32, #tpu.memory_space<hbm>> -> memref<128x128xf32, #tpu.memory_space<hbm>>
    %dma_start3A_401 = arith.constant 0 : i32
    %dma_start3A_402 = tpu.memref_slice %arg4[%add3A_398, %dma_start3A_401] : memref<204800x128xf32, #tpu.memory_space<hbm>> -> memref<128x128xf32, #tpu.memory_space<hbm>>
    tpu.enqueue_dma source(%arg12 : memref<128x128xf32, #tpu.memory_space<vmem>>) target(%dma_start3A_402 : memref<128x128xf32, #tpu.memory_space<hbm>>) target_semaphore(%arg26 : memref<!tpu.dma_semaphore, #tpu.memory_space<semaphore_mem>>)
    %dma_wait3A_403 = arith.constant 0 : i32
    %dma_wait3A_404 = tpu.memref_slice %arg4[%add3A_398, %dma_wait3A_403] : memref<204800x128xf32, #tpu.memory_space<hbm>> -> memref<128x128xf32, #tpu.memory_space<hbm>>
    %dma_wait3A_405 = arith.constant 0 : i32
    %dma_wait3A_406 = tpu.memref_slice %arg4[%add3A_398, %dma_wait3A_405] : memref<204800x128xf32, #tpu.memory_space<hbm>> -> memref<128x128xf32, #tpu.memory_space<hbm>>
    tpu.wait_dma2 semaphore(%arg26 : memref<!tpu.dma_semaphore, #tpu.memory_space<semaphore_mem>>) src(%arg12 : memref<128x128xf32, #tpu.memory_space<vmem>>) dst(%dma_wait3A_406 : memref<128x128xf32, #tpu.memory_space<hbm>>)
    %add3A_407 = arith.constant 20 : i32
    %add3A_408 = arith.addi %sub3A_24, %add3A_407 : i32
    %dma_start3A_409 = arith.constant 0 : i32
    %dma_start3A_410 = tpu.memref_slice %arg5[%add3A_408, %dma_start3A_409] : memref<64x128xi32, #tpu.memory_space<vmem>> -> memref<1x128xi32, #tpu.memory_space<vmem>>
    %dma_start3A_411 = tpu.memref_squeeze %dma_start3A_410 : memref<1x128xi32, #tpu.memory_space<vmem>> -> memref<128xi32, #tpu.memory_space<vmem>>
    %dma_start3A_412 = arith.constant 0 : i32
    %dma_start3A_413 = arith.constant 0 : i32
    %dma_start3A_414 = tpu.memref_slice %arg3[%dma_start3A_412, %dma_start3A_413] : memref<100001x128xf32, #tpu.memory_space<hbm>> -> memref<100001x128xf32, #tpu.memory_space<hbm>>
    tpu.enqueue_indirect_dma source(%dma_start3A_414 : memref<100001x128xf32, #tpu.memory_space<hbm>>) target(%arg12 : memref<128x128xf32, #tpu.memory_space<vmem>>) offsets(%dma_start3A_411 : memref<128xi32, #tpu.memory_space<vmem>>) semaphore(%arg19 : memref<!tpu.dma_semaphore, #tpu.memory_space<semaphore_mem>>)
    %dma_wait3A_415 = arith.constant 0 : i32
    %dma_wait3A_416 = tpu.memref_slice %arg5[%add3A_264, %dma_wait3A_415] : memref<64x128xi32, #tpu.memory_space<vmem>> -> memref<1x128xi32, #tpu.memory_space<vmem>>
    %dma_wait3A_417 = tpu.memref_squeeze %dma_wait3A_416 : memref<1x128xi32, #tpu.memory_space<vmem>> -> memref<128xi32, #tpu.memory_space<vmem>>
    %dma_wait3A_418 = arith.constant 0 : i32
    %dma_wait3A_419 = arith.constant 0 : i32
    %dma_wait3A_420 = tpu.memref_slice %arg3[%dma_wait3A_418, %dma_wait3A_419] : memref<100001x128xf32, #tpu.memory_space<hbm>> -> memref<100001x128xf32, #tpu.memory_space<hbm>>
    tpu.wait_indirect_dma semaphore(%arg13 : memref<!tpu.dma_semaphore, #tpu.memory_space<semaphore_mem>>) src(%dma_wait3A_420 : memref<100001x128xf32, #tpu.memory_space<hbm>>) dst(%arg6 : memref<128x128xf32, #tpu.memory_space<vmem>>)
    %add3A_421 = arith.constant 1792 : i32
    %add3A_422 = arith.addi %multiple_of3A, %add3A_421 : i32
    %dma_start3A_423 = arith.constant 0 : i32
    %dma_start3A_424 = tpu.memref_slice %arg4[%add3A_422, %dma_start3A_423] : memref<204800x128xf32, #tpu.memory_space<hbm>> -> memref<128x128xf32, #tpu.memory_space<hbm>>
    %dma_start3A_425 = arith.constant 0 : i32
    %dma_start3A_426 = tpu.memref_slice %arg4[%add3A_422, %dma_start3A_425] : memref<204800x128xf32, #tpu.memory_space<hbm>> -> memref<128x128xf32, #tpu.memory_space<hbm>>
    tpu.enqueue_dma source(%arg6 : memref<128x128xf32, #tpu.memory_space<vmem>>) target(%dma_start3A_426 : memref<128x128xf32, #tpu.memory_space<hbm>>) target_semaphore(%arg20 : memref<!tpu.dma_semaphore, #tpu.memory_space<semaphore_mem>>)
    %dma_wait3A_427 = arith.constant 0 : i32
    %dma_wait3A_428 = tpu.memref_slice %arg4[%add3A_422, %dma_wait3A_427] : memref<204800x128xf32, #tpu.memory_space<hbm>> -> memref<128x128xf32, #tpu.memory_space<hbm>>
    %dma_wait3A_429 = arith.constant 0 : i32
    %dma_wait3A_430 = tpu.memref_slice %arg4[%add3A_422, %dma_wait3A_429] : memref<204800x128xf32, #tpu.memory_space<hbm>> -> memref<128x128xf32, #tpu.memory_space<hbm>>
    tpu.wait_dma2 semaphore(%arg20 : memref<!tpu.dma_semaphore, #tpu.memory_space<semaphore_mem>>) src(%arg6 : memref<128x128xf32, #tpu.memory_space<vmem>>) dst(%dma_wait3A_430 : memref<128x128xf32, #tpu.memory_space<hbm>>)
    %add3A_431 = arith.constant 21 : i32
    %add3A_432 = arith.addi %sub3A_24, %add3A_431 : i32
    %dma_start3A_433 = arith.constant 0 : i32
    %dma_start3A_434 = tpu.memref_slice %arg5[%add3A_432, %dma_start3A_433] : memref<64x128xi32, #tpu.memory_space<vmem>> -> memref<1x128xi32, #tpu.memory_space<vmem>>
    %dma_start3A_435 = tpu.memref_squeeze %dma_start3A_434 : memref<1x128xi32, #tpu.memory_space<vmem>> -> memref<128xi32, #tpu.memory_space<vmem>>
    %dma_start3A_436 = arith.constant 0 : i32
    %dma_start3A_437 = arith.constant 0 : i32
    %dma_start3A_438 = tpu.memref_slice %arg3[%dma_start3A_436, %dma_start3A_437] : memref<100001x128xf32, #tpu.memory_space<hbm>> -> memref<100001x128xf32, #tpu.memory_space<hbm>>
    tpu.enqueue_indirect_dma source(%dma_start3A_438 : memref<100001x128xf32, #tpu.memory_space<hbm>>) target(%arg6 : memref<128x128xf32, #tpu.memory_space<vmem>>) offsets(%dma_start3A_435 : memref<128xi32, #tpu.memory_space<vmem>>) semaphore(%arg13 : memref<!tpu.dma_semaphore, #tpu.memory_space<semaphore_mem>>)
    %dma_wait3A_439 = arith.constant 0 : i32
    %dma_wait3A_440 = tpu.memref_slice %arg5[%add3A_288, %dma_wait3A_439] : memref<64x128xi32, #tpu.memory_space<vmem>> -> memref<1x128xi32, #tpu.memory_space<vmem>>
    %dma_wait3A_441 = tpu.memref_squeeze %dma_wait3A_440 : memref<1x128xi32, #tpu.memory_space<vmem>> -> memref<128xi32, #tpu.memory_space<vmem>>
    %dma_wait3A_442 = arith.constant 0 : i32
    %dma_wait3A_443 = arith.constant 0 : i32
    %dma_wait3A_444 = tpu.memref_slice %arg3[%dma_wait3A_442, %dma_wait3A_443] : memref<100001x128xf32, #tpu.memory_space<hbm>> -> memref<100001x128xf32, #tpu.memory_space<hbm>>
    tpu.wait_indirect_dma semaphore(%arg14 : memref<!tpu.dma_semaphore, #tpu.memory_space<semaphore_mem>>) src(%dma_wait3A_444 : memref<100001x128xf32, #tpu.memory_space<hbm>>) dst(%arg7 : memref<128x128xf32, #tpu.memory_space<vmem>>)
    %add3A_445 = arith.constant 1920 : i32
    %add3A_446 = arith.addi %multiple_of3A, %add3A_445 : i32
    %dma_start3A_447 = arith.constant 0 : i32
    %dma_start3A_448 = tpu.memref_slice %arg4[%add3A_446, %dma_start3A_447] : memref<204800x128xf32, #tpu.memory_space<hbm>> -> memref<128x128xf32, #tpu.memory_space<hbm>>
    %dma_start3A_449 = arith.constant 0 : i32
    %dma_start3A_450 = tpu.memref_slice %arg4[%add3A_446, %dma_start3A_449] : memref<204800x128xf32, #tpu.memory_space<hbm>> -> memref<128x128xf32, #tpu.memory_space<hbm>>
    tpu.enqueue_dma source(%arg7 : memref<128x128xf32, #tpu.memory_space<vmem>>) target(%dma_start3A_450 : memref<128x128xf32, #tpu.memory_space<hbm>>) target_semaphore(%arg21 : memref<!tpu.dma_semaphore, #tpu.memory_space<semaphore_mem>>)
    %dma_wait3A_451 = arith.constant 0 : i32
    %dma_wait3A_452 = tpu.memref_slice %arg4[%add3A_446, %dma_wait3A_451] : memref<204800x128xf32, #tpu.memory_space<hbm>> -> memref<128x128xf32, #tpu.memory_space<hbm>>
    %dma_wait3A_453 = arith.constant 0 : i32
    %dma_wait3A_454 = tpu.memref_slice %arg4[%add3A_446, %dma_wait3A_453] : memref<204800x128xf32, #tpu.memory_space<hbm>> -> memref<128x128xf32, #tpu.memory_space<hbm>>
    tpu.wait_dma2 semaphore(%arg21 : memref<!tpu.dma_semaphore, #tpu.memory_space<semaphore_mem>>) src(%arg7 : memref<128x128xf32, #tpu.memory_space<vmem>>) dst(%dma_wait3A_454 : memref<128x128xf32, #tpu.memory_space<hbm>>)
    %add3A_455 = arith.constant 22 : i32
    %add3A_456 = arith.addi %sub3A_24, %add3A_455 : i32
    %dma_start3A_457 = arith.constant 0 : i32
    %dma_start3A_458 = tpu.memref_slice %arg5[%add3A_456, %dma_start3A_457] : memref<64x128xi32, #tpu.memory_space<vmem>> -> memref<1x128xi32, #tpu.memory_space<vmem>>
    %dma_start3A_459 = tpu.memref_squeeze %dma_start3A_458 : memref<1x128xi32, #tpu.memory_space<vmem>> -> memref<128xi32, #tpu.memory_space<vmem>>
    %dma_start3A_460 = arith.constant 0 : i32
    %dma_start3A_461 = arith.constant 0 : i32
    %dma_start3A_462 = tpu.memref_slice %arg3[%dma_start3A_460, %dma_start3A_461] : memref<100001x128xf32, #tpu.memory_space<hbm>> -> memref<100001x128xf32, #tpu.memory_space<hbm>>
    tpu.enqueue_indirect_dma source(%dma_start3A_462 : memref<100001x128xf32, #tpu.memory_space<hbm>>) target(%arg7 : memref<128x128xf32, #tpu.memory_space<vmem>>) offsets(%dma_start3A_459 : memref<128xi32, #tpu.memory_space<vmem>>) semaphore(%arg14 : memref<!tpu.dma_semaphore, #tpu.memory_space<semaphore_mem>>)
    %dma_wait3A_463 = arith.constant 0 : i32
    %dma_wait3A_464 = tpu.memref_slice %arg5[%add3A_312, %dma_wait3A_463] : memref<64x128xi32, #tpu.memory_space<vmem>> -> memref<1x128xi32, #tpu.memory_space<vmem>>
    %dma_wait3A_465 = tpu.memref_squeeze %dma_wait3A_464 : memref<1x128xi32, #tpu.memory_space<vmem>> -> memref<128xi32, #tpu.memory_space<vmem>>
    %dma_wait3A_466 = arith.constant 0 : i32
    %dma_wait3A_467 = arith.constant 0 : i32
    %dma_wait3A_468 = tpu.memref_slice %arg3[%dma_wait3A_466, %dma_wait3A_467] : memref<100001x128xf32, #tpu.memory_space<hbm>> -> memref<100001x128xf32, #tpu.memory_space<hbm>>
    tpu.wait_indirect_dma semaphore(%arg15 : memref<!tpu.dma_semaphore, #tpu.memory_space<semaphore_mem>>) src(%dma_wait3A_468 : memref<100001x128xf32, #tpu.memory_space<hbm>>) dst(%arg8 : memref<128x128xf32, #tpu.memory_space<vmem>>)
    %add3A_469 = arith.constant 2048 : i32
    %add3A_470 = arith.addi %multiple_of3A, %add3A_469 : i32
    %dma_start3A_471 = arith.constant 0 : i32
    %dma_start3A_472 = tpu.memref_slice %arg4[%add3A_470, %dma_start3A_471] : memref<204800x128xf32, #tpu.memory_space<hbm>> -> memref<128x128xf32, #tpu.memory_space<hbm>>
    %dma_start3A_473 = arith.constant 0 : i32
    %dma_start3A_474 = tpu.memref_slice %arg4[%add3A_470, %dma_start3A_473] : memref<204800x128xf32, #tpu.memory_space<hbm>> -> memref<128x128xf32, #tpu.memory_space<hbm>>
    tpu.enqueue_dma source(%arg8 : memref<128x128xf32, #tpu.memory_space<vmem>>) target(%dma_start3A_474 : memref<128x128xf32, #tpu.memory_space<hbm>>) target_semaphore(%arg22 : memref<!tpu.dma_semaphore, #tpu.memory_space<semaphore_mem>>)
    %dma_wait3A_475 = arith.constant 0 : i32
    %dma_wait3A_476 = tpu.memref_slice %arg4[%add3A_470, %dma_wait3A_475] : memref<204800x128xf32, #tpu.memory_space<hbm>> -> memref<128x128xf32, #tpu.memory_space<hbm>>
    %dma_wait3A_477 = arith.constant 0 : i32
    %dma_wait3A_478 = tpu.memref_slice %arg4[%add3A_470, %dma_wait3A_477] : memref<204800x128xf32, #tpu.memory_space<hbm>> -> memref<128x128xf32, #tpu.memory_space<hbm>>
    tpu.wait_dma2 semaphore(%arg22 : memref<!tpu.dma_semaphore, #tpu.memory_space<semaphore_mem>>) src(%arg8 : memref<128x128xf32, #tpu.memory_space<vmem>>) dst(%dma_wait3A_478 : memref<128x128xf32, #tpu.memory_space<hbm>>)
    %add3A_479 = arith.constant 23 : i32
    %add3A_480 = arith.addi %sub3A_24, %add3A_479 : i32
    %dma_start3A_481 = arith.constant 0 : i32
    %dma_start3A_482 = tpu.memref_slice %arg5[%add3A_480, %dma_start3A_481] : memref<64x128xi32, #tpu.memory_space<vmem>> -> memref<1x128xi32, #tpu.memory_space<vmem>>
    %dma_start3A_483 = tpu.memref_squeeze %dma_start3A_482 : memref<1x128xi32, #tpu.memory_space<vmem>> -> memref<128xi32, #tpu.memory_space<vmem>>
    %dma_start3A_484 = arith.constant 0 : i32
    %dma_start3A_485 = arith.constant 0 : i32
    %dma_start3A_486 = tpu.memref_slice %arg3[%dma_start3A_484, %dma_start3A_485] : memref<100001x128xf32, #tpu.memory_space<hbm>> -> memref<100001x128xf32, #tpu.memory_space<hbm>>
    tpu.enqueue_indirect_dma source(%dma_start3A_486 : memref<100001x128xf32, #tpu.memory_space<hbm>>) target(%arg8 : memref<128x128xf32, #tpu.memory_space<vmem>>) offsets(%dma_start3A_483 : memref<128xi32, #tpu.memory_space<vmem>>) semaphore(%arg15 : memref<!tpu.dma_semaphore, #tpu.memory_space<semaphore_mem>>)
    %dma_wait3A_487 = arith.constant 0 : i32
    %dma_wait3A_488 = tpu.memref_slice %arg5[%add3A_336, %dma_wait3A_487] : memref<64x128xi32, #tpu.memory_space<vmem>> -> memref<1x128xi32, #tpu.memory_space<vmem>>
    %dma_wait3A_489 = tpu.memref_squeeze %dma_wait3A_488 : memref<1x128xi32, #tpu.memory_space<vmem>> -> memref<128xi32, #tpu.memory_space<vmem>>
    %dma_wait3A_490 = arith.constant 0 : i32
    %dma_wait3A_491 = arith.constant 0 : i32
    %dma_wait3A_492 = tpu.memref_slice %arg3[%dma_wait3A_490, %dma_wait3A_491] : memref<100001x128xf32, #tpu.memory_space<hbm>> -> memref<100001x128xf32, #tpu.memory_space<hbm>>
    tpu.wait_indirect_dma semaphore(%arg16 : memref<!tpu.dma_semaphore, #tpu.memory_space<semaphore_mem>>) src(%dma_wait3A_492 : memref<100001x128xf32, #tpu.memory_space<hbm>>) dst(%arg9 : memref<128x128xf32, #tpu.memory_space<vmem>>)
    %add3A_493 = arith.constant 2176 : i32
    %add3A_494 = arith.addi %multiple_of3A, %add3A_493 : i32
    %dma_start3A_495 = arith.constant 0 : i32
    %dma_start3A_496 = tpu.memref_slice %arg4[%add3A_494, %dma_start3A_495] : memref<204800x128xf32, #tpu.memory_space<hbm>> -> memref<128x128xf32, #tpu.memory_space<hbm>>
    %dma_start3A_497 = arith.constant 0 : i32
    %dma_start3A_498 = tpu.memref_slice %arg4[%add3A_494, %dma_start3A_497] : memref<204800x128xf32, #tpu.memory_space<hbm>> -> memref<128x128xf32, #tpu.memory_space<hbm>>
    tpu.enqueue_dma source(%arg9 : memref<128x128xf32, #tpu.memory_space<vmem>>) target(%dma_start3A_498 : memref<128x128xf32, #tpu.memory_space<hbm>>) target_semaphore(%arg23 : memref<!tpu.dma_semaphore, #tpu.memory_space<semaphore_mem>>)
    %dma_wait3A_499 = arith.constant 0 : i32
    %dma_wait3A_500 = tpu.memref_slice %arg4[%add3A_494, %dma_wait3A_499] : memref<204800x128xf32, #tpu.memory_space<hbm>> -> memref<128x128xf32, #tpu.memory_space<hbm>>
    %dma_wait3A_501 = arith.constant 0 : i32
    %dma_wait3A_502 = tpu.memref_slice %arg4[%add3A_494, %dma_wait3A_501] : memref<204800x128xf32, #tpu.memory_space<hbm>> -> memref<128x128xf32, #tpu.memory_space<hbm>>
    tpu.wait_dma2 semaphore(%arg23 : memref<!tpu.dma_semaphore, #tpu.memory_space<semaphore_mem>>) src(%arg9 : memref<128x128xf32, #tpu.memory_space<vmem>>) dst(%dma_wait3A_502 : memref<128x128xf32, #tpu.memory_space<hbm>>)
    %add3A_503 = arith.constant 24 : i32
    %add3A_504 = arith.addi %sub3A_24, %add3A_503 : i32
    %dma_start3A_505 = arith.constant 0 : i32
    %dma_start3A_506 = tpu.memref_slice %arg5[%add3A_504, %dma_start3A_505] : memref<64x128xi32, #tpu.memory_space<vmem>> -> memref<1x128xi32, #tpu.memory_space<vmem>>
    %dma_start3A_507 = tpu.memref_squeeze %dma_start3A_506 : memref<1x128xi32, #tpu.memory_space<vmem>> -> memref<128xi32, #tpu.memory_space<vmem>>
    %dma_start3A_508 = arith.constant 0 : i32
    %dma_start3A_509 = arith.constant 0 : i32
    %dma_start3A_510 = tpu.memref_slice %arg3[%dma_start3A_508, %dma_start3A_509] : memref<100001x128xf32, #tpu.memory_space<hbm>> -> memref<100001x128xf32, #tpu.memory_space<hbm>>
    tpu.enqueue_indirect_dma source(%dma_start3A_510 : memref<100001x128xf32, #tpu.memory_space<hbm>>) target(%arg9 : memref<128x128xf32, #tpu.memory_space<vmem>>) offsets(%dma_start3A_507 : memref<128xi32, #tpu.memory_space<vmem>>) semaphore(%arg16 : memref<!tpu.dma_semaphore, #tpu.memory_space<semaphore_mem>>)
    %dma_wait3A_511 = arith.constant 0 : i32
    %dma_wait3A_512 = tpu.memref_slice %arg5[%add3A_360, %dma_wait3A_511] : memref<64x128xi32, #tpu.memory_space<vmem>> -> memref<1x128xi32, #tpu.memory_space<vmem>>
    %dma_wait3A_513 = tpu.memref_squeeze %dma_wait3A_512 : memref<1x128xi32, #tpu.memory_space<vmem>> -> memref<128xi32, #tpu.memory_space<vmem>>
    %dma_wait3A_514 = arith.constant 0 : i32
    %dma_wait3A_515 = arith.constant 0 : i32
    %dma_wait3A_516 = tpu.memref_slice %arg3[%dma_wait3A_514, %dma_wait3A_515] : memref<100001x128xf32, #tpu.memory_space<hbm>> -> memref<100001x128xf32, #tpu.memory_space<hbm>>
    tpu.wait_indirect_dma semaphore(%arg17 : memref<!tpu.dma_semaphore, #tpu.memory_space<semaphore_mem>>) src(%dma_wait3A_516 : memref<100001x128xf32, #tpu.memory_space<hbm>>) dst(%arg10 : memref<128x128xf32, #tpu.memory_space<vmem>>)
    %add3A_517 = arith.constant 2304 : i32
    %add3A_518 = arith.addi %multiple_of3A, %add3A_517 : i32
    %dma_start3A_519 = arith.constant 0 : i32
    %dma_start3A_520 = tpu.memref_slice %arg4[%add3A_518, %dma_start3A_519] : memref<204800x128xf32, #tpu.memory_space<hbm>> -> memref<128x128xf32, #tpu.memory_space<hbm>>
    %dma_start3A_521 = arith.constant 0 : i32
    %dma_start3A_522 = tpu.memref_slice %arg4[%add3A_518, %dma_start3A_521] : memref<204800x128xf32, #tpu.memory_space<hbm>> -> memref<128x128xf32, #tpu.memory_space<hbm>>
    tpu.enqueue_dma source(%arg10 : memref<128x128xf32, #tpu.memory_space<vmem>>) target(%dma_start3A_522 : memref<128x128xf32, #tpu.memory_space<hbm>>) target_semaphore(%arg24 : memref<!tpu.dma_semaphore, #tpu.memory_space<semaphore_mem>>)
    %dma_wait3A_523 = arith.constant 0 : i32
    %dma_wait3A_524 = tpu.memref_slice %arg4[%add3A_518, %dma_wait3A_523] : memref<204800x128xf32, #tpu.memory_space<hbm>> -> memref<128x128xf32, #tpu.memory_space<hbm>>
    %dma_wait3A_525 = arith.constant 0 : i32
    %dma_wait3A_526 = tpu.memref_slice %arg4[%add3A_518, %dma_wait3A_525] : memref<204800x128xf32, #tpu.memory_space<hbm>> -> memref<128x128xf32, #tpu.memory_space<hbm>>
    tpu.wait_dma2 semaphore(%arg24 : memref<!tpu.dma_semaphore, #tpu.memory_space<semaphore_mem>>) src(%arg10 : memref<128x128xf32, #tpu.memory_space<vmem>>) dst(%dma_wait3A_526 : memref<128x128xf32, #tpu.memory_space<hbm>>)
    %add3A_527 = arith.constant 25 : i32
    %add3A_528 = arith.addi %sub3A_24, %add3A_527 : i32
    %dma_start3A_529 = arith.constant 0 : i32
    %dma_start3A_530 = tpu.memref_slice %arg5[%add3A_528, %dma_start3A_529] : memref<64x128xi32, #tpu.memory_space<vmem>> -> memref<1x128xi32, #tpu.memory_space<vmem>>
    %dma_start3A_531 = tpu.memref_squeeze %dma_start3A_530 : memref<1x128xi32, #tpu.memory_space<vmem>> -> memref<128xi32, #tpu.memory_space<vmem>>
    %dma_start3A_532 = arith.constant 0 : i32
    %dma_start3A_533 = arith.constant 0 : i32
    %dma_start3A_534 = tpu.memref_slice %arg3[%dma_start3A_532, %dma_start3A_533] : memref<100001x128xf32, #tpu.memory_space<hbm>> -> memref<100001x128xf32, #tpu.memory_space<hbm>>
    tpu.enqueue_indirect_dma source(%dma_start3A_534 : memref<100001x128xf32, #tpu.memory_space<hbm>>) target(%arg10 : memref<128x128xf32, #tpu.memory_space<vmem>>) offsets(%dma_start3A_531 : memref<128xi32, #tpu.memory_space<vmem>>) semaphore(%arg17 : memref<!tpu.dma_semaphore, #tpu.memory_space<semaphore_mem>>)
    %dma_wait3A_535 = arith.constant 0 : i32
    %dma_wait3A_536 = tpu.memref_slice %arg5[%add3A_384, %dma_wait3A_535] : memref<64x128xi32, #tpu.memory_space<vmem>> -> memref<1x128xi32, #tpu.memory_space<vmem>>
    %dma_wait3A_537 = tpu.memref_squeeze %dma_wait3A_536 : memref<1x128xi32, #tpu.memory_space<vmem>> -> memref<128xi32, #tpu.memory_space<vmem>>
    %dma_wait3A_538 = arith.constant 0 : i32
    %dma_wait3A_539 = arith.constant 0 : i32
    %dma_wait3A_540 = tpu.memref_slice %arg3[%dma_wait3A_538, %dma_wait3A_539] : memref<100001x128xf32, #tpu.memory_space<hbm>> -> memref<100001x128xf32, #tpu.memory_space<hbm>>
    tpu.wait_indirect_dma semaphore(%arg18 : memref<!tpu.dma_semaphore, #tpu.memory_space<semaphore_mem>>) src(%dma_wait3A_540 : memref<100001x128xf32, #tpu.memory_space<hbm>>) dst(%arg11 : memref<128x128xf32, #tpu.memory_space<vmem>>)
    %add3A_541 = arith.constant 2432 : i32
    %add3A_542 = arith.addi %multiple_of3A, %add3A_541 : i32
    %dma_start3A_543 = arith.constant 0 : i32
    %dma_start3A_544 = tpu.memref_slice %arg4[%add3A_542, %dma_start3A_543] : memref<204800x128xf32, #tpu.memory_space<hbm>> -> memref<128x128xf32, #tpu.memory_space<hbm>>
    %dma_start3A_545 = arith.constant 0 : i32
    %dma_start3A_546 = tpu.memref_slice %arg4[%add3A_542, %dma_start3A_545] : memref<204800x128xf32, #tpu.memory_space<hbm>> -> memref<128x128xf32, #tpu.memory_space<hbm>>
    tpu.enqueue_dma source(%arg11 : memref<128x128xf32, #tpu.memory_space<vmem>>) target(%dma_start3A_546 : memref<128x128xf32, #tpu.memory_space<hbm>>) target_semaphore(%arg25 : memref<!tpu.dma_semaphore, #tpu.memory_space<semaphore_mem>>)
    %dma_wait3A_547 = arith.constant 0 : i32
    %dma_wait3A_548 = tpu.memref_slice %arg4[%add3A_542, %dma_wait3A_547] : memref<204800x128xf32, #tpu.memory_space<hbm>> -> memref<128x128xf32, #tpu.memory_space<hbm>>
    %dma_wait3A_549 = arith.constant 0 : i32
    %dma_wait3A_550 = tpu.memref_slice %arg4[%add3A_542, %dma_wait3A_549] : memref<204800x128xf32, #tpu.memory_space<hbm>> -> memref<128x128xf32, #tpu.memory_space<hbm>>
    tpu.wait_dma2 semaphore(%arg25 : memref<!tpu.dma_semaphore, #tpu.memory_space<semaphore_mem>>) src(%arg11 : memref<128x128xf32, #tpu.memory_space<vmem>>) dst(%dma_wait3A_550 : memref<128x128xf32, #tpu.memory_space<hbm>>)
    %add3A_551 = arith.constant 26 : i32
    %add3A_552 = arith.addi %sub3A_24, %add3A_551 : i32
    %dma_start3A_553 = arith.constant 0 : i32
    %dma_start3A_554 = tpu.memref_slice %arg5[%add3A_552, %dma_start3A_553] : memref<64x128xi32, #tpu.memory_space<vmem>> -> memref<1x128xi32, #tpu.memory_space<vmem>>
    %dma_start3A_555 = tpu.memref_squeeze %dma_start3A_554 : memref<1x128xi32, #tpu.memory_space<vmem>> -> memref<128xi32, #tpu.memory_space<vmem>>
    %dma_start3A_556 = arith.constant 0 : i32
    %dma_start3A_557 = arith.constant 0 : i32
    %dma_start3A_558 = tpu.memref_slice %arg3[%dma_start3A_556, %dma_start3A_557] : memref<100001x128xf32, #tpu.memory_space<hbm>> -> memref<100001x128xf32, #tpu.memory_space<hbm>>
    tpu.enqueue_indirect_dma source(%dma_start3A_558 : memref<100001x128xf32, #tpu.memory_space<hbm>>) target(%arg11 : memref<128x128xf32, #tpu.memory_space<vmem>>) offsets(%dma_start3A_555 : memref<128xi32, #tpu.memory_space<vmem>>) semaphore(%arg18 : memref<!tpu.dma_semaphore, #tpu.memory_space<semaphore_mem>>)
    %dma_wait3A_559 = arith.constant 0 : i32
    %dma_wait3A_560 = tpu.memref_slice %arg5[%add3A_408, %dma_wait3A_559] : memref<64x128xi32, #tpu.memory_space<vmem>> -> memref<1x128xi32, #tpu.memory_space<vmem>>
    %dma_wait3A_561 = tpu.memref_squeeze %dma_wait3A_560 : memref<1x128xi32, #tpu.memory_space<vmem>> -> memref<128xi32, #tpu.memory_space<vmem>>
    %dma_wait3A_562 = arith.constant 0 : i32
    %dma_wait3A_563 = arith.constant 0 : i32
    %dma_wait3A_564 = tpu.memref_slice %arg3[%dma_wait3A_562, %dma_wait3A_563] : memref<100001x128xf32, #tpu.memory_space<hbm>> -> memref<100001x128xf32, #tpu.memory_space<hbm>>
    tpu.wait_indirect_dma semaphore(%arg19 : memref<!tpu.dma_semaphore, #tpu.memory_space<semaphore_mem>>) src(%dma_wait3A_564 : memref<100001x128xf32, #tpu.memory_space<hbm>>) dst(%arg12 : memref<128x128xf32, #tpu.memory_space<vmem>>)
    %add3A_565 = arith.constant 2560 : i32
    %add3A_566 = arith.addi %multiple_of3A, %add3A_565 : i32
    %dma_start3A_567 = arith.constant 0 : i32
    %dma_start3A_568 = tpu.memref_slice %arg4[%add3A_566, %dma_start3A_567] : memref<204800x128xf32, #tpu.memory_space<hbm>> -> memref<128x128xf32, #tpu.memory_space<hbm>>
    %dma_start3A_569 = arith.constant 0 : i32
    %dma_start3A_570 = tpu.memref_slice %arg4[%add3A_566, %dma_start3A_569] : memref<204800x128xf32, #tpu.memory_space<hbm>> -> memref<128x128xf32, #tpu.memory_space<hbm>>
    tpu.enqueue_dma source(%arg12 : memref<128x128xf32, #tpu.memory_space<vmem>>) target(%dma_start3A_570 : memref<128x128xf32, #tpu.memory_space<hbm>>) target_semaphore(%arg26 : memref<!tpu.dma_semaphore, #tpu.memory_space<semaphore_mem>>)
    %dma_wait3A_571 = arith.constant 0 : i32
    %dma_wait3A_572 = tpu.memref_slice %arg4[%add3A_566, %dma_wait3A_571] : memref<204800x128xf32, #tpu.memory_space<hbm>> -> memref<128x128xf32, #tpu.memory_space<hbm>>
    %dma_wait3A_573 = arith.constant 0 : i32
    %dma_wait3A_574 = tpu.memref_slice %arg4[%add3A_566, %dma_wait3A_573] : memref<204800x128xf32, #tpu.memory_space<hbm>> -> memref<128x128xf32, #tpu.memory_space<hbm>>
    tpu.wait_dma2 semaphore(%arg26 : memref<!tpu.dma_semaphore, #tpu.memory_space<semaphore_mem>>) src(%arg12 : memref<128x128xf32, #tpu.memory_space<vmem>>) dst(%dma_wait3A_574 : memref<128x128xf32, #tpu.memory_space<hbm>>)
    %add3A_575 = arith.constant 27 : i32
    %add3A_576 = arith.addi %sub3A_24, %add3A_575 : i32
    %dma_start3A_577 = arith.constant 0 : i32
    %dma_start3A_578 = tpu.memref_slice %arg5[%add3A_576, %dma_start3A_577] : memref<64x128xi32, #tpu.memory_space<vmem>> -> memref<1x128xi32, #tpu.memory_space<vmem>>
    %dma_start3A_579 = tpu.memref_squeeze %dma_start3A_578 : memref<1x128xi32, #tpu.memory_space<vmem>> -> memref<128xi32, #tpu.memory_space<vmem>>
    %dma_start3A_580 = arith.constant 0 : i32
    %dma_start3A_581 = arith.constant 0 : i32
    %dma_start3A_582 = tpu.memref_slice %arg3[%dma_start3A_580, %dma_start3A_581] : memref<100001x128xf32, #tpu.memory_space<hbm>> -> memref<100001x128xf32, #tpu.memory_space<hbm>>
    tpu.enqueue_indirect_dma source(%dma_start3A_582 : memref<100001x128xf32, #tpu.memory_space<hbm>>) target(%arg12 : memref<128x128xf32, #tpu.memory_space<vmem>>) offsets(%dma_start3A_579 : memref<128xi32, #tpu.memory_space<vmem>>) semaphore(%arg19 : memref<!tpu.dma_semaphore, #tpu.memory_space<semaphore_mem>>)
    %dma_wait3A_583 = arith.constant 0 : i32
    %dma_wait3A_584 = tpu.memref_slice %arg5[%add3A_432, %dma_wait3A_583] : memref<64x128xi32, #tpu.memory_space<vmem>> -> memref<1x128xi32, #tpu.memory_space<vmem>>
    %dma_wait3A_585 = tpu.memref_squeeze %dma_wait3A_584 : memref<1x128xi32, #tpu.memory_space<vmem>> -> memref<128xi32, #tpu.memory_space<vmem>>
    %dma_wait3A_586 = arith.constant 0 : i32
    %dma_wait3A_587 = arith.constant 0 : i32
    %dma_wait3A_588 = tpu.memref_slice %arg3[%dma_wait3A_586, %dma_wait3A_587] : memref<100001x128xf32, #tpu.memory_space<hbm>> -> memref<100001x128xf32, #tpu.memory_space<hbm>>
    tpu.wait_indirect_dma semaphore(%arg13 : memref<!tpu.dma_semaphore, #tpu.memory_space<semaphore_mem>>) src(%dma_wait3A_588 : memref<100001x128xf32, #tpu.memory_space<hbm>>) dst(%arg6 : memref<128x128xf32, #tpu.memory_space<vmem>>)
    %add3A_589 = arith.constant 2688 : i32
    %add3A_590 = arith.addi %multiple_of3A, %add3A_589 : i32
    %dma_start3A_591 = arith.constant 0 : i32
    %dma_start3A_592 = tpu.memref_slice %arg4[%add3A_590, %dma_start3A_591] : memref<204800x128xf32, #tpu.memory_space<hbm>> -> memref<128x128xf32, #tpu.memory_space<hbm>>
    %dma_start3A_593 = arith.constant 0 : i32
    %dma_start3A_594 = tpu.memref_slice %arg4[%add3A_590, %dma_start3A_593] : memref<204800x128xf32, #tpu.memory_space<hbm>> -> memref<128x128xf32, #tpu.memory_space<hbm>>
    tpu.enqueue_dma source(%arg6 : memref<128x128xf32, #tpu.memory_space<vmem>>) target(%dma_start3A_594 : memref<128x128xf32, #tpu.memory_space<hbm>>) target_semaphore(%arg20 : memref<!tpu.dma_semaphore, #tpu.memory_space<semaphore_mem>>)
    %dma_wait3A_595 = arith.constant 0 : i32
    %dma_wait3A_596 = tpu.memref_slice %arg4[%add3A_590, %dma_wait3A_595] : memref<204800x128xf32, #tpu.memory_space<hbm>> -> memref<128x128xf32, #tpu.memory_space<hbm>>
    %dma_wait3A_597 = arith.constant 0 : i32
    %dma_wait3A_598 = tpu.memref_slice %arg4[%add3A_590, %dma_wait3A_597] : memref<204800x128xf32, #tpu.memory_space<hbm>> -> memref<128x128xf32, #tpu.memory_space<hbm>>
    tpu.wait_dma2 semaphore(%arg20 : memref<!tpu.dma_semaphore, #tpu.memory_space<semaphore_mem>>) src(%arg6 : memref<128x128xf32, #tpu.memory_space<vmem>>) dst(%dma_wait3A_598 : memref<128x128xf32, #tpu.memory_space<hbm>>)
    %add3A_599 = arith.constant 28 : i32
    %add3A_600 = arith.addi %sub3A_24, %add3A_599 : i32
    %dma_start3A_601 = arith.constant 0 : i32
    %dma_start3A_602 = tpu.memref_slice %arg5[%add3A_600, %dma_start3A_601] : memref<64x128xi32, #tpu.memory_space<vmem>> -> memref<1x128xi32, #tpu.memory_space<vmem>>
    %dma_start3A_603 = tpu.memref_squeeze %dma_start3A_602 : memref<1x128xi32, #tpu.memory_space<vmem>> -> memref<128xi32, #tpu.memory_space<vmem>>
    %dma_start3A_604 = arith.constant 0 : i32
    %dma_start3A_605 = arith.constant 0 : i32
    %dma_start3A_606 = tpu.memref_slice %arg3[%dma_start3A_604, %dma_start3A_605] : memref<100001x128xf32, #tpu.memory_space<hbm>> -> memref<100001x128xf32, #tpu.memory_space<hbm>>
    tpu.enqueue_indirect_dma source(%dma_start3A_606 : memref<100001x128xf32, #tpu.memory_space<hbm>>) target(%arg6 : memref<128x128xf32, #tpu.memory_space<vmem>>) offsets(%dma_start3A_603 : memref<128xi32, #tpu.memory_space<vmem>>) semaphore(%arg13 : memref<!tpu.dma_semaphore, #tpu.memory_space<semaphore_mem>>)
    %dma_wait3A_607 = arith.constant 0 : i32
    %dma_wait3A_608 = tpu.memref_slice %arg5[%add3A_456, %dma_wait3A_607] : memref<64x128xi32, #tpu.memory_space<vmem>> -> memref<1x128xi32, #tpu.memory_space<vmem>>
    %dma_wait3A_609 = tpu.memref_squeeze %dma_wait3A_608 : memref<1x128xi32, #tpu.memory_space<vmem>> -> memref<128xi32, #tpu.memory_space<vmem>>
    %dma_wait3A_610 = arith.constant 0 : i32
    %dma_wait3A_611 = arith.constant 0 : i32
    %dma_wait3A_612 = tpu.memref_slice %arg3[%dma_wait3A_610, %dma_wait3A_611] : memref<100001x128xf32, #tpu.memory_space<hbm>> -> memref<100001x128xf32, #tpu.memory_space<hbm>>
    tpu.wait_indirect_dma semaphore(%arg14 : memref<!tpu.dma_semaphore, #tpu.memory_space<semaphore_mem>>) src(%dma_wait3A_612 : memref<100001x128xf32, #tpu.memory_space<hbm>>) dst(%arg7 : memref<128x128xf32, #tpu.memory_space<vmem>>)
    %add3A_613 = arith.constant 2816 : i32
    %add3A_614 = arith.addi %multiple_of3A, %add3A_613 : i32
    %dma_start3A_615 = arith.constant 0 : i32
    %dma_start3A_616 = tpu.memref_slice %arg4[%add3A_614, %dma_start3A_615] : memref<204800x128xf32, #tpu.memory_space<hbm>> -> memref<128x128xf32, #tpu.memory_space<hbm>>
    %dma_start3A_617 = arith.constant 0 : i32
    %dma_start3A_618 = tpu.memref_slice %arg4[%add3A_614, %dma_start3A_617] : memref<204800x128xf32, #tpu.memory_space<hbm>> -> memref<128x128xf32, #tpu.memory_space<hbm>>
    tpu.enqueue_dma source(%arg7 : memref<128x128xf32, #tpu.memory_space<vmem>>) target(%dma_start3A_618 : memref<128x128xf32, #tpu.memory_space<hbm>>) target_semaphore(%arg21 : memref<!tpu.dma_semaphore, #tpu.memory_space<semaphore_mem>>)
    %dma_wait3A_619 = arith.constant 0 : i32
    %dma_wait3A_620 = tpu.memref_slice %arg4[%add3A_614, %dma_wait3A_619] : memref<204800x128xf32, #tpu.memory_space<hbm>> -> memref<128x128xf32, #tpu.memory_space<hbm>>
    %dma_wait3A_621 = arith.constant 0 : i32
    %dma_wait3A_622 = tpu.memref_slice %arg4[%add3A_614, %dma_wait3A_621] : memref<204800x128xf32, #tpu.memory_space<hbm>> -> memref<128x128xf32, #tpu.memory_space<hbm>>
    tpu.wait_dma2 semaphore(%arg21 : memref<!tpu.dma_semaphore, #tpu.memory_space<semaphore_mem>>) src(%arg7 : memref<128x128xf32, #tpu.memory_space<vmem>>) dst(%dma_wait3A_622 : memref<128x128xf32, #tpu.memory_space<hbm>>)
    %add3A_623 = arith.constant 29 : i32
    %add3A_624 = arith.addi %sub3A_24, %add3A_623 : i32
    %dma_start3A_625 = arith.constant 0 : i32
    %dma_start3A_626 = tpu.memref_slice %arg5[%add3A_624, %dma_start3A_625] : memref<64x128xi32, #tpu.memory_space<vmem>> -> memref<1x128xi32, #tpu.memory_space<vmem>>
    %dma_start3A_627 = tpu.memref_squeeze %dma_start3A_626 : memref<1x128xi32, #tpu.memory_space<vmem>> -> memref<128xi32, #tpu.memory_space<vmem>>
    %dma_start3A_628 = arith.constant 0 : i32
    %dma_start3A_629 = arith.constant 0 : i32
    %dma_start3A_630 = tpu.memref_slice %arg3[%dma_start3A_628, %dma_start3A_629] : memref<100001x128xf32, #tpu.memory_space<hbm>> -> memref<100001x128xf32, #tpu.memory_space<hbm>>
    tpu.enqueue_indirect_dma source(%dma_start3A_630 : memref<100001x128xf32, #tpu.memory_space<hbm>>) target(%arg7 : memref<128x128xf32, #tpu.memory_space<vmem>>) offsets(%dma_start3A_627 : memref<128xi32, #tpu.memory_space<vmem>>) semaphore(%arg14 : memref<!tpu.dma_semaphore, #tpu.memory_space<semaphore_mem>>)
    %dma_wait3A_631 = arith.constant 0 : i32
    %dma_wait3A_632 = tpu.memref_slice %arg5[%add3A_480, %dma_wait3A_631] : memref<64x128xi32, #tpu.memory_space<vmem>> -> memref<1x128xi32, #tpu.memory_space<vmem>>
    %dma_wait3A_633 = tpu.memref_squeeze %dma_wait3A_632 : memref<1x128xi32, #tpu.memory_space<vmem>> -> memref<128xi32, #tpu.memory_space<vmem>>
    %dma_wait3A_634 = arith.constant 0 : i32
    %dma_wait3A_635 = arith.constant 0 : i32
    %dma_wait3A_636 = tpu.memref_slice %arg3[%dma_wait3A_634, %dma_wait3A_635] : memref<100001x128xf32, #tpu.memory_space<hbm>> -> memref<100001x128xf32, #tpu.memory_space<hbm>>
    tpu.wait_indirect_dma semaphore(%arg15 : memref<!tpu.dma_semaphore, #tpu.memory_space<semaphore_mem>>) src(%dma_wait3A_636 : memref<100001x128xf32, #tpu.memory_space<hbm>>) dst(%arg8 : memref<128x128xf32, #tpu.memory_space<vmem>>)
    %add3A_637 = arith.constant 2944 : i32
    %add3A_638 = arith.addi %multiple_of3A, %add3A_637 : i32
    %dma_start3A_639 = arith.constant 0 : i32
    %dma_start3A_640 = tpu.memref_slice %arg4[%add3A_638, %dma_start3A_639] : memref<204800x128xf32, #tpu.memory_space<hbm>> -> memref<128x128xf32, #tpu.memory_space<hbm>>
    %dma_start3A_641 = arith.constant 0 : i32
    %dma_start3A_642 = tpu.memref_slice %arg4[%add3A_638, %dma_start3A_641] : memref<204800x128xf32, #tpu.memory_space<hbm>> -> memref<128x128xf32, #tpu.memory_space<hbm>>
    tpu.enqueue_dma source(%arg8 : memref<128x128xf32, #tpu.memory_space<vmem>>) target(%dma_start3A_642 : memref<128x128xf32, #tpu.memory_space<hbm>>) target_semaphore(%arg22 : memref<!tpu.dma_semaphore, #tpu.memory_space<semaphore_mem>>)
    %dma_wait3A_643 = arith.constant 0 : i32
    %dma_wait3A_644 = tpu.memref_slice %arg4[%add3A_638, %dma_wait3A_643] : memref<204800x128xf32, #tpu.memory_space<hbm>> -> memref<128x128xf32, #tpu.memory_space<hbm>>
    %dma_wait3A_645 = arith.constant 0 : i32
    %dma_wait3A_646 = tpu.memref_slice %arg4[%add3A_638, %dma_wait3A_645] : memref<204800x128xf32, #tpu.memory_space<hbm>> -> memref<128x128xf32, #tpu.memory_space<hbm>>
    tpu.wait_dma2 semaphore(%arg22 : memref<!tpu.dma_semaphore, #tpu.memory_space<semaphore_mem>>) src(%arg8 : memref<128x128xf32, #tpu.memory_space<vmem>>) dst(%dma_wait3A_646 : memref<128x128xf32, #tpu.memory_space<hbm>>)
    %add3A_647 = arith.constant 30 : i32
    %add3A_648 = arith.addi %sub3A_24, %add3A_647 : i32
    %dma_start3A_649 = arith.constant 0 : i32
    %dma_start3A_650 = tpu.memref_slice %arg5[%add3A_648, %dma_start3A_649] : memref<64x128xi32, #tpu.memory_space<vmem>> -> memref<1x128xi32, #tpu.memory_space<vmem>>
    %dma_start3A_651 = tpu.memref_squeeze %dma_start3A_650 : memref<1x128xi32, #tpu.memory_space<vmem>> -> memref<128xi32, #tpu.memory_space<vmem>>
    %dma_start3A_652 = arith.constant 0 : i32
    %dma_start3A_653 = arith.constant 0 : i32
    %dma_start3A_654 = tpu.memref_slice %arg3[%dma_start3A_652, %dma_start3A_653] : memref<100001x128xf32, #tpu.memory_space<hbm>> -> memref<100001x128xf32, #tpu.memory_space<hbm>>
    tpu.enqueue_indirect_dma source(%dma_start3A_654 : memref<100001x128xf32, #tpu.memory_space<hbm>>) target(%arg8 : memref<128x128xf32, #tpu.memory_space<vmem>>) offsets(%dma_start3A_651 : memref<128xi32, #tpu.memory_space<vmem>>) semaphore(%arg15 : memref<!tpu.dma_semaphore, #tpu.memory_space<semaphore_mem>>)
    %dma_wait3A_655 = arith.constant 0 : i32
    %dma_wait3A_656 = tpu.memref_slice %arg5[%add3A_504, %dma_wait3A_655] : memref<64x128xi32, #tpu.memory_space<vmem>> -> memref<1x128xi32, #tpu.memory_space<vmem>>
    %dma_wait3A_657 = tpu.memref_squeeze %dma_wait3A_656 : memref<1x128xi32, #tpu.memory_space<vmem>> -> memref<128xi32, #tpu.memory_space<vmem>>
    %dma_wait3A_658 = arith.constant 0 : i32
    %dma_wait3A_659 = arith.constant 0 : i32
    %dma_wait3A_660 = tpu.memref_slice %arg3[%dma_wait3A_658, %dma_wait3A_659] : memref<100001x128xf32, #tpu.memory_space<hbm>> -> memref<100001x128xf32, #tpu.memory_space<hbm>>
    tpu.wait_indirect_dma semaphore(%arg16 : memref<!tpu.dma_semaphore, #tpu.memory_space<semaphore_mem>>) src(%dma_wait3A_660 : memref<100001x128xf32, #tpu.memory_space<hbm>>) dst(%arg9 : memref<128x128xf32, #tpu.memory_space<vmem>>)
    %add3A_661 = arith.constant 3072 : i32
    %add3A_662 = arith.addi %multiple_of3A, %add3A_661 : i32
    %dma_start3A_663 = arith.constant 0 : i32
    %dma_start3A_664 = tpu.memref_slice %arg4[%add3A_662, %dma_start3A_663] : memref<204800x128xf32, #tpu.memory_space<hbm>> -> memref<128x128xf32, #tpu.memory_space<hbm>>
    %dma_start3A_665 = arith.constant 0 : i32
    %dma_start3A_666 = tpu.memref_slice %arg4[%add3A_662, %dma_start3A_665] : memref<204800x128xf32, #tpu.memory_space<hbm>> -> memref<128x128xf32, #tpu.memory_space<hbm>>
    tpu.enqueue_dma source(%arg9 : memref<128x128xf32, #tpu.memory_space<vmem>>) target(%dma_start3A_666 : memref<128x128xf32, #tpu.memory_space<hbm>>) target_semaphore(%arg23 : memref<!tpu.dma_semaphore, #tpu.memory_space<semaphore_mem>>)
    %dma_wait3A_667 = arith.constant 0 : i32
    %dma_wait3A_668 = tpu.memref_slice %arg4[%add3A_662, %dma_wait3A_667] : memref<204800x128xf32, #tpu.memory_space<hbm>> -> memref<128x128xf32, #tpu.memory_space<hbm>>
    %dma_wait3A_669 = arith.constant 0 : i32
    %dma_wait3A_670 = tpu.memref_slice %arg4[%add3A_662, %dma_wait3A_669] : memref<204800x128xf32, #tpu.memory_space<hbm>> -> memref<128x128xf32, #tpu.memory_space<hbm>>
    tpu.wait_dma2 semaphore(%arg23 : memref<!tpu.dma_semaphore, #tpu.memory_space<semaphore_mem>>) src(%arg9 : memref<128x128xf32, #tpu.memory_space<vmem>>) dst(%dma_wait3A_670 : memref<128x128xf32, #tpu.memory_space<hbm>>)
    %add3A_671 = arith.constant 31 : i32
    %add3A_672 = arith.addi %sub3A_24, %add3A_671 : i32
    %dma_start3A_673 = arith.constant 0 : i32
    %dma_start3A_674 = tpu.memref_slice %arg5[%add3A_672, %dma_start3A_673] : memref<64x128xi32, #tpu.memory_space<vmem>> -> memref<1x128xi32, #tpu.memory_space<vmem>>
    %dma_start3A_675 = tpu.memref_squeeze %dma_start3A_674 : memref<1x128xi32, #tpu.memory_space<vmem>> -> memref<128xi32, #tpu.memory_space<vmem>>
    %dma_start3A_676 = arith.constant 0 : i32
    %dma_start3A_677 = arith.constant 0 : i32
    %dma_start3A_678 = tpu.memref_slice %arg3[%dma_start3A_676, %dma_start3A_677] : memref<100001x128xf32, #tpu.memory_space<hbm>> -> memref<100001x128xf32, #tpu.memory_space<hbm>>
    tpu.enqueue_indirect_dma source(%dma_start3A_678 : memref<100001x128xf32, #tpu.memory_space<hbm>>) target(%arg9 : memref<128x128xf32, #tpu.memory_space<vmem>>) offsets(%dma_start3A_675 : memref<128xi32, #tpu.memory_space<vmem>>) semaphore(%arg16 : memref<!tpu.dma_semaphore, #tpu.memory_space<semaphore_mem>>)
    %dma_wait3A_679 = arith.constant 0 : i32
    %dma_wait3A_680 = tpu.memref_slice %arg5[%add3A_528, %dma_wait3A_679] : memref<64x128xi32, #tpu.memory_space<vmem>> -> memref<1x128xi32, #tpu.memory_space<vmem>>
    %dma_wait3A_681 = tpu.memref_squeeze %dma_wait3A_680 : memref<1x128xi32, #tpu.memory_space<vmem>> -> memref<128xi32, #tpu.memory_space<vmem>>
    %dma_wait3A_682 = arith.constant 0 : i32
    %dma_wait3A_683 = arith.constant 0 : i32
    %dma_wait3A_684 = tpu.memref_slice %arg3[%dma_wait3A_682, %dma_wait3A_683] : memref<100001x128xf32, #tpu.memory_space<hbm>> -> memref<100001x128xf32, #tpu.memory_space<hbm>>
    tpu.wait_indirect_dma semaphore(%arg17 : memref<!tpu.dma_semaphore, #tpu.memory_space<semaphore_mem>>) src(%dma_wait3A_684 : memref<100001x128xf32, #tpu.memory_space<hbm>>) dst(%arg10 : memref<128x128xf32, #tpu.memory_space<vmem>>)
    %add3A_685 = arith.constant 3200 : i32
    %add3A_686 = arith.addi %multiple_of3A, %add3A_685 : i32
    %dma_start3A_687 = arith.constant 0 : i32
    %dma_start3A_688 = tpu.memref_slice %arg4[%add3A_686, %dma_start3A_687] : memref<204800x128xf32, #tpu.memory_space<hbm>> -> memref<128x128xf32, #tpu.memory_space<hbm>>
    %dma_start3A_689 = arith.constant 0 : i32
    %dma_start3A_690 = tpu.memref_slice %arg4[%add3A_686, %dma_start3A_689] : memref<204800x128xf32, #tpu.memory_space<hbm>> -> memref<128x128xf32, #tpu.memory_space<hbm>>
    tpu.enqueue_dma source(%arg10 : memref<128x128xf32, #tpu.memory_space<vmem>>) target(%dma_start3A_690 : memref<128x128xf32, #tpu.memory_space<hbm>>) target_semaphore(%arg24 : memref<!tpu.dma_semaphore, #tpu.memory_space<semaphore_mem>>)
    %dma_wait3A_691 = arith.constant 0 : i32
    %dma_wait3A_692 = tpu.memref_slice %arg4[%add3A_686, %dma_wait3A_691] : memref<204800x128xf32, #tpu.memory_space<hbm>> -> memref<128x128xf32, #tpu.memory_space<hbm>>
    %dma_wait3A_693 = arith.constant 0 : i32
    %dma_wait3A_694 = tpu.memref_slice %arg4[%add3A_686, %dma_wait3A_693] : memref<204800x128xf32, #tpu.memory_space<hbm>> -> memref<128x128xf32, #tpu.memory_space<hbm>>
    tpu.wait_dma2 semaphore(%arg24 : memref<!tpu.dma_semaphore, #tpu.memory_space<semaphore_mem>>) src(%arg10 : memref<128x128xf32, #tpu.memory_space<vmem>>) dst(%dma_wait3A_694 : memref<128x128xf32, #tpu.memory_space<hbm>>)
    %add3A_695 = arith.constant 32 : i32
    %add3A_696 = arith.addi %sub3A_24, %add3A_695 : i32
    %dma_start3A_697 = arith.constant 0 : i32
    %dma_start3A_698 = tpu.memref_slice %arg5[%add3A_696, %dma_start3A_697] : memref<64x128xi32, #tpu.memory_space<vmem>> -> memref<1x128xi32, #tpu.memory_space<vmem>>
    %dma_start3A_699 = tpu.memref_squeeze %dma_start3A_698 : memref<1x128xi32, #tpu.memory_space<vmem>> -> memref<128xi32, #tpu.memory_space<vmem>>
    %dma_start3A_700 = arith.constant 0 : i32
    %dma_start3A_701 = arith.constant 0 : i32
    %dma_start3A_702 = tpu.memref_slice %arg3[%dma_start3A_700, %dma_start3A_701] : memref<100001x128xf32, #tpu.memory_space<hbm>> -> memref<100001x128xf32, #tpu.memory_space<hbm>>
    tpu.enqueue_indirect_dma source(%dma_start3A_702 : memref<100001x128xf32, #tpu.memory_space<hbm>>) target(%arg10 : memref<128x128xf32, #tpu.memory_space<vmem>>) offsets(%dma_start3A_699 : memref<128xi32, #tpu.memory_space<vmem>>) semaphore(%arg17 : memref<!tpu.dma_semaphore, #tpu.memory_space<semaphore_mem>>)
    %dma_wait3A_703 = arith.constant 0 : i32
    %dma_wait3A_704 = tpu.memref_slice %arg5[%add3A_552, %dma_wait3A_703] : memref<64x128xi32, #tpu.memory_space<vmem>> -> memref<1x128xi32, #tpu.memory_space<vmem>>
    %dma_wait3A_705 = tpu.memref_squeeze %dma_wait3A_704 : memref<1x128xi32, #tpu.memory_space<vmem>> -> memref<128xi32, #tpu.memory_space<vmem>>
    %dma_wait3A_706 = arith.constant 0 : i32
    %dma_wait3A_707 = arith.constant 0 : i32
    %dma_wait3A_708 = tpu.memref_slice %arg3[%dma_wait3A_706, %dma_wait3A_707] : memref<100001x128xf32, #tpu.memory_space<hbm>> -> memref<100001x128xf32, #tpu.memory_space<hbm>>
    tpu.wait_indirect_dma semaphore(%arg18 : memref<!tpu.dma_semaphore, #tpu.memory_space<semaphore_mem>>) src(%dma_wait3A_708 : memref<100001x128xf32, #tpu.memory_space<hbm>>) dst(%arg11 : memref<128x128xf32, #tpu.memory_space<vmem>>)
    %add3A_709 = arith.constant 3328 : i32
    %add3A_710 = arith.addi %multiple_of3A, %add3A_709 : i32
    %dma_start3A_711 = arith.constant 0 : i32
    %dma_start3A_712 = tpu.memref_slice %arg4[%add3A_710, %dma_start3A_711] : memref<204800x128xf32, #tpu.memory_space<hbm>> -> memref<128x128xf32, #tpu.memory_space<hbm>>
    %dma_start3A_713 = arith.constant 0 : i32
    %dma_start3A_714 = tpu.memref_slice %arg4[%add3A_710, %dma_start3A_713] : memref<204800x128xf32, #tpu.memory_space<hbm>> -> memref<128x128xf32, #tpu.memory_space<hbm>>
    tpu.enqueue_dma source(%arg11 : memref<128x128xf32, #tpu.memory_space<vmem>>) target(%dma_start3A_714 : memref<128x128xf32, #tpu.memory_space<hbm>>) target_semaphore(%arg25 : memref<!tpu.dma_semaphore, #tpu.memory_space<semaphore_mem>>)
    %dma_wait3A_715 = arith.constant 0 : i32
    %dma_wait3A_716 = tpu.memref_slice %arg4[%add3A_710, %dma_wait3A_715] : memref<204800x128xf32, #tpu.memory_space<hbm>> -> memref<128x128xf32, #tpu.memory_space<hbm>>
    %dma_wait3A_717 = arith.constant 0 : i32
    %dma_wait3A_718 = tpu.memref_slice %arg4[%add3A_710, %dma_wait3A_717] : memref<204800x128xf32, #tpu.memory_space<hbm>> -> memref<128x128xf32, #tpu.memory_space<hbm>>
    tpu.wait_dma2 semaphore(%arg25 : memref<!tpu.dma_semaphore, #tpu.memory_space<semaphore_mem>>) src(%arg11 : memref<128x128xf32, #tpu.memory_space<vmem>>) dst(%dma_wait3A_718 : memref<128x128xf32, #tpu.memory_space<hbm>>)
    %add3A_719 = arith.constant 33 : i32
    %add3A_720 = arith.addi %sub3A_24, %add3A_719 : i32
    %dma_start3A_721 = arith.constant 0 : i32
    %dma_start3A_722 = tpu.memref_slice %arg5[%add3A_720, %dma_start3A_721] : memref<64x128xi32, #tpu.memory_space<vmem>> -> memref<1x128xi32, #tpu.memory_space<vmem>>
    %dma_start3A_723 = tpu.memref_squeeze %dma_start3A_722 : memref<1x128xi32, #tpu.memory_space<vmem>> -> memref<128xi32, #tpu.memory_space<vmem>>
    %dma_start3A_724 = arith.constant 0 : i32
    %dma_start3A_725 = arith.constant 0 : i32
    %dma_start3A_726 = tpu.memref_slice %arg3[%dma_start3A_724, %dma_start3A_725] : memref<100001x128xf32, #tpu.memory_space<hbm>> -> memref<100001x128xf32, #tpu.memory_space<hbm>>
    tpu.enqueue_indirect_dma source(%dma_start3A_726 : memref<100001x128xf32, #tpu.memory_space<hbm>>) target(%arg11 : memref<128x128xf32, #tpu.memory_space<vmem>>) offsets(%dma_start3A_723 : memref<128xi32, #tpu.memory_space<vmem>>) semaphore(%arg18 : memref<!tpu.dma_semaphore, #tpu.memory_space<semaphore_mem>>)
    %dma_wait3A_727 = arith.constant 0 : i32
    %dma_wait3A_728 = tpu.memref_slice %arg5[%add3A_576, %dma_wait3A_727] : memref<64x128xi32, #tpu.memory_space<vmem>> -> memref<1x128xi32, #tpu.memory_space<vmem>>
    %dma_wait3A_729 = tpu.memref_squeeze %dma_wait3A_728 : memref<1x128xi32, #tpu.memory_space<vmem>> -> memref<128xi32, #tpu.memory_space<vmem>>
    %dma_wait3A_730 = arith.constant 0 : i32
    %dma_wait3A_731 = arith.constant 0 : i32
    %dma_wait3A_732 = tpu.memref_slice %arg3[%dma_wait3A_730, %dma_wait3A_731] : memref<100001x128xf32, #tpu.memory_space<hbm>> -> memref<100001x128xf32, #tpu.memory_space<hbm>>
    tpu.wait_indirect_dma semaphore(%arg19 : memref<!tpu.dma_semaphore, #tpu.memory_space<semaphore_mem>>) src(%dma_wait3A_732 : memref<100001x128xf32, #tpu.memory_space<hbm>>) dst(%arg12 : memref<128x128xf32, #tpu.memory_space<vmem>>)
    %add3A_733 = arith.constant 3456 : i32
    %add3A_734 = arith.addi %multiple_of3A, %add3A_733 : i32
    %dma_start3A_735 = arith.constant 0 : i32
    %dma_start3A_736 = tpu.memref_slice %arg4[%add3A_734, %dma_start3A_735] : memref<204800x128xf32, #tpu.memory_space<hbm>> -> memref<128x128xf32, #tpu.memory_space<hbm>>
    %dma_start3A_737 = arith.constant 0 : i32
    %dma_start3A_738 = tpu.memref_slice %arg4[%add3A_734, %dma_start3A_737] : memref<204800x128xf32, #tpu.memory_space<hbm>> -> memref<128x128xf32, #tpu.memory_space<hbm>>
    tpu.enqueue_dma source(%arg12 : memref<128x128xf32, #tpu.memory_space<vmem>>) target(%dma_start3A_738 : memref<128x128xf32, #tpu.memory_space<hbm>>) target_semaphore(%arg26 : memref<!tpu.dma_semaphore, #tpu.memory_space<semaphore_mem>>)
    %dma_wait3A_739 = arith.constant 0 : i32
    %dma_wait3A_740 = tpu.memref_slice %arg4[%add3A_734, %dma_wait3A_739] : memref<204800x128xf32, #tpu.memory_space<hbm>> -> memref<128x128xf32, #tpu.memory_space<hbm>>
    %dma_wait3A_741 = arith.constant 0 : i32
    %dma_wait3A_742 = tpu.memref_slice %arg4[%add3A_734, %dma_wait3A_741] : memref<204800x128xf32, #tpu.memory_space<hbm>> -> memref<128x128xf32, #tpu.memory_space<hbm>>
    tpu.wait_dma2 semaphore(%arg26 : memref<!tpu.dma_semaphore, #tpu.memory_space<semaphore_mem>>) src(%arg12 : memref<128x128xf32, #tpu.memory_space<vmem>>) dst(%dma_wait3A_742 : memref<128x128xf32, #tpu.memory_space<hbm>>)
    %add3A_743 = arith.constant 34 : i32
    %add3A_744 = arith.addi %sub3A_24, %add3A_743 : i32
    %dma_start3A_745 = arith.constant 0 : i32
    %dma_start3A_746 = tpu.memref_slice %arg5[%add3A_744, %dma_start3A_745] : memref<64x128xi32, #tpu.memory_space<vmem>> -> memref<1x128xi32, #tpu.memory_space<vmem>>
    %dma_start3A_747 = tpu.memref_squeeze %dma_start3A_746 : memref<1x128xi32, #tpu.memory_space<vmem>> -> memref<128xi32, #tpu.memory_space<vmem>>
    %dma_start3A_748 = arith.constant 0 : i32
    %dma_start3A_749 = arith.constant 0 : i32
    %dma_start3A_750 = tpu.memref_slice %arg3[%dma_start3A_748, %dma_start3A_749] : memref<100001x128xf32, #tpu.memory_space<hbm>> -> memref<100001x128xf32, #tpu.memory_space<hbm>>
    tpu.enqueue_indirect_dma source(%dma_start3A_750 : memref<100001x128xf32, #tpu.memory_space<hbm>>) target(%arg12 : memref<128x128xf32, #tpu.memory_space<vmem>>) offsets(%dma_start3A_747 : memref<128xi32, #tpu.memory_space<vmem>>) semaphore(%arg19 : memref<!tpu.dma_semaphore, #tpu.memory_space<semaphore_mem>>)
    %dma_wait3A_751 = arith.constant 0 : i32
    %dma_wait3A_752 = tpu.memref_slice %arg5[%add3A_600, %dma_wait3A_751] : memref<64x128xi32, #tpu.memory_space<vmem>> -> memref<1x128xi32, #tpu.memory_space<vmem>>
    %dma_wait3A_753 = tpu.memref_squeeze %dma_wait3A_752 : memref<1x128xi32, #tpu.memory_space<vmem>> -> memref<128xi32, #tpu.memory_space<vmem>>
    %dma_wait3A_754 = arith.constant 0 : i32
    %dma_wait3A_755 = arith.constant 0 : i32
    %dma_wait3A_756 = tpu.memref_slice %arg3[%dma_wait3A_754, %dma_wait3A_755] : memref<100001x128xf32, #tpu.memory_space<hbm>> -> memref<100001x128xf32, #tpu.memory_space<hbm>>
    tpu.wait_indirect_dma semaphore(%arg13 : memref<!tpu.dma_semaphore, #tpu.memory_space<semaphore_mem>>) src(%dma_wait3A_756 : memref<100001x128xf32, #tpu.memory_space<hbm>>) dst(%arg6 : memref<128x128xf32, #tpu.memory_space<vmem>>)
    %add3A_757 = arith.constant 3584 : i32
    %add3A_758 = arith.addi %multiple_of3A, %add3A_757 : i32
    %dma_start3A_759 = arith.constant 0 : i32
    %dma_start3A_760 = tpu.memref_slice %arg4[%add3A_758, %dma_start3A_759] : memref<204800x128xf32, #tpu.memory_space<hbm>> -> memref<128x128xf32, #tpu.memory_space<hbm>>
    %dma_start3A_761 = arith.constant 0 : i32
    %dma_start3A_762 = tpu.memref_slice %arg4[%add3A_758, %dma_start3A_761] : memref<204800x128xf32, #tpu.memory_space<hbm>> -> memref<128x128xf32, #tpu.memory_space<hbm>>
    tpu.enqueue_dma source(%arg6 : memref<128x128xf32, #tpu.memory_space<vmem>>) target(%dma_start3A_762 : memref<128x128xf32, #tpu.memory_space<hbm>>) target_semaphore(%arg20 : memref<!tpu.dma_semaphore, #tpu.memory_space<semaphore_mem>>)
    %dma_wait3A_763 = arith.constant 0 : i32
    %dma_wait3A_764 = tpu.memref_slice %arg4[%add3A_758, %dma_wait3A_763] : memref<204800x128xf32, #tpu.memory_space<hbm>> -> memref<128x128xf32, #tpu.memory_space<hbm>>
    %dma_wait3A_765 = arith.constant 0 : i32
    %dma_wait3A_766 = tpu.memref_slice %arg4[%add3A_758, %dma_wait3A_765] : memref<204800x128xf32, #tpu.memory_space<hbm>> -> memref<128x128xf32, #tpu.memory_space<hbm>>
    tpu.wait_dma2 semaphore(%arg20 : memref<!tpu.dma_semaphore, #tpu.memory_space<semaphore_mem>>) src(%arg6 : memref<128x128xf32, #tpu.memory_space<vmem>>) dst(%dma_wait3A_766 : memref<128x128xf32, #tpu.memory_space<hbm>>)
    %add3A_767 = arith.constant 35 : i32
    %add3A_768 = arith.addi %sub3A_24, %add3A_767 : i32
    %dma_start3A_769 = arith.constant 0 : i32
    %dma_start3A_770 = tpu.memref_slice %arg5[%add3A_768, %dma_start3A_769] : memref<64x128xi32, #tpu.memory_space<vmem>> -> memref<1x128xi32, #tpu.memory_space<vmem>>
    %dma_start3A_771 = tpu.memref_squeeze %dma_start3A_770 : memref<1x128xi32, #tpu.memory_space<vmem>> -> memref<128xi32, #tpu.memory_space<vmem>>
    %dma_start3A_772 = arith.constant 0 : i32
    %dma_start3A_773 = arith.constant 0 : i32
    %dma_start3A_774 = tpu.memref_slice %arg3[%dma_start3A_772, %dma_start3A_773] : memref<100001x128xf32, #tpu.memory_space<hbm>> -> memref<100001x128xf32, #tpu.memory_space<hbm>>
    tpu.enqueue_indirect_dma source(%dma_start3A_774 : memref<100001x128xf32, #tpu.memory_space<hbm>>) target(%arg6 : memref<128x128xf32, #tpu.memory_space<vmem>>) offsets(%dma_start3A_771 : memref<128xi32, #tpu.memory_space<vmem>>) semaphore(%arg13 : memref<!tpu.dma_semaphore, #tpu.memory_space<semaphore_mem>>)
    %dma_wait3A_775 = arith.constant 0 : i32
    %dma_wait3A_776 = tpu.memref_slice %arg5[%add3A_624, %dma_wait3A_775] : memref<64x128xi32, #tpu.memory_space<vmem>> -> memref<1x128xi32, #tpu.memory_space<vmem>>
    %dma_wait3A_777 = tpu.memref_squeeze %dma_wait3A_776 : memref<1x128xi32, #tpu.memory_space<vmem>> -> memref<128xi32, #tpu.memory_space<vmem>>
    %dma_wait3A_778 = arith.constant 0 : i32
    %dma_wait3A_779 = arith.constant 0 : i32
    %dma_wait3A_780 = tpu.memref_slice %arg3[%dma_wait3A_778, %dma_wait3A_779] : memref<100001x128xf32, #tpu.memory_space<hbm>> -> memref<100001x128xf32, #tpu.memory_space<hbm>>
    tpu.wait_indirect_dma semaphore(%arg14 : memref<!tpu.dma_semaphore, #tpu.memory_space<semaphore_mem>>) src(%dma_wait3A_780 : memref<100001x128xf32, #tpu.memory_space<hbm>>) dst(%arg7 : memref<128x128xf32, #tpu.memory_space<vmem>>)
    %add3A_781 = arith.constant 3712 : i32
    %add3A_782 = arith.addi %multiple_of3A, %add3A_781 : i32
    %dma_start3A_783 = arith.constant 0 : i32
    %dma_start3A_784 = tpu.memref_slice %arg4[%add3A_782, %dma_start3A_783] : memref<204800x128xf32, #tpu.memory_space<hbm>> -> memref<128x128xf32, #tpu.memory_space<hbm>>
    %dma_start3A_785 = arith.constant 0 : i32
    %dma_start3A_786 = tpu.memref_slice %arg4[%add3A_782, %dma_start3A_785] : memref<204800x128xf32, #tpu.memory_space<hbm>> -> memref<128x128xf32, #tpu.memory_space<hbm>>
    tpu.enqueue_dma source(%arg7 : memref<128x128xf32, #tpu.memory_space<vmem>>) target(%dma_start3A_786 : memref<128x128xf32, #tpu.memory_space<hbm>>) target_semaphore(%arg21 : memref<!tpu.dma_semaphore, #tpu.memory_space<semaphore_mem>>)
    %dma_wait3A_787 = arith.constant 0 : i32
    %dma_wait3A_788 = tpu.memref_slice %arg4[%add3A_782, %dma_wait3A_787] : memref<204800x128xf32, #tpu.memory_space<hbm>> -> memref<128x128xf32, #tpu.memory_space<hbm>>
    %dma_wait3A_789 = arith.constant 0 : i32
    %dma_wait3A_790 = tpu.memref_slice %arg4[%add3A_782, %dma_wait3A_789] : memref<204800x128xf32, #tpu.memory_space<hbm>> -> memref<128x128xf32, #tpu.memory_space<hbm>>
    tpu.wait_dma2 semaphore(%arg21 : memref<!tpu.dma_semaphore, #tpu.memory_space<semaphore_mem>>) src(%arg7 : memref<128x128xf32, #tpu.memory_space<vmem>>) dst(%dma_wait3A_790 : memref<128x128xf32, #tpu.memory_space<hbm>>)
    %add3A_791 = arith.constant 36 : i32
    %add3A_792 = arith.addi %sub3A_24, %add3A_791 : i32
    %dma_start3A_793 = arith.constant 0 : i32
    %dma_start3A_794 = tpu.memref_slice %arg5[%add3A_792, %dma_start3A_793] : memref<64x128xi32, #tpu.memory_space<vmem>> -> memref<1x128xi32, #tpu.memory_space<vmem>>
    %dma_start3A_795 = tpu.memref_squeeze %dma_start3A_794 : memref<1x128xi32, #tpu.memory_space<vmem>> -> memref<128xi32, #tpu.memory_space<vmem>>
    %dma_start3A_796 = arith.constant 0 : i32
    %dma_start3A_797 = arith.constant 0 : i32
    %dma_start3A_798 = tpu.memref_slice %arg3[%dma_start3A_796, %dma_start3A_797] : memref<100001x128xf32, #tpu.memory_space<hbm>> -> memref<100001x128xf32, #tpu.memory_space<hbm>>
    tpu.enqueue_indirect_dma source(%dma_start3A_798 : memref<100001x128xf32, #tpu.memory_space<hbm>>) target(%arg7 : memref<128x128xf32, #tpu.memory_space<vmem>>) offsets(%dma_start3A_795 : memref<128xi32, #tpu.memory_space<vmem>>) semaphore(%arg14 : memref<!tpu.dma_semaphore, #tpu.memory_space<semaphore_mem>>)
    %dma_wait3A_799 = arith.constant 0 : i32
    %dma_wait3A_800 = tpu.memref_slice %arg5[%add3A_648, %dma_wait3A_799] : memref<64x128xi32, #tpu.memory_space<vmem>> -> memref<1x128xi32, #tpu.memory_space<vmem>>
    %dma_wait3A_801 = tpu.memref_squeeze %dma_wait3A_800 : memref<1x128xi32, #tpu.memory_space<vmem>> -> memref<128xi32, #tpu.memory_space<vmem>>
    %dma_wait3A_802 = arith.constant 0 : i32
    %dma_wait3A_803 = arith.constant 0 : i32
    %dma_wait3A_804 = tpu.memref_slice %arg3[%dma_wait3A_802, %dma_wait3A_803] : memref<100001x128xf32, #tpu.memory_space<hbm>> -> memref<100001x128xf32, #tpu.memory_space<hbm>>
    tpu.wait_indirect_dma semaphore(%arg15 : memref<!tpu.dma_semaphore, #tpu.memory_space<semaphore_mem>>) src(%dma_wait3A_804 : memref<100001x128xf32, #tpu.memory_space<hbm>>) dst(%arg8 : memref<128x128xf32, #tpu.memory_space<vmem>>)
    %add3A_805 = arith.constant 3840 : i32
    %add3A_806 = arith.addi %multiple_of3A, %add3A_805 : i32
    %dma_start3A_807 = arith.constant 0 : i32
    %dma_start3A_808 = tpu.memref_slice %arg4[%add3A_806, %dma_start3A_807] : memref<204800x128xf32, #tpu.memory_space<hbm>> -> memref<128x128xf32, #tpu.memory_space<hbm>>
    %dma_start3A_809 = arith.constant 0 : i32
    %dma_start3A_810 = tpu.memref_slice %arg4[%add3A_806, %dma_start3A_809] : memref<204800x128xf32, #tpu.memory_space<hbm>> -> memref<128x128xf32, #tpu.memory_space<hbm>>
    tpu.enqueue_dma source(%arg8 : memref<128x128xf32, #tpu.memory_space<vmem>>) target(%dma_start3A_810 : memref<128x128xf32, #tpu.memory_space<hbm>>) target_semaphore(%arg22 : memref<!tpu.dma_semaphore, #tpu.memory_space<semaphore_mem>>)
    %dma_wait3A_811 = arith.constant 0 : i32
    %dma_wait3A_812 = tpu.memref_slice %arg4[%add3A_806, %dma_wait3A_811] : memref<204800x128xf32, #tpu.memory_space<hbm>> -> memref<128x128xf32, #tpu.memory_space<hbm>>
    %dma_wait3A_813 = arith.constant 0 : i32
    %dma_wait3A_814 = tpu.memref_slice %arg4[%add3A_806, %dma_wait3A_813] : memref<204800x128xf32, #tpu.memory_space<hbm>> -> memref<128x128xf32, #tpu.memory_space<hbm>>
    tpu.wait_dma2 semaphore(%arg22 : memref<!tpu.dma_semaphore, #tpu.memory_space<semaphore_mem>>) src(%arg8 : memref<128x128xf32, #tpu.memory_space<vmem>>) dst(%dma_wait3A_814 : memref<128x128xf32, #tpu.memory_space<hbm>>)
    %add3A_815 = arith.constant 37 : i32
    %add3A_816 = arith.addi %sub3A_24, %add3A_815 : i32
    %dma_start3A_817 = arith.constant 0 : i32
    %dma_start3A_818 = tpu.memref_slice %arg5[%add3A_816, %dma_start3A_817] : memref<64x128xi32, #tpu.memory_space<vmem>> -> memref<1x128xi32, #tpu.memory_space<vmem>>
    %dma_start3A_819 = tpu.memref_squeeze %dma_start3A_818 : memref<1x128xi32, #tpu.memory_space<vmem>> -> memref<128xi32, #tpu.memory_space<vmem>>
    %dma_start3A_820 = arith.constant 0 : i32
    %dma_start3A_821 = arith.constant 0 : i32
    %dma_start3A_822 = tpu.memref_slice %arg3[%dma_start3A_820, %dma_start3A_821] : memref<100001x128xf32, #tpu.memory_space<hbm>> -> memref<100001x128xf32, #tpu.memory_space<hbm>>
    tpu.enqueue_indirect_dma source(%dma_start3A_822 : memref<100001x128xf32, #tpu.memory_space<hbm>>) target(%arg8 : memref<128x128xf32, #tpu.memory_space<vmem>>) offsets(%dma_start3A_819 : memref<128xi32, #tpu.memory_space<vmem>>) semaphore(%arg15 : memref<!tpu.dma_semaphore, #tpu.memory_space<semaphore_mem>>)
    %dma_wait3A_823 = arith.constant 0 : i32
    %dma_wait3A_824 = tpu.memref_slice %arg5[%add3A_672, %dma_wait3A_823] : memref<64x128xi32, #tpu.memory_space<vmem>> -> memref<1x128xi32, #tpu.memory_space<vmem>>
    %dma_wait3A_825 = tpu.memref_squeeze %dma_wait3A_824 : memref<1x128xi32, #tpu.memory_space<vmem>> -> memref<128xi32, #tpu.memory_space<vmem>>
    %dma_wait3A_826 = arith.constant 0 : i32
    %dma_wait3A_827 = arith.constant 0 : i32
    %dma_wait3A_828 = tpu.memref_slice %arg3[%dma_wait3A_826, %dma_wait3A_827] : memref<100001x128xf32, #tpu.memory_space<hbm>> -> memref<100001x128xf32, #tpu.memory_space<hbm>>
    tpu.wait_indirect_dma semaphore(%arg16 : memref<!tpu.dma_semaphore, #tpu.memory_space<semaphore_mem>>) src(%dma_wait3A_828 : memref<100001x128xf32, #tpu.memory_space<hbm>>) dst(%arg9 : memref<128x128xf32, #tpu.memory_space<vmem>>)
    %add3A_829 = arith.constant 3968 : i32
    %add3A_830 = arith.addi %multiple_of3A, %add3A_829 : i32
    %dma_start3A_831 = arith.constant 0 : i32
    %dma_start3A_832 = tpu.memref_slice %arg4[%add3A_830, %dma_start3A_831] : memref<204800x128xf32, #tpu.memory_space<hbm>> -> memref<128x128xf32, #tpu.memory_space<hbm>>
    %dma_start3A_833 = arith.constant 0 : i32
    %dma_start3A_834 = tpu.memref_slice %arg4[%add3A_830, %dma_start3A_833] : memref<204800x128xf32, #tpu.memory_space<hbm>> -> memref<128x128xf32, #tpu.memory_space<hbm>>
    tpu.enqueue_dma source(%arg9 : memref<128x128xf32, #tpu.memory_space<vmem>>) target(%dma_start3A_834 : memref<128x128xf32, #tpu.memory_space<hbm>>) target_semaphore(%arg23 : memref<!tpu.dma_semaphore, #tpu.memory_space<semaphore_mem>>)
    %dma_wait3A_835 = arith.constant 0 : i32
    %dma_wait3A_836 = tpu.memref_slice %arg4[%add3A_830, %dma_wait3A_835] : memref<204800x128xf32, #tpu.memory_space<hbm>> -> memref<128x128xf32, #tpu.memory_space<hbm>>
    %dma_wait3A_837 = arith.constant 0 : i32
    %dma_wait3A_838 = tpu.memref_slice %arg4[%add3A_830, %dma_wait3A_837] : memref<204800x128xf32, #tpu.memory_space<hbm>> -> memref<128x128xf32, #tpu.memory_space<hbm>>
    tpu.wait_dma2 semaphore(%arg23 : memref<!tpu.dma_semaphore, #tpu.memory_space<semaphore_mem>>) src(%arg9 : memref<128x128xf32, #tpu.memory_space<vmem>>) dst(%dma_wait3A_838 : memref<128x128xf32, #tpu.memory_space<hbm>>)
    %add3A_839 = arith.constant 38 : i32
    %add3A_840 = arith.addi %sub3A_24, %add3A_839 : i32
    %dma_start3A_841 = arith.constant 0 : i32
    %dma_start3A_842 = tpu.memref_slice %arg5[%add3A_840, %dma_start3A_841] : memref<64x128xi32, #tpu.memory_space<vmem>> -> memref<1x128xi32, #tpu.memory_space<vmem>>
    %dma_start3A_843 = tpu.memref_squeeze %dma_start3A_842 : memref<1x128xi32, #tpu.memory_space<vmem>> -> memref<128xi32, #tpu.memory_space<vmem>>
    %dma_start3A_844 = arith.constant 0 : i32
    %dma_start3A_845 = arith.constant 0 : i32
    %dma_start3A_846 = tpu.memref_slice %arg3[%dma_start3A_844, %dma_start3A_845] : memref<100001x128xf32, #tpu.memory_space<hbm>> -> memref<100001x128xf32, #tpu.memory_space<hbm>>
    tpu.enqueue_indirect_dma source(%dma_start3A_846 : memref<100001x128xf32, #tpu.memory_space<hbm>>) target(%arg9 : memref<128x128xf32, #tpu.memory_space<vmem>>) offsets(%dma_start3A_843 : memref<128xi32, #tpu.memory_space<vmem>>) semaphore(%arg16 : memref<!tpu.dma_semaphore, #tpu.memory_space<semaphore_mem>>)
    %dma_wait3A_847 = arith.constant 0 : i32
    %dma_wait3A_848 = tpu.memref_slice %arg5[%add3A_696, %dma_wait3A_847] : memref<64x128xi32, #tpu.memory_space<vmem>> -> memref<1x128xi32, #tpu.memory_space<vmem>>
    %dma_wait3A_849 = tpu.memref_squeeze %dma_wait3A_848 : memref<1x128xi32, #tpu.memory_space<vmem>> -> memref<128xi32, #tpu.memory_space<vmem>>
    %dma_wait3A_850 = arith.constant 0 : i32
    %dma_wait3A_851 = arith.constant 0 : i32
    %dma_wait3A_852 = tpu.memref_slice %arg3[%dma_wait3A_850, %dma_wait3A_851] : memref<100001x128xf32, #tpu.memory_space<hbm>> -> memref<100001x128xf32, #tpu.memory_space<hbm>>
    tpu.wait_indirect_dma semaphore(%arg17 : memref<!tpu.dma_semaphore, #tpu.memory_space<semaphore_mem>>) src(%dma_wait3A_852 : memref<100001x128xf32, #tpu.memory_space<hbm>>) dst(%arg10 : memref<128x128xf32, #tpu.memory_space<vmem>>)
    %add3A_853 = arith.constant 4096 : i32
    %add3A_854 = arith.addi %multiple_of3A, %add3A_853 : i32
    %dma_start3A_855 = arith.constant 0 : i32
    %dma_start3A_856 = tpu.memref_slice %arg4[%add3A_854, %dma_start3A_855] : memref<204800x128xf32, #tpu.memory_space<hbm>> -> memref<128x128xf32, #tpu.memory_space<hbm>>
    %dma_start3A_857 = arith.constant 0 : i32
    %dma_start3A_858 = tpu.memref_slice %arg4[%add3A_854, %dma_start3A_857] : memref<204800x128xf32, #tpu.memory_space<hbm>> -> memref<128x128xf32, #tpu.memory_space<hbm>>
    tpu.enqueue_dma source(%arg10 : memref<128x128xf32, #tpu.memory_space<vmem>>) target(%dma_start3A_858 : memref<128x128xf32, #tpu.memory_space<hbm>>) target_semaphore(%arg24 : memref<!tpu.dma_semaphore, #tpu.memory_space<semaphore_mem>>)
    %dma_wait3A_859 = arith.constant 0 : i32
    %dma_wait3A_860 = tpu.memref_slice %arg4[%add3A_854, %dma_wait3A_859] : memref<204800x128xf32, #tpu.memory_space<hbm>> -> memref<128x128xf32, #tpu.memory_space<hbm>>
    %dma_wait3A_861 = arith.constant 0 : i32
    %dma_wait3A_862 = tpu.memref_slice %arg4[%add3A_854, %dma_wait3A_861] : memref<204800x128xf32, #tpu.memory_space<hbm>> -> memref<128x128xf32, #tpu.memory_space<hbm>>
    tpu.wait_dma2 semaphore(%arg24 : memref<!tpu.dma_semaphore, #tpu.memory_space<semaphore_mem>>) src(%arg10 : memref<128x128xf32, #tpu.memory_space<vmem>>) dst(%dma_wait3A_862 : memref<128x128xf32, #tpu.memory_space<hbm>>)
    %add3A_863 = arith.constant 39 : i32
    %add3A_864 = arith.addi %sub3A_24, %add3A_863 : i32
    %dma_start3A_865 = arith.constant 0 : i32
    %dma_start3A_866 = tpu.memref_slice %arg5[%add3A_864, %dma_start3A_865] : memref<64x128xi32, #tpu.memory_space<vmem>> -> memref<1x128xi32, #tpu.memory_space<vmem>>
    %dma_start3A_867 = tpu.memref_squeeze %dma_start3A_866 : memref<1x128xi32, #tpu.memory_space<vmem>> -> memref<128xi32, #tpu.memory_space<vmem>>
    %dma_start3A_868 = arith.constant 0 : i32
    %dma_start3A_869 = arith.constant 0 : i32
    %dma_start3A_870 = tpu.memref_slice %arg3[%dma_start3A_868, %dma_start3A_869] : memref<100001x128xf32, #tpu.memory_space<hbm>> -> memref<100001x128xf32, #tpu.memory_space<hbm>>
    tpu.enqueue_indirect_dma source(%dma_start3A_870 : memref<100001x128xf32, #tpu.memory_space<hbm>>) target(%arg10 : memref<128x128xf32, #tpu.memory_space<vmem>>) offsets(%dma_start3A_867 : memref<128xi32, #tpu.memory_space<vmem>>) semaphore(%arg17 : memref<!tpu.dma_semaphore, #tpu.memory_space<semaphore_mem>>)
    %dma_wait3A_871 = arith.constant 0 : i32
    %dma_wait3A_872 = tpu.memref_slice %arg5[%add3A_720, %dma_wait3A_871] : memref<64x128xi32, #tpu.memory_space<vmem>> -> memref<1x128xi32, #tpu.memory_space<vmem>>
    %dma_wait3A_873 = tpu.memref_squeeze %dma_wait3A_872 : memref<1x128xi32, #tpu.memory_space<vmem>> -> memref<128xi32, #tpu.memory_space<vmem>>
    %dma_wait3A_874 = arith.constant 0 : i32
    %dma_wait3A_875 = arith.constant 0 : i32
    %dma_wait3A_876 = tpu.memref_slice %arg3[%dma_wait3A_874, %dma_wait3A_875] : memref<100001x128xf32, #tpu.memory_space<hbm>> -> memref<100001x128xf32, #tpu.memory_space<hbm>>
    tpu.wait_indirect_dma semaphore(%arg18 : memref<!tpu.dma_semaphore, #tpu.memory_space<semaphore_mem>>) src(%dma_wait3A_876 : memref<100001x128xf32, #tpu.memory_space<hbm>>) dst(%arg11 : memref<128x128xf32, #tpu.memory_space<vmem>>)
    %add3A_877 = arith.constant 4224 : i32
    %add3A_878 = arith.addi %multiple_of3A, %add3A_877 : i32
    %dma_start3A_879 = arith.constant 0 : i32
    %dma_start3A_880 = tpu.memref_slice %arg4[%add3A_878, %dma_start3A_879] : memref<204800x128xf32, #tpu.memory_space<hbm>> -> memref<128x128xf32, #tpu.memory_space<hbm>>
    %dma_start3A_881 = arith.constant 0 : i32
    %dma_start3A_882 = tpu.memref_slice %arg4[%add3A_878, %dma_start3A_881] : memref<204800x128xf32, #tpu.memory_space<hbm>> -> memref<128x128xf32, #tpu.memory_space<hbm>>
    tpu.enqueue_dma source(%arg11 : memref<128x128xf32, #tpu.memory_space<vmem>>) target(%dma_start3A_882 : memref<128x128xf32, #tpu.memory_space<hbm>>) target_semaphore(%arg25 : memref<!tpu.dma_semaphore, #tpu.memory_space<semaphore_mem>>)
    %dma_wait3A_883 = arith.constant 0 : i32
    %dma_wait3A_884 = tpu.memref_slice %arg4[%add3A_878, %dma_wait3A_883] : memref<204800x128xf32, #tpu.memory_space<hbm>> -> memref<128x128xf32, #tpu.memory_space<hbm>>
    %dma_wait3A_885 = arith.constant 0 : i32
    %dma_wait3A_886 = tpu.memref_slice %arg4[%add3A_878, %dma_wait3A_885] : memref<204800x128xf32, #tpu.memory_space<hbm>> -> memref<128x128xf32, #tpu.memory_space<hbm>>
    tpu.wait_dma2 semaphore(%arg25 : memref<!tpu.dma_semaphore, #tpu.memory_space<semaphore_mem>>) src(%arg11 : memref<128x128xf32, #tpu.memory_space<vmem>>) dst(%dma_wait3A_886 : memref<128x128xf32, #tpu.memory_space<hbm>>)
    %add3A_887 = arith.constant 40 : i32
    %add3A_888 = arith.addi %sub3A_24, %add3A_887 : i32
    %dma_start3A_889 = arith.constant 0 : i32
    %dma_start3A_890 = tpu.memref_slice %arg5[%add3A_888, %dma_start3A_889] : memref<64x128xi32, #tpu.memory_space<vmem>> -> memref<1x128xi32, #tpu.memory_space<vmem>>
    %dma_start3A_891 = tpu.memref_squeeze %dma_start3A_890 : memref<1x128xi32, #tpu.memory_space<vmem>> -> memref<128xi32, #tpu.memory_space<vmem>>
    %dma_start3A_892 = arith.constant 0 : i32
    %dma_start3A_893 = arith.constant 0 : i32
    %dma_start3A_894 = tpu.memref_slice %arg3[%dma_start3A_892, %dma_start3A_893] : memref<100001x128xf32, #tpu.memory_space<hbm>> -> memref<100001x128xf32, #tpu.memory_space<hbm>>
    tpu.enqueue_indirect_dma source(%dma_start3A_894 : memref<100001x128xf32, #tpu.memory_space<hbm>>) target(%arg11 : memref<128x128xf32, #tpu.memory_space<vmem>>) offsets(%dma_start3A_891 : memref<128xi32, #tpu.memory_space<vmem>>) semaphore(%arg18 : memref<!tpu.dma_semaphore, #tpu.memory_space<semaphore_mem>>)
    %dma_wait3A_895 = arith.constant 0 : i32
    %dma_wait3A_896 = tpu.memref_slice %arg5[%add3A_744, %dma_wait3A_895] : memref<64x128xi32, #tpu.memory_space<vmem>> -> memref<1x128xi32, #tpu.memory_space<vmem>>
    %dma_wait3A_897 = tpu.memref_squeeze %dma_wait3A_896 : memref<1x128xi32, #tpu.memory_space<vmem>> -> memref<128xi32, #tpu.memory_space<vmem>>
    %dma_wait3A_898 = arith.constant 0 : i32
    %dma_wait3A_899 = arith.constant 0 : i32
    %dma_wait3A_900 = tpu.memref_slice %arg3[%dma_wait3A_898, %dma_wait3A_899] : memref<100001x128xf32, #tpu.memory_space<hbm>> -> memref<100001x128xf32, #tpu.memory_space<hbm>>
    tpu.wait_indirect_dma semaphore(%arg19 : memref<!tpu.dma_semaphore, #tpu.memory_space<semaphore_mem>>) src(%dma_wait3A_900 : memref<100001x128xf32, #tpu.memory_space<hbm>>) dst(%arg12 : memref<128x128xf32, #tpu.memory_space<vmem>>)
    %add3A_901 = arith.constant 4352 : i32
    %add3A_902 = arith.addi %multiple_of3A, %add3A_901 : i32
    %dma_start3A_903 = arith.constant 0 : i32
    %dma_start3A_904 = tpu.memref_slice %arg4[%add3A_902, %dma_start3A_903] : memref<204800x128xf32, #tpu.memory_space<hbm>> -> memref<128x128xf32, #tpu.memory_space<hbm>>
    %dma_start3A_905 = arith.constant 0 : i32
    %dma_start3A_906 = tpu.memref_slice %arg4[%add3A_902, %dma_start3A_905] : memref<204800x128xf32, #tpu.memory_space<hbm>> -> memref<128x128xf32, #tpu.memory_space<hbm>>
    tpu.enqueue_dma source(%arg12 : memref<128x128xf32, #tpu.memory_space<vmem>>) target(%dma_start3A_906 : memref<128x128xf32, #tpu.memory_space<hbm>>) target_semaphore(%arg26 : memref<!tpu.dma_semaphore, #tpu.memory_space<semaphore_mem>>)
    %dma_wait3A_907 = arith.constant 0 : i32
    %dma_wait3A_908 = tpu.memref_slice %arg4[%add3A_902, %dma_wait3A_907] : memref<204800x128xf32, #tpu.memory_space<hbm>> -> memref<128x128xf32, #tpu.memory_space<hbm>>
    %dma_wait3A_909 = arith.constant 0 : i32
    %dma_wait3A_910 = tpu.memref_slice %arg4[%add3A_902, %dma_wait3A_909] : memref<204800x128xf32, #tpu.memory_space<hbm>> -> memref<128x128xf32, #tpu.memory_space<hbm>>
    tpu.wait_dma2 semaphore(%arg26 : memref<!tpu.dma_semaphore, #tpu.memory_space<semaphore_mem>>) src(%arg12 : memref<128x128xf32, #tpu.memory_space<vmem>>) dst(%dma_wait3A_910 : memref<128x128xf32, #tpu.memory_space<hbm>>)
    %add3A_911 = arith.constant 41 : i32
    %add3A_912 = arith.addi %sub3A_24, %add3A_911 : i32
    %dma_start3A_913 = arith.constant 0 : i32
    %dma_start3A_914 = tpu.memref_slice %arg5[%add3A_912, %dma_start3A_913] : memref<64x128xi32, #tpu.memory_space<vmem>> -> memref<1x128xi32, #tpu.memory_space<vmem>>
    %dma_start3A_915 = tpu.memref_squeeze %dma_start3A_914 : memref<1x128xi32, #tpu.memory_space<vmem>> -> memref<128xi32, #tpu.memory_space<vmem>>
    %dma_start3A_916 = arith.constant 0 : i32
    %dma_start3A_917 = arith.constant 0 : i32
    %dma_start3A_918 = tpu.memref_slice %arg3[%dma_start3A_916, %dma_start3A_917] : memref<100001x128xf32, #tpu.memory_space<hbm>> -> memref<100001x128xf32, #tpu.memory_space<hbm>>
    tpu.enqueue_indirect_dma source(%dma_start3A_918 : memref<100001x128xf32, #tpu.memory_space<hbm>>) target(%arg12 : memref<128x128xf32, #tpu.memory_space<vmem>>) offsets(%dma_start3A_915 : memref<128xi32, #tpu.memory_space<vmem>>) semaphore(%arg19 : memref<!tpu.dma_semaphore, #tpu.memory_space<semaphore_mem>>)
    %dma_wait3A_919 = arith.constant 0 : i32
    %dma_wait3A_920 = tpu.memref_slice %arg5[%add3A_768, %dma_wait3A_919] : memref<64x128xi32, #tpu.memory_space<vmem>> -> memref<1x128xi32, #tpu.memory_space<vmem>>
    %dma_wait3A_921 = tpu.memref_squeeze %dma_wait3A_920 : memref<1x128xi32, #tpu.memory_space<vmem>> -> memref<128xi32, #tpu.memory_space<vmem>>
    %dma_wait3A_922 = arith.constant 0 : i32
    %dma_wait3A_923 = arith.constant 0 : i32
    %dma_wait3A_924 = tpu.memref_slice %arg3[%dma_wait3A_922, %dma_wait3A_923] : memref<100001x128xf32, #tpu.memory_space<hbm>> -> memref<100001x128xf32, #tpu.memory_space<hbm>>
    tpu.wait_indirect_dma semaphore(%arg13 : memref<!tpu.dma_semaphore, #tpu.memory_space<semaphore_mem>>) src(%dma_wait3A_924 : memref<100001x128xf32, #tpu.memory_space<hbm>>) dst(%arg6 : memref<128x128xf32, #tpu.memory_space<vmem>>)
    %add3A_925 = arith.constant 4480 : i32
    %add3A_926 = arith.addi %multiple_of3A, %add3A_925 : i32
    %dma_start3A_927 = arith.constant 0 : i32
    %dma_start3A_928 = tpu.memref_slice %arg4[%add3A_926, %dma_start3A_927] : memref<204800x128xf32, #tpu.memory_space<hbm>> -> memref<128x128xf32, #tpu.memory_space<hbm>>
    %dma_start3A_929 = arith.constant 0 : i32
    %dma_start3A_930 = tpu.memref_slice %arg4[%add3A_926, %dma_start3A_929] : memref<204800x128xf32, #tpu.memory_space<hbm>> -> memref<128x128xf32, #tpu.memory_space<hbm>>
    tpu.enqueue_dma source(%arg6 : memref<128x128xf32, #tpu.memory_space<vmem>>) target(%dma_start3A_930 : memref<128x128xf32, #tpu.memory_space<hbm>>) target_semaphore(%arg20 : memref<!tpu.dma_semaphore, #tpu.memory_space<semaphore_mem>>)
    %dma_wait3A_931 = arith.constant 0 : i32
    %dma_wait3A_932 = tpu.memref_slice %arg4[%add3A_926, %dma_wait3A_931] : memref<204800x128xf32, #tpu.memory_space<hbm>> -> memref<128x128xf32, #tpu.memory_space<hbm>>
    %dma_wait3A_933 = arith.constant 0 : i32
    %dma_wait3A_934 = tpu.memref_slice %arg4[%add3A_926, %dma_wait3A_933] : memref<204800x128xf32, #tpu.memory_space<hbm>> -> memref<128x128xf32, #tpu.memory_space<hbm>>
    tpu.wait_dma2 semaphore(%arg20 : memref<!tpu.dma_semaphore, #tpu.memory_space<semaphore_mem>>) src(%arg6 : memref<128x128xf32, #tpu.memory_space<vmem>>) dst(%dma_wait3A_934 : memref<128x128xf32, #tpu.memory_space<hbm>>)
    %add3A_935 = arith.constant 42 : i32
    %add3A_936 = arith.addi %sub3A_24, %add3A_935 : i32
    %dma_start3A_937 = arith.constant 0 : i32
    %dma_start3A_938 = tpu.memref_slice %arg5[%add3A_936, %dma_start3A_937] : memref<64x128xi32, #tpu.memory_space<vmem>> -> memref<1x128xi32, #tpu.memory_space<vmem>>
    %dma_start3A_939 = tpu.memref_squeeze %dma_start3A_938 : memref<1x128xi32, #tpu.memory_space<vmem>> -> memref<128xi32, #tpu.memory_space<vmem>>
    %dma_start3A_940 = arith.constant 0 : i32
    %dma_start3A_941 = arith.constant 0 : i32
    %dma_start3A_942 = tpu.memref_slice %arg3[%dma_start3A_940, %dma_start3A_941] : memref<100001x128xf32, #tpu.memory_space<hbm>> -> memref<100001x128xf32, #tpu.memory_space<hbm>>
    tpu.enqueue_indirect_dma source(%dma_start3A_942 : memref<100001x128xf32, #tpu.memory_space<hbm>>) target(%arg6 : memref<128x128xf32, #tpu.memory_space<vmem>>) offsets(%dma_start3A_939 : memref<128xi32, #tpu.memory_space<vmem>>) semaphore(%arg13 : memref<!tpu.dma_semaphore, #tpu.memory_space<semaphore_mem>>)
    %dma_wait3A_943 = arith.constant 0 : i32
    %dma_wait3A_944 = tpu.memref_slice %arg5[%add3A_792, %dma_wait3A_943] : memref<64x128xi32, #tpu.memory_space<vmem>> -> memref<1x128xi32, #tpu.memory_space<vmem>>
    %dma_wait3A_945 = tpu.memref_squeeze %dma_wait3A_944 : memref<1x128xi32, #tpu.memory_space<vmem>> -> memref<128xi32, #tpu.memory_space<vmem>>
    %dma_wait3A_946 = arith.constant 0 : i32
    %dma_wait3A_947 = arith.constant 0 : i32
    %dma_wait3A_948 = tpu.memref_slice %arg3[%dma_wait3A_946, %dma_wait3A_947] : memref<100001x128xf32, #tpu.memory_space<hbm>> -> memref<100001x128xf32, #tpu.memory_space<hbm>>
    tpu.wait_indirect_dma semaphore(%arg14 : memref<!tpu.dma_semaphore, #tpu.memory_space<semaphore_mem>>) src(%dma_wait3A_948 : memref<100001x128xf32, #tpu.memory_space<hbm>>) dst(%arg7 : memref<128x128xf32, #tpu.memory_space<vmem>>)
    %add3A_949 = arith.constant 4608 : i32
    %add3A_950 = arith.addi %multiple_of3A, %add3A_949 : i32
    %dma_start3A_951 = arith.constant 0 : i32
    %dma_start3A_952 = tpu.memref_slice %arg4[%add3A_950, %dma_start3A_951] : memref<204800x128xf32, #tpu.memory_space<hbm>> -> memref<128x128xf32, #tpu.memory_space<hbm>>
    %dma_start3A_953 = arith.constant 0 : i32
    %dma_start3A_954 = tpu.memref_slice %arg4[%add3A_950, %dma_start3A_953] : memref<204800x128xf32, #tpu.memory_space<hbm>> -> memref<128x128xf32, #tpu.memory_space<hbm>>
    tpu.enqueue_dma source(%arg7 : memref<128x128xf32, #tpu.memory_space<vmem>>) target(%dma_start3A_954 : memref<128x128xf32, #tpu.memory_space<hbm>>) target_semaphore(%arg21 : memref<!tpu.dma_semaphore, #tpu.memory_space<semaphore_mem>>)
    %dma_wait3A_955 = arith.constant 0 : i32
    %dma_wait3A_956 = tpu.memref_slice %arg4[%add3A_950, %dma_wait3A_955] : memref<204800x128xf32, #tpu.memory_space<hbm>> -> memref<128x128xf32, #tpu.memory_space<hbm>>
    %dma_wait3A_957 = arith.constant 0 : i32
    %dma_wait3A_958 = tpu.memref_slice %arg4[%add3A_950, %dma_wait3A_957] : memref<204800x128xf32, #tpu.memory_space<hbm>> -> memref<128x128xf32, #tpu.memory_space<hbm>>
    tpu.wait_dma2 semaphore(%arg21 : memref<!tpu.dma_semaphore, #tpu.memory_space<semaphore_mem>>) src(%arg7 : memref<128x128xf32, #tpu.memory_space<vmem>>) dst(%dma_wait3A_958 : memref<128x128xf32, #tpu.memory_space<hbm>>)
    %add3A_959 = arith.constant 43 : i32
    %add3A_960 = arith.addi %sub3A_24, %add3A_959 : i32
    %dma_start3A_961 = arith.constant 0 : i32
    %dma_start3A_962 = tpu.memref_slice %arg5[%add3A_960, %dma_start3A_961] : memref<64x128xi32, #tpu.memory_space<vmem>> -> memref<1x128xi32, #tpu.memory_space<vmem>>
    %dma_start3A_963 = tpu.memref_squeeze %dma_start3A_962 : memref<1x128xi32, #tpu.memory_space<vmem>> -> memref<128xi32, #tpu.memory_space<vmem>>
    %dma_start3A_964 = arith.constant 0 : i32
    %dma_start3A_965 = arith.constant 0 : i32
    %dma_start3A_966 = tpu.memref_slice %arg3[%dma_start3A_964, %dma_start3A_965] : memref<100001x128xf32, #tpu.memory_space<hbm>> -> memref<100001x128xf32, #tpu.memory_space<hbm>>
    tpu.enqueue_indirect_dma source(%dma_start3A_966 : memref<100001x128xf32, #tpu.memory_space<hbm>>) target(%arg7 : memref<128x128xf32, #tpu.memory_space<vmem>>) offsets(%dma_start3A_963 : memref<128xi32, #tpu.memory_space<vmem>>) semaphore(%arg14 : memref<!tpu.dma_semaphore, #tpu.memory_space<semaphore_mem>>)
    %dma_wait3A_967 = arith.constant 0 : i32
    %dma_wait3A_968 = tpu.memref_slice %arg5[%add3A_816, %dma_wait3A_967] : memref<64x128xi32, #tpu.memory_space<vmem>> -> memref<1x128xi32, #tpu.memory_space<vmem>>
    %dma_wait3A_969 = tpu.memref_squeeze %dma_wait3A_968 : memref<1x128xi32, #tpu.memory_space<vmem>> -> memref<128xi32, #tpu.memory_space<vmem>>
    %dma_wait3A_970 = arith.constant 0 : i32
    %dma_wait3A_971 = arith.constant 0 : i32
    %dma_wait3A_972 = tpu.memref_slice %arg3[%dma_wait3A_970, %dma_wait3A_971] : memref<100001x128xf32, #tpu.memory_space<hbm>> -> memref<100001x128xf32, #tpu.memory_space<hbm>>
    tpu.wait_indirect_dma semaphore(%arg15 : memref<!tpu.dma_semaphore, #tpu.memory_space<semaphore_mem>>) src(%dma_wait3A_972 : memref<100001x128xf32, #tpu.memory_space<hbm>>) dst(%arg8 : memref<128x128xf32, #tpu.memory_space<vmem>>)
    %add3A_973 = arith.constant 4736 : i32
    %add3A_974 = arith.addi %multiple_of3A, %add3A_973 : i32
    %dma_start3A_975 = arith.constant 0 : i32
    %dma_start3A_976 = tpu.memref_slice %arg4[%add3A_974, %dma_start3A_975] : memref<204800x128xf32, #tpu.memory_space<hbm>> -> memref<128x128xf32, #tpu.memory_space<hbm>>
    %dma_start3A_977 = arith.constant 0 : i32
    %dma_start3A_978 = tpu.memref_slice %arg4[%add3A_974, %dma_start3A_977] : memref<204800x128xf32, #tpu.memory_space<hbm>> -> memref<128x128xf32, #tpu.memory_space<hbm>>
    tpu.enqueue_dma source(%arg8 : memref<128x128xf32, #tpu.memory_space<vmem>>) target(%dma_start3A_978 : memref<128x128xf32, #tpu.memory_space<hbm>>) target_semaphore(%arg22 : memref<!tpu.dma_semaphore, #tpu.memory_space<semaphore_mem>>)
    %dma_wait3A_979 = arith.constant 0 : i32
    %dma_wait3A_980 = tpu.memref_slice %arg4[%add3A_974, %dma_wait3A_979] : memref<204800x128xf32, #tpu.memory_space<hbm>> -> memref<128x128xf32, #tpu.memory_space<hbm>>
    %dma_wait3A_981 = arith.constant 0 : i32
    %dma_wait3A_982 = tpu.memref_slice %arg4[%add3A_974, %dma_wait3A_981] : memref<204800x128xf32, #tpu.memory_space<hbm>> -> memref<128x128xf32, #tpu.memory_space<hbm>>
    tpu.wait_dma2 semaphore(%arg22 : memref<!tpu.dma_semaphore, #tpu.memory_space<semaphore_mem>>) src(%arg8 : memref<128x128xf32, #tpu.memory_space<vmem>>) dst(%dma_wait3A_982 : memref<128x128xf32, #tpu.memory_space<hbm>>)
    %add3A_983 = arith.constant 44 : i32
    %add3A_984 = arith.addi %sub3A_24, %add3A_983 : i32
    %dma_start3A_985 = arith.constant 0 : i32
    %dma_start3A_986 = tpu.memref_slice %arg5[%add3A_984, %dma_start3A_985] : memref<64x128xi32, #tpu.memory_space<vmem>> -> memref<1x128xi32, #tpu.memory_space<vmem>>
    %dma_start3A_987 = tpu.memref_squeeze %dma_start3A_986 : memref<1x128xi32, #tpu.memory_space<vmem>> -> memref<128xi32, #tpu.memory_space<vmem>>
    %dma_start3A_988 = arith.constant 0 : i32
    %dma_start3A_989 = arith.constant 0 : i32
    %dma_start3A_990 = tpu.memref_slice %arg3[%dma_start3A_988, %dma_start3A_989] : memref<100001x128xf32, #tpu.memory_space<hbm>> -> memref<100001x128xf32, #tpu.memory_space<hbm>>
    tpu.enqueue_indirect_dma source(%dma_start3A_990 : memref<100001x128xf32, #tpu.memory_space<hbm>>) target(%arg8 : memref<128x128xf32, #tpu.memory_space<vmem>>) offsets(%dma_start3A_987 : memref<128xi32, #tpu.memory_space<vmem>>) semaphore(%arg15 : memref<!tpu.dma_semaphore, #tpu.memory_space<semaphore_mem>>)
    %dma_wait3A_991 = arith.constant 0 : i32
    %dma_wait3A_992 = tpu.memref_slice %arg5[%add3A_840, %dma_wait3A_991] : memref<64x128xi32, #tpu.memory_space<vmem>> -> memref<1x128xi32, #tpu.memory_space<vmem>>
    %dma_wait3A_993 = tpu.memref_squeeze %dma_wait3A_992 : memref<1x128xi32, #tpu.memory_space<vmem>> -> memref<128xi32, #tpu.memory_space<vmem>>
    %dma_wait3A_994 = arith.constant 0 : i32
    %dma_wait3A_995 = arith.constant 0 : i32
    %dma_wait3A_996 = tpu.memref_slice %arg3[%dma_wait3A_994, %dma_wait3A_995] : memref<100001x128xf32, #tpu.memory_space<hbm>> -> memref<100001x128xf32, #tpu.memory_space<hbm>>
    tpu.wait_indirect_dma semaphore(%arg16 : memref<!tpu.dma_semaphore, #tpu.memory_space<semaphore_mem>>) src(%dma_wait3A_996 : memref<100001x128xf32, #tpu.memory_space<hbm>>) dst(%arg9 : memref<128x128xf32, #tpu.memory_space<vmem>>)
    %add3A_997 = arith.constant 4864 : i32
    %add3A_998 = arith.addi %multiple_of3A, %add3A_997 : i32
    %dma_start3A_999 = arith.constant 0 : i32
    %dma_start3A_1000 = tpu.memref_slice %arg4[%add3A_998, %dma_start3A_999] : memref<204800x128xf32, #tpu.memory_space<hbm>> -> memref<128x128xf32, #tpu.memory_space<hbm>>
    %dma_start3A_1001 = arith.constant 0 : i32
    %dma_start3A_1002 = tpu.memref_slice %arg4[%add3A_998, %dma_start3A_1001] : memref<204800x128xf32, #tpu.memory_space<hbm>> -> memref<128x128xf32, #tpu.memory_space<hbm>>
    tpu.enqueue_dma source(%arg9 : memref<128x128xf32, #tpu.memory_space<vmem>>) target(%dma_start3A_1002 : memref<128x128xf32, #tpu.memory_space<hbm>>) target_semaphore(%arg23 : memref<!tpu.dma_semaphore, #tpu.memory_space<semaphore_mem>>)
    %dma_wait3A_1003 = arith.constant 0 : i32
    %dma_wait3A_1004 = tpu.memref_slice %arg4[%add3A_998, %dma_wait3A_1003] : memref<204800x128xf32, #tpu.memory_space<hbm>> -> memref<128x128xf32, #tpu.memory_space<hbm>>
    %dma_wait3A_1005 = arith.constant 0 : i32
    %dma_wait3A_1006 = tpu.memref_slice %arg4[%add3A_998, %dma_wait3A_1005] : memref<204800x128xf32, #tpu.memory_space<hbm>> -> memref<128x128xf32, #tpu.memory_space<hbm>>
    tpu.wait_dma2 semaphore(%arg23 : memref<!tpu.dma_semaphore, #tpu.memory_space<semaphore_mem>>) src(%arg9 : memref<128x128xf32, #tpu.memory_space<vmem>>) dst(%dma_wait3A_1006 : memref<128x128xf32, #tpu.memory_space<hbm>>)
    %add3A_1007 = arith.constant 45 : i32
    %add3A_1008 = arith.addi %sub3A_24, %add3A_1007 : i32
    %dma_start3A_1009 = arith.constant 0 : i32
    %dma_start3A_1010 = tpu.memref_slice %arg5[%add3A_1008, %dma_start3A_1009] : memref<64x128xi32, #tpu.memory_space<vmem>> -> memref<1x128xi32, #tpu.memory_space<vmem>>
    %dma_start3A_1011 = tpu.memref_squeeze %dma_start3A_1010 : memref<1x128xi32, #tpu.memory_space<vmem>> -> memref<128xi32, #tpu.memory_space<vmem>>
    %dma_start3A_1012 = arith.constant 0 : i32
    %dma_start3A_1013 = arith.constant 0 : i32
    %dma_start3A_1014 = tpu.memref_slice %arg3[%dma_start3A_1012, %dma_start3A_1013] : memref<100001x128xf32, #tpu.memory_space<hbm>> -> memref<100001x128xf32, #tpu.memory_space<hbm>>
    tpu.enqueue_indirect_dma source(%dma_start3A_1014 : memref<100001x128xf32, #tpu.memory_space<hbm>>) target(%arg9 : memref<128x128xf32, #tpu.memory_space<vmem>>) offsets(%dma_start3A_1011 : memref<128xi32, #tpu.memory_space<vmem>>) semaphore(%arg16 : memref<!tpu.dma_semaphore, #tpu.memory_space<semaphore_mem>>)
    %dma_wait3A_1015 = arith.constant 0 : i32
    %dma_wait3A_1016 = tpu.memref_slice %arg5[%add3A_864, %dma_wait3A_1015] : memref<64x128xi32, #tpu.memory_space<vmem>> -> memref<1x128xi32, #tpu.memory_space<vmem>>
    %dma_wait3A_1017 = tpu.memref_squeeze %dma_wait3A_1016 : memref<1x128xi32, #tpu.memory_space<vmem>> -> memref<128xi32, #tpu.memory_space<vmem>>
    %dma_wait3A_1018 = arith.constant 0 : i32
    %dma_wait3A_1019 = arith.constant 0 : i32
    %dma_wait3A_1020 = tpu.memref_slice %arg3[%dma_wait3A_1018, %dma_wait3A_1019] : memref<100001x128xf32, #tpu.memory_space<hbm>> -> memref<100001x128xf32, #tpu.memory_space<hbm>>
    tpu.wait_indirect_dma semaphore(%arg17 : memref<!tpu.dma_semaphore, #tpu.memory_space<semaphore_mem>>) src(%dma_wait3A_1020 : memref<100001x128xf32, #tpu.memory_space<hbm>>) dst(%arg10 : memref<128x128xf32, #tpu.memory_space<vmem>>)
    %add3A_1021 = arith.constant 4992 : i32
    %add3A_1022 = arith.addi %multiple_of3A, %add3A_1021 : i32
    %dma_start3A_1023 = arith.constant 0 : i32
    %dma_start3A_1024 = tpu.memref_slice %arg4[%add3A_1022, %dma_start3A_1023] : memref<204800x128xf32, #tpu.memory_space<hbm>> -> memref<128x128xf32, #tpu.memory_space<hbm>>
    %dma_start3A_1025 = arith.constant 0 : i32
    %dma_start3A_1026 = tpu.memref_slice %arg4[%add3A_1022, %dma_start3A_1025] : memref<204800x128xf32, #tpu.memory_space<hbm>> -> memref<128x128xf32, #tpu.memory_space<hbm>>
    tpu.enqueue_dma source(%arg10 : memref<128x128xf32, #tpu.memory_space<vmem>>) target(%dma_start3A_1026 : memref<128x128xf32, #tpu.memory_space<hbm>>) target_semaphore(%arg24 : memref<!tpu.dma_semaphore, #tpu.memory_space<semaphore_mem>>)
    %dma_wait3A_1027 = arith.constant 0 : i32
    %dma_wait3A_1028 = tpu.memref_slice %arg4[%add3A_1022, %dma_wait3A_1027] : memref<204800x128xf32, #tpu.memory_space<hbm>> -> memref<128x128xf32, #tpu.memory_space<hbm>>
    %dma_wait3A_1029 = arith.constant 0 : i32
    %dma_wait3A_1030 = tpu.memref_slice %arg4[%add3A_1022, %dma_wait3A_1029] : memref<204800x128xf32, #tpu.memory_space<hbm>> -> memref<128x128xf32, #tpu.memory_space<hbm>>
    tpu.wait_dma2 semaphore(%arg24 : memref<!tpu.dma_semaphore, #tpu.memory_space<semaphore_mem>>) src(%arg10 : memref<128x128xf32, #tpu.memory_space<vmem>>) dst(%dma_wait3A_1030 : memref<128x128xf32, #tpu.memory_space<hbm>>)
    %add3A_1031 = arith.constant 46 : i32
    %add3A_1032 = arith.addi %sub3A_24, %add3A_1031 : i32
    %dma_start3A_1033 = arith.constant 0 : i32
    %dma_start3A_1034 = tpu.memref_slice %arg5[%add3A_1032, %dma_start3A_1033] : memref<64x128xi32, #tpu.memory_space<vmem>> -> memref<1x128xi32, #tpu.memory_space<vmem>>
    %dma_start3A_1035 = tpu.memref_squeeze %dma_start3A_1034 : memref<1x128xi32, #tpu.memory_space<vmem>> -> memref<128xi32, #tpu.memory_space<vmem>>
    %dma_start3A_1036 = arith.constant 0 : i32
    %dma_start3A_1037 = arith.constant 0 : i32
    %dma_start3A_1038 = tpu.memref_slice %arg3[%dma_start3A_1036, %dma_start3A_1037] : memref<100001x128xf32, #tpu.memory_space<hbm>> -> memref<100001x128xf32, #tpu.memory_space<hbm>>
    tpu.enqueue_indirect_dma source(%dma_start3A_1038 : memref<100001x128xf32, #tpu.memory_space<hbm>>) target(%arg10 : memref<128x128xf32, #tpu.memory_space<vmem>>) offsets(%dma_start3A_1035 : memref<128xi32, #tpu.memory_space<vmem>>) semaphore(%arg17 : memref<!tpu.dma_semaphore, #tpu.memory_space<semaphore_mem>>)
    %dma_wait3A_1039 = arith.constant 0 : i32
    %dma_wait3A_1040 = tpu.memref_slice %arg5[%add3A_888, %dma_wait3A_1039] : memref<64x128xi32, #tpu.memory_space<vmem>> -> memref<1x128xi32, #tpu.memory_space<vmem>>
    %dma_wait3A_1041 = tpu.memref_squeeze %dma_wait3A_1040 : memref<1x128xi32, #tpu.memory_space<vmem>> -> memref<128xi32, #tpu.memory_space<vmem>>
    %dma_wait3A_1042 = arith.constant 0 : i32
    %dma_wait3A_1043 = arith.constant 0 : i32
    %dma_wait3A_1044 = tpu.memref_slice %arg3[%dma_wait3A_1042, %dma_wait3A_1043] : memref<100001x128xf32, #tpu.memory_space<hbm>> -> memref<100001x128xf32, #tpu.memory_space<hbm>>
    tpu.wait_indirect_dma semaphore(%arg18 : memref<!tpu.dma_semaphore, #tpu.memory_space<semaphore_mem>>) src(%dma_wait3A_1044 : memref<100001x128xf32, #tpu.memory_space<hbm>>) dst(%arg11 : memref<128x128xf32, #tpu.memory_space<vmem>>)
    %add3A_1045 = arith.constant 5120 : i32
    %add3A_1046 = arith.addi %multiple_of3A, %add3A_1045 : i32
    %dma_start3A_1047 = arith.constant 0 : i32
    %dma_start3A_1048 = tpu.memref_slice %arg4[%add3A_1046, %dma_start3A_1047] : memref<204800x128xf32, #tpu.memory_space<hbm>> -> memref<128x128xf32, #tpu.memory_space<hbm>>
    %dma_start3A_1049 = arith.constant 0 : i32
    %dma_start3A_1050 = tpu.memref_slice %arg4[%add3A_1046, %dma_start3A_1049] : memref<204800x128xf32, #tpu.memory_space<hbm>> -> memref<128x128xf32, #tpu.memory_space<hbm>>
    tpu.enqueue_dma source(%arg11 : memref<128x128xf32, #tpu.memory_space<vmem>>) target(%dma_start3A_1050 : memref<128x128xf32, #tpu.memory_space<hbm>>) target_semaphore(%arg25 : memref<!tpu.dma_semaphore, #tpu.memory_space<semaphore_mem>>)
    %dma_wait3A_1051 = arith.constant 0 : i32
    %dma_wait3A_1052 = tpu.memref_slice %arg4[%add3A_1046, %dma_wait3A_1051] : memref<204800x128xf32, #tpu.memory_space<hbm>> -> memref<128x128xf32, #tpu.memory_space<hbm>>
    %dma_wait3A_1053 = arith.constant 0 : i32
    %dma_wait3A_1054 = tpu.memref_slice %arg4[%add3A_1046, %dma_wait3A_1053] : memref<204800x128xf32, #tpu.memory_space<hbm>> -> memref<128x128xf32, #tpu.memory_space<hbm>>
    tpu.wait_dma2 semaphore(%arg25 : memref<!tpu.dma_semaphore, #tpu.memory_space<semaphore_mem>>) src(%arg11 : memref<128x128xf32, #tpu.memory_space<vmem>>) dst(%dma_wait3A_1054 : memref<128x128xf32, #tpu.memory_space<hbm>>)
    %add3A_1055 = arith.constant 47 : i32
    %add3A_1056 = arith.addi %sub3A_24, %add3A_1055 : i32
    %dma_start3A_1057 = arith.constant 0 : i32
    %dma_start3A_1058 = tpu.memref_slice %arg5[%add3A_1056, %dma_start3A_1057] : memref<64x128xi32, #tpu.memory_space<vmem>> -> memref<1x128xi32, #tpu.memory_space<vmem>>
    %dma_start3A_1059 = tpu.memref_squeeze %dma_start3A_1058 : memref<1x128xi32, #tpu.memory_space<vmem>> -> memref<128xi32, #tpu.memory_space<vmem>>
    %dma_start3A_1060 = arith.constant 0 : i32
    %dma_start3A_1061 = arith.constant 0 : i32
    %dma_start3A_1062 = tpu.memref_slice %arg3[%dma_start3A_1060, %dma_start3A_1061] : memref<100001x128xf32, #tpu.memory_space<hbm>> -> memref<100001x128xf32, #tpu.memory_space<hbm>>
    tpu.enqueue_indirect_dma source(%dma_start3A_1062 : memref<100001x128xf32, #tpu.memory_space<hbm>>) target(%arg11 : memref<128x128xf32, #tpu.memory_space<vmem>>) offsets(%dma_start3A_1059 : memref<128xi32, #tpu.memory_space<vmem>>) semaphore(%arg18 : memref<!tpu.dma_semaphore, #tpu.memory_space<semaphore_mem>>)
    %dma_wait3A_1063 = arith.constant 0 : i32
    %dma_wait3A_1064 = tpu.memref_slice %arg5[%add3A_912, %dma_wait3A_1063] : memref<64x128xi32, #tpu.memory_space<vmem>> -> memref<1x128xi32, #tpu.memory_space<vmem>>
    %dma_wait3A_1065 = tpu.memref_squeeze %dma_wait3A_1064 : memref<1x128xi32, #tpu.memory_space<vmem>> -> memref<128xi32, #tpu.memory_space<vmem>>
    %dma_wait3A_1066 = arith.constant 0 : i32
    %dma_wait3A_1067 = arith.constant 0 : i32
    %dma_wait3A_1068 = tpu.memref_slice %arg3[%dma_wait3A_1066, %dma_wait3A_1067] : memref<100001x128xf32, #tpu.memory_space<hbm>> -> memref<100001x128xf32, #tpu.memory_space<hbm>>
    tpu.wait_indirect_dma semaphore(%arg19 : memref<!tpu.dma_semaphore, #tpu.memory_space<semaphore_mem>>) src(%dma_wait3A_1068 : memref<100001x128xf32, #tpu.memory_space<hbm>>) dst(%arg12 : memref<128x128xf32, #tpu.memory_space<vmem>>)
    %add3A_1069 = arith.constant 5248 : i32
    %add3A_1070 = arith.addi %multiple_of3A, %add3A_1069 : i32
    %dma_start3A_1071 = arith.constant 0 : i32
    %dma_start3A_1072 = tpu.memref_slice %arg4[%add3A_1070, %dma_start3A_1071] : memref<204800x128xf32, #tpu.memory_space<hbm>> -> memref<128x128xf32, #tpu.memory_space<hbm>>
    %dma_start3A_1073 = arith.constant 0 : i32
    %dma_start3A_1074 = tpu.memref_slice %arg4[%add3A_1070, %dma_start3A_1073] : memref<204800x128xf32, #tpu.memory_space<hbm>> -> memref<128x128xf32, #tpu.memory_space<hbm>>
    tpu.enqueue_dma source(%arg12 : memref<128x128xf32, #tpu.memory_space<vmem>>) target(%dma_start3A_1074 : memref<128x128xf32, #tpu.memory_space<hbm>>) target_semaphore(%arg26 : memref<!tpu.dma_semaphore, #tpu.memory_space<semaphore_mem>>)
    %dma_wait3A_1075 = arith.constant 0 : i32
    %dma_wait3A_1076 = tpu.memref_slice %arg4[%add3A_1070, %dma_wait3A_1075] : memref<204800x128xf32, #tpu.memory_space<hbm>> -> memref<128x128xf32, #tpu.memory_space<hbm>>
    %dma_wait3A_1077 = arith.constant 0 : i32
    %dma_wait3A_1078 = tpu.memref_slice %arg4[%add3A_1070, %dma_wait3A_1077] : memref<204800x128xf32, #tpu.memory_space<hbm>> -> memref<128x128xf32, #tpu.memory_space<hbm>>
    tpu.wait_dma2 semaphore(%arg26 : memref<!tpu.dma_semaphore, #tpu.memory_space<semaphore_mem>>) src(%arg12 : memref<128x128xf32, #tpu.memory_space<vmem>>) dst(%dma_wait3A_1078 : memref<128x128xf32, #tpu.memory_space<hbm>>)
    %add3A_1079 = arith.constant 48 : i32
    %add3A_1080 = arith.addi %sub3A_24, %add3A_1079 : i32
    %dma_start3A_1081 = arith.constant 0 : i32
    %dma_start3A_1082 = tpu.memref_slice %arg5[%add3A_1080, %dma_start3A_1081] : memref<64x128xi32, #tpu.memory_space<vmem>> -> memref<1x128xi32, #tpu.memory_space<vmem>>
    %dma_start3A_1083 = tpu.memref_squeeze %dma_start3A_1082 : memref<1x128xi32, #tpu.memory_space<vmem>> -> memref<128xi32, #tpu.memory_space<vmem>>
    %dma_start3A_1084 = arith.constant 0 : i32
    %dma_start3A_1085 = arith.constant 0 : i32
    %dma_start3A_1086 = tpu.memref_slice %arg3[%dma_start3A_1084, %dma_start3A_1085] : memref<100001x128xf32, #tpu.memory_space<hbm>> -> memref<100001x128xf32, #tpu.memory_space<hbm>>
    tpu.enqueue_indirect_dma source(%dma_start3A_1086 : memref<100001x128xf32, #tpu.memory_space<hbm>>) target(%arg12 : memref<128x128xf32, #tpu.memory_space<vmem>>) offsets(%dma_start3A_1083 : memref<128xi32, #tpu.memory_space<vmem>>) semaphore(%arg19 : memref<!tpu.dma_semaphore, #tpu.memory_space<semaphore_mem>>)
    %dma_wait3A_1087 = arith.constant 0 : i32
    %dma_wait3A_1088 = tpu.memref_slice %arg5[%add3A_936, %dma_wait3A_1087] : memref<64x128xi32, #tpu.memory_space<vmem>> -> memref<1x128xi32, #tpu.memory_space<vmem>>
    %dma_wait3A_1089 = tpu.memref_squeeze %dma_wait3A_1088 : memref<1x128xi32, #tpu.memory_space<vmem>> -> memref<128xi32, #tpu.memory_space<vmem>>
    %dma_wait3A_1090 = arith.constant 0 : i32
    %dma_wait3A_1091 = arith.constant 0 : i32
    %dma_wait3A_1092 = tpu.memref_slice %arg3[%dma_wait3A_1090, %dma_wait3A_1091] : memref<100001x128xf32, #tpu.memory_space<hbm>> -> memref<100001x128xf32, #tpu.memory_space<hbm>>
    tpu.wait_indirect_dma semaphore(%arg13 : memref<!tpu.dma_semaphore, #tpu.memory_space<semaphore_mem>>) src(%dma_wait3A_1092 : memref<100001x128xf32, #tpu.memory_space<hbm>>) dst(%arg6 : memref<128x128xf32, #tpu.memory_space<vmem>>)
    %add3A_1093 = arith.constant 5376 : i32
    %add3A_1094 = arith.addi %multiple_of3A, %add3A_1093 : i32
    %dma_start3A_1095 = arith.constant 0 : i32
    %dma_start3A_1096 = tpu.memref_slice %arg4[%add3A_1094, %dma_start3A_1095] : memref<204800x128xf32, #tpu.memory_space<hbm>> -> memref<128x128xf32, #tpu.memory_space<hbm>>
    %dma_start3A_1097 = arith.constant 0 : i32
    %dma_start3A_1098 = tpu.memref_slice %arg4[%add3A_1094, %dma_start3A_1097] : memref<204800x128xf32, #tpu.memory_space<hbm>> -> memref<128x128xf32, #tpu.memory_space<hbm>>
    tpu.enqueue_dma source(%arg6 : memref<128x128xf32, #tpu.memory_space<vmem>>) target(%dma_start3A_1098 : memref<128x128xf32, #tpu.memory_space<hbm>>) target_semaphore(%arg20 : memref<!tpu.dma_semaphore, #tpu.memory_space<semaphore_mem>>)
    %dma_wait3A_1099 = arith.constant 0 : i32
    %dma_wait3A_1100 = tpu.memref_slice %arg4[%add3A_1094, %dma_wait3A_1099] : memref<204800x128xf32, #tpu.memory_space<hbm>> -> memref<128x128xf32, #tpu.memory_space<hbm>>
    %dma_wait3A_1101 = arith.constant 0 : i32
    %dma_wait3A_1102 = tpu.memref_slice %arg4[%add3A_1094, %dma_wait3A_1101] : memref<204800x128xf32, #tpu.memory_space<hbm>> -> memref<128x128xf32, #tpu.memory_space<hbm>>
    tpu.wait_dma2 semaphore(%arg20 : memref<!tpu.dma_semaphore, #tpu.memory_space<semaphore_mem>>) src(%arg6 : memref<128x128xf32, #tpu.memory_space<vmem>>) dst(%dma_wait3A_1102 : memref<128x128xf32, #tpu.memory_space<hbm>>)
    %add3A_1103 = arith.constant 49 : i32
    %add3A_1104 = arith.addi %sub3A_24, %add3A_1103 : i32
    %dma_start3A_1105 = arith.constant 0 : i32
    %dma_start3A_1106 = tpu.memref_slice %arg5[%add3A_1104, %dma_start3A_1105] : memref<64x128xi32, #tpu.memory_space<vmem>> -> memref<1x128xi32, #tpu.memory_space<vmem>>
    %dma_start3A_1107 = tpu.memref_squeeze %dma_start3A_1106 : memref<1x128xi32, #tpu.memory_space<vmem>> -> memref<128xi32, #tpu.memory_space<vmem>>
    %dma_start3A_1108 = arith.constant 0 : i32
    %dma_start3A_1109 = arith.constant 0 : i32
    %dma_start3A_1110 = tpu.memref_slice %arg3[%dma_start3A_1108, %dma_start3A_1109] : memref<100001x128xf32, #tpu.memory_space<hbm>> -> memref<100001x128xf32, #tpu.memory_space<hbm>>
    tpu.enqueue_indirect_dma source(%dma_start3A_1110 : memref<100001x128xf32, #tpu.memory_space<hbm>>) target(%arg6 : memref<128x128xf32, #tpu.memory_space<vmem>>) offsets(%dma_start3A_1107 : memref<128xi32, #tpu.memory_space<vmem>>) semaphore(%arg13 : memref<!tpu.dma_semaphore, #tpu.memory_space<semaphore_mem>>)
    %dma_wait3A_1111 = arith.constant 0 : i32
    %dma_wait3A_1112 = tpu.memref_slice %arg5[%add3A_960, %dma_wait3A_1111] : memref<64x128xi32, #tpu.memory_space<vmem>> -> memref<1x128xi32, #tpu.memory_space<vmem>>
    %dma_wait3A_1113 = tpu.memref_squeeze %dma_wait3A_1112 : memref<1x128xi32, #tpu.memory_space<vmem>> -> memref<128xi32, #tpu.memory_space<vmem>>
    %dma_wait3A_1114 = arith.constant 0 : i32
    %dma_wait3A_1115 = arith.constant 0 : i32
    %dma_wait3A_1116 = tpu.memref_slice %arg3[%dma_wait3A_1114, %dma_wait3A_1115] : memref<100001x128xf32, #tpu.memory_space<hbm>> -> memref<100001x128xf32, #tpu.memory_space<hbm>>
    tpu.wait_indirect_dma semaphore(%arg14 : memref<!tpu.dma_semaphore, #tpu.memory_space<semaphore_mem>>) src(%dma_wait3A_1116 : memref<100001x128xf32, #tpu.memory_space<hbm>>) dst(%arg7 : memref<128x128xf32, #tpu.memory_space<vmem>>)
    %add3A_1117 = arith.constant 5504 : i32
    %add3A_1118 = arith.addi %multiple_of3A, %add3A_1117 : i32
    %dma_start3A_1119 = arith.constant 0 : i32
    %dma_start3A_1120 = tpu.memref_slice %arg4[%add3A_1118, %dma_start3A_1119] : memref<204800x128xf32, #tpu.memory_space<hbm>> -> memref<128x128xf32, #tpu.memory_space<hbm>>
    %dma_start3A_1121 = arith.constant 0 : i32
    %dma_start3A_1122 = tpu.memref_slice %arg4[%add3A_1118, %dma_start3A_1121] : memref<204800x128xf32, #tpu.memory_space<hbm>> -> memref<128x128xf32, #tpu.memory_space<hbm>>
    tpu.enqueue_dma source(%arg7 : memref<128x128xf32, #tpu.memory_space<vmem>>) target(%dma_start3A_1122 : memref<128x128xf32, #tpu.memory_space<hbm>>) target_semaphore(%arg21 : memref<!tpu.dma_semaphore, #tpu.memory_space<semaphore_mem>>)
    %dma_wait3A_1123 = arith.constant 0 : i32
    %dma_wait3A_1124 = tpu.memref_slice %arg5[%add3A_984, %dma_wait3A_1123] : memref<64x128xi32, #tpu.memory_space<vmem>> -> memref<1x128xi32, #tpu.memory_space<vmem>>
    %dma_wait3A_1125 = tpu.memref_squeeze %dma_wait3A_1124 : memref<1x128xi32, #tpu.memory_space<vmem>> -> memref<128xi32, #tpu.memory_space<vmem>>
    %dma_wait3A_1126 = arith.constant 0 : i32
    %dma_wait3A_1127 = arith.constant 0 : i32
    %dma_wait3A_1128 = tpu.memref_slice %arg3[%dma_wait3A_1126, %dma_wait3A_1127] : memref<100001x128xf32, #tpu.memory_space<hbm>> -> memref<100001x128xf32, #tpu.memory_space<hbm>>
    tpu.wait_indirect_dma semaphore(%arg15 : memref<!tpu.dma_semaphore, #tpu.memory_space<semaphore_mem>>) src(%dma_wait3A_1128 : memref<100001x128xf32, #tpu.memory_space<hbm>>) dst(%arg8 : memref<128x128xf32, #tpu.memory_space<vmem>>)
    %add3A_1129 = arith.constant 5632 : i32
    %add3A_1130 = arith.addi %multiple_of3A, %add3A_1129 : i32
    %dma_start3A_1131 = arith.constant 0 : i32
    %dma_start3A_1132 = tpu.memref_slice %arg4[%add3A_1130, %dma_start3A_1131] : memref<204800x128xf32, #tpu.memory_space<hbm>> -> memref<128x128xf32, #tpu.memory_space<hbm>>
    %dma_start3A_1133 = arith.constant 0 : i32
    %dma_start3A_1134 = tpu.memref_slice %arg4[%add3A_1130, %dma_start3A_1133] : memref<204800x128xf32, #tpu.memory_space<hbm>> -> memref<128x128xf32, #tpu.memory_space<hbm>>
    tpu.enqueue_dma source(%arg8 : memref<128x128xf32, #tpu.memory_space<vmem>>) target(%dma_start3A_1134 : memref<128x128xf32, #tpu.memory_space<hbm>>) target_semaphore(%arg22 : memref<!tpu.dma_semaphore, #tpu.memory_space<semaphore_mem>>)
    %dma_wait3A_1135 = arith.constant 0 : i32
    %dma_wait3A_1136 = tpu.memref_slice %arg5[%add3A_1008, %dma_wait3A_1135] : memref<64x128xi32, #tpu.memory_space<vmem>> -> memref<1x128xi32, #tpu.memory_space<vmem>>
    %dma_wait3A_1137 = tpu.memref_squeeze %dma_wait3A_1136 : memref<1x128xi32, #tpu.memory_space<vmem>> -> memref<128xi32, #tpu.memory_space<vmem>>
    %dma_wait3A_1138 = arith.constant 0 : i32
    %dma_wait3A_1139 = arith.constant 0 : i32
    %dma_wait3A_1140 = tpu.memref_slice %arg3[%dma_wait3A_1138, %dma_wait3A_1139] : memref<100001x128xf32, #tpu.memory_space<hbm>> -> memref<100001x128xf32, #tpu.memory_space<hbm>>
    tpu.wait_indirect_dma semaphore(%arg16 : memref<!tpu.dma_semaphore, #tpu.memory_space<semaphore_mem>>) src(%dma_wait3A_1140 : memref<100001x128xf32, #tpu.memory_space<hbm>>) dst(%arg9 : memref<128x128xf32, #tpu.memory_space<vmem>>)
    %add3A_1141 = arith.constant 5760 : i32
    %add3A_1142 = arith.addi %multiple_of3A, %add3A_1141 : i32
    %dma_start3A_1143 = arith.constant 0 : i32
    %dma_start3A_1144 = tpu.memref_slice %arg4[%add3A_1142, %dma_start3A_1143] : memref<204800x128xf32, #tpu.memory_space<hbm>> -> memref<128x128xf32, #tpu.memory_space<hbm>>
    %dma_start3A_1145 = arith.constant 0 : i32
    %dma_start3A_1146 = tpu.memref_slice %arg4[%add3A_1142, %dma_start3A_1145] : memref<204800x128xf32, #tpu.memory_space<hbm>> -> memref<128x128xf32, #tpu.memory_space<hbm>>
    tpu.enqueue_dma source(%arg9 : memref<128x128xf32, #tpu.memory_space<vmem>>) target(%dma_start3A_1146 : memref<128x128xf32, #tpu.memory_space<hbm>>) target_semaphore(%arg23 : memref<!tpu.dma_semaphore, #tpu.memory_space<semaphore_mem>>)
    %dma_wait3A_1147 = arith.constant 0 : i32
    %dma_wait3A_1148 = tpu.memref_slice %arg5[%add3A_1032, %dma_wait3A_1147] : memref<64x128xi32, #tpu.memory_space<vmem>> -> memref<1x128xi32, #tpu.memory_space<vmem>>
    %dma_wait3A_1149 = tpu.memref_squeeze %dma_wait3A_1148 : memref<1x128xi32, #tpu.memory_space<vmem>> -> memref<128xi32, #tpu.memory_space<vmem>>
    %dma_wait3A_1150 = arith.constant 0 : i32
    %dma_wait3A_1151 = arith.constant 0 : i32
    %dma_wait3A_1152 = tpu.memref_slice %arg3[%dma_wait3A_1150, %dma_wait3A_1151] : memref<100001x128xf32, #tpu.memory_space<hbm>> -> memref<100001x128xf32, #tpu.memory_space<hbm>>
    tpu.wait_indirect_dma semaphore(%arg17 : memref<!tpu.dma_semaphore, #tpu.memory_space<semaphore_mem>>) src(%dma_wait3A_1152 : memref<100001x128xf32, #tpu.memory_space<hbm>>) dst(%arg10 : memref<128x128xf32, #tpu.memory_space<vmem>>)
    %add3A_1153 = arith.constant 5888 : i32
    %add3A_1154 = arith.addi %multiple_of3A, %add3A_1153 : i32
    %dma_start3A_1155 = arith.constant 0 : i32
    %dma_start3A_1156 = tpu.memref_slice %arg4[%add3A_1154, %dma_start3A_1155] : memref<204800x128xf32, #tpu.memory_space<hbm>> -> memref<128x128xf32, #tpu.memory_space<hbm>>
    %dma_start3A_1157 = arith.constant 0 : i32
    %dma_start3A_1158 = tpu.memref_slice %arg4[%add3A_1154, %dma_start3A_1157] : memref<204800x128xf32, #tpu.memory_space<hbm>> -> memref<128x128xf32, #tpu.memory_space<hbm>>
    tpu.enqueue_dma source(%arg10 : memref<128x128xf32, #tpu.memory_space<vmem>>) target(%dma_start3A_1158 : memref<128x128xf32, #tpu.memory_space<hbm>>) target_semaphore(%arg24 : memref<!tpu.dma_semaphore, #tpu.memory_space<semaphore_mem>>)
    %dma_wait3A_1159 = arith.constant 0 : i32
    %dma_wait3A_1160 = tpu.memref_slice %arg5[%add3A_1056, %dma_wait3A_1159] : memref<64x128xi32, #tpu.memory_space<vmem>> -> memref<1x128xi32, #tpu.memory_space<vmem>>
    %dma_wait3A_1161 = tpu.memref_squeeze %dma_wait3A_1160 : memref<1x128xi32, #tpu.memory_space<vmem>> -> memref<128xi32, #tpu.memory_space<vmem>>
    %dma_wait3A_1162 = arith.constant 0 : i32
    %dma_wait3A_1163 = arith.constant 0 : i32
    %dma_wait3A_1164 = tpu.memref_slice %arg3[%dma_wait3A_1162, %dma_wait3A_1163] : memref<100001x128xf32, #tpu.memory_space<hbm>> -> memref<100001x128xf32, #tpu.memory_space<hbm>>
    tpu.wait_indirect_dma semaphore(%arg18 : memref<!tpu.dma_semaphore, #tpu.memory_space<semaphore_mem>>) src(%dma_wait3A_1164 : memref<100001x128xf32, #tpu.memory_space<hbm>>) dst(%arg11 : memref<128x128xf32, #tpu.memory_space<vmem>>)
    %add3A_1165 = arith.constant 6016 : i32
    %add3A_1166 = arith.addi %multiple_of3A, %add3A_1165 : i32
    %dma_start3A_1167 = arith.constant 0 : i32
    %dma_start3A_1168 = tpu.memref_slice %arg4[%add3A_1166, %dma_start3A_1167] : memref<204800x128xf32, #tpu.memory_space<hbm>> -> memref<128x128xf32, #tpu.memory_space<hbm>>
    %dma_start3A_1169 = arith.constant 0 : i32
    %dma_start3A_1170 = tpu.memref_slice %arg4[%add3A_1166, %dma_start3A_1169] : memref<204800x128xf32, #tpu.memory_space<hbm>> -> memref<128x128xf32, #tpu.memory_space<hbm>>
    tpu.enqueue_dma source(%arg11 : memref<128x128xf32, #tpu.memory_space<vmem>>) target(%dma_start3A_1170 : memref<128x128xf32, #tpu.memory_space<hbm>>) target_semaphore(%arg25 : memref<!tpu.dma_semaphore, #tpu.memory_space<semaphore_mem>>)
    %dma_wait3A_1171 = arith.constant 0 : i32
    %dma_wait3A_1172 = tpu.memref_slice %arg5[%add3A_1080, %dma_wait3A_1171] : memref<64x128xi32, #tpu.memory_space<vmem>> -> memref<1x128xi32, #tpu.memory_space<vmem>>
    %dma_wait3A_1173 = tpu.memref_squeeze %dma_wait3A_1172 : memref<1x128xi32, #tpu.memory_space<vmem>> -> memref<128xi32, #tpu.memory_space<vmem>>
    %dma_wait3A_1174 = arith.constant 0 : i32
    %dma_wait3A_1175 = arith.constant 0 : i32
    %dma_wait3A_1176 = tpu.memref_slice %arg3[%dma_wait3A_1174, %dma_wait3A_1175] : memref<100001x128xf32, #tpu.memory_space<hbm>> -> memref<100001x128xf32, #tpu.memory_space<hbm>>
    tpu.wait_indirect_dma semaphore(%arg19 : memref<!tpu.dma_semaphore, #tpu.memory_space<semaphore_mem>>) src(%dma_wait3A_1176 : memref<100001x128xf32, #tpu.memory_space<hbm>>) dst(%arg12 : memref<128x128xf32, #tpu.memory_space<vmem>>)
    %add3A_1177 = arith.constant 6144 : i32
    %add3A_1178 = arith.addi %multiple_of3A, %add3A_1177 : i32
    %dma_start3A_1179 = arith.constant 0 : i32
    %dma_start3A_1180 = tpu.memref_slice %arg4[%add3A_1178, %dma_start3A_1179] : memref<204800x128xf32, #tpu.memory_space<hbm>> -> memref<128x128xf32, #tpu.memory_space<hbm>>
    %dma_start3A_1181 = arith.constant 0 : i32
    %dma_start3A_1182 = tpu.memref_slice %arg4[%add3A_1178, %dma_start3A_1181] : memref<204800x128xf32, #tpu.memory_space<hbm>> -> memref<128x128xf32, #tpu.memory_space<hbm>>
    tpu.enqueue_dma source(%arg12 : memref<128x128xf32, #tpu.memory_space<vmem>>) target(%dma_start3A_1182 : memref<128x128xf32, #tpu.memory_space<hbm>>) target_semaphore(%arg26 : memref<!tpu.dma_semaphore, #tpu.memory_space<semaphore_mem>>)
    %dma_wait3A_1183 = arith.constant 0 : i32
    %dma_wait3A_1184 = tpu.memref_slice %arg5[%add3A_1104, %dma_wait3A_1183] : memref<64x128xi32, #tpu.memory_space<vmem>> -> memref<1x128xi32, #tpu.memory_space<vmem>>
    %dma_wait3A_1185 = tpu.memref_squeeze %dma_wait3A_1184 : memref<1x128xi32, #tpu.memory_space<vmem>> -> memref<128xi32, #tpu.memory_space<vmem>>
    %dma_wait3A_1186 = arith.constant 0 : i32
    %dma_wait3A_1187 = arith.constant 0 : i32
    %dma_wait3A_1188 = tpu.memref_slice %arg3[%dma_wait3A_1186, %dma_wait3A_1187] : memref<100001x128xf32, #tpu.memory_space<hbm>> -> memref<100001x128xf32, #tpu.memory_space<hbm>>
    tpu.wait_indirect_dma semaphore(%arg13 : memref<!tpu.dma_semaphore, #tpu.memory_space<semaphore_mem>>) src(%dma_wait3A_1188 : memref<100001x128xf32, #tpu.memory_space<hbm>>) dst(%arg6 : memref<128x128xf32, #tpu.memory_space<vmem>>)
    %add3A_1189 = arith.constant 6272 : i32
    %add3A_1190 = arith.addi %multiple_of3A, %add3A_1189 : i32
    %dma_start3A_1191 = arith.constant 0 : i32
    %dma_start3A_1192 = tpu.memref_slice %arg4[%add3A_1190, %dma_start3A_1191] : memref<204800x128xf32, #tpu.memory_space<hbm>> -> memref<128x128xf32, #tpu.memory_space<hbm>>
    %dma_start3A_1193 = arith.constant 0 : i32
    %dma_start3A_1194 = tpu.memref_slice %arg4[%add3A_1190, %dma_start3A_1193] : memref<204800x128xf32, #tpu.memory_space<hbm>> -> memref<128x128xf32, #tpu.memory_space<hbm>>
    tpu.enqueue_dma source(%arg6 : memref<128x128xf32, #tpu.memory_space<vmem>>) target(%dma_start3A_1194 : memref<128x128xf32, #tpu.memory_space<hbm>>) target_semaphore(%arg20 : memref<!tpu.dma_semaphore, #tpu.memory_space<semaphore_mem>>)
    %dma_wait3A_1195 = arith.constant 0 : i32
    %dma_wait3A_1196 = tpu.memref_slice %arg4[%add3A_1190, %dma_wait3A_1195] : memref<204800x128xf32, #tpu.memory_space<hbm>> -> memref<128x128xf32, #tpu.memory_space<hbm>>
    %dma_wait3A_1197 = arith.constant 0 : i32
    %dma_wait3A_1198 = tpu.memref_slice %arg4[%add3A_1190, %dma_wait3A_1197] : memref<204800x128xf32, #tpu.memory_space<hbm>> -> memref<128x128xf32, #tpu.memory_space<hbm>>
    tpu.wait_dma2 semaphore(%arg20 : memref<!tpu.dma_semaphore, #tpu.memory_space<semaphore_mem>>) src(%arg6 : memref<128x128xf32, #tpu.memory_space<vmem>>) dst(%dma_wait3A_1198 : memref<128x128xf32, #tpu.memory_space<hbm>>)
    %dma_wait3A_1199 = arith.constant 0 : i32
    %dma_wait3A_1200 = tpu.memref_slice %arg4[%add3A_1118, %dma_wait3A_1199] : memref<204800x128xf32, #tpu.memory_space<hbm>> -> memref<128x128xf32, #tpu.memory_space<hbm>>
    %dma_wait3A_1201 = arith.constant 0 : i32
    %dma_wait3A_1202 = tpu.memref_slice %arg4[%add3A_1118, %dma_wait3A_1201] : memref<204800x128xf32, #tpu.memory_space<hbm>> -> memref<128x128xf32, #tpu.memory_space<hbm>>
    tpu.wait_dma2 semaphore(%arg21 : memref<!tpu.dma_semaphore, #tpu.memory_space<semaphore_mem>>) src(%arg7 : memref<128x128xf32, #tpu.memory_space<vmem>>) dst(%dma_wait3A_1202 : memref<128x128xf32, #tpu.memory_space<hbm>>)
    %dma_wait3A_1203 = arith.constant 0 : i32
    %dma_wait3A_1204 = tpu.memref_slice %arg4[%add3A_1130, %dma_wait3A_1203] : memref<204800x128xf32, #tpu.memory_space<hbm>> -> memref<128x128xf32, #tpu.memory_space<hbm>>
    %dma_wait3A_1205 = arith.constant 0 : i32
    %dma_wait3A_1206 = tpu.memref_slice %arg4[%add3A_1130, %dma_wait3A_1205] : memref<204800x128xf32, #tpu.memory_space<hbm>> -> memref<128x128xf32, #tpu.memory_space<hbm>>
    tpu.wait_dma2 semaphore(%arg22 : memref<!tpu.dma_semaphore, #tpu.memory_space<semaphore_mem>>) src(%arg8 : memref<128x128xf32, #tpu.memory_space<vmem>>) dst(%dma_wait3A_1206 : memref<128x128xf32, #tpu.memory_space<hbm>>)
    %dma_wait3A_1207 = arith.constant 0 : i32
    %dma_wait3A_1208 = tpu.memref_slice %arg4[%add3A_1142, %dma_wait3A_1207] : memref<204800x128xf32, #tpu.memory_space<hbm>> -> memref<128x128xf32, #tpu.memory_space<hbm>>
    %dma_wait3A_1209 = arith.constant 0 : i32
    %dma_wait3A_1210 = tpu.memref_slice %arg4[%add3A_1142, %dma_wait3A_1209] : memref<204800x128xf32, #tpu.memory_space<hbm>> -> memref<128x128xf32, #tpu.memory_space<hbm>>
    tpu.wait_dma2 semaphore(%arg23 : memref<!tpu.dma_semaphore, #tpu.memory_space<semaphore_mem>>) src(%arg9 : memref<128x128xf32, #tpu.memory_space<vmem>>) dst(%dma_wait3A_1210 : memref<128x128xf32, #tpu.memory_space<hbm>>)
    %dma_wait3A_1211 = arith.constant 0 : i32
    %dma_wait3A_1212 = tpu.memref_slice %arg4[%add3A_1154, %dma_wait3A_1211] : memref<204800x128xf32, #tpu.memory_space<hbm>> -> memref<128x128xf32, #tpu.memory_space<hbm>>
    %dma_wait3A_1213 = arith.constant 0 : i32
    %dma_wait3A_1214 = tpu.memref_slice %arg4[%add3A_1154, %dma_wait3A_1213] : memref<204800x128xf32, #tpu.memory_space<hbm>> -> memref<128x128xf32, #tpu.memory_space<hbm>>
    tpu.wait_dma2 semaphore(%arg24 : memref<!tpu.dma_semaphore, #tpu.memory_space<semaphore_mem>>) src(%arg10 : memref<128x128xf32, #tpu.memory_space<vmem>>) dst(%dma_wait3A_1214 : memref<128x128xf32, #tpu.memory_space<hbm>>)
    %dma_wait3A_1215 = arith.constant 0 : i32
    %dma_wait3A_1216 = tpu.memref_slice %arg4[%add3A_1166, %dma_wait3A_1215] : memref<204800x128xf32, #tpu.memory_space<hbm>> -> memref<128x128xf32, #tpu.memory_space<hbm>>
    %dma_wait3A_1217 = arith.constant 0 : i32
    %dma_wait3A_1218 = tpu.memref_slice %arg4[%add3A_1166, %dma_wait3A_1217] : memref<204800x128xf32, #tpu.memory_space<hbm>> -> memref<128x128xf32, #tpu.memory_space<hbm>>
    tpu.wait_dma2 semaphore(%arg25 : memref<!tpu.dma_semaphore, #tpu.memory_space<semaphore_mem>>) src(%arg11 : memref<128x128xf32, #tpu.memory_space<vmem>>) dst(%dma_wait3A_1218 : memref<128x128xf32, #tpu.memory_space<hbm>>)
    %dma_wait3A_1219 = arith.constant 0 : i32
    %dma_wait3A_1220 = tpu.memref_slice %arg4[%add3A_1178, %dma_wait3A_1219] : memref<204800x128xf32, #tpu.memory_space<hbm>> -> memref<128x128xf32, #tpu.memory_space<hbm>>
    %dma_wait3A_1221 = arith.constant 0 : i32
    %dma_wait3A_1222 = tpu.memref_slice %arg4[%add3A_1178, %dma_wait3A_1221] : memref<204800x128xf32, #tpu.memory_space<hbm>> -> memref<128x128xf32, #tpu.memory_space<hbm>>
    tpu.wait_dma2 semaphore(%arg26 : memref<!tpu.dma_semaphore, #tpu.memory_space<semaphore_mem>>) src(%arg12 : memref<128x128xf32, #tpu.memory_space<vmem>>) dst(%dma_wait3A_1222 : memref<128x128xf32, #tpu.memory_space<hbm>>)
    return
  }
}

</mosaic_0001>

<sc_bundles>
// kernel: kernel.3.cloned.1.call-start
scs
__scs_entry_jumppad:
0x0: {  	(pc) =	sbr.rel $0x88, $3  }
0x1: {  	(tag) =	ssettag $0x0;
	lr =	simm.s32 $0x1  }
0x2: {  	[smem:$0x3F9D] =	sst lr;
	_ =	strace $0xD0000000  }
0x3: {  	_ = 	snop  }
0x4: {  	_ = 	snop  }
0x5: {  	_ = 	snop  }
0x6: {  	_ = 	snop  }
0x7: {  	_ = 	snop  }
__scs_overlays_trampoline_lowered:
0x8: {  	[smem:$0x3FAC] =	sst s0  }
0x9: {  	[smem:$0x3FAD] =	sst s1  }
0xa: {  	[smem:$0x3FAE] =	sst s2  }
0xb: {  	[smem:$0x3FAF] =	sst s3  }
0xc: {  	[smem:$0x3FB0] =	sst s4  }
0xd: {  	[smem:$0x3FB1] =	sst s5  }
0xe: {  	[smem:$0x3FB2] =	sst s6  }
0xf: {  	[smem:$0x3FB3] =	sst s7  }
0x10: {  	[smem:$0x3FB4] =	sst s8  }
0x11: {  	[smem:$0x3FB5] =	sst s9;
	s0 =	simm.s32 @!p0 $0x0  }
0x12: {  	s1 =	sld [smem:$0x3F9B];
	s0 =	simm.s32 @p0 $0x1  }
0x13: {  	[smem:$0x3FB6] =	sst s0;
	s0 =	simm.s32 @!p1 $0x0  }
0x14: {  	s2 =	sld [smem:$0x3F9A];
	s0 =	simm.s32 @p1 $0x1  }
0x15: {  	[smem:$0x3FB7] =	sst s0;
	s0 =	simm.s32 @!p2 $0x0  }
0x16: {  	s3 =	sld [smem:$0x3FDB];
	s0 =	simm.s32 @p2 $0x1  }
0x17: {  	s4 =	simm.s32 $0x1BF5;
	[smem:$0x3FB9] =	sst s0  }
0x18: {  	s0 =	sld [smem:$0x3F9C];
	_ =	swait.ge [sflag:s4], $0x0  }
0x19: {  	s7 =	sld [smem:$0x3F9D]  }
0x1a: {  	s8 =	sadd.s32 $0xFFFFE003, lr  }
0x1b: {  	s9 =	sadd.s32 $0xFFFFFEF7, lr;
	s5 =	simm.s32 $0xFFFFFFFF;
	p2 =	slt.u32 s8, $0xFFFFF086  }
0x1c: {  	p1 =	slt.u32 s9, $0xF7A;
	s5 =	simm.s32 @!p2 $0x0  }
0x1d: {  	s5 =	simm.s32 @p1 $0x1;
	p0 =	seq.s32 s7, s2  }
0x1e: {  	s7 =	smul.u32 @!p0 $0xF7A, s2;
	p2 =	seq.s32 @!p0 s5, $0x0  }
0x1f: {  	s9 =	smul.u32 $0xF7A, s1;
	s8 =	simm.s32 @!p0 $0x1BF5;
	p2 =	por !p2, p0  }
0x20: {  	[sflag:s8] =	ssyncset.s32 @!p0 $0xFFFFF086;
	s6 =	sadd.s32 @!p0 s3, s7;
	s7 =	simm.s32 @!p0 $0x108  }
0x21: {  	s3 =	sadd.s32 s3, s9;
	s6 =	sadd.s32 @!p0 $0x88, s6;
	s7 =	simm.s32 @p2 $0x1082  }
0x22: {  	[simem:s7], [sflag:s8] =	dma.local @!p0 [hbm:s6], $0xF7A  }
0x23: {  	s9 =	sor.u32 $0xD0000000, s2;
	s6 =	simm.s32 $0x108;
	_ =	swait.ge @!p0 [sflag:s8], $0x0  }
0x24: {  	s3 =	sadd.s32 $0x88, s3;
	s6 =	simm.s32 @!p1 $0x1082;
	[sflag:s4] =	ssyncset.s32 $0xFFFFF086  }
0x25: {  	[simem:s6], [sflag:s4] =	dma.local [hbm:s3], $0xF7A  }
0x26: {  	[smem:$0x3F9D] =	sst s1;
	(tag) =	ssettag s2;
	_ =	strace s9  }
0x27: {  	s1 =	sld [smem:$0x3FAD]  }
0x28: {  	s2 =	sld [smem:$0x3FAE]  }
0x29: {  	s4 =	sld [smem:$0x3FB0]  }
0x2a: {  	p0 =	seq.s32 s5, $0x0;
	s5 =	sld [smem:$0x3FB1]  }
0x2b: {  	s6 =	sld [smem:$0x3FB2]  }
0x2c: {  	s7 =	sld [smem:$0x3FB3]  }
0x2d: {  	s3 =	simm.s32 $0x108;
	s8 =	sld [smem:$0x3FB4]  }
0x2e: {  	s3 =	simm.s32 @!p0 $0x1082;
	s9 =	sld [smem:$0x3FB5]  }
0x2f: {  	lr =	sadd.s32 s0, s3;
	s0 =	sld [smem:$0x3FAC]  }
0x30: {  	s3 =	sld [smem:$0x3FAF]  }
0x31: {  	[smem:$0x3FB8] =	sst s10  }
0x32: {  	s10 =	sld [smem:$0x3FB6];
	_ =	sdelay $0x3  }
0x33: {  	p0 =	seq.s32 s10, $0x1;
	s10 =	sld [smem:$0x3FB8];
	_ =	sdelay $0x3  }
0x34: {  	[smem:$0x3FB8] =	sst s10  }
0x35: {  	s10 =	sld [smem:$0x3FB7];
	_ =	sdelay $0x3  }
0x36: {  	p1 =	seq.s32 s10, $0x1;
	s10 =	sld [smem:$0x3FB8];
	_ =	sdelay $0x3  }
0x37: {  	[smem:$0x3FB8] =	sst s10  }
0x38: {  	s10 =	sld [smem:$0x3FB9]  }
0x39: {  	_ = 	snop;
	(pc) =	sbr.ind lr, $3  }
0x3a: {  	_ = 	snop  }
0x3b: {  	_ = 	snop  }
0x3c: {  	p2 =	seq.s32 s10, $0x1;
	s10 =	sld [smem:$0x3FB8]  }
0x3d: {  	_ =	shalt  }
0x3e: {  	_ =	shalt  }
0x3f: {  	_ =	shalt  }
0x40: {  	_ =	shalt  }
0x41: {  	_ =	shalt  }
0x42: {  	_ =	shalt  }
0x43: {  	_ =	shalt  }
0x44: {  	_ =	shalt  }
0x45: {  	_ =	shalt  }
0x46: {  	_ =	shalt  }
0x47: {  	_ =	shalt  }
0x48: {  	_ =	shalt  }
0x49: {  	_ =	shalt  }
0x4a: {  	_ =	shalt  }
0x4b: {  	_ =	shalt  }
0x4c: {  	_ =	shalt  }
0x4d: {  	_ =	shalt  }
0x4e: {  	_ =	shalt  }
0x4f: {  	_ =	shalt  }
0x50: {  	_ =	shalt  }
0x51: {  	_ =	shalt  }
0x52: {  	_ =	shalt  }
0x53: {  	_ =	shalt  }
0x54: {  	_ =	shalt  }
0x55: {  	_ =	shalt  }
0x56: {  	_ =	shalt  }
0x57: {  	_ =	shalt  }
0x58: {  	_ =	shalt  }
0x59: {  	_ =	shalt  }
0x5a: {  	_ =	shalt  }
0x5b: {  	_ =	shalt  }
0x5c: {  	_ =	shalt  }
0x5d: {  	_ =	shalt  }
0x5e: {  	_ =	shalt  }
0x5f: {  	_ =	shalt  }
0x60: {  	_ =	shalt  }
0x61: {  	_ =	shalt  }
0x62: {  	_ =	shalt  }
0x63: {  	_ =	shalt  }
0x64: {  	_ =	shalt  }
0x65: {  	_ =	shalt  }
0x66: {  	_ =	shalt  }
0x67: {  	_ =	shalt  }
0x68: {  	_ =	shalt  }
0x69: {  	_ =	shalt  }
0x6a: {  	_ =	shalt  }
0x6b: {  	_ =	shalt  }
0x6c: {  	_ =	shalt  }
0x6d: {  	_ =	shalt  }
0x6e: {  	_ =	shalt  }
0x6f: {  	_ =	shalt  }
0x70: {  	_ =	shalt  }
0x71: {  	_ =	shalt  }
0x72: {  	_ =	shalt  }
0x73: {  	_ =	shalt  }
0x74: {  	_ =	shalt  }
0x75: {  	_ =	shalt  }
0x76: {  	_ =	shalt  }
0x77: {  	_ =	shalt  }
0x78: {  	_ =	shalt  }
0x79: {  	_ =	shalt  }
0x7a: {  	_ =	shalt  }
0x7b: {  	_ =	shalt  }
0x7c: {  	_ =	shalt  }
0x7d: {  	_ =	shalt  }
0x7e: {  	_ =	shalt  }
0x7f: {  	_ =	shalt  }
0x80: {  	_ =	shalt  }
0x81: {  	_ =	shalt  }
0x82: {  	_ =	shalt  }
0x83: {  	_ =	shalt  }
0x84: {  	_ =	shalt  }
0x85: {  	_ =	shalt  }
0x86: {  	_ =	shalt  }
0x87: {  	_ =	shalt  }
.Lfunc_end0:
.L_simem_size_0:
called_computation.1_lowered:
.L_overlay_start_0:
0x88: {  	s2 =	sld [smem:$0x3FD9]  }
0x89: {  	s3 =	sld [smem:$0x3FFE];
	_ =	sdelay $0x1  }
0x8a: {  	s1 =	srdreg.scid  }
0x8b: {  	s0 =	sand.u32 $0x1, s1  }
0x8c: {  	s14 =	sshll.u32 s0, $0xA;
	s2 =	sadd.s32 s3, s2  }
0x8d: {  	s2 =	sadd.s32 s2, s14  }
0x8e: {  	[smem:$0x3FC4] =	sst s2  }
0x8f: {  	_ = 	snop  }
0x90: {  	s2 =	sld [smem:$0x3FD0];
	_ =	sdelay $0x2  }
0x91: {  	s15 =	simm.s32 $0xA;
	s4 =	simm.s32 $0x10  }
0x92: {  	[smem:s4], [sflag:s15] =	dma.local [hbm:s2], $0x1  }
0x93: {  	_ =	swait.eq [sflag:s15], $0x1  }
0x94: {  	[sflag:s15] =	ssyncset.done $0x0  }
0x95: {  	[sflag:s15] =	ssyncadd.s32 $0xFFFFFFFF  }
0x96: {  	s16 =	sld [smem:$0x12];
	(tm) =	ssettm $0x1  }
0x97: {  	s17 =	sld [smem:$0x3FFB];
	_ =	sdelay $0x3  }
0x98: {  	_ =	strace s17  }
0x99: {  	s3 =	sld [smem:$0x3FFC];
	_ =	sdelay $0x3  }
0x9a: {  	_ =	strace s3  }
0x9b: {  	s3 =	sld [smem:$0x3FFD];
	_ =	sdelay $0x3  }
0x9c: {  	_ =	strace s3  }
0x9d: {  	_ =	strace $0x8FFFFFFF  }
0x9e: {  	s18 =	sld [smem:$0x3FDB];
	_ =	sdelay $0x1  }
0x9f: {  	s19 =	simm.s32 $_scs_section_size  }
0xa0: {  	s5 =	simm.s32 $_size__tile_overlayer_lowered;
	s6 =	simm.s32 $_tile_overlayer_lowered  }
0xa1: {  	s22 =	simm.s32 $0x1BFF;
	s21 =	sshll.u32 s6, $0x1;
	s3 =	sadd.s32 s19, s18  }
0xa2: {  	s7 =	simm.s32 $0x0;
	s20 =	sshll.u32 s5, $0x1;
	s5 =	sadd.s32 s21, s3  }
0xa3: {  	[timem:s7], [sflag:s22] =	dma.local [hbm:s5], s20  }
0xa4: {  	_ =	swait.ge [sflag:s22], s20  }
0xa5: {  	s4 =	ssub.s32 $0x0, s20;
	[sflag:s22] =	ssyncset.done $0x0  }
0xa6: {  	[sflag:s22] =	ssyncadd.s32 s4;
	_ =	sdelay $0x1  }
0xa7: {  	s23 =	simm.s32 $0x1B8B  }
0xa8: {  	_ =	swait.ge [sflag:s23], $0x1  }
0xa9: {  	[sflag:s23] =	ssyncset.done $0x0  }
0xaa: {  	s25 =	simm.s32 $0x1B8E;
	s24 =	sld [smem:$0x3FFE];
	[sflag:s23] =	ssyncadd.s32 $0xFFFFFFFF  }
0xab: {  	s26 =	simm.s32 $execute0_lowered;
	[smem:$0x3FD2] =	sst s25  }
0xac: {  	s5 =	sshll.u32 s26, $0x1;
	_ =	strace $0x80000046;
	[dreg:$0x1] =	wrdreg $0xFFFFFFFF  }
0xad: {  	s28 =	simm.s32 $_size_execute0_lowered;
	s3 =	sadd.s32 s3, s5;
	[dreg:$0x0] =	wrdreg $0x0  }
0xae: {  	s5 =	sshll.u32 s28, $0x1;
	[dreg:$0x2] =	wrdreg s3  }
0xaf: {  	[dreg:$0x3] =	wrdreg s5  }
0xb0: {  	[dreg:$0x4] =	wrdreg $0xC0  }
0xb1: {  	_ =	task [dreg:s7], $0x5FFFF  }
0xb2: {  	[dreg:$0x1] =	wrdreg $0xFFFFFFFF  }
0xb3: {  	[dreg:$0x0] =	wrdreg $0x60  }
0xb4: {  	[dreg:$0x2] =	wrdreg s16  }
0xb5: {  	[dreg:$0x3] =	wrdreg s24  }
0xb6: {  	[dreg:$0x4] =	wrdreg $0x9  }
0xb7: {  	_ =	task.clear_ibuf [dreg:s7], $0x5FFFF;
	_ =	strace $0x90000046  }
0xb8: {  	s29 =	simm.s32 $0x9;
	_ =	strace $0x80000048  }
0xb9: {  	_ =	swait.ge [sflag:s29], $0x1  }
0xba: {  	[sflag:s29] =	ssyncadd.s32 $0xFFFFFFFF  }
0xbb: {  	_ =	strace $0x90000048  }
0xbc: {  	_ =	sfence  }
0xbd: {  	s30 =	sld [smem:$0x0];
	_ =	sdelay $0x2  }
0xbe: {  	s31 =	sshll.u32 s1, $0xD;
	s1 =	sshrl.u32 s1, $0x2  }
0xbf: {  	s3 =	sand.u32 $0x4000, s31;
	s1 =	sadd.s32 s1, s30  }
0xc0: {  	s0 =	sor.u32 s3, s0;
	s1 =	sshll.u32 s1, $0x11  }
0xc1: {  	s0 =	sor.u32 s1, s0  }
0xc2: {  	s0 =	sadd.s32 $0x8F2B, s0  }
0xc3: {  	[sflag:s0] =	ssyncadd.remote.s32 $0x1  }
0xc4: {  	_ =	sfence.sel $0xFFFF  }
0xc5: {  	[dreg:$0x0] =	wrdreg $0xFFFFFFFF;
	(pc) =	sbr.abs _section_cstart, $3  }
0xc6: {  	[dreg:$0x1] =	wrdreg $0xFFFFFFFF  }
0xc7: {  	_ =	task.clear_ibuf [dreg:s7], $0x2FFFF;
	_ =	strace $0x9FFFFFFF  }
0xc8: {  	(tm) =	ssettm $0x7FFFFFFF  }
0xc9: {  	_ =	shalt  }
tec
execute0_lowered:
.L_overlay_start_1:
0x0: {  	(tag) =	ssettag $0x1  }
0x1: {  	s0 =	srdreg.scid;
	s1 =	stileid.u32  }
0x2: {  	s3 =	sand.u32 $0x1, s0;
	s13 =	sshll.u32 s1, $0x1  }
0x3: {  	s0 =	sor.u32 s3, s13  }
0x4: {  	s4 =	rddreg [dreg:$0x0];
	s6 =	sshll.u32 s0, $0x8  }
0x5: {  	s2 =	simm.s32 $0x0;
	s1 =	rddreg [dreg:$0x1];
	s29 =	sand.u32 $0x300, s6  }
0x6: {  	[smem:$0x7FF] =	sst s2;
	s14 =	sor.u32 $0x80, s29  }
0x7: {  	_ =	strace $0x80000047;
	s15 =	sadd.s32 $0x100, s29;
	[dreg:$0x4] =	wrdreg s14  }
0x8: {  	s16 =	sadd.s32 $0x180, s29;
	[dreg:$0x5] =	wrdreg s15  }
0x9: {  	s18 =	sadd.s32 $0x200, s29;
	[dreg:$0x6] =	wrdreg s16  }
0xa: {  	s19 =	sadd.s32 $0x280, s29;
	[dreg:$0x7] =	wrdreg s18  }
0xb: {  	s21 =	sadd.s32 $0x300, s29;
	[dreg:$0x8] =	wrdreg s19  }
0xc: {  	s22 =	sadd.s32 $0x380, s29;
	[dreg:$0x9] =	wrdreg s21  }
0xd: {  	s24 =	sor.u32 $0x400, s29;
	[dreg:$0xa] =	wrdreg s22  }
0xe: {  	s17 =	sadd.s32 $0x187A00, s1;
	s25 =	sor.u32 $0x480, s29;
	[dreg:$0xc] =	wrdreg s24  }
0xf: {  	s5 =	smul.u32 $0x320, s0;
	s7 =	sadd.s32 $0x580, s29;
	[dreg:$0xe] =	wrdreg s25  }
0x10: {  	s20 =	smul.u32 $0x19000, s0;
	s9 =	sadd.s32 $0x600, s29;
	[dreg:$0x12] =	wrdreg s7  }
0x11: {  	s0 =	smul.u32 $0xC8000, s0;
	s11 =	sadd.s32 $0x680, s29;
	[dreg:$0x14] =	wrdreg s9  }
0x12: {  	s5 =	sand.u32 $0x7F80, s5;
	s13 =	sadd.s32 $0x700, s29;
	[dreg:$0x16] =	wrdreg s11  }
0x13: {  	s30 =	sadd.s32 s17, s20;
	s4 =	sadd.s32 s4, s5;
	[dreg:$0x18] =	wrdreg s13  }
0x14: {  	s23 =	sadd.s32 $0x800, s30;
	[dreg:$0x3] =	wrdreg s4  }
0x15: {  	s0 =	sshrl.u32 s0, $0x3;
	s15 =	sadd.s32 $0x780, s29;
	[dreg:$0xb] =	wrdreg s23  }
0x16: {  	s5 =	sadd.s32 s17, s0;
	s17 =	sor.u32 $0x800, s29;
	[dreg:$0x1a] =	wrdreg s15  }
0x17: {  	s19 =	sor.u32 $0x880, s29;
	[dreg:$0x1c] =	wrdreg s17  }
0x18: {  	s21 =	sadd.s32 $0x900, s29;
	[dreg:$0x1e] =	wrdreg s19  }
0x19: {  	s25 =	sadd.s32 $0xA00, s29;
	[smem:$0x7BA] =	sst s21  }
0x1a: {  	s7 =	sadd.s32 $0xB00, s29;
	[smem:$0x7BE] =	sst s25  }
0x1b: {  	s9 =	sadd.s32 $0xB80, s29;
	[smem:$0x7C2] =	sst s7  }
0x1c: {  	s11 =	sor.u32 $0xC00, s29;
	[smem:$0x7C4] =	sst s9  }
0x1d: {  	s13 =	sor.u32 $0xC80, s29;
	[smem:$0x7C6] =	sst s11  }
0x1e: {  	s0 =	sadd.s32 $0x1000, s5;
	[smem:$0x7C8] =	sst s13  }
0x1f: {  	s26 =	sadd.s32 $0x1800, s5;
	[dreg:$0xd] =	wrdreg s0  }
0x20: {  	s4 =	sadd.s32 $0x500, s29;
	[dreg:$0xf] =	wrdreg s26  }
0x21: {  	s6 =	sadd.s32 $0x2000, s5;
	[dreg:$0x10] =	wrdreg s4  }
0x22: {  	s8 =	sadd.s32 $0x2800, s5;
	[dreg:$0x11] =	wrdreg s6  }
0x23: {  	s10 =	sadd.s32 $0x3000, s5;
	[dreg:$0x13] =	wrdreg s8  }
0x24: {  	s12 =	sadd.s32 $0x3800, s5;
	[dreg:$0x15] =	wrdreg s10  }
0x25: {  	s14 =	sadd.s32 $0x4000, s5;
	[dreg:$0x17] =	wrdreg s12  }
0x26: {  	s16 =	sadd.s32 $0x4800, s5;
	[dreg:$0x19] =	wrdreg s14  }
0x27: {  	s18 =	sadd.s32 $0x5000, s5;
	[dreg:$0x1b] =	wrdreg s16  }
0x28: {  	s20 =	sadd.s32 $0x5800, s5;
	[dreg:$0x1d] =	wrdreg s18  }
0x29: {  	s22 =	sadd.s32 $0x6000, s5;
	[dreg:$0x1f] =	wrdreg s20  }
0x2a: {  	s23 =	sadd.s32 $0x980, s29;
	[smem:$0x7BB] =	sst s22  }
0x2b: {  	s24 =	sadd.s32 $0x6800, s5;
	[smem:$0x7BC] =	sst s23  }
0x2c: {  	s15 =	sadd.s32 $0xD00, s29;
	[smem:$0x7BD] =	sst s24  }
0x2d: {  	s17 =	sadd.s32 $0xD80, s29;
	[smem:$0x7CA] =	sst s15  }
0x2e: {  	s19 =	sadd.s32 $0xE00, s29;
	[smem:$0x7CC] =	sst s17  }
0x2f: {  	s21 =	sadd.s32 $0xE80, s29;
	[smem:$0x7CE] =	sst s19  }
0x30: {  	s25 =	sadd.s32 $0xF80, s29;
	[smem:$0x7D0] =	sst s21  }
0x31: {  	s7 =	sor.u32 $0x1080, s29;
	[smem:$0x7D4] =	sst s25  }
0x32: {  	s9 =	sadd.s32 $0x1100, s29;
	[smem:$0x7D8] =	sst s7  }
0x33: {  	s11 =	sadd.s32 $0x1180, s29;
	[smem:$0x7DA] =	sst s9  }
0x34: {  	s13 =	sadd.s32 $0x1200, s29;
	[smem:$0x7DC] =	sst s11  }
0x35: {  	[smem:$0x7DE] =	sst s13  }
0x36: {  	s26 =	sadd.s32 $0x7000, s5;
	s0 =	rddreg [dreg:$0x3]  }
0x37: {  	s4 =	sadd.s32 $0xA80, s29;
	[smem:$0x7BF] =	sst s26  }
0x38: {  	s6 =	sadd.s32 $0x7800, s5;
	[smem:$0x7C0] =	sst s4  }
0x39: {  	s8 =	sadd.s32 $0x8000, s5;
	[smem:$0x7C1] =	sst s6  }
0x3a: {  	s10 =	sadd.s32 $0x8800, s5;
	[smem:$0x7C3] =	sst s8  }
0x3b: {  	s12 =	sadd.s32 $0x9000, s5;
	[smem:$0x7C5] =	sst s10  }
0x3c: {  	s14 =	sadd.s32 $0x9800, s5;
	[smem:$0x7C7] =	sst s12  }
0x3d: {  	s16 =	sadd.s32 $0xA000, s5;
	[smem:$0x7C9] =	sst s14  }
0x3e: {  	s18 =	sadd.s32 $0xA800, s5;
	[smem:$0x7CB] =	sst s16  }
0x3f: {  	s20 =	sadd.s32 $0xB000, s5;
	[smem:$0x7CD] =	sst s18  }
0x40: {  	s22 =	sadd.s32 $0xB800, s5;
	[smem:$0x7CF] =	sst s20  }
0x41: {  	s23 =	sadd.s32 $0xF00, s29;
	[smem:$0x7D1] =	sst s22  }
0x42: {  	s24 =	sadd.s32 $0xC000, s5;
	[smem:$0x7D2] =	sst s23  }
0x43: {  	s15 =	sadd.s32 $0x1280, s29;
	[smem:$0x7D3] =	sst s24  }
0x44: {  	s17 =	sadd.s32 $0x1300, s29;
	[smem:$0x7E0] =	sst s15  }
0x45: {  	s19 =	sadd.s32 $0x1380, s29;
	[smem:$0x7E2] =	sst s17  }
0x46: {  	s21 =	sor.u32 $0x1400, s29;
	[smem:$0x7E4] =	sst s19  }
0x47: {  	s25 =	sadd.s32 $0x1500, s29;
	[smem:$0x7E6] =	sst s21  }
0x48: {  	s7 =	sadd.s32 $0x1600, s29;
	[smem:$0x7EA] =	sst s25  }
0x49: {  	s9 =	sadd.s32 $0x1680, s29;
	[smem:$0x7EE] =	sst s7  }
0x4a: {  	s11 =	sadd.s32 $0x1700, s29;
	[smem:$0x7F0] =	sst s9  }
0x4b: {  	s13 =	sadd.s32 $0x1780, s29;
	[smem:$0x7F2] =	sst s11  }
0x4c: {  	s26 =	sadd.s32 $0xC800, s5;
	[smem:$0x7F4] =	sst s13  }
0x4d: {  	s4 =	sor.u32 $0x1000, s29;
	[smem:$0x7D5] =	sst s26  }
0x4e: {  	s6 =	sadd.s32 $0xD000, s5;
	[smem:$0x7D6] =	sst s4  }
0x4f: {  	s8 =	sadd.s32 $0xD800, s5;
	[smem:$0x7D7] =	sst s6  }
0x50: {  	s10 =	sadd.s32 $0xE000, s5;
	[smem:$0x7D9] =	sst s8  }
0x51: {  	s12 =	sadd.s32 $0xE800, s5;
	[smem:$0x7DB] =	sst s10  }
0x52: {  	s14 =	sadd.s32 $0xF000, s5;
	[smem:$0x7DD] =	sst s12  }
0x53: {  	s16 =	sadd.s32 $0xF800, s5;
	[smem:$0x7DF] =	sst s14  }
0x54: {  	s18 =	sadd.s32 $0x10000, s5;
	[smem:$0x7E1] =	sst s16  }
0x55: {  	s20 =	sadd.s32 $0x10800, s5;
	[smem:$0x7E3] =	sst s18  }
0x56: {  	s22 =	sadd.s32 $0x11000, s5;
	[smem:$0x7E5] =	sst s20  }
0x57: {  	s23 =	sor.u32 $0x1480, s29;
	[smem:$0x7E7] =	sst s22  }
0x58: {  	s24 =	sadd.s32 $0x11800, s5;
	[smem:$0x7E8] =	sst s23  }
0x59: {  	s15 =	sor.u32 $0x1800, s29;
	[smem:$0x7E9] =	sst s24  }
0x5a: {  	s31 =	simm.s32 $0xF;
	s17 =	sor.u32 $0x1880, s29;
	[smem:$0x7F6] =	sst s15  }
0x5b: {  	s28 =	simm.s32 $0x2;
	s19 =	sadd.s32 $0x16000, s5;
	[smem:$0x7F8] =	sst s17  }
0x5c: {  	p0 =	por $0x0, $0x0;
	s21 =	sadd.s32 $0x17000, s5;
	[smem:$0x7FA] =	sst s19  }
0x5d: {  	s3 =	ssub.s32 $0x2, s3;
	s26 =	sadd.s32 $0x12000, s5;
	[smem:$0x7FC] =	sst s21  }
0x5e: {  	s13 =	simm.s32 $0x1;
	s4 =	sadd.s32 $0x1580, s29;
	[smem:$0x7EB] =	sst s26  }
0x5f: {  	s11 =	simm.s32 $0xC;
	s6 =	sadd.s32 $0x12800, s5;
	[smem:$0x7EC] =	sst s4  }
0x60: {  	s9 =	simm.s32 $0xD;
	s8 =	sadd.s32 $0x13000, s5;
	[smem:$0x7ED] =	sst s6  }
0x61: {  	s7 =	simm.s32 $0xE;
	s10 =	sadd.s32 $0x13800, s5;
	[smem:$0x7EF] =	sst s8  }
0x62: {  	s12 =	sadd.s32 $0x14000, s5;
	s14 =	sadd.s32 $0x14800, s5;
	[smem:$0x7F1] =	sst s10  }
0x63: {  	s16 =	sadd.s32 $0x15000, s5;
	s18 =	sadd.s32 $0x15800, s5;
	[smem:$0x7F3] =	sst s12  }
0x64: {  	s20 =	sadd.s32 $0x16800, s5;
	s22 =	sshrl.u32 s3, $0x1;
	[smem:$0x7F5] =	sst s14  }
0x65: {  	s23 =	sadd.s32 $0x17800, s5;
	s21 =	simm.s32 $0x6000;
	[smem:$0x7F7] =	sst s16  }
0x66: {  	s19 =	simm.s32 $0xA000;
	s17 =	simm.s32 $0xE000;
	[smem:$0x7F9] =	sst s18  }
0x67: {  	s15 =	simm.s32 $0x16000;
	[smem:$0x7FB] =	sst s20;
	s24 =	ssub.s32 s3, s22  }
0x68: {  	s18 =	sadd.s32 $0xE00, s1;
	[smem:$0x7FD] =	sst s23;
	s25 =	smax.u32 s24, $0x1  }
0x69: {  	s4 =	sadd.s32 $0x18000, s5;
	s3 =	sadd.s32 $0x18800, s5;
	p1 =	sne.s32 s25, $0x1  }
.Ltmp0:
0x6a: {  	s23 =	simm.s32 $0x80;
	s5 =	simm.s32 $0x2000;
	(pc) =	sbr.rel @!p1 .LBB2_3-.Ltmp0, $4  }
0x6b: {  	s16 =	simm.s32 $0x12000;
	s14 =	simm.s32 $0x1A000;
	s12 =	simm.s32 $0x8  }
0x6c: {  	s10 =	simm.s32 $0x9;
	s26 =	simm.s32 $0x3;
	s8 =	simm.s32 $0xA  }
0x6d: {  	s6 =	simm.s32 $0xB;
	s22 =	simm.s32 $0x6;
	s20 =	simm.s32 $0x7  }
0x6e: {  	s24 =	simm.s32 $0x4;
	s1 =	sadd.s32 $0xFFFFFFFF, s25;
	s25 =	simm.s32 $0x5  }
0x6f: {  	[tilespmem:s2], [sflag:$0xF] =	stream.linear.gather [hbm4b:s0+s2], $0x2000, $0x38;
	[tilespmem:$0x1E000] =	vst v63  }
0x70: {  	_ =	swait.ge [sflag:s31], $0x2000  }
0x71: {  	[sflag:s31] =	ssyncset.done $0x0  }
0x72: {  	s0 =	rddreg [dreg:$0x4];
	[sflag:s31] =	ssyncadd.s32 $0xFFFFE000  }
0x73: {  	[tilespmem:s5], [sflag:$0x1] =	stream.indirect.gather [hbm4b:s18+s23], $0x80, s29, s23, $0xb8;
	[tilespmem:$0x1E000] =	vst v63  }
0x74: {  	[smem:$0x7B9] =	sst s1  }
0x75: {  	[tilespmem:s21], [sflag:$0x2] =	stream.indirect.gather [hbm4b:s18+s23], $0x80, s0, s23, $0xb8;
	[tilespmem:$0x1E000] =	vst v63  }
0x76: {  	s1 =	rddreg [dreg:$0x5]  }
0x77: {  	[tilespmem:s19], [sflag:$0x3] =	stream.indirect.gather [hbm4b:s18+s23], $0x80, s1, s23, $0xb8;
	[tilespmem:$0x1E000] =	vst v63  }
0x78: {  	s0 =	rddreg [dreg:$0x6]  }
0x79: {  	[tilespmem:s17], [sflag:$0x4] =	stream.indirect.gather [hbm4b:s18+s23], $0x80, s0, s23, $0xb8;
	[tilespmem:$0x1E000] =	vst v63  }
0x7a: {  	s1 =	rddreg [dreg:$0x7]  }
0x7b: {  	[tilespmem:s16], [sflag:$0x5] =	stream.indirect.gather [hbm4b:s18+s23], $0x80, s1, s23, $0xb8;
	[tilespmem:$0x1E000] =	vst v63  }
0x7c: {  	s0 =	rddreg [dreg:$0x8]  }
0x7d: {  	[tilespmem:s15], [sflag:$0x6] =	stream.indirect.gather [hbm4b:s18+s23], $0x80, s0, s23, $0xb8;
	[tilespmem:$0x1E000] =	vst v63  }
0x7e: {  	s1 =	rddreg [dreg:$0x9]  }
0x7f: {  	[tilespmem:s14], [sflag:$0x7] =	stream.indirect.gather [hbm4b:s18+s23], $0x80, s1, s23, $0xb8;
	[tilespmem:$0x1E000] =	vst v63  }
0x80: {  	_ =	swait.ge [sflag:s13], $0x4000  }
0x81: {  	[sflag:s13] =	ssyncset.done $0x0  }
0x82: {  	[sflag:s13] =	ssyncadd.s32 $0xFFFFC000  }
0x83: {  	[hbm4b:s30+s2] =	stream.linear.scatter [tilespmem:s5], [sflag:$0x8], $0x4000, $0x38;
	[tilespmem:$0x1E000] =	vst v63  }
0x84: {  	_ =	swait.ge [sflag:s12], $0x4000  }
0x85: {  	[sflag:s12] =	ssyncset.done $0x0  }
0x86: {  	s1 =	rddreg [dreg:$0xa];
	[sflag:s12] =	ssyncadd.s32 $0xFFFFC000  }
0x87: {  	[tilespmem:s5], [sflag:$0x1] =	stream.indirect.gather [hbm4b:s18+s23], $0x80, s1, s23, $0xb8;
	[tilespmem:$0x1E000] =	vst v63  }
0x88: {  	_ =	swait.ge [sflag:s28], $0x4000  }
0x89: {  	[sflag:s28] =	ssyncset.done $0x0  }
0x8a: {  	s1 =	rddreg [dreg:$0xb];
	[sflag:s28] =	ssyncadd.s32 $0xFFFFC000  }
0x8b: {  	[hbm4b:s1+s2] =	stream.linear.scatter [tilespmem:s21], [sflag:$0x9], $0x4000, $0x38;
	[tilespmem:$0x1E000] =	vst v63  }
0x8c: {  	_ =	swait.ge [sflag:s10], $0x4000  }
0x8d: {  	[sflag:s10] =	ssyncset.done $0x0  }
0x8e: {  	s1 =	rddreg [dreg:$0xc];
	[sflag:s10] =	ssyncadd.s32 $0xFFFFC000  }
0x8f: {  	[tilespmem:s21], [sflag:$0x2] =	stream.indirect.gather [hbm4b:s18+s23], $0x80, s1, s23, $0xb8;
	[tilespmem:$0x1E000] =	vst v63  }
0x90: {  	_ =	swait.ge [sflag:s26], $0x4000  }
0x91: {  	[sflag:s26] =	ssyncset.done $0x0  }
0x92: {  	s1 =	rddreg [dreg:$0xd];
	[sflag:s26] =	ssyncadd.s32 $0xFFFFC000  }
0x93: {  	[hbm4b:s1+s2] =	stream.linear.scatter [tilespmem:s19], [sflag:$0xA], $0x4000, $0x38;
	[tilespmem:$0x1E000] =	vst v63  }
0x94: {  	_ =	swait.ge [sflag:s8], $0x4000  }
0x95: {  	[sflag:s8] =	ssyncset.done $0x0  }
0x96: {  	s1 =	rddreg [dreg:$0xe];
	[sflag:s8] =	ssyncadd.s32 $0xFFFFC000  }
0x97: {  	[tilespmem:s19], [sflag:$0x3] =	stream.indirect.gather [hbm4b:s18+s23], $0x80, s1, s23, $0xb8;
	[tilespmem:$0x1E000] =	vst v63  }
0x98: {  	_ =	swait.ge [sflag:s24], $0x4000  }
0x99: {  	[sflag:s24] =	ssyncset.done $0x0  }
0x9a: {  	s1 =	rddreg [dreg:$0xf];
	[sflag:s24] =	ssyncadd.s32 $0xFFFFC000  }
0x9b: {  	[hbm4b:s1+s2] =	stream.linear.scatter [tilespmem:s17], [sflag:$0xB], $0x4000, $0x38;
	[tilespmem:$0x1E000] =	vst v63  }
0x9c: {  	_ =	swait.ge [sflag:s6], $0x4000  }
0x9d: {  	[sflag:s6] =	ssyncset.done $0x0  }
0x9e: {  	s1 =	rddreg [dreg:$0x10];
	[sflag:s6] =	ssyncadd.s32 $0xFFFFC000  }
0x9f: {  	[tilespmem:s17], [sflag:$0x4] =	stream.indirect.gather [hbm4b:s18+s23], $0x80, s1, s23, $0xb8;
	[tilespmem:$0x1E000] =	vst v63  }
0xa0: {  	_ =	swait.ge [sflag:s25], $0x4000  }
0xa1: {  	[sflag:s25] =	ssyncset.done $0x0  }
0xa2: {  	s1 =	rddreg [dreg:$0x11];
	[sflag:s25] =	ssyncadd.s32 $0xFFFFC000  }
0xa3: {  	[hbm4b:s1+s2] =	stream.linear.scatter [tilespmem:s16], [sflag:$0xC], $0x4000, $0x38;
	[tilespmem:$0x1E000] =	vst v63  }
0xa4: {  	_ =	swait.ge [sflag:s11], $0x4000  }
0xa5: {  	[sflag:s11] =	ssyncset.done $0x0  }
0xa6: {  	s1 =	rddreg [dreg:$0x12];
	[sflag:s11] =	ssyncadd.s32 $0xFFFFC000  }
0xa7: {  	[tilespmem:s16], [sflag:$0x5] =	stream.indirect.gather [hbm4b:s18+s23], $0x80, s1, s23, $0xb8;
	[tilespmem:$0x1E000] =	vst v63  }
0xa8: {  	_ =	swait.ge [sflag:s22], $0x4000  }
0xa9: {  	[sflag:s22] =	ssyncset.done $0x0  }
0xaa: {  	s1 =	rddreg [dreg:$0x13];
	[sflag:s22] =	ssyncadd.s32 $0xFFFFC000  }
0xab: {  	[hbm4b:s1+s2] =	stream.linear.scatter [tilespmem:s15], [sflag:$0xD], $0x4000, $0x38;
	[tilespmem:$0x1E000] =	vst v63  }
0xac: {  	_ =	swait.ge [sflag:s9], $0x4000  }
0xad: {  	[sflag:s9] =	ssyncset.done $0x0  }
0xae: {  	s1 =	rddreg [dreg:$0x14];
	[sflag:s9] =	ssyncadd.s32 $0xFFFFC000  }
0xaf: {  	[tilespmem:s15], [sflag:$0x6] =	stream.indirect.gather [hbm4b:s18+s23], $0x80, s1, s23, $0xb8;
	[tilespmem:$0x1E000] =	vst v63  }
0xb0: {  	_ =	swait.ge [sflag:s20], $0x4000  }
0xb1: {  	[sflag:s20] =	ssyncset.done $0x0  }
0xb2: {  	s1 =	rddreg [dreg:$0x15];
	[sflag:s20] =	ssyncadd.s32 $0xFFFFC000  }
0xb3: {  	[hbm4b:s1+s2] =	stream.linear.scatter [tilespmem:s14], [sflag:$0xE], $0x4000, $0x38;
	[tilespmem:$0x1E000] =	vst v63  }
0xb4: {  	_ =	swait.ge [sflag:s7], $0x4000  }
0xb5: {  	[sflag:s7] =	ssyncset.done $0x0  }
0xb6: {  	s1 =	rddreg [dreg:$0x16];
	[sflag:s7] =	ssyncadd.s32 $0xFFFFC000  }
0xb7: {  	[tilespmem:s14], [sflag:$0x7] =	stream.indirect.gather [hbm4b:s18+s23], $0x80, s1, s23, $0xb8;
	[tilespmem:$0x1E000] =	vst v63  }
0xb8: {  	_ =	swait.ge [sflag:s13], $0x4000  }
0xb9: {  	[sflag:s13] =	ssyncset.done $0x0  }
0xba: {  	s1 =	rddreg [dreg:$0x17];
	[sflag:s13] =	ssyncadd.s32 $0xFFFFC000  }
0xbb: {  	[hbm4b:s1+s2] =	stream.linear.scatter [tilespmem:s5], [sflag:$0x8], $0x4000, $0x38;
	[tilespmem:$0x1E000] =	vst v63  }
0xbc: {  	_ =	swait.ge [sflag:s12], $0x4000  }
0xbd: {  	[sflag:s12] =	ssyncset.done $0x0  }
0xbe: {  	s1 =	rddreg [dreg:$0x18];
	[sflag:s12] =	ssyncadd.s32 $0xFFFFC000  }
0xbf: {  	[tilespmem:s5], [sflag:$0x1] =	stream.indirect.gather [hbm4b:s18+s23], $0x80, s1, s23, $0xb8;
	[tilespmem:$0x1E000] =	vst v63  }
0xc0: {  	_ =	swait.ge [sflag:s28], $0x4000  }
0xc1: {  	[sflag:s28] =	ssyncset.done $0x0  }
0xc2: {  	s1 =	rddreg [dreg:$0x19];
	[sflag:s28] =	ssyncadd.s32 $0xFFFFC000  }
0xc3: {  	[hbm4b:s1+s2] =	stream.linear.scatter [tilespmem:s21], [sflag:$0x9], $0x4000, $0x38;
	[tilespmem:$0x1E000] =	vst v63  }
0xc4: {  	_ =	swait.ge [sflag:s10], $0x4000  }
0xc5: {  	[sflag:s10] =	ssyncset.done $0x0  }
0xc6: {  	s1 =	rddreg [dreg:$0x1a];
	[sflag:s10] =	ssyncadd.s32 $0xFFFFC000  }
0xc7: {  	[tilespmem:s21], [sflag:$0x2] =	stream.indirect.gather [hbm4b:s18+s23], $0x80, s1, s23, $0xb8;
	[tilespmem:$0x1E000] =	vst v63  }
0xc8: {  	_ =	swait.ge [sflag:s26], $0x4000  }
0xc9: {  	[sflag:s26] =	ssyncset.done $0x0  }
0xca: {  	s1 =	rddreg [dreg:$0x1b];
	[sflag:s26] =	ssyncadd.s32 $0xFFFFC000  }
0xcb: {  	[hbm4b:s1+s2] =	stream.linear.scatter [tilespmem:s19], [sflag:$0xA], $0x4000, $0x38;
	[tilespmem:$0x1E000] =	vst v63  }
0xcc: {  	_ =	swait.ge [sflag:s8], $0x4000  }
0xcd: {  	[sflag:s8] =	ssyncset.done $0x0  }
0xce: {  	s1 =	rddreg [dreg:$0x1c];
	[sflag:s8] =	ssyncadd.s32 $0xFFFFC000  }
0xcf: {  	[tilespmem:s19], [sflag:$0x3] =	stream.indirect.gather [hbm4b:s18+s23], $0x80, s1, s23, $0xb8;
	[tilespmem:$0x1E000] =	vst v63  }
0xd0: {  	_ =	swait.ge [sflag:s24], $0x4000  }
0xd1: {  	[sflag:s24] =	ssyncset.done $0x0  }
0xd2: {  	s1 =	rddreg [dreg:$0x1d];
	[sflag:s24] =	ssyncadd.s32 $0xFFFFC000  }
0xd3: {  	[hbm4b:s1+s2] =	stream.linear.scatter [tilespmem:s17], [sflag:$0xB], $0x4000, $0x38;
	[tilespmem:$0x1E000] =	vst v63  }
0xd4: {  	_ =	swait.ge [sflag:s6], $0x4000  }
0xd5: {  	[sflag:s6] =	ssyncset.done $0x0  }
0xd6: {  	s1 =	rddreg [dreg:$0x1e];
	[sflag:s6] =	ssyncadd.s32 $0xFFFFC000  }
0xd7: {  	[tilespmem:s17], [sflag:$0x4] =	stream.indirect.gather [hbm4b:s18+s23], $0x80, s1, s23, $0xb8;
	[tilespmem:$0x1E000] =	vst v63  }
0xd8: {  	_ =	swait.ge [sflag:s25], $0x4000  }
0xd9: {  	[sflag:s25] =	ssyncset.done $0x0  }
0xda: {  	s1 =	rddreg [dreg:$0x1f];
	[sflag:s25] =	ssyncadd.s32 $0xFFFFC000  }
0xdb: {  	[hbm4b:s1+s2] =	stream.linear.scatter [tilespmem:s16], [sflag:$0xC], $0x4000, $0x38;
	[tilespmem:$0x1E000] =	vst v63  }
0xdc: {  	_ =	swait.ge [sflag:s11], $0x4000  }
0xdd: {  	s1 =	sld [smem:$0x7BA]  }
0xde: {  	[sflag:s11] =	ssyncset.done $0x0  }
0xdf: {  	[sflag:s11] =	ssyncadd.s32 $0xFFFFC000  }
0xe0: {  	[tilespmem:s16], [sflag:$0x5] =	stream.indirect.gather [hbm4b:s18+s23], $0x80, s1, s23, $0xb8;
	[tilespmem:$0x1E000] =	vst v63  }
0xe1: {  	_ =	swait.ge [sflag:s22], $0x4000  }
0xe2: {  	s1 =	sld [smem:$0x7BB]  }
0xe3: {  	[sflag:s22] =	ssyncset.done $0x0  }
0xe4: {  	[sflag:s22] =	ssyncadd.s32 $0xFFFFC000  }
0xe5: {  	[hbm4b:s1+s2] =	stream.linear.scatter [tilespmem:s15], [sflag:$0xD], $0x4000, $0x38;
	[tilespmem:$0x1E000] =	vst v63  }
0xe6: {  	_ =	swait.ge [sflag:s9], $0x4000  }
0xe7: {  	s1 =	sld [smem:$0x7BC]  }
0xe8: {  	[sflag:s9] =	ssyncset.done $0x0  }
0xe9: {  	[sflag:s9] =	ssyncadd.s32 $0xFFFFC000  }
0xea: {  	[tilespmem:s15], [sflag:$0x6] =	stream.indirect.gather [hbm4b:s18+s23], $0x80, s1, s23, $0xb8;
	[tilespmem:$0x1E000] =	vst v63  }
0xeb: {  	_ =	swait.ge [sflag:s20], $0x4000  }
0xec: {  	s1 =	sld [smem:$0x7BD]  }
0xed: {  	[sflag:s20] =	ssyncset.done $0x0  }
0xee: {  	[sflag:s20] =	ssyncadd.s32 $0xFFFFC000  }
0xef: {  	[hbm4b:s1+s2] =	stream.linear.scatter [tilespmem:s14], [sflag:$0xE], $0x4000, $0x38;
	[tilespmem:$0x1E000] =	vst v63  }
0xf0: {  	_ =	swait.ge [sflag:s7], $0x4000  }
0xf1: {  	s1 =	sld [smem:$0x7BE]  }
0xf2: {  	[sflag:s7] =	ssyncset.done $0x0  }
0xf3: {  	[sflag:s7] =	ssyncadd.s32 $0xFFFFC000  }
0xf4: {  	[tilespmem:s14], [sflag:$0x7] =	stream.indirect.gather [hbm4b:s18+s23], $0x80, s1, s23, $0xb8;
	[tilespmem:$0x1E000] =	vst v63  }
0xf5: {  	_ =	swait.ge [sflag:s13], $0x4000  }
0xf6: {  	s1 =	sld [smem:$0x7BF]  }
0xf7: {  	[sflag:s13] =	ssyncset.done $0x0  }
0xf8: {  	[sflag:s13] =	ssyncadd.s32 $0xFFFFC000  }
0xf9: {  	[hbm4b:s1+s2] =	stream.linear.scatter [tilespmem:s5], [sflag:$0x8], $0x4000, $0x38;
	[tilespmem:$0x1E000] =	vst v63  }
0xfa: {  	_ =	swait.ge [sflag:s12], $0x4000  }
0xfb: {  	s1 =	sld [smem:$0x7C0]  }
0xfc: {  	[sflag:s12] =	ssyncset.done $0x0  }
0xfd: {  	[sflag:s12] =	ssyncadd.s32 $0xFFFFC000  }
0xfe: {  	[tilespmem:s5], [sflag:$0x1] =	stream.indirect.gather [hbm4b:s18+s23], $0x80, s1, s23, $0xb8;
	[tilespmem:$0x1E000] =	vst v63  }
0xff: {  	_ =	swait.ge [sflag:s28], $0x4000  }
0x100: {  	s1 =	sld [smem:$0x7C1]  }
0x101: {  	[sflag:s28] =	ssyncset.done $0x0  }
0x102: {  	[sflag:s28] =	ssyncadd.s32 $0xFFFFC000  }
0x103: {  	[hbm4b:s1+s2] =	stream.linear.scatter [tilespmem:s21], [sflag:$0x9], $0x4000, $0x38;
	[tilespmem:$0x1E000] =	vst v63  }
0x104: {  	_ =	swait.ge [sflag:s10], $0x4000  }
0x105: {  	s1 =	sld [smem:$0x7C2]  }
0x106: {  	[sflag:s10] =	ssyncset.done $0x0  }
0x107: {  	[sflag:s10] =	ssyncadd.s32 $0xFFFFC000  }
0x108: {  	[tilespmem:s21], [sflag:$0x2] =	stream.indirect.gather [hbm4b:s18+s23], $0x80, s1, s23, $0xb8;
	[tilespmem:$0x1E000] =	vst v63  }
0x109: {  	_ =	swait.ge [sflag:s26], $0x4000  }
0x10a: {  	s1 =	sld [smem:$0x7C3]  }
0x10b: {  	[sflag:s26] =	ssyncset.done $0x0  }
0x10c: {  	[sflag:s26] =	ssyncadd.s32 $0xFFFFC000  }
0x10d: {  	[hbm4b:s1+s2] =	stream.linear.scatter [tilespmem:s19], [sflag:$0xA], $0x4000, $0x38;
	[tilespmem:$0x1E000] =	vst v63  }
0x10e: {  	_ =	swait.ge [sflag:s8], $0x4000  }
0x10f: {  	s1 =	sld [smem:$0x7C4]  }
0x110: {  	[sflag:s8] =	ssyncset.done $0x0  }
0x111: {  	[sflag:s8] =	ssyncadd.s32 $0xFFFFC000  }
0x112: {  	[tilespmem:s19], [sflag:$0x3] =	stream.indirect.gather [hbm4b:s18+s23], $0x80, s1, s23, $0xb8;
	[tilespmem:$0x1E000] =	vst v63  }
0x113: {  	_ =	swait.ge [sflag:s24], $0x4000  }
0x114: {  	s1 =	sld [smem:$0x7C5]  }
0x115: {  	[sflag:s24] =	ssyncset.done $0x0  }
0x116: {  	[sflag:s24] =	ssyncadd.s32 $0xFFFFC000  }
0x117: {  	[hbm4b:s1+s2] =	stream.linear.scatter [tilespmem:s17], [sflag:$0xB], $0x4000, $0x38;
	[tilespmem:$0x1E000] =	vst v63  }
0x118: {  	_ =	swait.ge [sflag:s6], $0x4000  }
0x119: {  	s1 =	sld [smem:$0x7C6]  }
0x11a: {  	[sflag:s6] =	ssyncset.done $0x0  }
0x11b: {  	[sflag:s6] =	ssyncadd.s32 $0xFFFFC000  }
0x11c: {  	[tilespmem:s17], [sflag:$0x4] =	stream.indirect.gather [hbm4b:s18+s23], $0x80, s1, s23, $0xb8;
	[tilespmem:$0x1E000] =	vst v63  }
0x11d: {  	_ =	swait.ge [sflag:s25], $0x4000  }
0x11e: {  	s1 =	sld [smem:$0x7C7]  }
0x11f: {  	[sflag:s25] =	ssyncset.done $0x0  }
0x120: {  	[sflag:s25] =	ssyncadd.s32 $0xFFFFC000  }
0x121: {  	[hbm4b:s1+s2] =	stream.linear.scatter [tilespmem:s16], [sflag:$0xC], $0x4000, $0x38;
	[tilespmem:$0x1E000] =	vst v63  }
0x122: {  	_ =	swait.ge [sflag:s11], $0x4000  }
0x123: {  	s1 =	sld [smem:$0x7C8]  }
0x124: {  	[sflag:s11] =	ssyncset.done $0x0  }
0x125: {  	[sflag:s11] =	ssyncadd.s32 $0xFFFFC000  }
0x126: {  	[tilespmem:s16], [sflag:$0x5] =	stream.indirect.gather [hbm4b:s18+s23], $0x80, s1, s23, $0xb8;
	[tilespmem:$0x1E000] =	vst v63  }
0x127: {  	_ =	swait.ge [sflag:s22], $0x4000  }
0x128: {  	s1 =	sld [smem:$0x7C9]  }
0x129: {  	[sflag:s22] =	ssyncset.done $0x0  }
0x12a: {  	[sflag:s22] =	ssyncadd.s32 $0xFFFFC000  }
0x12b: {  	[hbm4b:s1+s2] =	stream.linear.scatter [tilespmem:s15], [sflag:$0xD], $0x4000, $0x38;
	[tilespmem:$0x1E000] =	vst v63  }
0x12c: {  	_ =	swait.ge [sflag:s9], $0x4000  }
0x12d: {  	s1 =	sld [smem:$0x7CA]  }
0x12e: {  	[sflag:s9] =	ssyncset.done $0x0  }
0x12f: {  	[sflag:s9] =	ssyncadd.s32 $0xFFFFC000  }
0x130: {  	[tilespmem:s15], [sflag:$0x6] =	stream.indirect.gather [hbm4b:s18+s23], $0x80, s1, s23, $0xb8;
	[tilespmem:$0x1E000] =	vst v63  }
0x131: {  	_ =	swait.ge [sflag:s20], $0x4000  }
0x132: {  	s1 =	sld [smem:$0x7CB]  }
0x133: {  	[sflag:s20] =	ssyncset.done $0x0  }
0x134: {  	[sflag:s20] =	ssyncadd.s32 $0xFFFFC000  }
0x135: {  	[hbm4b:s1+s2] =	stream.linear.scatter [tilespmem:s14], [sflag:$0xE], $0x4000, $0x38;
	[tilespmem:$0x1E000] =	vst v63  }
0x136: {  	_ =	swait.ge [sflag:s7], $0x4000  }
0x137: {  	s1 =	sld [smem:$0x7CC]  }
0x138: {  	[sflag:s7] =	ssyncset.done $0x0  }
0x139: {  	[sflag:s7] =	ssyncadd.s32 $0xFFFFC000  }
0x13a: {  	[tilespmem:s14], [sflag:$0x7] =	stream.indirect.gather [hbm4b:s18+s23], $0x80, s1, s23, $0xb8;
	[tilespmem:$0x1E000] =	vst v63  }
0x13b: {  	_ =	swait.ge [sflag:s13], $0x4000  }
0x13c: {  	s1 =	sld [smem:$0x7CD]  }
0x13d: {  	[sflag:s13] =	ssyncset.done $0x0  }
0x13e: {  	[sflag:s13] =	ssyncadd.s32 $0xFFFFC000  }
0x13f: {  	[hbm4b:s1+s2] =	stream.linear.scatter [tilespmem:s5], [sflag:$0x8], $0x4000, $0x38;
	[tilespmem:$0x1E000] =	vst v63  }
0x140: {  	_ =	swait.ge [sflag:s12], $0x4000  }
0x141: {  	s1 =	sld [smem:$0x7CE]  }
0x142: {  	[sflag:s12] =	ssyncset.done $0x0  }
0x143: {  	[sflag:s12] =	ssyncadd.s32 $0xFFFFC000  }
0x144: {  	[tilespmem:s5], [sflag:$0x1] =	stream.indirect.gather [hbm4b:s18+s23], $0x80, s1, s23, $0xb8;
	[tilespmem:$0x1E000] =	vst v63  }
0x145: {  	_ =	swait.ge [sflag:s28], $0x4000  }
0x146: {  	s1 =	sld [smem:$0x7CF]  }
0x147: {  	[sflag:s28] =	ssyncset.done $0x0  }
0x148: {  	[sflag:s28] =	ssyncadd.s32 $0xFFFFC000  }
0x149: {  	[hbm4b:s1+s2] =	stream.linear.scatter [tilespmem:s21], [sflag:$0x9], $0x4000, $0x38;
	[tilespmem:$0x1E000] =	vst v63  }
0x14a: {  	_ =	swait.ge [sflag:s10], $0x4000  }
0x14b: {  	s1 =	sld [smem:$0x7D0]  }
0x14c: {  	[sflag:s10] =	ssyncset.done $0x0  }
0x14d: {  	[sflag:s10] =	ssyncadd.s32 $0xFFFFC000  }
0x14e: {  	[tilespmem:s21], [sflag:$0x2] =	stream.indirect.gather [hbm4b:s18+s23], $0x80, s1, s23, $0xb8;
	[tilespmem:$0x1E000] =	vst v63  }
0x14f: {  	_ =	swait.ge [sflag:s26], $0x4000  }
0x150: {  	s1 =	sld [smem:$0x7D1]  }
0x151: {  	[sflag:s26] =	ssyncset.done $0x0  }
0x152: {  	[sflag:s26] =	ssyncadd.s32 $0xFFFFC000  }
0x153: {  	[hbm4b:s1+s2] =	stream.linear.scatter [tilespmem:s19], [sflag:$0xA], $0x4000, $0x38;
	[tilespmem:$0x1E000] =	vst v63  }
0x154: {  	_ =	swait.ge [sflag:s8], $0x4000  }
0x155: {  	s1 =	sld [smem:$0x7D2]  }
0x156: {  	[sflag:s8] =	ssyncset.done $0x0  }
0x157: {  	[sflag:s8] =	ssyncadd.s32 $0xFFFFC000  }
0x158: {  	[tilespmem:s19], [sflag:$0x3] =	stream.indirect.gather [hbm4b:s18+s23], $0x80, s1, s23, $0xb8;
	[tilespmem:$0x1E000] =	vst v63  }
0x159: {  	_ =	swait.ge [sflag:s24], $0x4000  }
0x15a: {  	s1 =	sld [smem:$0x7D3]  }
0x15b: {  	[sflag:s24] =	ssyncset.done $0x0  }
0x15c: {  	[sflag:s24] =	ssyncadd.s32 $0xFFFFC000  }
0x15d: {  	[hbm4b:s1+s2] =	stream.linear.scatter [tilespmem:s17], [sflag:$0xB], $0x4000, $0x38;
	[tilespmem:$0x1E000] =	vst v63  }
0x15e: {  	_ =	swait.ge [sflag:s6], $0x4000  }
0x15f: {  	s1 =	sld [smem:$0x7D4]  }
0x160: {  	[sflag:s6] =	ssyncset.done $0x0  }
0x161: {  	[sflag:s6] =	ssyncadd.s32 $0xFFFFC000  }
0x162: {  	[tilespmem:s17], [sflag:$0x4] =	stream.indirect.gather [hbm4b:s18+s23], $0x80, s1, s23, $0xb8;
	[tilespmem:$0x1E000] =	vst v63  }
0x163: {  	_ =	swait.ge [sflag:s25], $0x4000  }
0x164: {  	s1 =	sld [smem:$0x7D5]  }
0x165: {  	[sflag:s25] =	ssyncset.done $0x0  }
0x166: {  	[sflag:s25] =	ssyncadd.s32 $0xFFFFC000  }
0x167: {  	[hbm4b:s1+s2] =	stream.linear.scatter [tilespmem:s16], [sflag:$0xC], $0x4000, $0x38;
	[tilespmem:$0x1E000] =	vst v63  }
0x168: {  	_ =	swait.ge [sflag:s11], $0x4000  }
0x169: {  	s1 =	sld [smem:$0x7D6]  }
0x16a: {  	[sflag:s11] =	ssyncset.done $0x0  }
0x16b: {  	[sflag:s11] =	ssyncadd.s32 $0xFFFFC000  }
0x16c: {  	[tilespmem:s16], [sflag:$0x5] =	stream.indirect.gather [hbm4b:s18+s23], $0x80, s1, s23, $0xb8;
	[tilespmem:$0x1E000] =	vst v63  }
0x16d: {  	_ =	swait.ge [sflag:s22], $0x4000  }
0x16e: {  	s1 =	sld [smem:$0x7D7]  }
0x16f: {  	[sflag:s22] =	ssyncset.done $0x0  }
0x170: {  	[sflag:s22] =	ssyncadd.s32 $0xFFFFC000  }
0x171: {  	[hbm4b:s1+s2] =	stream.linear.scatter [tilespmem:s15], [sflag:$0xD], $0x4000, $0x38;
	[tilespmem:$0x1E000] =	vst v63  }
0x172: {  	_ =	swait.ge [sflag:s9], $0x4000  }
0x173: {  	s1 =	sld [smem:$0x7D8]  }
0x174: {  	[sflag:s9] =	ssyncset.done $0x0  }
0x175: {  	[sflag:s9] =	ssyncadd.s32 $0xFFFFC000  }
0x176: {  	[tilespmem:s15], [sflag:$0x6] =	stream.indirect.gather [hbm4b:s18+s23], $0x80, s1, s23, $0xb8;
	[tilespmem:$0x1E000] =	vst v63  }
0x177: {  	_ =	swait.ge [sflag:s20], $0x4000  }
0x178: {  	s1 =	sld [smem:$0x7D9]  }
0x179: {  	[sflag:s20] =	ssyncset.done $0x0  }
0x17a: {  	[sflag:s20] =	ssyncadd.s32 $0xFFFFC000  }
0x17b: {  	[hbm4b:s1+s2] =	stream.linear.scatter [tilespmem:s14], [sflag:$0xE], $0x4000, $0x38;
	[tilespmem:$0x1E000] =	vst v63  }
0x17c: {  	_ =	swait.ge [sflag:s7], $0x4000  }
0x17d: {  	s1 =	sld [smem:$0x7DA]  }
0x17e: {  	[sflag:s7] =	ssyncset.done $0x0  }
0x17f: {  	[sflag:s7] =	ssyncadd.s32 $0xFFFFC000  }
0x180: {  	[tilespmem:s14], [sflag:$0x7] =	stream.indirect.gather [hbm4b:s18+s23], $0x80, s1, s23, $0xb8;
	[tilespmem:$0x1E000] =	vst v63  }
0x181: {  	_ =	swait.ge [sflag:s13], $0x4000  }
0x182: {  	s1 =	sld [smem:$0x7DB]  }
0x183: {  	[sflag:s13] =	ssyncset.done $0x0  }
0x184: {  	[sflag:s13] =	ssyncadd.s32 $0xFFFFC000  }
0x185: {  	[hbm4b:s1+s2] =	stream.linear.scatter [tilespmem:s5], [sflag:$0x8], $0x4000, $0x38;
	[tilespmem:$0x1E000] =	vst v63  }
0x186: {  	_ =	swait.ge [sflag:s12], $0x4000  }
0x187: {  	s1 =	sld [smem:$0x7DC]  }
0x188: {  	[sflag:s12] =	ssyncset.done $0x0  }
0x189: {  	[sflag:s12] =	ssyncadd.s32 $0xFFFFC000  }
0x18a: {  	[tilespmem:s5], [sflag:$0x1] =	stream.indirect.gather [hbm4b:s18+s23], $0x80, s1, s23, $0xb8;
	[tilespmem:$0x1E000] =	vst v63  }
0x18b: {  	_ =	swait.ge [sflag:s28], $0x4000  }
0x18c: {  	s1 =	sld [smem:$0x7DD]  }
0x18d: {  	[sflag:s28] =	ssyncset.done $0x0  }
0x18e: {  	[sflag:s28] =	ssyncadd.s32 $0xFFFFC000  }
0x18f: {  	[hbm4b:s1+s2] =	stream.linear.scatter [tilespmem:s21], [sflag:$0x9], $0x4000, $0x38;
	[tilespmem:$0x1E000] =	vst v63  }
0x190: {  	_ =	swait.ge [sflag:s10], $0x4000  }
0x191: {  	s1 =	sld [smem:$0x7DE]  }
0x192: {  	[sflag:s10] =	ssyncset.done $0x0  }
0x193: {  	[sflag:s10] =	ssyncadd.s32 $0xFFFFC000  }
0x194: {  	[tilespmem:s21], [sflag:$0x2] =	stream.indirect.gather [hbm4b:s18+s23], $0x80, s1, s23, $0xb8;
	[tilespmem:$0x1E000] =	vst v63  }
0x195: {  	_ =	swait.ge [sflag:s26], $0x4000  }
0x196: {  	s1 =	sld [smem:$0x7DF]  }
0x197: {  	[sflag:s26] =	ssyncset.done $0x0  }
0x198: {  	[sflag:s26] =	ssyncadd.s32 $0xFFFFC000  }
0x199: {  	[hbm4b:s1+s2] =	stream.linear.scatter [tilespmem:s19], [sflag:$0xA], $0x4000, $0x38;
	[tilespmem:$0x1E000] =	vst v63  }
0x19a: {  	_ =	swait.ge [sflag:s8], $0x4000  }
0x19b: {  	s1 =	sld [smem:$0x7E0]  }
0x19c: {  	[sflag:s8] =	ssyncset.done $0x0  }
0x19d: {  	[sflag:s8] =	ssyncadd.s32 $0xFFFFC000  }
0x19e: {  	[tilespmem:s19], [sflag:$0x3] =	stream.indirect.gather [hbm4b:s18+s23], $0x80, s1, s23, $0xb8;
	[tilespmem:$0x1E000] =	vst v63  }
0x19f: {  	_ =	swait.ge [sflag:s24], $0x4000  }
0x1a0: {  	s1 =	sld [smem:$0x7E1]  }
0x1a1: {  	[sflag:s24] =	ssyncset.done $0x0  }
0x1a2: {  	[sflag:s24] =	ssyncadd.s32 $0xFFFFC000  }
0x1a3: {  	[hbm4b:s1+s2] =	stream.linear.scatter [tilespmem:s17], [sflag:$0xB], $0x4000, $0x38;
	[tilespmem:$0x1E000] =	vst v63  }
0x1a4: {  	_ =	swait.ge [sflag:s6], $0x4000  }
0x1a5: {  	s1 =	sld [smem:$0x7E2]  }
0x1a6: {  	[sflag:s6] =	ssyncset.done $0x0  }
0x1a7: {  	[sflag:s6] =	ssyncadd.s32 $0xFFFFC000  }
0x1a8: {  	[tilespmem:s17], [sflag:$0x4] =	stream.indirect.gather [hbm4b:s18+s23], $0x80, s1, s23, $0xb8;
	[tilespmem:$0x1E000] =	vst v63  }
0x1a9: {  	_ =	swait.ge [sflag:s25], $0x4000  }
0x1aa: {  	s1 =	sld [smem:$0x7E3]  }
0x1ab: {  	[sflag:s25] =	ssyncset.done $0x0  }
0x1ac: {  	[sflag:s25] =	ssyncadd.s32 $0xFFFFC000  }
0x1ad: {  	[hbm4b:s1+s2] =	stream.linear.scatter [tilespmem:s16], [sflag:$0xC], $0x4000, $0x38;
	[tilespmem:$0x1E000] =	vst v63  }
0x1ae: {  	_ =	swait.ge [sflag:s11], $0x4000  }
0x1af: {  	s1 =	sld [smem:$0x7E4]  }
0x1b0: {  	[sflag:s11] =	ssyncset.done $0x0  }
0x1b1: {  	[sflag:s11] =	ssyncadd.s32 $0xFFFFC000  }
0x1b2: {  	[tilespmem:s16], [sflag:$0x5] =	stream.indirect.gather [hbm4b:s18+s23], $0x80, s1, s23, $0xb8;
	[tilespmem:$0x1E000] =	vst v63  }
0x1b3: {  	_ =	swait.ge [sflag:s22], $0x4000  }
0x1b4: {  	s1 =	sld [smem:$0x7E5]  }
0x1b5: {  	[sflag:s22] =	ssyncset.done $0x0  }
0x1b6: {  	[sflag:s22] =	ssyncadd.s32 $0xFFFFC000  }
0x1b7: {  	[hbm4b:s1+s2] =	stream.linear.scatter [tilespmem:s15], [sflag:$0xD], $0x4000, $0x38;
	[tilespmem:$0x1E000] =	vst v63  }
0x1b8: {  	_ =	swait.ge [sflag:s9], $0x4000  }
0x1b9: {  	s1 =	sld [smem:$0x7E6]  }
0x1ba: {  	[sflag:s9] =	ssyncset.done $0x0  }
0x1bb: {  	[sflag:s9] =	ssyncadd.s32 $0xFFFFC000  }
0x1bc: {  	[tilespmem:s15], [sflag:$0x6] =	stream.indirect.gather [hbm4b:s18+s23], $0x80, s1, s23, $0xb8;
	[tilespmem:$0x1E000] =	vst v63  }
0x1bd: {  	_ =	swait.ge [sflag:s20], $0x4000  }
0x1be: {  	s1 =	sld [smem:$0x7E7]  }
0x1bf: {  	[sflag:s20] =	ssyncset.done $0x0  }
0x1c0: {  	[sflag:s20] =	ssyncadd.s32 $0xFFFFC000  }
0x1c1: {  	[hbm4b:s1+s2] =	stream.linear.scatter [tilespmem:s14], [sflag:$0xE], $0x4000, $0x38;
	[tilespmem:$0x1E000] =	vst v63  }
0x1c2: {  	_ =	swait.ge [sflag:s7], $0x4000  }
0x1c3: {  	s1 =	sld [smem:$0x7E8]  }
0x1c4: {  	[sflag:s7] =	ssyncset.done $0x0  }
0x1c5: {  	[sflag:s7] =	ssyncadd.s32 $0xFFFFC000  }
0x1c6: {  	[tilespmem:s14], [sflag:$0x7] =	stream.indirect.gather [hbm4b:s18+s23], $0x80, s1, s23, $0xb8;
	[tilespmem:$0x1E000] =	vst v63  }
0x1c7: {  	_ =	swait.ge [sflag:s13], $0x4000  }
0x1c8: {  	s1 =	sld [smem:$0x7E9]  }
0x1c9: {  	[sflag:s13] =	ssyncset.done $0x0  }
0x1ca: {  	[sflag:s13] =	ssyncadd.s32 $0xFFFFC000  }
0x1cb: {  	[hbm4b:s1+s2] =	stream.linear.scatter [tilespmem:s5], [sflag:$0x8], $0x4000, $0x38;
	[tilespmem:$0x1E000] =	vst v63  }
0x1cc: {  	_ =	swait.ge [sflag:s12], $0x4000  }
0x1cd: {  	s1 =	sld [smem:$0x7EA]  }
0x1ce: {  	[sflag:s12] =	ssyncset.done $0x0  }
0x1cf: {  	[sflag:s12] =	ssyncadd.s32 $0xFFFFC000  }
0x1d0: {  	[tilespmem:s5], [sflag:$0x1] =	stream.indirect.gather [hbm4b:s18+s23], $0x80, s1, s23, $0xb8;
	[tilespmem:$0x1E000] =	vst v63  }
0x1d1: {  	_ =	swait.ge [sflag:s28], $0x4000  }
0x1d2: {  	s1 =	sld [smem:$0x7EB]  }
0x1d3: {  	[sflag:s28] =	ssyncset.done $0x0  }
0x1d4: {  	[sflag:s28] =	ssyncadd.s32 $0xFFFFC000  }
0x1d5: {  	[hbm4b:s1+s2] =	stream.linear.scatter [tilespmem:s21], [sflag:$0x9], $0x4000, $0x38;
	[tilespmem:$0x1E000] =	vst v63  }
0x1d6: {  	_ =	swait.ge [sflag:s10], $0x4000  }
0x1d7: {  	s1 =	sld [smem:$0x7EC]  }
0x1d8: {  	[sflag:s10] =	ssyncset.done $0x0  }
0x1d9: {  	[sflag:s10] =	ssyncadd.s32 $0xFFFFC000  }
0x1da: {  	[tilespmem:s21], [sflag:$0x2] =	stream.indirect.gather [hbm4b:s18+s23], $0x80, s1, s23, $0xb8;
	[tilespmem:$0x1E000] =	vst v63  }
0x1db: {  	_ =	swait.ge [sflag:s26], $0x4000  }
0x1dc: {  	s1 =	sld [smem:$0x7ED]  }
0x1dd: {  	[sflag:s26] =	ssyncset.done $0x0  }
0x1de: {  	[sflag:s26] =	ssyncadd.s32 $0xFFFFC000  }
0x1df: {  	[hbm4b:s1+s2] =	stream.linear.scatter [tilespmem:s19], [sflag:$0xA], $0x4000, $0x38;
	[tilespmem:$0x1E000] =	vst v63  }
0x1e0: {  	_ =	swait.ge [sflag:s8], $0x4000  }
0x1e1: {  	s1 =	sld [smem:$0x7EE]  }
0x1e2: {  	[sflag:s8] =	ssyncset.done $0x0  }
0x1e3: {  	[sflag:s8] =	ssyncadd.s32 $0xFFFFC000  }
0x1e4: {  	[tilespmem:s19], [sflag:$0x3] =	stream.indirect.gather [hbm4b:s18+s23], $0x80, s1, s23, $0xb8;
	[tilespmem:$0x1E000] =	vst v63  }
0x1e5: {  	_ =	swait.ge [sflag:s24], $0x4000  }
0x1e6: {  	s1 =	sld [smem:$0x7EF]  }
0x1e7: {  	[sflag:s24] =	ssyncset.done $0x0  }
0x1e8: {  	[sflag:s24] =	ssyncadd.s32 $0xFFFFC000  }
0x1e9: {  	[hbm4b:s1+s2] =	stream.linear.scatter [tilespmem:s17], [sflag:$0xB], $0x4000, $0x38;
	[tilespmem:$0x1E000] =	vst v63  }
0x1ea: {  	_ =	swait.ge [sflag:s6], $0x4000  }
0x1eb: {  	s1 =	sld [smem:$0x7F0]  }
0x1ec: {  	[sflag:s6] =	ssyncset.done $0x0  }
0x1ed: {  	[sflag:s6] =	ssyncadd.s32 $0xFFFFC000  }
0x1ee: {  	[tilespmem:s17], [sflag:$0x4] =	stream.indirect.gather [hbm4b:s18+s23], $0x80, s1, s23, $0xb8;
	[tilespmem:$0x1E000] =	vst v63  }
0x1ef: {  	_ =	swait.ge [sflag:s25], $0x4000  }
0x1f0: {  	s1 =	sld [smem:$0x7F1]  }
0x1f1: {  	[sflag:s25] =	ssyncset.done $0x0  }
0x1f2: {  	[sflag:s25] =	ssyncadd.s32 $0xFFFFC000  }
0x1f3: {  	[hbm4b:s1+s2] =	stream.linear.scatter [tilespmem:s16], [sflag:$0xC], $0x4000, $0x38;
	[tilespmem:$0x1E000] =	vst v63  }
0x1f4: {  	_ =	swait.ge [sflag:s11], $0x4000  }
0x1f5: {  	s1 =	sld [smem:$0x7F2]  }
0x1f6: {  	[sflag:s11] =	ssyncset.done $0x0  }
0x1f7: {  	[sflag:s11] =	ssyncadd.s32 $0xFFFFC000  }
0x1f8: {  	[tilespmem:s16], [sflag:$0x5] =	stream.indirect.gather [hbm4b:s18+s23], $0x80, s1, s23, $0xb8;
	[tilespmem:$0x1E000] =	vst v63  }
0x1f9: {  	_ =	swait.ge [sflag:s22], $0x4000  }
0x1fa: {  	s1 =	sld [smem:$0x7F3]  }
0x1fb: {  	[sflag:s22] =	ssyncset.done $0x0  }
0x1fc: {  	[sflag:s22] =	ssyncadd.s32 $0xFFFFC000  }
0x1fd: {  	[hbm4b:s1+s2] =	stream.linear.scatter [tilespmem:s15], [sflag:$0xD], $0x4000, $0x38;
	[tilespmem:$0x1E000] =	vst v63  }
0x1fe: {  	_ =	swait.ge [sflag:s9], $0x4000  }
0x1ff: {  	s1 =	sld [smem:$0x7F4]  }
0x200: {  	[sflag:s9] =	ssyncset.done $0x0  }
0x201: {  	[sflag:s9] =	ssyncadd.s32 $0xFFFFC000  }
0x202: {  	[tilespmem:s15], [sflag:$0x6] =	stream.indirect.gather [hbm4b:s18+s23], $0x80, s1, s23, $0xb8;
	[tilespmem:$0x1E000] =	vst v63  }
0x203: {  	_ =	swait.ge [sflag:s20], $0x4000  }
0x204: {  	s1 =	sld [smem:$0x7F5]  }
0x205: {  	[sflag:s20] =	ssyncset.done $0x0  }
0x206: {  	[sflag:s20] =	ssyncadd.s32 $0xFFFFC000  }
0x207: {  	[hbm4b:s1+s2] =	stream.linear.scatter [tilespmem:s14], [sflag:$0xE], $0x4000, $0x38;
	[tilespmem:$0x1E000] =	vst v63  }
0x208: {  	_ =	swait.ge [sflag:s7], $0x4000  }
0x209: {  	s1 =	sld [smem:$0x7F6]  }
0x20a: {  	[sflag:s7] =	ssyncset.done $0x0  }
0x20b: {  	[sflag:s7] =	ssyncadd.s32 $0xFFFFC000  }
0x20c: {  	[tilespmem:s14], [sflag:$0x7] =	stream.indirect.gather [hbm4b:s18+s23], $0x80, s1, s23, $0xb8;
	[tilespmem:$0x1E000] =	vst v63  }
0x20d: {  	_ =	swait.ge [sflag:s13], $0x4000  }
0x20e: {  	s1 =	sld [smem:$0x7F7]  }
0x20f: {  	[sflag:s13] =	ssyncset.done $0x0  }
0x210: {  	[sflag:s13] =	ssyncadd.s32 $0xFFFFC000  }
0x211: {  	[hbm4b:s1+s2] =	stream.linear.scatter [tilespmem:s5], [sflag:$0x8], $0x4000, $0x38;
	[tilespmem:$0x1E000] =	vst v63  }
0x212: {  	_ =	swait.ge [sflag:s12], $0x4000  }
0x213: {  	s1 =	sld [smem:$0x7F8]  }
0x214: {  	[sflag:s12] =	ssyncset.done $0x0  }
0x215: {  	[sflag:s12] =	ssyncadd.s32 $0xFFFFC000  }
0x216: {  	[tilespmem:s5], [sflag:$0x1] =	stream.indirect.gather [hbm4b:s18+s23], $0x80, s1, s23, $0xb8;
	[tilespmem:$0x1E000] =	vst v63  }
0x217: {  	_ =	swait.ge [sflag:s28], $0x4000  }
0x218: {  	s1 =	sld [smem:$0x7F9]  }
0x219: {  	[sflag:s28] =	ssyncset.done $0x0  }
0x21a: {  	[sflag:s28] =	ssyncadd.s32 $0xFFFFC000  }
0x21b: {  	[hbm4b:s1+s2] =	stream.linear.scatter [tilespmem:s21], [sflag:$0x9], $0x4000, $0x38;
	[tilespmem:$0x1E000] =	vst v63  }
0x21c: {  	_ =	swait.ge [sflag:s26], $0x4000  }
0x21d: {  	s1 =	sld [smem:$0x7FA]  }
0x21e: {  	[sflag:s26] =	ssyncset.done $0x0  }
0x21f: {  	[sflag:s26] =	ssyncadd.s32 $0xFFFFC000  }
0x220: {  	[hbm4b:s1+s2] =	stream.linear.scatter [tilespmem:s19], [sflag:$0xA], $0x4000, $0x38;
	[tilespmem:$0x1E000] =	vst v63  }
0x221: {  	_ =	swait.ge [sflag:s24], $0x4000  }
0x222: {  	s1 =	sld [smem:$0x7FB]  }
0x223: {  	[sflag:s24] =	ssyncset.done $0x0  }
0x224: {  	[sflag:s24] =	ssyncadd.s32 $0xFFFFC000  }
0x225: {  	[hbm4b:s1+s2] =	stream.linear.scatter [tilespmem:s17], [sflag:$0xB], $0x4000, $0x38;
	[tilespmem:$0x1E000] =	vst v63  }
0x226: {  	_ =	swait.ge [sflag:s25], $0x4000  }
0x227: {  	s1 =	sld [smem:$0x7FC]  }
0x228: {  	[sflag:s25] =	ssyncset.done $0x0  }
0x229: {  	[sflag:s25] =	ssyncadd.s32 $0xFFFFC000  }
0x22a: {  	[hbm4b:s1+s2] =	stream.linear.scatter [tilespmem:s16], [sflag:$0xC], $0x4000, $0x38;
	[tilespmem:$0x1E000] =	vst v63  }
0x22b: {  	_ =	swait.ge [sflag:s22], $0x4000  }
0x22c: {  	s1 =	sld [smem:$0x7FD]  }
0x22d: {  	[sflag:s22] =	ssyncset.done $0x0  }
0x22e: {  	[sflag:s22] =	ssyncadd.s32 $0xFFFFC000  }
0x22f: {  	[hbm4b:s1+s2] =	stream.linear.scatter [tilespmem:s15], [sflag:$0xD], $0x4000, $0x38;
	[tilespmem:$0x1E000] =	vst v63  }
0x230: {  	_ =	swait.ge [sflag:s20], $0x4000  }
0x231: {  	[sflag:s20] =	ssyncset.done $0x0  }
0x232: {  	[sflag:s20] =	ssyncadd.s32 $0xFFFFC000  }
0x233: {  	[hbm4b:s4+s2] =	stream.linear.scatter [tilespmem:s14], [sflag:$0xE], $0x4000, $0x38;
	[tilespmem:$0x1E000] =	vst v63  }
0x234: {  	_ =	swait.ge [sflag:s13], $0x4000  }
0x235: {  	[sflag:s13] =	ssyncset.done $0x0  }
0x236: {  	[sflag:s13] =	ssyncadd.s32 $0xFFFFC000  }
0x237: {  	[hbm4b:s3+s2] =	stream.linear.scatter [tilespmem:s5], [sflag:$0x8], $0x4000, $0x38;
	[tilespmem:$0x1E000] =	vst v63  }
0x238: {  	_ =	swait.ge [sflag:s12], $0x4000  }
0x239: {  	[sflag:s12] =	ssyncset.done $0x0  }
0x23a: {  	[sflag:s12] =	ssyncadd.s32 $0xFFFFC000  }
0x23b: {  	_ =	swait.ge [sflag:s10], $0x4000  }
0x23c: {  	[sflag:s10] =	ssyncset.done $0x0  }
0x23d: {  	[sflag:s10] =	ssyncadd.s32 $0xFFFFC000  }
0x23e: {  	_ =	swait.ge [sflag:s8], $0x4000  }
0x23f: {  	[sflag:s8] =	ssyncset.done $0x0  }
0x240: {  	[sflag:s8] =	ssyncadd.s32 $0xFFFFC000  }
0x241: {  	_ =	swait.ge [sflag:s6], $0x4000  }
0x242: {  	[sflag:s6] =	ssyncset.done $0x0  }
0x243: {  	[sflag:s6] =	ssyncadd.s32 $0xFFFFC000  }
0x244: {  	_ =	swait.ge [sflag:s11], $0x4000  }
0x245: {  	[sflag:s11] =	ssyncset.done $0x0  }
0x246: {  	[sflag:s11] =	ssyncadd.s32 $0xFFFFC000  }
0x247: {  	_ =	swait.ge [sflag:s9], $0x4000  }
0x248: {  	s1 =	sld [smem:$0x7B9];
	_ =	sdelay $0x2  }
0x249: {  	p1 =	sne.s32 s1, $0x1  }
.Ltmp1:
0x24a: {  	_ = 	snop;
	(pc) =	sbr.rel @!p1 .LBB2_3-.Ltmp1, $4  }
0x24b: {  	[sflag:s9] =	ssyncset.done $0x0  }
0x24c: {  	[sflag:s9] =	ssyncadd.s32 $0xFFFFC000  }
0x24d: {  	p0 =	por $0x1, $0x1;
	_ =	swait.ge [sflag:s7], $0x4000  }
0x24e: {  	s1 =	sadd.s32 $0xFFFFFFFF, s1;
	s0 =	rddreg [dreg:$0x3];
	[sflag:s7] =	ssyncset.done $0x0  }
.LBB2_2:
0x24f: {  	[sflag:s7] =	ssyncadd.s32 $0xFFFFC000  }
0x250: {  	[tilespmem:s2], [sflag:$0xF] =	stream.linear.gather [hbm4b:s0+s2], $0x2000, $0x38;
	[tilespmem:$0x1E000] =	vst v63  }
0x251: {  	_ =	swait.ge [sflag:s31], $0x2000  }
0x252: {  	[sflag:s31] =	ssyncset.done $0x0  }
0x253: {  	[sflag:s31] =	ssyncadd.s32 $0xFFFFE000  }
0x254: {  	[tilespmem:s5], [sflag:$0x1] =	stream.indirect.gather [hbm4b:s18+s23], $0x80, s29, s23, $0xb8;
	[tilespmem:$0x1E000] =	vst v63  }
0x255: {  	s0 =	rddreg [dreg:$0x4];
	s31 =	smov.u32 s29;
	s29 =	smov.u32 s30  }
0x256: {  	[tilespmem:s21], [sflag:$0x2] =	stream.indirect.gather [hbm4b:s18+s23], $0x80, s0, s23, $0xb8;
	[tilespmem:$0x1E000] =	vst v63  }
0x257: {  	s30 =	smov.u32 s4;
	s4 =	smov.u32 s3;
	s3 =	rddreg [dreg:$0x5]  }
0x258: {  	[tilespmem:s19], [sflag:$0x3] =	stream.indirect.gather [hbm4b:s18+s23], $0x80, s3, s23, $0xb8;
	[tilespmem:$0x1E000] =	vst v63  }
0x259: {  	s0 =	rddreg [dreg:$0x6]  }
0x25a: {  	[tilespmem:s17], [sflag:$0x4] =	stream.indirect.gather [hbm4b:s18+s23], $0x80, s0, s23, $0xb8;
	[tilespmem:$0x1E000] =	vst v63  }
0x25b: {  	s3 =	rddreg [dreg:$0x7]  }
0x25c: {  	[tilespmem:s16], [sflag:$0x5] =	stream.indirect.gather [hbm4b:s18+s23], $0x80, s3, s23, $0xb8;
	[tilespmem:$0x1E000] =	vst v63  }
0x25d: {  	s0 =	rddreg [dreg:$0x8]  }
0x25e: {  	[tilespmem:s15], [sflag:$0x6] =	stream.indirect.gather [hbm4b:s18+s23], $0x80, s0, s23, $0xb8;
	[tilespmem:$0x1E000] =	vst v63  }
0x25f: {  	s3 =	rddreg [dreg:$0x9]  }
0x260: {  	[tilespmem:s14], [sflag:$0x7] =	stream.indirect.gather [hbm4b:s18+s23], $0x80, s3, s23, $0xb8;
	[tilespmem:$0x1E000] =	vst v63  }
0x261: {  	_ =	swait.ge [sflag:s13], $0x4000  }
0x262: {  	s3 =	smov.u32 s4;
	[sflag:s13] =	ssyncset.done $0x0  }
0x263: {  	s4 =	smov.u32 s30;
	s30 =	smov.u32 s29;
	[sflag:s13] =	ssyncadd.s32 $0xFFFFC000  }
0x264: {  	[hbm4b:s30+s2] =	stream.linear.scatter [tilespmem:s5], [sflag:$0x8], $0x4000, $0x38;
	[tilespmem:$0x1E000] =	vst v63  }
0x265: {  	_ =	swait.ge [sflag:s12], $0x4000  }
0x266: {  	[sflag:s12] =	ssyncset.done $0x0  }
0x267: {  	s0 =	rddreg [dreg:$0xa];
	[sflag:s12] =	ssyncadd.s32 $0xFFFFC000  }
0x268: {  	[tilespmem:s5], [sflag:$0x1] =	stream.indirect.gather [hbm4b:s18+s23], $0x80, s0, s23, $0xb8;
	[tilespmem:$0x1E000] =	vst v63  }
0x269: {  	_ =	swait.ge [sflag:s28], $0x4000  }
0x26a: {  	[sflag:s28] =	ssyncset.done $0x0  }
0x26b: {  	s0 =	rddreg [dreg:$0xb];
	[sflag:s28] =	ssyncadd.s32 $0xFFFFC000  }
0x26c: {  	[hbm4b:s0+s2] =	stream.linear.scatter [tilespmem:s21], [sflag:$0x9], $0x4000, $0x38;
	[tilespmem:$0x1E000] =	vst v63  }
0x26d: {  	_ =	swait.ge [sflag:s10], $0x4000  }
0x26e: {  	[sflag:s10] =	ssyncset.done $0x0  }
0x26f: {  	s0 =	rddreg [dreg:$0xc];
	[sflag:s10] =	ssyncadd.s32 $0xFFFFC000  }
0x270: {  	[tilespmem:s21], [sflag:$0x2] =	stream.indirect.gather [hbm4b:s18+s23], $0x80, s0, s23, $0xb8;
	[tilespmem:$0x1E000] =	vst v63  }
0x271: {  	_ =	swait.ge [sflag:s26], $0x4000  }
0x272: {  	[sflag:s26] =	ssyncset.done $0x0  }
0x273: {  	s0 =	rddreg [dreg:$0xd];
	[sflag:s26] =	ssyncadd.s32 $0xFFFFC000  }
0x274: {  	[hbm4b:s0+s2] =	stream.linear.scatter [tilespmem:s19], [sflag:$0xA], $0x4000, $0x38;
	[tilespmem:$0x1E000] =	vst v63  }
0x275: {  	_ =	swait.ge [sflag:s8], $0x4000  }
0x276: {  	[sflag:s8] =	ssyncset.done $0x0  }
0x277: {  	s0 =	rddreg [dreg:$0xe];
	[sflag:s8] =	ssyncadd.s32 $0xFFFFC000  }
0x278: {  	[tilespmem:s19], [sflag:$0x3] =	stream.indirect.gather [hbm4b:s18+s23], $0x80, s0, s23, $0xb8;
	[tilespmem:$0x1E000] =	vst v63  }
0x279: {  	_ =	swait.ge [sflag:s24], $0x4000  }
0x27a: {  	[sflag:s24] =	ssyncset.done $0x0  }
0x27b: {  	s0 =	rddreg [dreg:$0xf];
	[sflag:s24] =	ssyncadd.s32 $0xFFFFC000  }
0x27c: {  	[hbm4b:s0+s2] =	stream.linear.scatter [tilespmem:s17], [sflag:$0xB], $0x4000, $0x38;
	[tilespmem:$0x1E000] =	vst v63  }
0x27d: {  	_ =	swait.ge [sflag:s6], $0x4000  }
0x27e: {  	[sflag:s6] =	ssyncset.done $0x0  }
0x27f: {  	s0 =	rddreg [dreg:$0x10];
	[sflag:s6] =	ssyncadd.s32 $0xFFFFC000  }
0x280: {  	[tilespmem:s17], [sflag:$0x4] =	stream.indirect.gather [hbm4b:s18+s23], $0x80, s0, s23, $0xb8;
	[tilespmem:$0x1E000] =	vst v63  }
0x281: {  	_ =	swait.ge [sflag:s25], $0x4000  }
0x282: {  	[sflag:s25] =	ssyncset.done $0x0  }
0x283: {  	s0 =	rddreg [dreg:$0x11];
	[sflag:s25] =	ssyncadd.s32 $0xFFFFC000  }
0x284: {  	[hbm4b:s0+s2] =	stream.linear.scatter [tilespmem:s16], [sflag:$0xC], $0x4000, $0x38;
	[tilespmem:$0x1E000] =	vst v63  }
0x285: {  	_ =	swait.ge [sflag:s11], $0x4000  }
0x286: {  	[sflag:s11] =	ssyncset.done $0x0  }
0x287: {  	s0 =	rddreg [dreg:$0x12];
	[sflag:s11] =	ssyncadd.s32 $0xFFFFC000  }
0x288: {  	[tilespmem:s16], [sflag:$0x5] =	stream.indirect.gather [hbm4b:s18+s23], $0x80, s0, s23, $0xb8;
	[tilespmem:$0x1E000] =	vst v63  }
0x289: {  	_ =	swait.ge [sflag:s22], $0x4000  }
0x28a: {  	[sflag:s22] =	ssyncset.done $0x0  }
0x28b: {  	s0 =	rddreg [dreg:$0x13];
	[sflag:s22] =	ssyncadd.s32 $0xFFFFC000  }
0x28c: {  	[hbm4b:s0+s2] =	stream.linear.scatter [tilespmem:s15], [sflag:$0xD], $0x4000, $0x38;
	[tilespmem:$0x1E000] =	vst v63  }
0x28d: {  	_ =	swait.ge [sflag:s9], $0x4000  }
0x28e: {  	[sflag:s9] =	ssyncset.done $0x0  }
0x28f: {  	s0 =	rddreg [dreg:$0x14];
	[sflag:s9] =	ssyncadd.s32 $0xFFFFC000  }
0x290: {  	[tilespmem:s15], [sflag:$0x6] =	stream.indirect.gather [hbm4b:s18+s23], $0x80, s0, s23, $0xb8;
	[tilespmem:$0x1E000] =	vst v63  }
0x291: {  	_ =	swait.ge [sflag:s20], $0x4000  }
0x292: {  	[sflag:s20] =	ssyncset.done $0x0  }
0x293: {  	s0 =	rddreg [dreg:$0x15];
	[sflag:s20] =	ssyncadd.s32 $0xFFFFC000  }
0x294: {  	[hbm4b:s0+s2] =	stream.linear.scatter [tilespmem:s14], [sflag:$0xE], $0x4000, $0x38;
	[tilespmem:$0x1E000] =	vst v63  }
0x295: {  	_ =	swait.ge [sflag:s7], $0x4000  }
0x296: {  	[sflag:s7] =	ssyncset.done $0x0  }
0x297: {  	s0 =	rddreg [dreg:$0x16];
	[sflag:s7] =	ssyncadd.s32 $0xFFFFC000  }
0x298: {  	[tilespmem:s14], [sflag:$0x7] =	stream.indirect.gather [hbm4b:s18+s23], $0x80, s0, s23, $0xb8;
	[tilespmem:$0x1E000] =	vst v63  }
0x299: {  	_ =	swait.ge [sflag:s13], $0x4000  }
0x29a: {  	[sflag:s13] =	ssyncset.done $0x0  }
0x29b: {  	s0 =	rddreg [dreg:$0x17];
	[sflag:s13] =	ssyncadd.s32 $0xFFFFC000  }
0x29c: {  	[hbm4b:s0+s2] =	stream.linear.scatter [tilespmem:s5], [sflag:$0x8], $0x4000, $0x38;
	[tilespmem:$0x1E000] =	vst v63  }
0x29d: {  	_ =	swait.ge [sflag:s12], $0x4000  }
0x29e: {  	[sflag:s12] =	ssyncset.done $0x0  }
0x29f: {  	s0 =	rddreg [dreg:$0x18];
	[sflag:s12] =	ssyncadd.s32 $0xFFFFC000  }
0x2a0: {  	[tilespmem:s5], [sflag:$0x1] =	stream.indirect.gather [hbm4b:s18+s23], $0x80, s0, s23, $0xb8;
	[tilespmem:$0x1E000] =	vst v63  }
0x2a1: {  	_ =	swait.ge [sflag:s28], $0x4000  }
0x2a2: {  	[sflag:s28] =	ssyncset.done $0x0  }
0x2a3: {  	s0 =	rddreg [dreg:$0x19];
	[sflag:s28] =	ssyncadd.s32 $0xFFFFC000  }
0x2a4: {  	[hbm4b:s0+s2] =	stream.linear.scatter [tilespmem:s21], [sflag:$0x9], $0x4000, $0x38;
	[tilespmem:$0x1E000] =	vst v63  }
0x2a5: {  	_ =	swait.ge [sflag:s10], $0x4000  }
0x2a6: {  	[sflag:s10] =	ssyncset.done $0x0  }
0x2a7: {  	s0 =	rddreg [dreg:$0x1a];
	[sflag:s10] =	ssyncadd.s32 $0xFFFFC000  }
0x2a8: {  	[tilespmem:s21], [sflag:$0x2] =	stream.indirect.gather [hbm4b:s18+s23], $0x80, s0, s23, $0xb8;
	[tilespmem:$0x1E000] =	vst v63  }
0x2a9: {  	_ =	swait.ge [sflag:s26], $0x4000  }
0x2aa: {  	[sflag:s26] =	ssyncset.done $0x0  }
0x2ab: {  	s0 =	rddreg [dreg:$0x1b];
	[sflag:s26] =	ssyncadd.s32 $0xFFFFC000  }
0x2ac: {  	[hbm4b:s0+s2] =	stream.linear.scatter [tilespmem:s19], [sflag:$0xA], $0x4000, $0x38;
	[tilespmem:$0x1E000] =	vst v63  }
0x2ad: {  	_ =	swait.ge [sflag:s8], $0x4000  }
0x2ae: {  	[sflag:s8] =	ssyncset.done $0x0  }
0x2af: {  	s0 =	rddreg [dreg:$0x1c];
	[sflag:s8] =	ssyncadd.s32 $0xFFFFC000  }
0x2b0: {  	[tilespmem:s19], [sflag:$0x3] =	stream.indirect.gather [hbm4b:s18+s23], $0x80, s0, s23, $0xb8;
	[tilespmem:$0x1E000] =	vst v63  }
0x2b1: {  	_ =	swait.ge [sflag:s24], $0x4000  }
0x2b2: {  	[sflag:s24] =	ssyncset.done $0x0  }
0x2b3: {  	s0 =	rddreg [dreg:$0x1d];
	[sflag:s24] =	ssyncadd.s32 $0xFFFFC000  }
0x2b4: {  	[hbm4b:s0+s2] =	stream.linear.scatter [tilespmem:s17], [sflag:$0xB], $0x4000, $0x38;
	[tilespmem:$0x1E000] =	vst v63  }
0x2b5: {  	_ =	swait.ge [sflag:s6], $0x4000  }
0x2b6: {  	[sflag:s6] =	ssyncset.done $0x0  }
0x2b7: {  	s0 =	rddreg [dreg:$0x1e];
	[sflag:s6] =	ssyncadd.s32 $0xFFFFC000  }
0x2b8: {  	[tilespmem:s17], [sflag:$0x4] =	stream.indirect.gather [hbm4b:s18+s23], $0x80, s0, s23, $0xb8;
	[tilespmem:$0x1E000] =	vst v63  }
0x2b9: {  	_ =	swait.ge [sflag:s25], $0x4000  }
0x2ba: {  	[sflag:s25] =	ssyncset.done $0x0  }
0x2bb: {  	s0 =	rddreg [dreg:$0x1f];
	[sflag:s25] =	ssyncadd.s32 $0xFFFFC000  }
0x2bc: {  	[hbm4b:s0+s2] =	stream.linear.scatter [tilespmem:s16], [sflag:$0xC], $0x4000, $0x38;
	[tilespmem:$0x1E000] =	vst v63  }
0x2bd: {  	_ =	swait.ge [sflag:s11], $0x4000  }
0x2be: {  	s0 =	sld [smem:$0x7BA]  }
0x2bf: {  	[sflag:s11] =	ssyncset.done $0x0  }
0x2c0: {  	[sflag:s11] =	ssyncadd.s32 $0xFFFFC000  }
0x2c1: {  	[tilespmem:s16], [sflag:$0x5] =	stream.indirect.gather [hbm4b:s18+s23], $0x80, s0, s23, $0xb8;
	[tilespmem:$0x1E000] =	vst v63  }
0x2c2: {  	_ =	swait.ge [sflag:s22], $0x4000  }
0x2c3: {  	s0 =	sld [smem:$0x7BB]  }
0x2c4: {  	[sflag:s22] =	ssyncset.done $0x0  }
0x2c5: {  	[sflag:s22] =	ssyncadd.s32 $0xFFFFC000  }
0x2c6: {  	[hbm4b:s0+s2] =	stream.linear.scatter [tilespmem:s15], [sflag:$0xD], $0x4000, $0x38;
	[tilespmem:$0x1E000] =	vst v63  }
0x2c7: {  	_ =	swait.ge [sflag:s9], $0x4000  }
0x2c8: {  	s0 =	sld [smem:$0x7BC]  }
0x2c9: {  	[sflag:s9] =	ssyncset.done $0x0  }
0x2ca: {  	[sflag:s9] =	ssyncadd.s32 $0xFFFFC000  }
0x2cb: {  	[tilespmem:s15], [sflag:$0x6] =	stream.indirect.gather [hbm4b:s18+s23], $0x80, s0, s23, $0xb8;
	[tilespmem:$0x1E000] =	vst v63  }
0x2cc: {  	_ =	swait.ge [sflag:s20], $0x4000  }
0x2cd: {  	s0 =	sld [smem:$0x7BD]  }
0x2ce: {  	[sflag:s20] =	ssyncset.done $0x0  }
0x2cf: {  	[sflag:s20] =	ssyncadd.s32 $0xFFFFC000  }
0x2d0: {  	[hbm4b:s0+s2] =	stream.linear.scatter [tilespmem:s14], [sflag:$0xE], $0x4000, $0x38;
	[tilespmem:$0x1E000] =	vst v63  }
0x2d1: {  	_ =	swait.ge [sflag:s7], $0x4000  }
0x2d2: {  	s0 =	sld [smem:$0x7BE]  }
0x2d3: {  	[sflag:s7] =	ssyncset.done $0x0  }
0x2d4: {  	[sflag:s7] =	ssyncadd.s32 $0xFFFFC000  }
0x2d5: {  	[tilespmem:s14], [sflag:$0x7] =	stream.indirect.gather [hbm4b:s18+s23], $0x80, s0, s23, $0xb8;
	[tilespmem:$0x1E000] =	vst v63  }
0x2d6: {  	_ =	swait.ge [sflag:s13], $0x4000  }
0x2d7: {  	s0 =	sld [smem:$0x7BF]  }
0x2d8: {  	[sflag:s13] =	ssyncset.done $0x0  }
0x2d9: {  	[sflag:s13] =	ssyncadd.s32 $0xFFFFC000  }
0x2da: {  	[hbm4b:s0+s2] =	stream.linear.scatter [tilespmem:s5], [sflag:$0x8], $0x4000, $0x38;
	[tilespmem:$0x1E000] =	vst v63  }
0x2db: {  	_ =	swait.ge [sflag:s12], $0x4000  }
0x2dc: {  	s0 =	sld [smem:$0x7C0]  }
0x2dd: {  	[sflag:s12] =	ssyncset.done $0x0  }
0x2de: {  	[sflag:s12] =	ssyncadd.s32 $0xFFFFC000  }
0x2df: {  	[tilespmem:s5], [sflag:$0x1] =	stream.indirect.gather [hbm4b:s18+s23], $0x80, s0, s23, $0xb8;
	[tilespmem:$0x1E000] =	vst v63  }
0x2e0: {  	_ =	swait.ge [sflag:s28], $0x4000  }
0x2e1: {  	s0 =	sld [smem:$0x7C1]  }
0x2e2: {  	[sflag:s28] =	ssyncset.done $0x0  }
0x2e3: {  	[sflag:s28] =	ssyncadd.s32 $0xFFFFC000  }
0x2e4: {  	[hbm4b:s0+s2] =	stream.linear.scatter [tilespmem:s21], [sflag:$0x9], $0x4000, $0x38;
	[tilespmem:$0x1E000] =	vst v63  }
0x2e5: {  	_ =	swait.ge [sflag:s10], $0x4000  }
0x2e6: {  	s0 =	sld [smem:$0x7C2]  }
0x2e7: {  	[sflag:s10] =	ssyncset.done $0x0  }
0x2e8: {  	[sflag:s10] =	ssyncadd.s32 $0xFFFFC000  }
0x2e9: {  	[tilespmem:s21], [sflag:$0x2] =	stream.indirect.gather [hbm4b:s18+s23], $0x80, s0, s23, $0xb8;
	[tilespmem:$0x1E000] =	vst v63  }
0x2ea: {  	_ =	swait.ge [sflag:s26], $0x4000  }
0x2eb: {  	s0 =	sld [smem:$0x7C3]  }
0x2ec: {  	[sflag:s26] =	ssyncset.done $0x0  }
0x2ed: {  	[sflag:s26] =	ssyncadd.s32 $0xFFFFC000  }
0x2ee: {  	[hbm4b:s0+s2] =	stream.linear.scatter [tilespmem:s19], [sflag:$0xA], $0x4000, $0x38;
	[tilespmem:$0x1E000] =	vst v63  }
0x2ef: {  	_ =	swait.ge [sflag:s8], $0x4000  }
0x2f0: {  	s0 =	sld [smem:$0x7C4]  }
0x2f1: {  	[sflag:s8] =	ssyncset.done $0x0  }
0x2f2: {  	[sflag:s8] =	ssyncadd.s32 $0xFFFFC000  }
0x2f3: {  	[tilespmem:s19], [sflag:$0x3] =	stream.indirect.gather [hbm4b:s18+s23], $0x80, s0, s23, $0xb8;
	[tilespmem:$0x1E000] =	vst v63  }
0x2f4: {  	_ =	swait.ge [sflag:s24], $0x4000  }
0x2f5: {  	s0 =	sld [smem:$0x7C5]  }
0x2f6: {  	[sflag:s24] =	ssyncset.done $0x0  }
0x2f7: {  	[sflag:s24] =	ssyncadd.s32 $0xFFFFC000  }
0x2f8: {  	[hbm4b:s0+s2] =	stream.linear.scatter [tilespmem:s17], [sflag:$0xB], $0x4000, $0x38;
	[tilespmem:$0x1E000] =	vst v63  }
0x2f9: {  	_ =	swait.ge [sflag:s6], $0x4000  }
0x2fa: {  	s0 =	sld [smem:$0x7C6]  }
0x2fb: {  	[sflag:s6] =	ssyncset.done $0x0  }
0x2fc: {  	[sflag:s6] =	ssyncadd.s32 $0xFFFFC000  }
0x2fd: {  	[tilespmem:s17], [sflag:$0x4] =	stream.indirect.gather [hbm4b:s18+s23], $0x80, s0, s23, $0xb8;
	[tilespmem:$0x1E000] =	vst v63  }
0x2fe: {  	_ =	swait.ge [sflag:s25], $0x4000  }
0x2ff: {  	s0 =	sld [smem:$0x7C7]  }
0x300: {  	[sflag:s25] =	ssyncset.done $0x0  }
0x301: {  	[sflag:s25] =	ssyncadd.s32 $0xFFFFC000  }
0x302: {  	[hbm4b:s0+s2] =	stream.linear.scatter [tilespmem:s16], [sflag:$0xC], $0x4000, $0x38;
	[tilespmem:$0x1E000] =	vst v63  }
0x303: {  	_ =	swait.ge [sflag:s11], $0x4000  }
0x304: {  	s0 =	sld [smem:$0x7C8]  }
0x305: {  	[sflag:s11] =	ssyncset.done $0x0  }
0x306: {  	[sflag:s11] =	ssyncadd.s32 $0xFFFFC000  }
0x307: {  	[tilespmem:s16], [sflag:$0x5] =	stream.indirect.gather [hbm4b:s18+s23], $0x80, s0, s23, $0xb8;
	[tilespmem:$0x1E000] =	vst v63  }
0x308: {  	_ =	swait.ge [sflag:s22], $0x4000  }
0x309: {  	s0 =	sld [smem:$0x7C9]  }
0x30a: {  	[sflag:s22] =	ssyncset.done $0x0  }
0x30b: {  	[sflag:s22] =	ssyncadd.s32 $0xFFFFC000  }
0x30c: {  	[hbm4b:s0+s2] =	stream.linear.scatter [tilespmem:s15], [sflag:$0xD], $0x4000, $0x38;
	[tilespmem:$0x1E000] =	vst v63  }
0x30d: {  	_ =	swait.ge [sflag:s9], $0x4000  }
0x30e: {  	s0 =	sld [smem:$0x7CA]  }
0x30f: {  	[sflag:s9] =	ssyncset.done $0x0  }
0x310: {  	[sflag:s9] =	ssyncadd.s32 $0xFFFFC000  }
0x311: {  	[tilespmem:s15], [sflag:$0x6] =	stream.indirect.gather [hbm4b:s18+s23], $0x80, s0, s23, $0xb8;
	[tilespmem:$0x1E000] =	vst v63  }
0x312: {  	_ =	swait.ge [sflag:s20], $0x4000  }
0x313: {  	s0 =	sld [smem:$0x7CB]  }
0x314: {  	[sflag:s20] =	ssyncset.done $0x0  }
0x315: {  	[sflag:s20] =	ssyncadd.s32 $0xFFFFC000  }
0x316: {  	[hbm4b:s0+s2] =	stream.linear.scatter [tilespmem:s14], [sflag:$0xE], $0x4000, $0x38;
	[tilespmem:$0x1E000] =	vst v63  }
0x317: {  	_ =	swait.ge [sflag:s7], $0x4000  }
0x318: {  	s0 =	sld [smem:$0x7CC]  }
0x319: {  	[sflag:s7] =	ssyncset.done $0x0  }
0x31a: {  	[sflag:s7] =	ssyncadd.s32 $0xFFFFC000  }
0x31b: {  	[tilespmem:s14], [sflag:$0x7] =	stream.indirect.gather [hbm4b:s18+s23], $0x80, s0, s23, $0xb8;
	[tilespmem:$0x1E000] =	vst v63  }
0x31c: {  	_ =	swait.ge [sflag:s13], $0x4000  }
0x31d: {  	s0 =	sld [smem:$0x7CD]  }
0x31e: {  	[sflag:s13] =	ssyncset.done $0x0  }
0x31f: {  	[sflag:s13] =	ssyncadd.s32 $0xFFFFC000  }
0x320: {  	[hbm4b:s0+s2] =	stream.linear.scatter [tilespmem:s5], [sflag:$0x8], $0x4000, $0x38;
	[tilespmem:$0x1E000] =	vst v63  }
0x321: {  	_ =	swait.ge [sflag:s12], $0x4000  }
0x322: {  	s0 =	sld [smem:$0x7CE]  }
0x323: {  	[sflag:s12] =	ssyncset.done $0x0  }
0x324: {  	[sflag:s12] =	ssyncadd.s32 $0xFFFFC000  }
0x325: {  	[tilespmem:s5], [sflag:$0x1] =	stream.indirect.gather [hbm4b:s18+s23], $0x80, s0, s23, $0xb8;
	[tilespmem:$0x1E000] =	vst v63  }
0x326: {  	_ =	swait.ge [sflag:s28], $0x4000  }
0x327: {  	s0 =	sld [smem:$0x7CF]  }
0x328: {  	[sflag:s28] =	ssyncset.done $0x0  }
0x329: {  	[sflag:s28] =	ssyncadd.s32 $0xFFFFC000  }
0x32a: {  	[hbm4b:s0+s2] =	stream.linear.scatter [tilespmem:s21], [sflag:$0x9], $0x4000, $0x38;
	[tilespmem:$0x1E000] =	vst v63  }
0x32b: {  	_ =	swait.ge [sflag:s10], $0x4000  }
0x32c: {  	s0 =	sld [smem:$0x7D0]  }
0x32d: {  	[sflag:s10] =	ssyncset.done $0x0  }
0x32e: {  	[sflag:s10] =	ssyncadd.s32 $0xFFFFC000  }
0x32f: {  	[tilespmem:s21], [sflag:$0x2] =	stream.indirect.gather [hbm4b:s18+s23], $0x80, s0, s23, $0xb8;
	[tilespmem:$0x1E000] =	vst v63  }
0x330: {  	_ =	swait.ge [sflag:s26], $0x4000  }
0x331: {  	s0 =	sld [smem:$0x7D1]  }
0x332: {  	[sflag:s26] =	ssyncset.done $0x0  }
0x333: {  	[sflag:s26] =	ssyncadd.s32 $0xFFFFC000  }
0x334: {  	[hbm4b:s0+s2] =	stream.linear.scatter [tilespmem:s19], [sflag:$0xA], $0x4000, $0x38;
	[tilespmem:$0x1E000] =	vst v63  }
0x335: {  	_ =	swait.ge [sflag:s8], $0x4000  }
0x336: {  	s0 =	sld [smem:$0x7D2]  }
0x337: {  	[sflag:s8] =	ssyncset.done $0x0  }
0x338: {  	[sflag:s8] =	ssyncadd.s32 $0xFFFFC000  }
0x339: {  	[tilespmem:s19], [sflag:$0x3] =	stream.indirect.gather [hbm4b:s18+s23], $0x80, s0, s23, $0xb8;
	[tilespmem:$0x1E000] =	vst v63  }
0x33a: {  	_ =	swait.ge [sflag:s24], $0x4000  }
0x33b: {  	s0 =	sld [smem:$0x7D3]  }
0x33c: {  	[sflag:s24] =	ssyncset.done $0x0  }
0x33d: {  	[sflag:s24] =	ssyncadd.s32 $0xFFFFC000  }
0x33e: {  	[hbm4b:s0+s2] =	stream.linear.scatter [tilespmem:s17], [sflag:$0xB], $0x4000, $0x38;
	[tilespmem:$0x1E000] =	vst v63  }
0x33f: {  	_ =	swait.ge [sflag:s6], $0x4000  }
0x340: {  	s0 =	sld [smem:$0x7D4]  }
0x341: {  	[sflag:s6] =	ssyncset.done $0x0  }
0x342: {  	[sflag:s6] =	ssyncadd.s32 $0xFFFFC000  }
0x343: {  	[tilespmem:s17], [sflag:$0x4] =	stream.indirect.gather [hbm4b:s18+s23], $0x80, s0, s23, $0xb8;
	[tilespmem:$0x1E000] =	vst v63  }
0x344: {  	_ =	swait.ge [sflag:s25], $0x4000  }
0x345: {  	s0 =	sld [smem:$0x7D5]  }
0x346: {  	[sflag:s25] =	ssyncset.done $0x0  }
0x347: {  	[sflag:s25] =	ssyncadd.s32 $0xFFFFC000  }
0x348: {  	[hbm4b:s0+s2] =	stream.linear.scatter [tilespmem:s16], [sflag:$0xC], $0x4000, $0x38;
	[tilespmem:$0x1E000] =	vst v63  }
0x349: {  	_ =	swait.ge [sflag:s11], $0x4000  }
0x34a: {  	s0 =	sld [smem:$0x7D6]  }
0x34b: {  	[sflag:s11] =	ssyncset.done $0x0  }
0x34c: {  	[sflag:s11] =	ssyncadd.s32 $0xFFFFC000  }
0x34d: {  	[tilespmem:s16], [sflag:$0x5] =	stream.indirect.gather [hbm4b:s18+s23], $0x80, s0, s23, $0xb8;
	[tilespmem:$0x1E000] =	vst v63  }
0x34e: {  	_ =	swait.ge [sflag:s22], $0x4000  }
0x34f: {  	s0 =	sld [smem:$0x7D7]  }
0x350: {  	[sflag:s22] =	ssyncset.done $0x0  }
0x351: {  	[sflag:s22] =	ssyncadd.s32 $0xFFFFC000  }
0x352: {  	[hbm4b:s0+s2] =	stream.linear.scatter [tilespmem:s15], [sflag:$0xD], $0x4000, $0x38;
	[tilespmem:$0x1E000] =	vst v63  }
0x353: {  	_ =	swait.ge [sflag:s9], $0x4000  }
0x354: {  	s0 =	sld [smem:$0x7D8]  }
0x355: {  	[sflag:s9] =	ssyncset.done $0x0  }
0x356: {  	[sflag:s9] =	ssyncadd.s32 $0xFFFFC000  }
0x357: {  	[tilespmem:s15], [sflag:$0x6] =	stream.indirect.gather [hbm4b:s18+s23], $0x80, s0, s23, $0xb8;
	[tilespmem:$0x1E000] =	vst v63  }
0x358: {  	_ =	swait.ge [sflag:s20], $0x4000  }
0x359: {  	s0 =	sld [smem:$0x7D9]  }
0x35a: {  	[sflag:s20] =	ssyncset.done $0x0  }
0x35b: {  	[sflag:s20] =	ssyncadd.s32 $0xFFFFC000  }
0x35c: {  	[hbm4b:s0+s2] =	stream.linear.scatter [tilespmem:s14], [sflag:$0xE], $0x4000, $0x38;
	[tilespmem:$0x1E000] =	vst v63  }
0x35d: {  	_ =	swait.ge [sflag:s7], $0x4000  }
0x35e: {  	s0 =	sld [smem:$0x7DA]  }
0x35f: {  	[sflag:s7] =	ssyncset.done $0x0  }
0x360: {  	[sflag:s7] =	ssyncadd.s32 $0xFFFFC000  }
0x361: {  	[tilespmem:s14], [sflag:$0x7] =	stream.indirect.gather [hbm4b:s18+s23], $0x80, s0, s23, $0xb8;
	[tilespmem:$0x1E000] =	vst v63  }
0x362: {  	_ =	swait.ge [sflag:s13], $0x4000  }
0x363: {  	s0 =	sld [smem:$0x7DB]  }
0x364: {  	[sflag:s13] =	ssyncset.done $0x0  }
0x365: {  	[sflag:s13] =	ssyncadd.s32 $0xFFFFC000  }
0x366: {  	[hbm4b:s0+s2] =	stream.linear.scatter [tilespmem:s5], [sflag:$0x8], $0x4000, $0x38;
	[tilespmem:$0x1E000] =	vst v63  }
0x367: {  	_ =	swait.ge [sflag:s12], $0x4000  }
0x368: {  	s0 =	sld [smem:$0x7DC]  }
0x369: {  	[sflag:s12] =	ssyncset.done $0x0  }
0x36a: {  	[sflag:s12] =	ssyncadd.s32 $0xFFFFC000  }
0x36b: {  	[tilespmem:s5], [sflag:$0x1] =	stream.indirect.gather [hbm4b:s18+s23], $0x80, s0, s23, $0xb8;
	[tilespmem:$0x1E000] =	vst v63  }
0x36c: {  	_ =	swait.ge [sflag:s28], $0x4000  }
0x36d: {  	s0 =	sld [smem:$0x7DD]  }
0x36e: {  	[sflag:s28] =	ssyncset.done $0x0  }
0x36f: {  	[sflag:s28] =	ssyncadd.s32 $0xFFFFC000  }
0x370: {  	[hbm4b:s0+s2] =	stream.linear.scatter [tilespmem:s21], [sflag:$0x9], $0x4000, $0x38;
	[tilespmem:$0x1E000] =	vst v63  }
0x371: {  	_ =	swait.ge [sflag:s10], $0x4000  }
0x372: {  	s0 =	sld [smem:$0x7DE]  }
0x373: {  	[sflag:s10] =	ssyncset.done $0x0  }
0x374: {  	[sflag:s10] =	ssyncadd.s32 $0xFFFFC000  }
0x375: {  	[tilespmem:s21], [sflag:$0x2] =	stream.indirect.gather [hbm4b:s18+s23], $0x80, s0, s23, $0xb8;
	[tilespmem:$0x1E000] =	vst v63  }
0x376: {  	_ =	swait.ge [sflag:s26], $0x4000  }
0x377: {  	s0 =	sld [smem:$0x7DF]  }
0x378: {  	[sflag:s26] =	ssyncset.done $0x0  }
0x379: {  	[sflag:s26] =	ssyncadd.s32 $0xFFFFC000  }
0x37a: {  	[hbm4b:s0+s2] =	stream.linear.scatter [tilespmem:s19], [sflag:$0xA], $0x4000, $0x38;
	[tilespmem:$0x1E000] =	vst v63  }
0x37b: {  	_ =	swait.ge [sflag:s8], $0x4000  }
0x37c: {  	s0 =	sld [smem:$0x7E0]  }
0x37d: {  	[sflag:s8] =	ssyncset.done $0x0  }
0x37e: {  	[sflag:s8] =	ssyncadd.s32 $0xFFFFC000  }
0x37f: {  	[tilespmem:s19], [sflag:$0x3] =	stream.indirect.gather [hbm4b:s18+s23], $0x80, s0, s23, $0xb8;
	[tilespmem:$0x1E000] =	vst v63  }
0x380: {  	_ =	swait.ge [sflag:s24], $0x4000  }
0x381: {  	s0 =	sld [smem:$0x7E1]  }
0x382: {  	[sflag:s24] =	ssyncset.done $0x0  }
0x383: {  	[sflag:s24] =	ssyncadd.s32 $0xFFFFC000  }
0x384: {  	[hbm4b:s0+s2] =	stream.linear.scatter [tilespmem:s17], [sflag:$0xB], $0x4000, $0x38;
	[tilespmem:$0x1E000] =	vst v63  }
0x385: {  	_ =	swait.ge [sflag:s6], $0x4000  }
0x386: {  	s0 =	sld [smem:$0x7E2]  }
0x387: {  	[sflag:s6] =	ssyncset.done $0x0  }
0x388: {  	[sflag:s6] =	ssyncadd.s32 $0xFFFFC000  }
0x389: {  	[tilespmem:s17], [sflag:$0x4] =	stream.indirect.gather [hbm4b:s18+s23], $0x80, s0, s23, $0xb8;
	[tilespmem:$0x1E000] =	vst v63  }
0x38a: {  	_ =	swait.ge [sflag:s25], $0x4000  }
0x38b: {  	s0 =	sld [smem:$0x7E3]  }
0x38c: {  	[sflag:s25] =	ssyncset.done $0x0  }
0x38d: {  	[sflag:s25] =	ssyncadd.s32 $0xFFFFC000  }
0x38e: {  	[hbm4b:s0+s2] =	stream.linear.scatter [tilespmem:s16], [sflag:$0xC], $0x4000, $0x38;
	[tilespmem:$0x1E000] =	vst v63  }
0x38f: {  	_ =	swait.ge [sflag:s11], $0x4000  }
0x390: {  	s0 =	sld [smem:$0x7E4]  }
0x391: {  	[sflag:s11] =	ssyncset.done $0x0  }
0x392: {  	[sflag:s11] =	ssyncadd.s32 $0xFFFFC000  }
0x393: {  	[tilespmem:s16], [sflag:$0x5] =	stream.indirect.gather [hbm4b:s18+s23], $0x80, s0, s23, $0xb8;
	[tilespmem:$0x1E000] =	vst v63  }
0x394: {  	_ =	swait.ge [sflag:s22], $0x4000  }
0x395: {  	s0 =	sld [smem:$0x7E5]  }
0x396: {  	[sflag:s22] =	ssyncset.done $0x0  }
0x397: {  	[sflag:s22] =	ssyncadd.s32 $0xFFFFC000  }
0x398: {  	[hbm4b:s0+s2] =	stream.linear.scatter [tilespmem:s15], [sflag:$0xD], $0x4000, $0x38;
	[tilespmem:$0x1E000] =	vst v63  }
0x399: {  	_ =	swait.ge [sflag:s9], $0x4000  }
0x39a: {  	s0 =	sld [smem:$0x7E6]  }
0x39b: {  	[sflag:s9] =	ssyncset.done $0x0  }
0x39c: {  	[sflag:s9] =	ssyncadd.s32 $0xFFFFC000  }
0x39d: {  	[tilespmem:s15], [sflag:$0x6] =	stream.indirect.gather [hbm4b:s18+s23], $0x80, s0, s23, $0xb8;
	[tilespmem:$0x1E000] =	vst v63  }
0x39e: {  	_ =	swait.ge [sflag:s20], $0x4000  }
0x39f: {  	s0 =	sld [smem:$0x7E7]  }
0x3a0: {  	[sflag:s20] =	ssyncset.done $0x0  }
0x3a1: {  	[sflag:s20] =	ssyncadd.s32 $0xFFFFC000  }
0x3a2: {  	[hbm4b:s0+s2] =	stream.linear.scatter [tilespmem:s14], [sflag:$0xE], $0x4000, $0x38;
	[tilespmem:$0x1E000] =	vst v63  }
0x3a3: {  	_ =	swait.ge [sflag:s7], $0x4000  }
0x3a4: {  	s0 =	sld [smem:$0x7E8]  }
0x3a5: {  	[sflag:s7] =	ssyncset.done $0x0  }
0x3a6: {  	[sflag:s7] =	ssyncadd.s32 $0xFFFFC000  }
0x3a7: {  	[tilespmem:s14], [sflag:$0x7] =	stream.indirect.gather [hbm4b:s18+s23], $0x80, s0, s23, $0xb8;
	[tilespmem:$0x1E000] =	vst v63  }
0x3a8: {  	_ =	swait.ge [sflag:s13], $0x4000  }
0x3a9: {  	s0 =	sld [smem:$0x7E9]  }
0x3aa: {  	[sflag:s13] =	ssyncset.done $0x0  }
0x3ab: {  	[sflag:s13] =	ssyncadd.s32 $0xFFFFC000  }
0x3ac: {  	[hbm4b:s0+s2] =	stream.linear.scatter [tilespmem:s5], [sflag:$0x8], $0x4000, $0x38;
	[tilespmem:$0x1E000] =	vst v63  }
0x3ad: {  	_ =	swait.ge [sflag:s12], $0x4000  }
0x3ae: {  	s0 =	sld [smem:$0x7EA]  }
0x3af: {  	[sflag:s12] =	ssyncset.done $0x0  }
0x3b0: {  	[sflag:s12] =	ssyncadd.s32 $0xFFFFC000  }
0x3b1: {  	[tilespmem:s5], [sflag:$0x1] =	stream.indirect.gather [hbm4b:s18+s23], $0x80, s0, s23, $0xb8;
	[tilespmem:$0x1E000] =	vst v63  }
0x3b2: {  	_ =	swait.ge [sflag:s28], $0x4000  }
0x3b3: {  	s0 =	sld [smem:$0x7EB]  }
0x3b4: {  	[sflag:s28] =	ssyncset.done $0x0  }
0x3b5: {  	[sflag:s28] =	ssyncadd.s32 $0xFFFFC000  }
0x3b6: {  	[hbm4b:s0+s2] =	stream.linear.scatter [tilespmem:s21], [sflag:$0x9], $0x4000, $0x38;
	[tilespmem:$0x1E000] =	vst v63  }
0x3b7: {  	_ =	swait.ge [sflag:s10], $0x4000  }
0x3b8: {  	s0 =	sld [smem:$0x7EC]  }
0x3b9: {  	[sflag:s10] =	ssyncset.done $0x0  }
0x3ba: {  	[sflag:s10] =	ssyncadd.s32 $0xFFFFC000  }
0x3bb: {  	[tilespmem:s21], [sflag:$0x2] =	stream.indirect.gather [hbm4b:s18+s23], $0x80, s0, s23, $0xb8;
	[tilespmem:$0x1E000] =	vst v63  }
0x3bc: {  	_ =	swait.ge [sflag:s26], $0x4000  }
0x3bd: {  	s0 =	sld [smem:$0x7ED]  }
0x3be: {  	[sflag:s26] =	ssyncset.done $0x0  }
0x3bf: {  	[sflag:s26] =	ssyncadd.s32 $0xFFFFC000  }
0x3c0: {  	[hbm4b:s0+s2] =	stream.linear.scatter [tilespmem:s19], [sflag:$0xA], $0x4000, $0x38;
	[tilespmem:$0x1E000] =	vst v63  }
0x3c1: {  	_ =	swait.ge [sflag:s8], $0x4000  }
0x3c2: {  	s0 =	sld [smem:$0x7EE]  }
0x3c3: {  	[sflag:s8] =	ssyncset.done $0x0  }
0x3c4: {  	[sflag:s8] =	ssyncadd.s32 $0xFFFFC000  }
0x3c5: {  	[tilespmem:s19], [sflag:$0x3] =	stream.indirect.gather [hbm4b:s18+s23], $0x80, s0, s23, $0xb8;
	[tilespmem:$0x1E000] =	vst v63  }
0x3c6: {  	_ =	swait.ge [sflag:s24], $0x4000  }
0x3c7: {  	s0 =	sld [smem:$0x7EF]  }
0x3c8: {  	[sflag:s24] =	ssyncset.done $0x0  }
0x3c9: {  	[sflag:s24] =	ssyncadd.s32 $0xFFFFC000  }
0x3ca: {  	[hbm4b:s0+s2] =	stream.linear.scatter [tilespmem:s17], [sflag:$0xB], $0x4000, $0x38;
	[tilespmem:$0x1E000] =	vst v63  }
0x3cb: {  	_ =	swait.ge [sflag:s6], $0x4000  }
0x3cc: {  	s0 =	sld [smem:$0x7F0]  }
0x3cd: {  	[sflag:s6] =	ssyncset.done $0x0  }
0x3ce: {  	[sflag:s6] =	ssyncadd.s32 $0xFFFFC000  }
0x3cf: {  	[tilespmem:s17], [sflag:$0x4] =	stream.indirect.gather [hbm4b:s18+s23], $0x80, s0, s23, $0xb8;
	[tilespmem:$0x1E000] =	vst v63  }
0x3d0: {  	_ =	swait.ge [sflag:s25], $0x4000  }
0x3d1: {  	s0 =	sld [smem:$0x7F1]  }
0x3d2: {  	[sflag:s25] =	ssyncset.done $0x0  }
0x3d3: {  	[sflag:s25] =	ssyncadd.s32 $0xFFFFC000  }
0x3d4: {  	[hbm4b:s0+s2] =	stream.linear.scatter [tilespmem:s16], [sflag:$0xC], $0x4000, $0x38;
	[tilespmem:$0x1E000] =	vst v63  }
0x3d5: {  	_ =	swait.ge [sflag:s11], $0x4000  }
0x3d6: {  	s0 =	sld [smem:$0x7F2]  }
0x3d7: {  	[sflag:s11] =	ssyncset.done $0x0  }
0x3d8: {  	[sflag:s11] =	ssyncadd.s32 $0xFFFFC000  }
0x3d9: {  	[tilespmem:s16], [sflag:$0x5] =	stream.indirect.gather [hbm4b:s18+s23], $0x80, s0, s23, $0xb8;
	[tilespmem:$0x1E000] =	vst v63  }
0x3da: {  	_ =	swait.ge [sflag:s22], $0x4000  }
0x3db: {  	s0 =	sld [smem:$0x7F3]  }
0x3dc: {  	[sflag:s22] =	ssyncset.done $0x0  }
0x3dd: {  	[sflag:s22] =	ssyncadd.s32 $0xFFFFC000  }
0x3de: {  	[hbm4b:s0+s2] =	stream.linear.scatter [tilespmem:s15], [sflag:$0xD], $0x4000, $0x38;
	[tilespmem:$0x1E000] =	vst v63  }
0x3df: {  	_ =	swait.ge [sflag:s9], $0x4000  }
0x3e0: {  	s0 =	sld [smem:$0x7F4]  }
0x3e1: {  	[sflag:s9] =	ssyncset.done $0x0  }
0x3e2: {  	[sflag:s9] =	ssyncadd.s32 $0xFFFFC000  }
0x3e3: {  	[tilespmem:s15], [sflag:$0x6] =	stream.indirect.gather [hbm4b:s18+s23], $0x80, s0, s23, $0xb8;
	[tilespmem:$0x1E000] =	vst v63  }
0x3e4: {  	_ =	swait.ge [sflag:s20], $0x4000  }
0x3e5: {  	s0 =	sld [smem:$0x7F5]  }
0x3e6: {  	[sflag:s20] =	ssyncset.done $0x0  }
0x3e7: {  	[sflag:s20] =	ssyncadd.s32 $0xFFFFC000  }
0x3e8: {  	[hbm4b:s0+s2] =	stream.linear.scatter [tilespmem:s14], [sflag:$0xE], $0x4000, $0x38;
	[tilespmem:$0x1E000] =	vst v63  }
0x3e9: {  	_ =	swait.ge [sflag:s7], $0x4000  }
0x3ea: {  	s0 =	sld [smem:$0x7F6]  }
0x3eb: {  	[sflag:s7] =	ssyncset.done $0x0  }
0x3ec: {  	[sflag:s7] =	ssyncadd.s32 $0xFFFFC000  }
0x3ed: {  	[tilespmem:s14], [sflag:$0x7] =	stream.indirect.gather [hbm4b:s18+s23], $0x80, s0, s23, $0xb8;
	[tilespmem:$0x1E000] =	vst v63  }
0x3ee: {  	_ =	swait.ge [sflag:s13], $0x4000  }
0x3ef: {  	s0 =	sld [smem:$0x7F7]  }
0x3f0: {  	[sflag:s13] =	ssyncset.done $0x0  }
0x3f1: {  	[sflag:s13] =	ssyncadd.s32 $0xFFFFC000  }
0x3f2: {  	[hbm4b:s0+s2] =	stream.linear.scatter [tilespmem:s5], [sflag:$0x8], $0x4000, $0x38;
	[tilespmem:$0x1E000] =	vst v63  }
0x3f3: {  	_ =	swait.ge [sflag:s12], $0x4000  }
0x3f4: {  	s0 =	sld [smem:$0x7F8]  }
0x3f5: {  	[sflag:s12] =	ssyncset.done $0x0  }
0x3f6: {  	[sflag:s12] =	ssyncadd.s32 $0xFFFFC000  }
0x3f7: {  	[tilespmem:s5], [sflag:$0x1] =	stream.indirect.gather [hbm4b:s18+s23], $0x80, s0, s23, $0xb8;
	[tilespmem:$0x1E000] =	vst v63  }
0x3f8: {  	_ =	swait.ge [sflag:s28], $0x4000  }
0x3f9: {  	s0 =	sld [smem:$0x7F9]  }
0x3fa: {  	[sflag:s28] =	ssyncset.done $0x0  }
0x3fb: {  	[sflag:s28] =	ssyncadd.s32 $0xFFFFC000  }
0x3fc: {  	[hbm4b:s0+s2] =	stream.linear.scatter [tilespmem:s21], [sflag:$0x9], $0x4000, $0x38;
	[tilespmem:$0x1E000] =	vst v63  }
0x3fd: {  	_ =	swait.ge [sflag:s26], $0x4000  }
0x3fe: {  	s0 =	sld [smem:$0x7FA]  }
0x3ff: {  	[sflag:s26] =	ssyncset.done $0x0  }
0x400: {  	[sflag:s26] =	ssyncadd.s32 $0xFFFFC000  }
0x401: {  	[hbm4b:s0+s2] =	stream.linear.scatter [tilespmem:s19], [sflag:$0xA], $0x4000, $0x38;
	[tilespmem:$0x1E000] =	vst v63  }
0x402: {  	_ =	swait.ge [sflag:s24], $0x4000  }
0x403: {  	s0 =	sld [smem:$0x7FB]  }
0x404: {  	[sflag:s24] =	ssyncset.done $0x0  }
0x405: {  	[sflag:s24] =	ssyncadd.s32 $0xFFFFC000  }
0x406: {  	[hbm4b:s0+s2] =	stream.linear.scatter [tilespmem:s17], [sflag:$0xB], $0x4000, $0x38;
	[tilespmem:$0x1E000] =	vst v63  }
0x407: {  	_ =	swait.ge [sflag:s25], $0x4000  }
0x408: {  	s0 =	sld [smem:$0x7FC]  }
0x409: {  	[sflag:s25] =	ssyncset.done $0x0  }
0x40a: {  	[sflag:s25] =	ssyncadd.s32 $0xFFFFC000  }
0x40b: {  	[hbm4b:s0+s2] =	stream.linear.scatter [tilespmem:s16], [sflag:$0xC], $0x4000, $0x38;
	[tilespmem:$0x1E000] =	vst v63  }
0x40c: {  	_ =	swait.ge [sflag:s22], $0x4000  }
0x40d: {  	s0 =	sld [smem:$0x7FD]  }
0x40e: {  	[sflag:s22] =	ssyncset.done $0x0  }
0x40f: {  	[sflag:s22] =	ssyncadd.s32 $0xFFFFC000  }
0x410: {  	[hbm4b:s0+s2] =	stream.linear.scatter [tilespmem:s15], [sflag:$0xD], $0x4000, $0x38;
	[tilespmem:$0x1E000] =	vst v63  }
0x411: {  	_ =	swait.ge [sflag:s20], $0x4000  }
0x412: {  	[sflag:s20] =	ssyncset.done $0x0  }
0x413: {  	[sflag:s20] =	ssyncadd.s32 $0xFFFFC000  }
0x414: {  	[hbm4b:s4+s2] =	stream.linear.scatter [tilespmem:s14], [sflag:$0xE], $0x4000, $0x38;
	[tilespmem:$0x1E000] =	vst v63  }
0x415: {  	_ =	swait.ge [sflag:s13], $0x4000  }
0x416: {  	[sflag:s13] =	ssyncset.done $0x0  }
0x417: {  	[sflag:s13] =	ssyncadd.s32 $0xFFFFC000  }
0x418: {  	[hbm4b:s3+s2] =	stream.linear.scatter [tilespmem:s5], [sflag:$0x8], $0x4000, $0x38;
	[tilespmem:$0x1E000] =	vst v63  }
0x419: {  	_ =	swait.ge [sflag:s12], $0x4000  }
0x41a: {  	[sflag:s12] =	ssyncset.done $0x0  }
0x41b: {  	[sflag:s12] =	ssyncadd.s32 $0xFFFFC000  }
0x41c: {  	_ =	swait.ge [sflag:s10], $0x4000  }
0x41d: {  	[sflag:s10] =	ssyncset.done $0x0  }
0x41e: {  	[sflag:s10] =	ssyncadd.s32 $0xFFFFC000  }
0x41f: {  	_ =	swait.ge [sflag:s8], $0x4000  }
0x420: {  	[sflag:s8] =	ssyncset.done $0x0  }
0x421: {  	[sflag:s8] =	ssyncadd.s32 $0xFFFFC000  }
0x422: {  	_ =	swait.ge [sflag:s6], $0x4000  }
0x423: {  	[sflag:s6] =	ssyncset.done $0x0  }
0x424: {  	[sflag:s6] =	ssyncadd.s32 $0xFFFFC000  }
0x425: {  	_ =	swait.ge [sflag:s11], $0x4000  }
0x426: {  	[sflag:s11] =	ssyncset.done $0x0  }
0x427: {  	p1 =	sne.s32 s1, $0x1;
	[sflag:s11] =	ssyncadd.s32 $0xFFFFC000  }
.Ltmp2:
0x428: {  	_ =	swait.ge [sflag:s9], $0x4000;
	(pc) =	sbr.rel @p1 .LBB2_2-.Ltmp2, $4  }
0x429: {  	[sflag:s9] =	ssyncset.done $0x0  }
0x42a: {  	[sflag:s9] =	ssyncadd.s32 $0xFFFFC000  }
0x42b: {  	s1 =	sadd.s32 $0xFFFFFFFF, s1;
	s29 =	smov.u32 s31;
	_ =	swait.ge [sflag:s7], $0x4000  }
0x42c: {  	s31 =	simm.s32 $0xF;
	s0 =	rddreg [dreg:$0x3];
	[sflag:s7] =	ssyncset.done $0x0  }
.LBB2_3:
0x42d: {  	[sflag:s7] =	ssyncadd.s32 @p0 $0xFFFFC000  }
0x42e: {  	[tilespmem:s2], [sflag:$0xF] =	stream.linear.gather [hbm4b:s0+s2], $0x2000, $0x38;
	[tilespmem:$0x1E000] =	vst v63  }
0x42f: {  	_ =	swait.ge [sflag:s31], $0x2000  }
0x430: {  	[sflag:s31] =	ssyncset.done $0x0  }
0x431: {  	[sflag:s31] =	ssyncadd.s32 $0xFFFFE000  }
0x432: {  	[tilespmem:s5], [sflag:$0x1] =	stream.indirect.gather [hbm4b:s18+s23], $0x80, s29, s23, $0xb8;
	[tilespmem:$0x1E000] =	vst v63  }
0x433: {  	s31 =	rddreg [dreg:$0x4]  }
0x434: {  	[tilespmem:s21], [sflag:$0x2] =	stream.indirect.gather [hbm4b:s18+s23], $0x80, s31, s23, $0xb8;
	[tilespmem:$0x1E000] =	vst v63  }
0x435: {  	s1 =	rddreg [dreg:$0x5]  }
0x436: {  	[tilespmem:s19], [sflag:$0x3] =	stream.indirect.gather [hbm4b:s18+s23], $0x80, s1, s23, $0xb8;
	[tilespmem:$0x1E000] =	vst v63  }
0x437: {  	s29 =	rddreg [dreg:$0x6]  }
0x438: {  	[tilespmem:s17], [sflag:$0x4] =	stream.indirect.gather [hbm4b:s18+s23], $0x80, s29, s23, $0xb8;
	[tilespmem:$0x1E000] =	vst v63  }
0x439: {  	s31 =	rddreg [dreg:$0x7]  }
0x43a: {  	[tilespmem:s16], [sflag:$0x5] =	stream.indirect.gather [hbm4b:s18+s23], $0x80, s31, s23, $0xb8;
	[tilespmem:$0x1E000] =	vst v63  }
0x43b: {  	s29 =	rddreg [dreg:$0x8]  }
0x43c: {  	[tilespmem:s15], [sflag:$0x6] =	stream.indirect.gather [hbm4b:s18+s23], $0x80, s29, s23, $0xb8;
	[tilespmem:$0x1E000] =	vst v63  }
0x43d: {  	s31 =	rddreg [dreg:$0x9]  }
0x43e: {  	[tilespmem:s14], [sflag:$0x7] =	stream.indirect.gather [hbm4b:s18+s23], $0x80, s31, s23, $0xb8;
	[tilespmem:$0x1E000] =	vst v63  }
0x43f: {  	_ =	swait.ge [sflag:s13], $0x4000  }
0x440: {  	[sflag:s13] =	ssyncset.done $0x0  }
0x441: {  	[sflag:s13] =	ssyncadd.s32 $0xFFFFC000  }
0x442: {  	[hbm4b:s30+s2] =	stream.linear.scatter [tilespmem:s5], [sflag:$0x8], $0x4000, $0x38;
	[tilespmem:$0x1E000] =	vst v63  }
0x443: {  	_ =	swait.ge [sflag:s12], $0x4000  }
0x444: {  	[sflag:s12] =	ssyncset.done $0x0  }
0x445: {  	s1 =	rddreg [dreg:$0xa];
	[sflag:s12] =	ssyncadd.s32 $0xFFFFC000  }
0x446: {  	[tilespmem:s5], [sflag:$0x1] =	stream.indirect.gather [hbm4b:s18+s23], $0x80, s1, s23, $0xb8;
	[tilespmem:$0x1E000] =	vst v63  }
0x447: {  	_ =	swait.ge [sflag:s28], $0x4000  }
0x448: {  	[sflag:s28] =	ssyncset.done $0x0  }
0x449: {  	s29 =	rddreg [dreg:$0xb];
	[sflag:s28] =	ssyncadd.s32 $0xFFFFC000  }
0x44a: {  	[hbm4b:s29+s2] =	stream.linear.scatter [tilespmem:s21], [sflag:$0x9], $0x4000, $0x38;
	[tilespmem:$0x1E000] =	vst v63  }
0x44b: {  	_ =	swait.ge [sflag:s10], $0x4000  }
0x44c: {  	[sflag:s10] =	ssyncset.done $0x0  }
0x44d: {  	s30 =	rddreg [dreg:$0xc];
	[sflag:s10] =	ssyncadd.s32 $0xFFFFC000  }
0x44e: {  	[tilespmem:s21], [sflag:$0x2] =	stream.indirect.gather [hbm4b:s18+s23], $0x80, s30, s23, $0xb8;
	[tilespmem:$0x1E000] =	vst v63  }
0x44f: {  	_ =	swait.ge [sflag:s26], $0x4000  }
0x450: {  	[sflag:s26] =	ssyncset.done $0x0  }
0x451: {  	s31 =	rddreg [dreg:$0xd];
	[sflag:s26] =	ssyncadd.s32 $0xFFFFC000  }
0x452: {  	[hbm4b:s31+s2] =	stream.linear.scatter [tilespmem:s19], [sflag:$0xA], $0x4000, $0x38;
	[tilespmem:$0x1E000] =	vst v63  }
0x453: {  	_ =	swait.ge [sflag:s8], $0x4000  }
0x454: {  	[sflag:s8] =	ssyncset.done $0x0  }
0x455: {  	s1 =	rddreg [dreg:$0xe];
	[sflag:s8] =	ssyncadd.s32 $0xFFFFC000  }
0x456: {  	[tilespmem:s19], [sflag:$0x3] =	stream.indirect.gather [hbm4b:s18+s23], $0x80, s1, s23, $0xb8;
	[tilespmem:$0x1E000] =	vst v63  }
0x457: {  	_ =	swait.ge [sflag:s24], $0x4000  }
0x458: {  	[sflag:s24] =	ssyncset.done $0x0  }
0x459: {  	s29 =	rddreg [dreg:$0xf];
	[sflag:s24] =	ssyncadd.s32 $0xFFFFC000  }
0x45a: {  	[hbm4b:s29+s2] =	stream.linear.scatter [tilespmem:s17], [sflag:$0xB], $0x4000, $0x38;
	[tilespmem:$0x1E000] =	vst v63  }
0x45b: {  	_ =	swait.ge [sflag:s6], $0x4000  }
0x45c: {  	[sflag:s6] =	ssyncset.done $0x0  }
0x45d: {  	s30 =	rddreg [dreg:$0x10];
	[sflag:s6] =	ssyncadd.s32 $0xFFFFC000  }
0x45e: {  	[tilespmem:s17], [sflag:$0x4] =	stream.indirect.gather [hbm4b:s18+s23], $0x80, s30, s23, $0xb8;
	[tilespmem:$0x1E000] =	vst v63  }
0x45f: {  	_ =	swait.ge [sflag:s25], $0x4000  }
0x460: {  	[sflag:s25] =	ssyncset.done $0x0  }
0x461: {  	s31 =	rddreg [dreg:$0x11];
	[sflag:s25] =	ssyncadd.s32 $0xFFFFC000  }
0x462: {  	[hbm4b:s31+s2] =	stream.linear.scatter [tilespmem:s16], [sflag:$0xC], $0x4000, $0x38;
	[tilespmem:$0x1E000] =	vst v63  }
0x463: {  	_ =	swait.ge [sflag:s11], $0x4000  }
0x464: {  	[sflag:s11] =	ssyncset.done $0x0  }
0x465: {  	s1 =	rddreg [dreg:$0x12];
	[sflag:s11] =	ssyncadd.s32 $0xFFFFC000  }
0x466: {  	[tilespmem:s16], [sflag:$0x5] =	stream.indirect.gather [hbm4b:s18+s23], $0x80, s1, s23, $0xb8;
	[tilespmem:$0x1E000] =	vst v63  }
0x467: {  	_ =	swait.ge [sflag:s22], $0x4000  }
0x468: {  	[sflag:s22] =	ssyncset.done $0x0  }
0x469: {  	s29 =	rddreg [dreg:$0x13];
	[sflag:s22] =	ssyncadd.s32 $0xFFFFC000  }
0x46a: {  	[hbm4b:s29+s2] =	stream.linear.scatter [tilespmem:s15], [sflag:$0xD], $0x4000, $0x38;
	[tilespmem:$0x1E000] =	vst v63  }
0x46b: {  	_ =	swait.ge [sflag:s9], $0x4000  }
0x46c: {  	[sflag:s9] =	ssyncset.done $0x0  }
0x46d: {  	s30 =	rddreg [dreg:$0x14];
	[sflag:s9] =	ssyncadd.s32 $0xFFFFC000  }
0x46e: {  	[tilespmem:s15], [sflag:$0x6] =	stream.indirect.gather [hbm4b:s18+s23], $0x80, s30, s23, $0xb8;
	[tilespmem:$0x1E000] =	vst v63  }
0x46f: {  	_ =	swait.ge [sflag:s20], $0x4000  }
0x470: {  	[sflag:s20] =	ssyncset.done $0x0  }
0x471: {  	s31 =	rddreg [dreg:$0x15];
	[sflag:s20] =	ssyncadd.s32 $0xFFFFC000  }
0x472: {  	[hbm4b:s31+s2] =	stream.linear.scatter [tilespmem:s14], [sflag:$0xE], $0x4000, $0x38;
	[tilespmem:$0x1E000] =	vst v63  }
0x473: {  	_ =	swait.ge [sflag:s7], $0x4000  }
0x474: {  	[sflag:s7] =	ssyncset.done $0x0  }
0x475: {  	s1 =	rddreg [dreg:$0x16];
	[sflag:s7] =	ssyncadd.s32 $0xFFFFC000  }
0x476: {  	[tilespmem:s14], [sflag:$0x7] =	stream.indirect.gather [hbm4b:s18+s23], $0x80, s1, s23, $0xb8;
	[tilespmem:$0x1E000] =	vst v63  }
0x477: {  	_ =	swait.ge [sflag:s13], $0x4000  }
0x478: {  	[sflag:s13] =	ssyncset.done $0x0  }
0x479: {  	s29 =	rddreg [dreg:$0x17];
	[sflag:s13] =	ssyncadd.s32 $0xFFFFC000  }
0x47a: {  	[hbm4b:s29+s2] =	stream.linear.scatter [tilespmem:s5], [sflag:$0x8], $0x4000, $0x38;
	[tilespmem:$0x1E000] =	vst v63  }
0x47b: {  	_ =	swait.ge [sflag:s12], $0x4000  }
0x47c: {  	[sflag:s12] =	ssyncset.done $0x0  }
0x47d: {  	s30 =	rddreg [dreg:$0x18];
	[sflag:s12] =	ssyncadd.s32 $0xFFFFC000  }
0x47e: {  	[tilespmem:s5], [sflag:$0x1] =	stream.indirect.gather [hbm4b:s18+s23], $0x80, s30, s23, $0xb8;
	[tilespmem:$0x1E000] =	vst v63  }
0x47f: {  	_ =	swait.ge [sflag:s28], $0x4000  }
0x480: {  	[sflag:s28] =	ssyncset.done $0x0  }
0x481: {  	s31 =	rddreg [dreg:$0x19];
	[sflag:s28] =	ssyncadd.s32 $0xFFFFC000  }
0x482: {  	[hbm4b:s31+s2] =	stream.linear.scatter [tilespmem:s21], [sflag:$0x9], $0x4000, $0x38;
	[tilespmem:$0x1E000] =	vst v63  }
0x483: {  	_ =	swait.ge [sflag:s10], $0x4000  }
0x484: {  	[sflag:s10] =	ssyncset.done $0x0  }
0x485: {  	s1 =	rddreg [dreg:$0x1a];
	[sflag:s10] =	ssyncadd.s32 $0xFFFFC000  }
0x486: {  	[tilespmem:s21], [sflag:$0x2] =	stream.indirect.gather [hbm4b:s18+s23], $0x80, s1, s23, $0xb8;
	[tilespmem:$0x1E000] =	vst v63  }
0x487: {  	_ =	swait.ge [sflag:s26], $0x4000  }
0x488: {  	[sflag:s26] =	ssyncset.done $0x0  }
0x489: {  	s29 =	rddreg [dreg:$0x1b];
	[sflag:s26] =	ssyncadd.s32 $0xFFFFC000  }
0x48a: {  	[hbm4b:s29+s2] =	stream.linear.scatter [tilespmem:s19], [sflag:$0xA], $0x4000, $0x38;
	[tilespmem:$0x1E000] =	vst v63  }
0x48b: {  	_ =	swait.ge [sflag:s8], $0x4000  }
0x48c: {  	[sflag:s8] =	ssyncset.done $0x0  }
0x48d: {  	s30 =	rddreg [dreg:$0x1c];
	[sflag:s8] =	ssyncadd.s32 $0xFFFFC000  }
0x48e: {  	[tilespmem:s19], [sflag:$0x3] =	stream.indirect.gather [hbm4b:s18+s23], $0x80, s30, s23, $0xb8;
	[tilespmem:$0x1E000] =	vst v63  }
0x48f: {  	_ =	swait.ge [sflag:s24], $0x4000  }
0x490: {  	[sflag:s24] =	ssyncset.done $0x0  }
0x491: {  	s31 =	rddreg [dreg:$0x1d];
	[sflag:s24] =	ssyncadd.s32 $0xFFFFC000  }
0x492: {  	[hbm4b:s31+s2] =	stream.linear.scatter [tilespmem:s17], [sflag:$0xB], $0x4000, $0x38;
	[tilespmem:$0x1E000] =	vst v63  }
0x493: {  	_ =	swait.ge [sflag:s6], $0x4000  }
0x494: {  	[sflag:s6] =	ssyncset.done $0x0  }
0x495: {  	s1 =	rddreg [dreg:$0x1e];
	[sflag:s6] =	ssyncadd.s32 $0xFFFFC000  }
0x496: {  	[tilespmem:s17], [sflag:$0x4] =	stream.indirect.gather [hbm4b:s18+s23], $0x80, s1, s23, $0xb8;
	[tilespmem:$0x1E000] =	vst v63  }
0x497: {  	_ =	swait.ge [sflag:s25], $0x4000  }
0x498: {  	[sflag:s25] =	ssyncset.done $0x0  }
0x499: {  	s29 =	rddreg [dreg:$0x1f];
	[sflag:s25] =	ssyncadd.s32 $0xFFFFC000  }
0x49a: {  	[hbm4b:s29+s2] =	stream.linear.scatter [tilespmem:s16], [sflag:$0xC], $0x4000, $0x38;
	[tilespmem:$0x1E000] =	vst v63  }
0x49b: {  	_ =	swait.ge [sflag:s11], $0x4000  }
0x49c: {  	s30 =	sld [smem:$0x7BA]  }
0x49d: {  	[sflag:s11] =	ssyncset.done $0x0  }
0x49e: {  	[sflag:s11] =	ssyncadd.s32 $0xFFFFC000  }
0x49f: {  	[tilespmem:s16], [sflag:$0x5] =	stream.indirect.gather [hbm4b:s18+s23], $0x80, s30, s23, $0xb8;
	[tilespmem:$0x1E000] =	vst v63  }
0x4a0: {  	_ =	swait.ge [sflag:s22], $0x4000  }
0x4a1: {  	s31 =	sld [smem:$0x7BB]  }
0x4a2: {  	[sflag:s22] =	ssyncset.done $0x0  }
0x4a3: {  	[sflag:s22] =	ssyncadd.s32 $0xFFFFC000  }
0x4a4: {  	[hbm4b:s31+s2] =	stream.linear.scatter [tilespmem:s15], [sflag:$0xD], $0x4000, $0x38;
	[tilespmem:$0x1E000] =	vst v63  }
0x4a5: {  	_ =	swait.ge [sflag:s9], $0x4000  }
0x4a6: {  	s1 =	sld [smem:$0x7BC]  }
0x4a7: {  	[sflag:s9] =	ssyncset.done $0x0  }
0x4a8: {  	[sflag:s9] =	ssyncadd.s32 $0xFFFFC000  }
0x4a9: {  	[tilespmem:s15], [sflag:$0x6] =	stream.indirect.gather [hbm4b:s18+s23], $0x80, s1, s23, $0xb8;
	[tilespmem:$0x1E000] =	vst v63  }
0x4aa: {  	_ =	swait.ge [sflag:s20], $0x4000  }
0x4ab: {  	s29 =	sld [smem:$0x7BD]  }
0x4ac: {  	[sflag:s20] =	ssyncset.done $0x0  }
0x4ad: {  	[sflag:s20] =	ssyncadd.s32 $0xFFFFC000  }
0x4ae: {  	[hbm4b:s29+s2] =	stream.linear.scatter [tilespmem:s14], [sflag:$0xE], $0x4000, $0x38;
	[tilespmem:$0x1E000] =	vst v63  }
0x4af: {  	_ =	swait.ge [sflag:s7], $0x4000  }
0x4b0: {  	s30 =	sld [smem:$0x7BE]  }
0x4b1: {  	[sflag:s7] =	ssyncset.done $0x0  }
0x4b2: {  	[sflag:s7] =	ssyncadd.s32 $0xFFFFC000  }
0x4b3: {  	[tilespmem:s14], [sflag:$0x7] =	stream.indirect.gather [hbm4b:s18+s23], $0x80, s30, s23, $0xb8;
	[tilespmem:$0x1E000] =	vst v63  }
0x4b4: {  	_ =	swait.ge [sflag:s13], $0x4000  }
0x4b5: {  	s31 =	sld [smem:$0x7BF]  }
0x4b6: {  	[sflag:s13] =	ssyncset.done $0x0  }
0x4b7: {  	[sflag:s13] =	ssyncadd.s32 $0xFFFFC000  }
0x4b8: {  	[hbm4b:s31+s2] =	stream.linear.scatter [tilespmem:s5], [sflag:$0x8], $0x4000, $0x38;
	[tilespmem:$0x1E000] =	vst v63  }
0x4b9: {  	_ =	swait.ge [sflag:s12], $0x4000  }
0x4ba: {  	s1 =	sld [smem:$0x7C0]  }
0x4bb: {  	[sflag:s12] =	ssyncset.done $0x0  }
0x4bc: {  	[sflag:s12] =	ssyncadd.s32 $0xFFFFC000  }
0x4bd: {  	[tilespmem:s5], [sflag:$0x1] =	stream.indirect.gather [hbm4b:s18+s23], $0x80, s1, s23, $0xb8;
	[tilespmem:$0x1E000] =	vst v63  }
0x4be: {  	_ =	swait.ge [sflag:s28], $0x4000  }
0x4bf: {  	s29 =	sld [smem:$0x7C1]  }
0x4c0: {  	[sflag:s28] =	ssyncset.done $0x0  }
0x4c1: {  	[sflag:s28] =	ssyncadd.s32 $0xFFFFC000  }
0x4c2: {  	[hbm4b:s29+s2] =	stream.linear.scatter [tilespmem:s21], [sflag:$0x9], $0x4000, $0x38;
	[tilespmem:$0x1E000] =	vst v63  }
0x4c3: {  	_ =	swait.ge [sflag:s10], $0x4000  }
0x4c4: {  	s30 =	sld [smem:$0x7C2]  }
0x4c5: {  	[sflag:s10] =	ssyncset.done $0x0  }
0x4c6: {  	[sflag:s10] =	ssyncadd.s32 $0xFFFFC000  }
0x4c7: {  	[tilespmem:s21], [sflag:$0x2] =	stream.indirect.gather [hbm4b:s18+s23], $0x80, s30, s23, $0xb8;
	[tilespmem:$0x1E000] =	vst v63  }
0x4c8: {  	_ =	swait.ge [sflag:s26], $0x4000  }
0x4c9: {  	s31 =	sld [smem:$0x7C3]  }
0x4ca: {  	[sflag:s26] =	ssyncset.done $0x0  }
0x4cb: {  	[sflag:s26] =	ssyncadd.s32 $0xFFFFC000  }
0x4cc: {  	[hbm4b:s31+s2] =	stream.linear.scatter [tilespmem:s19], [sflag:$0xA], $0x4000, $0x38;
	[tilespmem:$0x1E000] =	vst v63  }
0x4cd: {  	_ =	swait.ge [sflag:s8], $0x4000  }
0x4ce: {  	s1 =	sld [smem:$0x7C4]  }
0x4cf: {  	[sflag:s8] =	ssyncset.done $0x0  }
0x4d0: {  	[sflag:s8] =	ssyncadd.s32 $0xFFFFC000  }
0x4d1: {  	[tilespmem:s19], [sflag:$0x3] =	stream.indirect.gather [hbm4b:s18+s23], $0x80, s1, s23, $0xb8;
	[tilespmem:$0x1E000] =	vst v63  }
0x4d2: {  	_ =	swait.ge [sflag:s24], $0x4000  }
0x4d3: {  	s29 =	sld [smem:$0x7C5]  }
0x4d4: {  	[sflag:s24] =	ssyncset.done $0x0  }
0x4d5: {  	[sflag:s24] =	ssyncadd.s32 $0xFFFFC000  }
0x4d6: {  	[hbm4b:s29+s2] =	stream.linear.scatter [tilespmem:s17], [sflag:$0xB], $0x4000, $0x38;
	[tilespmem:$0x1E000] =	vst v63  }
0x4d7: {  	_ =	swait.ge [sflag:s6], $0x4000  }
0x4d8: {  	s30 =	sld [smem:$0x7C6]  }
0x4d9: {  	[sflag:s6] =	ssyncset.done $0x0  }
0x4da: {  	[sflag:s6] =	ssyncadd.s32 $0xFFFFC000  }
0x4db: {  	[tilespmem:s17], [sflag:$0x4] =	stream.indirect.gather [hbm4b:s18+s23], $0x80, s30, s23, $0xb8;
	[tilespmem:$0x1E000] =	vst v63  }
0x4dc: {  	_ =	swait.ge [sflag:s25], $0x4000  }
0x4dd: {  	s31 =	sld [smem:$0x7C7]  }
0x4de: {  	[sflag:s25] =	ssyncset.done $0x0  }
0x4df: {  	[sflag:s25] =	ssyncadd.s32 $0xFFFFC000  }
0x4e0: {  	[hbm4b:s31+s2] =	stream.linear.scatter [tilespmem:s16], [sflag:$0xC], $0x4000, $0x38;
	[tilespmem:$0x1E000] =	vst v63  }
0x4e1: {  	_ =	swait.ge [sflag:s11], $0x4000  }
0x4e2: {  	s1 =	sld [smem:$0x7C8]  }
0x4e3: {  	[sflag:s11] =	ssyncset.done $0x0  }
0x4e4: {  	[sflag:s11] =	ssyncadd.s32 $0xFFFFC000  }
0x4e5: {  	[tilespmem:s16], [sflag:$0x5] =	stream.indirect.gather [hbm4b:s18+s23], $0x80, s1, s23, $0xb8;
	[tilespmem:$0x1E000] =	vst v63  }
0x4e6: {  	_ =	swait.ge [sflag:s22], $0x4000  }
0x4e7: {  	s29 =	sld [smem:$0x7C9]  }
0x4e8: {  	[sflag:s22] =	ssyncset.done $0x0  }
0x4e9: {  	[sflag:s22] =	ssyncadd.s32 $0xFFFFC000  }
0x4ea: {  	[hbm4b:s29+s2] =	stream.linear.scatter [tilespmem:s15], [sflag:$0xD], $0x4000, $0x38;
	[tilespmem:$0x1E000] =	vst v63  }
0x4eb: {  	_ =	swait.ge [sflag:s9], $0x4000  }
0x4ec: {  	s30 =	sld [smem:$0x7CA]  }
0x4ed: {  	[sflag:s9] =	ssyncset.done $0x0  }
0x4ee: {  	[sflag:s9] =	ssyncadd.s32 $0xFFFFC000  }
0x4ef: {  	[tilespmem:s15], [sflag:$0x6] =	stream.indirect.gather [hbm4b:s18+s23], $0x80, s30, s23, $0xb8;
	[tilespmem:$0x1E000] =	vst v63  }
0x4f0: {  	_ =	swait.ge [sflag:s20], $0x4000  }
0x4f1: {  	s31 =	sld [smem:$0x7CB]  }
0x4f2: {  	[sflag:s20] =	ssyncset.done $0x0  }
0x4f3: {  	[sflag:s20] =	ssyncadd.s32 $0xFFFFC000  }
0x4f4: {  	[hbm4b:s31+s2] =	stream.linear.scatter [tilespmem:s14], [sflag:$0xE], $0x4000, $0x38;
	[tilespmem:$0x1E000] =	vst v63  }
0x4f5: {  	_ =	swait.ge [sflag:s7], $0x4000  }
0x4f6: {  	s1 =	sld [smem:$0x7CC]  }
0x4f7: {  	[sflag:s7] =	ssyncset.done $0x0  }
0x4f8: {  	[sflag:s7] =	ssyncadd.s32 $0xFFFFC000  }
0x4f9: {  	[tilespmem:s14], [sflag:$0x7] =	stream.indirect.gather [hbm4b:s18+s23], $0x80, s1, s23, $0xb8;
	[tilespmem:$0x1E000] =	vst v63  }
0x4fa: {  	_ =	swait.ge [sflag:s13], $0x4000  }
0x4fb: {  	s29 =	sld [smem:$0x7CD]  }
0x4fc: {  	[sflag:s13] =	ssyncset.done $0x0  }
0x4fd: {  	[sflag:s13] =	ssyncadd.s32 $0xFFFFC000  }
0x4fe: {  	[hbm4b:s29+s2] =	stream.linear.scatter [tilespmem:s5], [sflag:$0x8], $0x4000, $0x38;
	[tilespmem:$0x1E000] =	vst v63  }
0x4ff: {  	_ =	swait.ge [sflag:s12], $0x4000  }
0x500: {  	s30 =	sld [smem:$0x7CE]  }
0x501: {  	[sflag:s12] =	ssyncset.done $0x0  }
0x502: {  	[sflag:s12] =	ssyncadd.s32 $0xFFFFC000  }
0x503: {  	[tilespmem:s5], [sflag:$0x1] =	stream.indirect.gather [hbm4b:s18+s23], $0x80, s30, s23, $0xb8;
	[tilespmem:$0x1E000] =	vst v63  }
0x504: {  	_ =	swait.ge [sflag:s28], $0x4000  }
0x505: {  	s31 =	sld [smem:$0x7CF]  }
0x506: {  	[sflag:s28] =	ssyncset.done $0x0  }
0x507: {  	[sflag:s28] =	ssyncadd.s32 $0xFFFFC000  }
0x508: {  	[hbm4b:s31+s2] =	stream.linear.scatter [tilespmem:s21], [sflag:$0x9], $0x4000, $0x38;
	[tilespmem:$0x1E000] =	vst v63  }
0x509: {  	_ =	swait.ge [sflag:s10], $0x4000  }
0x50a: {  	s1 =	sld [smem:$0x7D0]  }
0x50b: {  	[sflag:s10] =	ssyncset.done $0x0  }
0x50c: {  	[sflag:s10] =	ssyncadd.s32 $0xFFFFC000  }
0x50d: {  	[tilespmem:s21], [sflag:$0x2] =	stream.indirect.gather [hbm4b:s18+s23], $0x80, s1, s23, $0xb8;
	[tilespmem:$0x1E000] =	vst v63  }
0x50e: {  	_ =	swait.ge [sflag:s26], $0x4000  }
0x50f: {  	s29 =	sld [smem:$0x7D1]  }
0x510: {  	[sflag:s26] =	ssyncset.done $0x0  }
0x511: {  	[sflag:s26] =	ssyncadd.s32 $0xFFFFC000  }
0x512: {  	[hbm4b:s29+s2] =	stream.linear.scatter [tilespmem:s19], [sflag:$0xA], $0x4000, $0x38;
	[tilespmem:$0x1E000] =	vst v63  }
0x513: {  	_ =	swait.ge [sflag:s8], $0x4000  }
0x514: {  	s30 =	sld [smem:$0x7D2]  }
0x515: {  	[sflag:s8] =	ssyncset.done $0x0  }
0x516: {  	[sflag:s8] =	ssyncadd.s32 $0xFFFFC000  }
0x517: {  	[tilespmem:s19], [sflag:$0x3] =	stream.indirect.gather [hbm4b:s18+s23], $0x80, s30, s23, $0xb8;
	[tilespmem:$0x1E000] =	vst v63  }
0x518: {  	_ =	swait.ge [sflag:s24], $0x4000  }
0x519: {  	s31 =	sld [smem:$0x7D3]  }
0x51a: {  	[sflag:s24] =	ssyncset.done $0x0  }
0x51b: {  	[sflag:s24] =	ssyncadd.s32 $0xFFFFC000  }
0x51c: {  	[hbm4b:s31+s2] =	stream.linear.scatter [tilespmem:s17], [sflag:$0xB], $0x4000, $0x38;
	[tilespmem:$0x1E000] =	vst v63  }
0x51d: {  	_ =	swait.ge [sflag:s6], $0x4000  }
0x51e: {  	s1 =	sld [smem:$0x7D4]  }
0x51f: {  	[sflag:s6] =	ssyncset.done $0x0  }
0x520: {  	[sflag:s6] =	ssyncadd.s32 $0xFFFFC000  }
0x521: {  	[tilespmem:s17], [sflag:$0x4] =	stream.indirect.gather [hbm4b:s18+s23], $0x80, s1, s23, $0xb8;
	[tilespmem:$0x1E000] =	vst v63  }
0x522: {  	_ =	swait.ge [sflag:s25], $0x4000  }
0x523: {  	s29 =	sld [smem:$0x7D5]  }
0x524: {  	[sflag:s25] =	ssyncset.done $0x0  }
0x525: {  	[sflag:s25] =	ssyncadd.s32 $0xFFFFC000  }
0x526: {  	[hbm4b:s29+s2] =	stream.linear.scatter [tilespmem:s16], [sflag:$0xC], $0x4000, $0x38;
	[tilespmem:$0x1E000] =	vst v63  }
0x527: {  	_ =	swait.ge [sflag:s11], $0x4000  }
0x528: {  	s30 =	sld [smem:$0x7D6]  }
0x529: {  	[sflag:s11] =	ssyncset.done $0x0  }
0x52a: {  	[sflag:s11] =	ssyncadd.s32 $0xFFFFC000  }
0x52b: {  	[tilespmem:s16], [sflag:$0x5] =	stream.indirect.gather [hbm4b:s18+s23], $0x80, s30, s23, $0xb8;
	[tilespmem:$0x1E000] =	vst v63  }
0x52c: {  	_ =	swait.ge [sflag:s22], $0x4000  }
0x52d: {  	s31 =	sld [smem:$0x7D7]  }
0x52e: {  	[sflag:s22] =	ssyncset.done $0x0  }
0x52f: {  	[sflag:s22] =	ssyncadd.s32 $0xFFFFC000  }
0x530: {  	[hbm4b:s31+s2] =	stream.linear.scatter [tilespmem:s15], [sflag:$0xD], $0x4000, $0x38;
	[tilespmem:$0x1E000] =	vst v63  }
0x531: {  	_ =	swait.ge [sflag:s9], $0x4000  }
0x532: {  	s1 =	sld [smem:$0x7D8]  }
0x533: {  	[sflag:s9] =	ssyncset.done $0x0  }
0x534: {  	[sflag:s9] =	ssyncadd.s32 $0xFFFFC000  }
0x535: {  	[tilespmem:s15], [sflag:$0x6] =	stream.indirect.gather [hbm4b:s18+s23], $0x80, s1, s23, $0xb8;
	[tilespmem:$0x1E000] =	vst v63  }
0x536: {  	_ =	swait.ge [sflag:s20], $0x4000  }
0x537: {  	s29 =	sld [smem:$0x7D9]  }
0x538: {  	[sflag:s20] =	ssyncset.done $0x0  }
0x539: {  	[sflag:s20] =	ssyncadd.s32 $0xFFFFC000  }
0x53a: {  	[hbm4b:s29+s2] =	stream.linear.scatter [tilespmem:s14], [sflag:$0xE], $0x4000, $0x38;
	[tilespmem:$0x1E000] =	vst v63  }
0x53b: {  	_ =	swait.ge [sflag:s7], $0x4000  }
0x53c: {  	s30 =	sld [smem:$0x7DA]  }
0x53d: {  	[sflag:s7] =	ssyncset.done $0x0  }
0x53e: {  	[sflag:s7] =	ssyncadd.s32 $0xFFFFC000  }
0x53f: {  	[tilespmem:s14], [sflag:$0x7] =	stream.indirect.gather [hbm4b:s18+s23], $0x80, s30, s23, $0xb8;
	[tilespmem:$0x1E000] =	vst v63  }
0x540: {  	_ =	swait.ge [sflag:s13], $0x4000  }
0x541: {  	s31 =	sld [smem:$0x7DB]  }
0x542: {  	[sflag:s13] =	ssyncset.done $0x0  }
0x543: {  	[sflag:s13] =	ssyncadd.s32 $0xFFFFC000  }
0x544: {  	[hbm4b:s31+s2] =	stream.linear.scatter [tilespmem:s5], [sflag:$0x8], $0x4000, $0x38;
	[tilespmem:$0x1E000] =	vst v63  }
0x545: {  	_ =	swait.ge [sflag:s12], $0x4000  }
0x546: {  	s1 =	sld [smem:$0x7DC]  }
0x547: {  	[sflag:s12] =	ssyncset.done $0x0  }
0x548: {  	[sflag:s12] =	ssyncadd.s32 $0xFFFFC000  }
0x549: {  	[tilespmem:s5], [sflag:$0x1] =	stream.indirect.gather [hbm4b:s18+s23], $0x80, s1, s23, $0xb8;
	[tilespmem:$0x1E000] =	vst v63  }
0x54a: {  	_ =	swait.ge [sflag:s28], $0x4000  }
0x54b: {  	s29 =	sld [smem:$0x7DD]  }
0x54c: {  	[sflag:s28] =	ssyncset.done $0x0  }
0x54d: {  	[sflag:s28] =	ssyncadd.s32 $0xFFFFC000  }
0x54e: {  	[hbm4b:s29+s2] =	stream.linear.scatter [tilespmem:s21], [sflag:$0x9], $0x4000, $0x38;
	[tilespmem:$0x1E000] =	vst v63  }
0x54f: {  	_ =	swait.ge [sflag:s10], $0x4000  }
0x550: {  	s30 =	sld [smem:$0x7DE]  }
0x551: {  	[sflag:s10] =	ssyncset.done $0x0  }
0x552: {  	[sflag:s10] =	ssyncadd.s32 $0xFFFFC000  }
0x553: {  	[tilespmem:s21], [sflag:$0x2] =	stream.indirect.gather [hbm4b:s18+s23], $0x80, s30, s23, $0xb8;
	[tilespmem:$0x1E000] =	vst v63  }
0x554: {  	_ =	swait.ge [sflag:s26], $0x4000  }
0x555: {  	s31 =	sld [smem:$0x7DF]  }
0x556: {  	[sflag:s26] =	ssyncset.done $0x0  }
0x557: {  	[sflag:s26] =	ssyncadd.s32 $0xFFFFC000  }
0x558: {  	[hbm4b:s31+s2] =	stream.linear.scatter [tilespmem:s19], [sflag:$0xA], $0x4000, $0x38;
	[tilespmem:$0x1E000] =	vst v63  }
0x559: {  	_ =	swait.ge [sflag:s8], $0x4000  }
0x55a: {  	s1 =	sld [smem:$0x7E0]  }
0x55b: {  	[sflag:s8] =	ssyncset.done $0x0  }
0x55c: {  	[sflag:s8] =	ssyncadd.s32 $0xFFFFC000  }
0x55d: {  	[tilespmem:s19], [sflag:$0x3] =	stream.indirect.gather [hbm4b:s18+s23], $0x80, s1, s23, $0xb8;
	[tilespmem:$0x1E000] =	vst v63  }
0x55e: {  	_ =	swait.ge [sflag:s24], $0x4000  }
0x55f: {  	s29 =	sld [smem:$0x7E1]  }
0x560: {  	[sflag:s24] =	ssyncset.done $0x0  }
0x561: {  	[sflag:s24] =	ssyncadd.s32 $0xFFFFC000  }
0x562: {  	[hbm4b:s29+s2] =	stream.linear.scatter [tilespmem:s17], [sflag:$0xB], $0x4000, $0x38;
	[tilespmem:$0x1E000] =	vst v63  }
0x563: {  	_ =	swait.ge [sflag:s6], $0x4000  }
0x564: {  	s30 =	sld [smem:$0x7E2]  }
0x565: {  	[sflag:s6] =	ssyncset.done $0x0  }
0x566: {  	[sflag:s6] =	ssyncadd.s32 $0xFFFFC000  }
0x567: {  	[tilespmem:s17], [sflag:$0x4] =	stream.indirect.gather [hbm4b:s18+s23], $0x80, s30, s23, $0xb8;
	[tilespmem:$0x1E000] =	vst v63  }
0x568: {  	_ =	swait.ge [sflag:s25], $0x4000  }
0x569: {  	s31 =	sld [smem:$0x7E3]  }
0x56a: {  	[sflag:s25] =	ssyncset.done $0x0  }
0x56b: {  	[sflag:s25] =	ssyncadd.s32 $0xFFFFC000  }
0x56c: {  	[hbm4b:s31+s2] =	stream.linear.scatter [tilespmem:s16], [sflag:$0xC], $0x4000, $0x38;
	[tilespmem:$0x1E000] =	vst v63  }
0x56d: {  	_ =	swait.ge [sflag:s11], $0x4000  }
0x56e: {  	s1 =	sld [smem:$0x7E4]  }
0x56f: {  	[sflag:s11] =	ssyncset.done $0x0  }
0x570: {  	[sflag:s11] =	ssyncadd.s32 $0xFFFFC000  }
0x571: {  	[tilespmem:s16], [sflag:$0x5] =	stream.indirect.gather [hbm4b:s18+s23], $0x80, s1, s23, $0xb8;
	[tilespmem:$0x1E000] =	vst v63  }
0x572: {  	_ =	swait.ge [sflag:s22], $0x4000  }
0x573: {  	s29 =	sld [smem:$0x7E5]  }
0x574: {  	[sflag:s22] =	ssyncset.done $0x0  }
0x575: {  	[sflag:s22] =	ssyncadd.s32 $0xFFFFC000  }
0x576: {  	[hbm4b:s29+s2] =	stream.linear.scatter [tilespmem:s15], [sflag:$0xD], $0x4000, $0x38;
	[tilespmem:$0x1E000] =	vst v63  }
0x577: {  	_ =	swait.ge [sflag:s9], $0x4000  }
0x578: {  	s30 =	sld [smem:$0x7E6]  }
0x579: {  	[sflag:s9] =	ssyncset.done $0x0  }
0x57a: {  	[sflag:s9] =	ssyncadd.s32 $0xFFFFC000  }
0x57b: {  	[tilespmem:s15], [sflag:$0x6] =	stream.indirect.gather [hbm4b:s18+s23], $0x80, s30, s23, $0xb8;
	[tilespmem:$0x1E000] =	vst v63  }
0x57c: {  	_ =	swait.ge [sflag:s20], $0x4000  }
0x57d: {  	s31 =	sld [smem:$0x7E7]  }
0x57e: {  	[sflag:s20] =	ssyncset.done $0x0  }
0x57f: {  	[sflag:s20] =	ssyncadd.s32 $0xFFFFC000  }
0x580: {  	[hbm4b:s31+s2] =	stream.linear.scatter [tilespmem:s14], [sflag:$0xE], $0x4000, $0x38;
	[tilespmem:$0x1E000] =	vst v63  }
0x581: {  	_ =	swait.ge [sflag:s7], $0x4000  }
0x582: {  	s1 =	sld [smem:$0x7E8]  }
0x583: {  	[sflag:s7] =	ssyncset.done $0x0  }
0x584: {  	[sflag:s7] =	ssyncadd.s32 $0xFFFFC000  }
0x585: {  	[tilespmem:s14], [sflag:$0x7] =	stream.indirect.gather [hbm4b:s18+s23], $0x80, s1, s23, $0xb8;
	[tilespmem:$0x1E000] =	vst v63  }
0x586: {  	_ =	swait.ge [sflag:s13], $0x4000  }
0x587: {  	s29 =	sld [smem:$0x7E9]  }
0x588: {  	[sflag:s13] =	ssyncset.done $0x0  }
0x589: {  	[sflag:s13] =	ssyncadd.s32 $0xFFFFC000  }
0x58a: {  	[hbm4b:s29+s2] =	stream.linear.scatter [tilespmem:s5], [sflag:$0x8], $0x4000, $0x38;
	[tilespmem:$0x1E000] =	vst v63  }
0x58b: {  	_ =	swait.ge [sflag:s12], $0x4000  }
0x58c: {  	s30 =	sld [smem:$0x7EA]  }
0x58d: {  	[sflag:s12] =	ssyncset.done $0x0  }
0x58e: {  	[sflag:s12] =	ssyncadd.s32 $0xFFFFC000  }
0x58f: {  	[tilespmem:s5], [sflag:$0x1] =	stream.indirect.gather [hbm4b:s18+s23], $0x80, s30, s23, $0xb8;
	[tilespmem:$0x1E000] =	vst v63  }
0x590: {  	_ =	swait.ge [sflag:s28], $0x4000  }
0x591: {  	s31 =	sld [smem:$0x7EB]  }
0x592: {  	[sflag:s28] =	ssyncset.done $0x0  }
0x593: {  	[sflag:s28] =	ssyncadd.s32 $0xFFFFC000  }
0x594: {  	[hbm4b:s31+s2] =	stream.linear.scatter [tilespmem:s21], [sflag:$0x9], $0x4000, $0x38;
	[tilespmem:$0x1E000] =	vst v63  }
0x595: {  	_ =	swait.ge [sflag:s10], $0x4000  }
0x596: {  	s1 =	sld [smem:$0x7EC]  }
0x597: {  	[sflag:s10] =	ssyncset.done $0x0  }
0x598: {  	[sflag:s10] =	ssyncadd.s32 $0xFFFFC000  }
0x599: {  	[tilespmem:s21], [sflag:$0x2] =	stream.indirect.gather [hbm4b:s18+s23], $0x80, s1, s23, $0xb8;
	[tilespmem:$0x1E000] =	vst v63  }
0x59a: {  	_ =	swait.ge [sflag:s26], $0x4000  }
0x59b: {  	s29 =	sld [smem:$0x7ED]  }
0x59c: {  	[sflag:s26] =	ssyncset.done $0x0  }
0x59d: {  	[sflag:s26] =	ssyncadd.s32 $0xFFFFC000  }
0x59e: {  	[hbm4b:s29+s2] =	stream.linear.scatter [tilespmem:s19], [sflag:$0xA], $0x4000, $0x38;
	[tilespmem:$0x1E000] =	vst v63  }
0x59f: {  	_ =	swait.ge [sflag:s8], $0x4000  }
0x5a0: {  	s30 =	sld [smem:$0x7EE]  }
0x5a1: {  	[sflag:s8] =	ssyncset.done $0x0  }
0x5a2: {  	[sflag:s8] =	ssyncadd.s32 $0xFFFFC000  }
0x5a3: {  	[tilespmem:s19], [sflag:$0x3] =	stream.indirect.gather [hbm4b:s18+s23], $0x80, s30, s23, $0xb8;
	[tilespmem:$0x1E000] =	vst v63  }
0x5a4: {  	_ =	swait.ge [sflag:s24], $0x4000  }
0x5a5: {  	s31 =	sld [smem:$0x7EF]  }
0x5a6: {  	[sflag:s24] =	ssyncset.done $0x0  }
0x5a7: {  	[sflag:s24] =	ssyncadd.s32 $0xFFFFC000  }
0x5a8: {  	[hbm4b:s31+s2] =	stream.linear.scatter [tilespmem:s17], [sflag:$0xB], $0x4000, $0x38;
	[tilespmem:$0x1E000] =	vst v63  }
0x5a9: {  	_ =	swait.ge [sflag:s6], $0x4000  }
0x5aa: {  	s1 =	sld [smem:$0x7F0]  }
0x5ab: {  	[sflag:s6] =	ssyncset.done $0x0  }
0x5ac: {  	[sflag:s6] =	ssyncadd.s32 $0xFFFFC000  }
0x5ad: {  	[tilespmem:s17], [sflag:$0x4] =	stream.indirect.gather [hbm4b:s18+s23], $0x80, s1, s23, $0xb8;
	[tilespmem:$0x1E000] =	vst v63  }
0x5ae: {  	_ =	swait.ge [sflag:s25], $0x4000  }
0x5af: {  	s29 =	sld [smem:$0x7F1]  }
0x5b0: {  	[sflag:s25] =	ssyncset.done $0x0  }
0x5b1: {  	[sflag:s25] =	ssyncadd.s32 $0xFFFFC000  }
0x5b2: {  	[hbm4b:s29+s2] =	stream.linear.scatter [tilespmem:s16], [sflag:$0xC], $0x4000, $0x38;
	[tilespmem:$0x1E000] =	vst v63  }
0x5b3: {  	_ =	swait.ge [sflag:s11], $0x4000  }
0x5b4: {  	s30 =	sld [smem:$0x7F2]  }
0x5b5: {  	[sflag:s11] =	ssyncset.done $0x0  }
0x5b6: {  	[sflag:s11] =	ssyncadd.s32 $0xFFFFC000  }
0x5b7: {  	[tilespmem:s16], [sflag:$0x5] =	stream.indirect.gather [hbm4b:s18+s23], $0x80, s30, s23, $0xb8;
	[tilespmem:$0x1E000] =	vst v63  }
0x5b8: {  	_ =	swait.ge [sflag:s22], $0x4000  }
0x5b9: {  	s31 =	sld [smem:$0x7F3]  }
0x5ba: {  	[sflag:s22] =	ssyncset.done $0x0  }
0x5bb: {  	[sflag:s22] =	ssyncadd.s32 $0xFFFFC000  }
0x5bc: {  	[hbm4b:s31+s2] =	stream.linear.scatter [tilespmem:s15], [sflag:$0xD], $0x4000, $0x38;
	[tilespmem:$0x1E000] =	vst v63  }
0x5bd: {  	_ =	swait.ge [sflag:s9], $0x4000  }
0x5be: {  	s1 =	sld [smem:$0x7F4]  }
0x5bf: {  	[sflag:s9] =	ssyncset.done $0x0  }
0x5c0: {  	[sflag:s9] =	ssyncadd.s32 $0xFFFFC000  }
0x5c1: {  	[tilespmem:s15], [sflag:$0x6] =	stream.indirect.gather [hbm4b:s18+s23], $0x80, s1, s23, $0xb8;
	[tilespmem:$0x1E000] =	vst v63  }
0x5c2: {  	_ =	swait.ge [sflag:s20], $0x4000  }
0x5c3: {  	s29 =	sld [smem:$0x7F5]  }
0x5c4: {  	[sflag:s20] =	ssyncset.done $0x0  }
0x5c5: {  	[sflag:s20] =	ssyncadd.s32 $0xFFFFC000  }
0x5c6: {  	[hbm4b:s29+s2] =	stream.linear.scatter [tilespmem:s14], [sflag:$0xE], $0x4000, $0x38;
	[tilespmem:$0x1E000] =	vst v63  }
0x5c7: {  	_ =	swait.ge [sflag:s7], $0x4000  }
0x5c8: {  	s30 =	sld [smem:$0x7F6]  }
0x5c9: {  	[sflag:s7] =	ssyncset.done $0x0  }
0x5ca: {  	[sflag:s7] =	ssyncadd.s32 $0xFFFFC000  }
0x5cb: {  	[tilespmem:s14], [sflag:$0x7] =	stream.indirect.gather [hbm4b:s18+s23], $0x80, s30, s23, $0xb8;
	[tilespmem:$0x1E000] =	vst v63  }
0x5cc: {  	_ =	swait.ge [sflag:s13], $0x4000  }
0x5cd: {  	s31 =	sld [smem:$0x7F7]  }
0x5ce: {  	[sflag:s13] =	ssyncset.done $0x0  }
0x5cf: {  	[sflag:s13] =	ssyncadd.s32 $0xFFFFC000  }
0x5d0: {  	[hbm4b:s31+s2] =	stream.linear.scatter [tilespmem:s5], [sflag:$0x8], $0x4000, $0x38;
	[tilespmem:$0x1E000] =	vst v63  }
0x5d1: {  	_ =	swait.ge [sflag:s12], $0x4000  }
0x5d2: {  	s1 =	sld [smem:$0x7F8]  }
0x5d3: {  	[sflag:s12] =	ssyncset.done $0x0  }
0x5d4: {  	[sflag:s12] =	ssyncadd.s32 $0xFFFFC000  }
0x5d5: {  	[tilespmem:s5], [sflag:$0x1] =	stream.indirect.gather [hbm4b:s18+s23], $0x80, s1, s23, $0xb8;
	[tilespmem:$0x1E000] =	vst v63  }
0x5d6: {  	_ =	swait.ge [sflag:s28], $0x4000  }
0x5d7: {  	s18 =	sld [smem:$0x7F9]  }
0x5d8: {  	[sflag:s28] =	ssyncset.done $0x0  }
0x5d9: {  	[sflag:s28] =	ssyncadd.s32 $0xFFFFC000  }
0x5da: {  	[hbm4b:s18+s2] =	stream.linear.scatter [tilespmem:s21], [sflag:$0x9], $0x4000, $0x38;
	[tilespmem:$0x1E000] =	vst v63  }
0x5db: {  	_ =	swait.ge [sflag:s26], $0x4000  }
0x5dc: {  	s23 =	sld [smem:$0x7FA]  }
0x5dd: {  	[sflag:s26] =	ssyncset.done $0x0  }
0x5de: {  	[sflag:s26] =	ssyncadd.s32 $0xFFFFC000  }
0x5df: {  	[hbm4b:s23+s2] =	stream.linear.scatter [tilespmem:s19], [sflag:$0xA], $0x4000, $0x38;
	[tilespmem:$0x1E000] =	vst v63  }
0x5e0: {  	_ =	swait.ge [sflag:s24], $0x4000  }
0x5e1: {  	s28 =	sld [smem:$0x7FB]  }
0x5e2: {  	[sflag:s24] =	ssyncset.done $0x0  }
0x5e3: {  	[sflag:s24] =	ssyncadd.s32 $0xFFFFC000  }
0x5e4: {  	[hbm4b:s28+s2] =	stream.linear.scatter [tilespmem:s17], [sflag:$0xB], $0x4000, $0x38;
	[tilespmem:$0x1E000] =	vst v63  }
0x5e5: {  	_ =	swait.ge [sflag:s25], $0x4000  }
0x5e6: {  	s29 =	sld [smem:$0x7FC]  }
0x5e7: {  	[sflag:s25] =	ssyncset.done $0x0  }
0x5e8: {  	[sflag:s25] =	ssyncadd.s32 $0xFFFFC000  }
0x5e9: {  	[hbm4b:s29+s2] =	stream.linear.scatter [tilespmem:s16], [sflag:$0xC], $0x4000, $0x38;
	[tilespmem:$0x1E000] =	vst v63  }
0x5ea: {  	_ =	swait.ge [sflag:s22], $0x4000  }
0x5eb: {  	s30 =	sld [smem:$0x7FD]  }
0x5ec: {  	[sflag:s22] =	ssyncset.done $0x0  }
0x5ed: {  	[sflag:s22] =	ssyncadd.s32 $0xFFFFC000  }
0x5ee: {  	[hbm4b:s30+s2] =	stream.linear.scatter [tilespmem:s15], [sflag:$0xD], $0x4000, $0x38;
	[tilespmem:$0x1E000] =	vst v63  }
0x5ef: {  	_ =	swait.ge [sflag:s20], $0x4000  }
0x5f0: {  	[sflag:s20] =	ssyncset.done $0x0  }
0x5f1: {  	[sflag:s20] =	ssyncadd.s32 $0xFFFFC000  }
0x5f2: {  	[hbm4b:s4+s2] =	stream.linear.scatter [tilespmem:s14], [sflag:$0xE], $0x4000, $0x38;
	[tilespmem:$0x1E000] =	vst v63  }
0x5f3: {  	_ =	swait.ge [sflag:s13], $0x4000  }
0x5f4: {  	[sflag:s13] =	ssyncset.done $0x0  }
0x5f5: {  	[sflag:s13] =	ssyncadd.s32 $0xFFFFC000  }
0x5f6: {  	[hbm4b:s3+s2] =	stream.linear.scatter [tilespmem:s5], [sflag:$0x8], $0x4000, $0x38;
	[tilespmem:$0x1E000] =	vst v63  }
0x5f7: {  	_ =	swait.ge [sflag:s12], $0x4000  }
0x5f8: {  	[sflag:s12] =	ssyncset.done $0x0  }
0x5f9: {  	[sflag:s12] =	ssyncadd.s32 $0xFFFFC000  }
0x5fa: {  	_ =	swait.ge [sflag:s10], $0x4000  }
0x5fb: {  	[sflag:s10] =	ssyncset.done $0x0  }
0x5fc: {  	[sflag:s10] =	ssyncadd.s32 $0xFFFFC000  }
0x5fd: {  	_ =	swait.ge [sflag:s8], $0x4000  }
0x5fe: {  	[sflag:s8] =	ssyncset.done $0x0  }
0x5ff: {  	[sflag:s8] =	ssyncadd.s32 $0xFFFFC000  }
0x600: {  	_ =	swait.ge [sflag:s6], $0x4000  }
0x601: {  	[sflag:s6] =	ssyncset.done $0x0  }
0x602: {  	[sflag:s6] =	ssyncadd.s32 $0xFFFFC000  }
0x603: {  	_ =	swait.ge [sflag:s11], $0x4000  }
0x604: {  	[sflag:s11] =	ssyncset.done $0x0  }
0x605: {  	[sflag:s11] =	ssyncadd.s32 $0xFFFFC000  }
0x606: {  	_ =	swait.ge [sflag:s9], $0x4000  }
0x607: {  	[sflag:s9] =	ssyncset.done $0x0  }
0x608: {  	[sflag:s9] =	ssyncadd.s32 $0xFFFFC000  }
0x609: {  	_ =	swait.ge [sflag:s7], $0x4000  }
0x60a: {  	[sflag:s7] =	ssyncset.done $0x0  }
0x60b: {  	[sflag:s7] =	ssyncadd.s32 $0xFFFFC000  }
0x60c: {  	_ =	sfence.sel $0x180000  }
0x60d: {  	[bflag:$0x0] =	sbarrier.arrive $0xFFFF  }
0x60e: {  	_ =	strace $0x90000047  }
0x60f: {  	s31 =	stileid.u32;
	[bflag:$0x2] =	sbarrier.arrive $0xFFFF  }
0x610: {  	p0 =	sne.s32 s31, $0x0;
	s0 =	rddreg [dreg:$0x2]  }
0x611: {  	s0 =	sadd.s32 @!p0 $0x100000, s0  }
0x612: {  	[sflag:s0] =	ssyncadd.tile.s32 @!p0 $0x1;
	_ =	shalt  }
.Lfunc_end2:
_tile_overlayer_lowered:
.L_overlay_start_2:
0x613: {  	(tag) =	ssettag $0x2  }
0x614: {  	s0 =	rddreg [dreg:$0x0];
	s2 =	stileid.u32  }
0x615: {  	s1 =	rddreg [dreg:$0x1];
	p0 =	sne.s32 s2, $0x0  }
0x616: {  	s3 =	rddreg [dreg:$0x2];
	[bflag:$0x3] =	sbarrier.arrive $0xFFFF;
	s2 =	simm.s32 @!p0 $0x1C0F  }
0x617: {  	[timem:s3], [sflag:s2] =	dma.local @!p0 [hbm:s0], s1  }
0x618: {  	s0 =	simm.s32 @!p0 $0xF  }
0x619: {  	_ =	swait.ge @!p0 [sflag:s0], s1  }
0x61a: {  	s1 =	ssub.s32 @!p0 $0x0, s1;
	[sflag:s0] =	ssyncset.done @!p0 $0x0  }
0x61b: {  	[sflag:s0] =	ssyncadd.s32 @!p0 s1  }
0x61c: {  	[bflag:$0x3] =	sbarrier.arrive $0xFFFF  }
0x61d: {  	_ =	shalt  }

// kernel: sparse-core-data-format-call.cloned.1.call-start
scs
called_computation_lowered:
.L_overlay_start_0:
0x0: {  	s2 =	sld [smem:$0x3FD9]  }
0x1: {  	s3 =	sld [smem:$0x3FFE];
	_ =	sdelay $0x1  }
0x2: {  	s1 =	srdreg.scid  }
0x3: {  	s0 =	sand.u32 $0x1, s1  }
0x4: {  	s15 =	sshll.u32 s0, $0xA;
	s2 =	sadd.s32 s3, s2  }
0x5: {  	s2 =	sadd.s32 s2, s15  }
0x6: {  	[smem:$0x3FC4] =	sst s2  }
0x7: {  	_ = 	snop  }
0x8: {  	s2 =	sld [smem:$0x3FD0];
	_ =	sdelay $0x2  }
0x9: {  	s16 =	simm.s32 $0xA;
	s4 =	simm.s32 $0x10  }
0xa: {  	[smem:s4], [sflag:s16] =	dma.local [hbm:s2], $0x1  }
0xb: {  	_ =	swait.eq [sflag:s16], $0x1  }
0xc: {  	[sflag:s16] =	ssyncset.done $0x0  }
0xd: {  	[sflag:s16] =	ssyncadd.s32 $0xFFFFFFFF  }
0xe: {  	s17 =	sld [smem:$0x11];
	(tm) =	ssettm $0x1  }
0xf: {  	s18 =	sld [smem:$0x3FFB];
	_ =	sdelay $0x3  }
0x10: {  	_ =	strace s18  }
0x11: {  	s3 =	sld [smem:$0x3FFC];
	_ =	sdelay $0x3  }
0x12: {  	_ =	strace s3  }
0x13: {  	s3 =	sld [smem:$0x3FFD];
	_ =	sdelay $0x3  }
0x14: {  	_ =	strace s3  }
0x15: {  	_ =	strace $0x8FFFFFFF  }
0x16: {  	s19 =	sld [smem:$0x3FDB];
	_ =	sdelay $0x1  }
0x17: {  	s20 =	simm.s32 $_scs_section_size  }
0x18: {  	s5 =	simm.s32 $_size__tile_overlayer_lowered;
	s6 =	simm.s32 $_tile_overlayer_lowered  }
0x19: {  	s23 =	simm.s32 $0x1BFF;
	s22 =	sshll.u32 s6, $0x1;
	s3 =	sadd.s32 s20, s19  }
0x1a: {  	s7 =	simm.s32 $0x0;
	s21 =	sshll.u32 s5, $0x1;
	s5 =	sadd.s32 s22, s3  }
0x1b: {  	[timem:s7], [sflag:s23] =	dma.local [hbm:s5], s21  }
0x1c: {  	_ =	swait.ge [sflag:s23], s21  }
0x1d: {  	s4 =	ssub.s32 $0x0, s21;
	[sflag:s23] =	ssyncset.done $0x0  }
0x1e: {  	[sflag:s23] =	ssyncadd.s32 s4;
	_ =	sdelay $0x1  }
0x1f: {  	s24 =	simm.s32 $0x1B8B  }
0x20: {  	_ =	swait.ge [sflag:s24], $0x1  }
0x21: {  	[sflag:s24] =	ssyncset.done $0x0  }
0x22: {  	s26 =	simm.s32 $0x1B8E;
	s25 =	sld [smem:$0x3FFE];
	[sflag:s24] =	ssyncadd.s32 $0xFFFFFFFF  }
0x23: {  	s27 =	simm.s32 $execute0_lowered;
	[smem:$0x3FD2] =	sst s26  }
0x24: {  	s5 =	sshll.u32 s27, $0x1;
	_ =	strace $0x80000049;
	[dreg:$0x1] =	wrdreg $0xFFFFFFFF  }
0x25: {  	s28 =	simm.s32 $_size_execute0_lowered;
	s3 =	sadd.s32 s3, s5;
	[dreg:$0x0] =	wrdreg $0x0  }
0x26: {  	s5 =	sshll.u32 s28, $0x1;
	[dreg:$0x2] =	wrdreg s3  }
0x27: {  	[dreg:$0x3] =	wrdreg s5  }
0x28: {  	[dreg:$0x4] =	wrdreg $0xC0  }
0x29: {  	_ =	task [dreg:s7], $0x5FFFF  }
0x2a: {  	[dreg:$0x1] =	wrdreg $0xFFFFFFFF  }
0x2b: {  	[dreg:$0x0] =	wrdreg $0x60  }
0x2c: {  	[dreg:$0x2] =	wrdreg s25  }
0x2d: {  	[dreg:$0x3] =	wrdreg s17  }
0x2e: {  	[dreg:$0x4] =	wrdreg $0x9  }
0x2f: {  	_ =	task.clear_ibuf [dreg:s7], $0x5FFFF;
	_ =	strace $0x90000049  }
0x30: {  	s29 =	simm.s32 $0x9;
	_ =	strace $0x8000004B  }
0x31: {  	_ =	swait.ge [sflag:s29], $0x1  }
0x32: {  	[sflag:s29] =	ssyncadd.s32 $0xFFFFFFFF  }
0x33: {  	_ =	strace $0x9000004B  }
0x34: {  	_ =	sfence  }
0x35: {  	s30 =	sld [smem:$0x0];
	_ =	sdelay $0x2  }
0x36: {  	s31 =	sshll.u32 s1, $0xD;
	s1 =	sshrl.u32 s1, $0x2  }
0x37: {  	s3 =	sand.u32 $0x4000, s31;
	s1 =	sadd.s32 s1, s30  }
0x38: {  	s0 =	sor.u32 s3, s0;
	s1 =	sshll.u32 s1, $0x11  }
0x39: {  	s0 =	sor.u32 s1, s0  }
0x3a: {  	s0 =	sadd.s32 $0x8F2B, s0  }
0x3b: {  	[sflag:s0] =	ssyncadd.remote.s32 $0x1  }
0x3c: {  	_ =	sfence.sel $0xFFFF  }
0x3d: {  	[dreg:$0x0] =	wrdreg $0xFFFFFFFF;
	(pc) =	sbr.abs _section_cstart, $3  }
0x3e: {  	[dreg:$0x1] =	wrdreg $0xFFFFFFFF  }
0x3f: {  	_ =	task.clear_ibuf [dreg:s7], $0x2FFFF;
	_ =	strace $0x9FFFFFFF  }
0x40: {  	(tm) =	ssettm $0x7FFFFFFF  }
0x41: {  	_ =	shalt  }
tec
execute0_lowered:
.L_overlay_start_1:
0x0: {  	(tag) =	ssettag $0x1  }
0x1: {  	s0 =	srdreg.scid  }
0x2: {  	s1 =	sshll.u32 s0, $0x4  }
0x3: {  	s5 =	rddreg [dreg:$0x0];
	s0 =	stileid.u32;
	s1 =	sand.u32 $0x10, s1  }
0x4: {  	s3 =	rddreg [dreg:$0x1];
	s31 =	simm.s32 $0x2;
	s4 =	sor.u32 s0, s1  }
0x5: {  	s13 =	simm.s32 $0x0;
	s9 =	simm.s32 $0x400;
	s2 =	sshll.u32 s4, $0x7  }
0x6: {  	s10 =	simm.s32 $0x8000;
	s14 =	simm.s32 $0x0;
	s6 =	ssub.s32 $0x1000, s2  }
0x7: {  	s1 =	rddreg [dreg:$0x2];
	_ =	strace $0x8000004A;
	s7 =	sand.u32 $0xF80, s6  }
0x8: {  	s4 =	sshll.u32 s4, $0xB;
	p0 =	sne.s32 s7, $0x0;
	s7 =	simm.s32 $0x1  }
.Ltmp0:
0x9: {  	s6 =	sshrl.u32 s6, $0xC;
	s7 =	simm.s32 @!p0 $0x0;
	(pc) =	sbr.rel .LBB1_1-.Ltmp0, $4  }
0xa: {  	s8 =	sadd.s32 s4, s5;
	s4 =	simm.s32 $0x1;
	s30 =	sadd.s32 s7, s6  }
0xb: {  	s11 =	simm.s32 $0x0;
	[sflag:s4] =	ssyncpa.u1 $0x0;
	s5 =	smul.u32 $0x19, s30  }
0xc: {  	s12 =	simm.s32 $0x0;
	[sflag:s31] =	ssyncpa.u1 $0x0;
	p0 =	por $0x0, $0x0  }
0xd: {  	s6 =	sadd.s32 $0x187A00, s8;
	s7 =	sadd.s32 $0x197A00, s8;
	s8 =	sadd.s32 $0x1, s5  }
.LBB1_7:
0xe: {  	s15 =	sadd.s32 $0x2, s11  }
0xf: {  	p2 =	sgt.s32 s15, $0x31  }
0x10: {  	s15 =	simm.s32 @p2 $0x0;
	p2 =	sne.s32 s12, s8  }
.Ltmp1:
0x11: {  	p1 =	slt.u32 s12, $0x2;
	(pc) =	sbr.rel @!p2 .LBB1_8-.Ltmp1, $4  }
0x12: {  	s13 =	simm.s32 @!p1 $0x2  }
0x13: {  	s16 =	sadd.s32 $0x1, s12;
	s14 =	smov.u32 s11;
	_ =	swait.ge @!p1 [sflag:s13], $0x4000  }
0x14: {  	p0 =	por !p0, !p0;
	s12 =	smov.u32 s16;
	[sflag:s13] =	ssyncset.done @!p1 $0x0  }
0x15: {  	s11 =	smov.u32 s15;
	[sflag:s13] =	ssyncadd.s32 @!p1 $0xFFFFC000;
	s13 =	smov.u32 s2  }
.LBB1_1:
0x16: {  	p1 =	sge.u32 s12, s5  }
0x17: {  	s15 =	sxor.u32 @!p1 $0xFFFFFFFF, s12  }
0x18: {  	s16 =	sshll.u32 @!p1 s11, $0x10;
	s18 =	simm.s32 @!p1 $0x40;
	s15 =	sshll.u32 @!p1 s15, $0xE  }
0x19: {  	s19 =	simm.s32 @!p1 $0x80;
	s17 =	sadd.s32 @!p1 s16, s6;
	s15 =	sand.u32 @!p1 $0x4000, s15  }
0x1a: {  	[tilespmem:s15], [sflag:$0x1] =	stream.strided.gather @!p1 [hbm4b:s17+s18], $0x2000, s19, s18, $0x38;
	[tilespmem:$0x10100] =	vst v63  }
0x1b: {  	s31 =	sadd.s32 $0xFFFFFFFF, s12;
	s16 =	sadd.s32 @!p1 s16, s7;
	s15 =	sor.u32 @!p1 $0x2000, s15  }
0x1c: {  	[tilespmem:s15], [sflag:$0x1] =	stream.strided.gather @!p1 [hbm4b:s16+s18], $0x2000, s19, s18, $0x38;
	[tilespmem:$0x10100] =	vst v63  }
0x1d: {  	p1 =	sge.u32 s31, s5  }
.Ltmp2:
0x1e: {  	_ = 	snop;
	(pc) =	sbr.rel @p1 .LBB1_7-.Ltmp2, $1  }
0x1f: {  	_ =	sdelay $0x3  }
0x20: {  	s15 =	simm.s32 $0x1;
	s17 =	sand.u32 $0x1, s12  }
0x21: {  	_ =	swait.ge [sflag:s4], $0x4000;
	s15 =	simm.s32 @!p0 $0x0;
	s17 =	smul.u32 $0x10200, s17  }
0x22: {  	p2 =	por $0x1, $0x1;
	[sflag:s4] =	ssyncset.done $0x0;
	s16 =	smul.u32 $0x10200, s15  }
0x23: {  	s18 =	sshll.u32 s15, $0x10;
	[sflag:s4] =	ssyncadd.s32 $0xFFFFC000;
	s30 =	sshrl.u32 s17, $0x2  }
0x24: {  	s31 =	sshrl.u32 s18, $0x2;
	s18 =	simm.s32 $0x0;
	s16 =	sshrl.u32 s16, $0x2  }
0x25: {  	s15 =	sor.u32 $0x8000, s30;
	s17 =	sadd.s32 $0x20, s31;
	s16 =	sor.u32 $0x8000, s16  }
.LBB1_3:
0x26: {  	s19 =	sshll.u32 s18, $0xD  }
0x27: {  	s19 =	sand.u32 $0x3FFFE000, s19  }
0x28: {  	s21 =	sadd.s32 s19, s17  }
0x29: {  	s31 =	smul.u32 $0x8100, s18;
	v3 =	vld [tilespmem:s21+$0x10]  }
0x2a: {  	v1 =	vld [tilespmem:s21+$0xFFFFFFF0]  }
0x2b: {  	s18 =	sshra.s32 s31, $0x2;
	v0 =	vld [tilespmem:s21+$0x0]  }
0x2c: {  	s18 =	sadd.s32 s18, s16;
	v2 =	vld [tilespmem:s21+$0xFFFFFFE0]  }
0x2d: {  	s19 =	sadd.s32 $0x0, s18  }
0x2e: {  	p1 =	por p2, p2;
	s20 =	simm.s32 $0x4;
	s21 =	sadd.s32 $0x40, s21;
	[tilespmem:s19+$0x1830 ss:$0x81] =	vst.msk $0xffff, v3  }
.LBB1_4:
0x2f: {  	v3 =	vld [tilespmem:s21+$0x10];
	p2 =	sne.s32 s20, $0x1FC;
	[tilespmem:s19+$0x810 ss:$0x81] =	vst.msk $0xffff, v1;
	s22 =	smov.u32 s20;
	s20 =	sadd.s32 $0x4, s20  }
.Ltmp3:
0x30: {  	v1 =	vld [tilespmem:s21+$0xFFFFFFF0];
	[tilespmem:s19+$0x1020 ss:$0x81] =	vst.msk $0xffff, v0;
	(pc) =	sbr.rel @p2 .LBB1_4-.Ltmp3, $4  }
0x31: {  	v0 =	vld [tilespmem:s21+$0x0];
	[tilespmem:s19+$0x0 ss:$0x81] =	vst.msk $0xffff, v2  }
0x32: {  	s19 =	sshra.s32 s22, $0x2;
	v2 =	vld [tilespmem:s21+$0xFFFFFFE0]  }
0x33: {  	s19 =	sadd.s32 s19, s18  }
0x34: {  	s21 =	sadd.s32 $0x40, s21;
	[tilespmem:s19+$0x1830 ss:$0x81] =	vst.msk $0xffff, v3  }
.Ltmp4:
0x35: {  	(pc) =	sbr.rel @p1 .LBB1_3-.Ltmp4, $4  }
0x36: {  	_ = 	snop  }
0x37: {  	[tilespmem:s19+$0x810 ss:$0x81] =	vst.msk $0xffff, v1  }
0x38: {  	[tilespmem:s19+$0x1020 ss:$0x81] =	vst.msk $0xffff, v0  }
0x39: {  	s18 =	simm.s32 $0x1;
	p2 =	por $0x0, $0x0;
	[tilespmem:s19+$0x0 ss:$0x81] =	vst.msk $0xffff, v2  }
.Ltmp5:
0x3a: {  	(pc) =	sbr.rel .LBB1_7-.Ltmp5, $4  }
0x3b: {  	s14 =	sshll.u32 s14, $0xF  }
0x3c: {  	s14 =	sadd.s32 s3, s14  }
0x3d: {  	s13 =	sadd.s32 s13, s14  }
0x3e: {  	[hbm4b:s13+s9] =	stream.strided.scatter [tilespmem:s15], [sflag:$0x2], $0x4000, s10, s9, $0x20;
	[tilespmem:$0x10100] =	vst v63  }
.LBB1_8:
0x3f: {  	_ =	sfence.sel $0x180000  }
0x40: {  	s2 =	simm.s32 $0x1;
	[bflag:$0x0] =	sbarrier.arrive $0xFFFF  }
0x41: {  	s31 =	simm.s32 $0x2;
	[sflag:s2] =	ssyncpa.u1 $0x1  }
0x42: {  	[sflag:s31] =	ssyncpa.u1 $0x1  }
0x43: {  	p0 =	sne.s32 s0, $0x0;
	_ =	strace $0x9000004A  }
0x44: {  	s0 =	sadd.s32 @!p0 $0x100000, s1;
	[bflag:$0x2] =	sbarrier.arrive $0xFFFF  }
0x45: {  	[sflag:s0] =	ssyncadd.tile.s32 @!p0 $0x1;
	_ =	shalt  }
.Lfunc_end1:
_tile_overlayer_lowered:
.L_overlay_start_2:
0x46: {  	(tag) =	ssettag $0x2  }
0x47: {  	s0 =	rddreg [dreg:$0x0];
	s2 =	stileid.u32  }
0x48: {  	s1 =	rddreg [dreg:$0x1];
	p0 =	sne.s32 s2, $0x0  }
0x49: {  	s3 =	rddreg [dreg:$0x2];
	[bflag:$0x3] =	sbarrier.arrive $0xFFFF;
	s2 =	simm.s32 @!p0 $0x1C01  }
0x4a: {  	[timem:s3], [sflag:s2] =	dma.local @!p0 [hbm:s0], s1  }
0x4b: {  	s0 =	simm.s32 @!p0 $0x1  }
0x4c: {  	_ =	swait.ge @!p0 [sflag:s0], s1  }
0x4d: {  	s1 =	ssub.s32 @!p0 $0x0, s1;
	[sflag:s0] =	ssyncset.done @!p0 $0x0  }
0x4e: {  	[sflag:s0] =	ssyncadd.s32 @!p0 s1  }
0x4f: {  	[bflag:$0x3] =	sbarrier.arrive $0xFFFF  }
0x50: {  	_ =	shalt  }

</sc_bundles>
